<compile_context>
chip_gen: v7x
topology: tpu7x:2x2x1
jax: 0.10.2.dev20260603
libtpu: 0.0.44.dev20260713+nightly
codegen_flags: <defaults>
</compile_context>

<pallas_src>
import functools

import jax
import jax.numpy as jnp
from jax import lax
from jax.experimental import pallas as pl
from jax.experimental.pallas import tpu as pltpu
from jax.experimental.pallas import tpu_sc as plsc

N_REAL = 10000
NP = 10240
NSUB = 16
CHUNK = 128
FQ = 64
NODE_ROWS_PT = NP // NSUB



def _make_sc_agg(rows_pt: int):
    mesh = plsc.VectorSubcoreMesh(core_axis_name="c", subcore_axis_name="s")

    @functools.partial(
        pl.kernel,
        out_type=jax.ShapeDtypeStruct((2, NP, FQ), jnp.float32),
        mesh=mesh,
        compiler_params=pltpu.CompilerParams(use_tc_tiling_on_sc=False),
        scratch_types=[
            pltpu.VMEM((rows_pt, CHUNK), jnp.int32),
            pltpu.VMEM((rows_pt, CHUNK), jnp.int32),
            pltpu.VMEM((CHUNK, FQ), jnp.float32),
            pltpu.VMEM((CHUNK, FQ), jnp.float32),
            pltpu.VMEM_SHARED((NP, FQ), jnp.float32),
            pltpu.SemaphoreType.DMA,
            pltpu.SemaphoreType.DMA,
        ],
    )
    def agg(table, src_tbl, dst_tbl, zeros, out, src_v, dst_v, gb0, gb1,
            acc, sem0, sem1):
        c = lax.axis_index("c")
        s = lax.axis_index("s")
        gbufs = (gb0, gb1)
        sems = (sem0, sem1)

        nbase = s * NODE_ROWS_PT
        pltpu.sync_copy(zeros.at[pl.ds(nbase, NODE_ROWS_PT)],
                        acc.at[pl.ds(nbase, NODE_ROWS_PT)])
        base = s * rows_pt
        pltpu.sync_copy(src_tbl.at[c, pl.ds(base, rows_pt)], src_v)
        pltpu.sync_copy(dst_tbl.at[c, pl.ds(base, rows_pt)], dst_v)
        for b in range(2):
            pltpu.async_copy(table.at[src_v.at[b]], gbufs[b], sems[b])
        plsc.subcore_barrier()

        def outer(j0, carry):
            for b in range(2):
                j = j0 * 2 + b
                pltpu.make_async_copy(table.at[src_v.at[j]], gbufs[b],
                                      sems[b]).wait()
                pltpu.sync_copy(gbufs[b], acc.at[dst_v.at[j]], add=True)

                @pl.when(j + 2 < rows_pt)
                def _():
                    pltpu.async_copy(table.at[src_v.at[j + 2]], gbufs[b],
                                     sems[b])
            return carry

        lax.fori_loop(0, rows_pt // 2, outer, 0)

        plsc.subcore_barrier()
        pltpu.sync_copy(acc.at[pl.ds(nbase, NODE_ROWS_PT)],
                        out.at[c, pl.ds(nbase, NODE_ROWS_PT)])

    return agg


def _make_sc_deg(rows_pt: int):
    mesh = plsc.VectorSubcoreMesh(core_axis_name="c", subcore_axis_name="s")

    @functools.partial(
        pl.kernel,
        out_type=jax.ShapeDtypeStruct((2, NP, 16), jnp.float32),
        mesh=mesh,
        compiler_params=pltpu.CompilerParams(use_tc_tiling_on_sc=False),
        scratch_types=[
            pltpu.VMEM((rows_pt, CHUNK), jnp.int32),
            pltpu.VMEM((CHUNK, 16), jnp.float32),
            pltpu.VMEM_SHARED((NP, 16), jnp.float32),
        ],
    )
    def deg(ones_hbm, dst_tbl, zeros, out, dst_v, ones_v, acc):
        c = lax.axis_index("c")
        s = lax.axis_index("s")
        nbase = s * NODE_ROWS_PT
        pltpu.sync_copy(zeros.at[pl.ds(nbase, NODE_ROWS_PT)],
                        acc.at[pl.ds(nbase, NODE_ROWS_PT)])
        pltpu.sync_copy(dst_tbl.at[c, pl.ds(s * rows_pt, rows_pt)], dst_v)
        pltpu.sync_copy(ones_hbm, ones_v)
        plsc.subcore_barrier()

        def body(j, carry):
            pltpu.sync_copy(ones_v, acc.at[dst_v.at[j]], add=True)
            return carry

        lax.fori_loop(0, rows_pt, body, 0)
        plsc.subcore_barrier()
        pltpu.sync_copy(acc.at[pl.ds(nbase, NODE_ROWS_PT)],
                        out.at[c, pl.ds(nbase, NODE_ROWS_PT)])

    return deg



_R = 512


def _tc_dis(degp):
    def body(p_ref, o_ref):
        deg = jnp.sum(p_ref[0] + p_ref[1], axis=1, keepdims=True) * (1.0 / 16.0)
        o_ref[...] = lax.rsqrt(deg + 1.0)

    return pl.pallas_call(
        body,
        grid=(NP // _R,),
        in_specs=[pl.BlockSpec((2, _R, 16), lambda r: (0, r, 0))],
        out_specs=pl.BlockSpec((_R, 1), lambda r: (r, 0)),
        out_shape=jax.ShapeDtypeStruct((NP, 1), jnp.float32),
    )(degp)


def _tc_layer1(xp, w1, dis):
    def body(x_ref, w_ref, d_ref, o_ref):
        h = jnp.dot(x_ref[...], w_ref[0],
                    preferred_element_type=jnp.float32)
        o_ref[...] = (h * d_ref[...])[None]

    return pl.pallas_call(
        body,
        grid=(NP // _R, 4),
        in_specs=[
            pl.BlockSpec((_R, 128), lambda r, q: (r, 0)),
            pl.BlockSpec((1, 128, FQ), lambda r, q: (q, 0, 0)),
            pl.BlockSpec((_R, 1), lambda r, q: (r, 0)),
        ],
        out_specs=pl.BlockSpec((1, _R, FQ), lambda r, q: (q, r, 0)),
        out_shape=jax.ShapeDtypeStruct((4, NP, FQ), jnp.float32),
    )(xp, w1, dis)


def _tc_phalf(ga, hp, dis, brow, wa):
    def body(a_ref, h_ref, d_ref, b_ref, w_ref, o_ref):
        d = d_ref[...]
        z0 = jnp.maximum(d * (a_ref[0] + h_ref[0]) + b_ref[0], 0.0)
        z1 = jnp.maximum(d * (a_ref[1] + h_ref[1]) + b_ref[1], 0.0)
        z = jnp.concatenate([z0, z1], axis=1)
        o_ref[...] = jnp.dot(z, w_ref[0],
                             preferred_element_type=jnp.float32)[None]

    return pl.pallas_call(
        body,
        grid=(NP // _R, 4),
        in_specs=[
            pl.BlockSpec((2, _R, FQ), lambda r, q: (0, r, 0)),
            pl.BlockSpec((2, _R, FQ), lambda r, q: (0, r, 0)),
            pl.BlockSpec((_R, 1), lambda r, q: (r, 0)),
            pl.BlockSpec((2, 1, FQ), lambda r, q: (0, 0, 0)),
            pl.BlockSpec((1, 128, FQ), lambda r, q: (q, 0, 0)),
        ],
        out_specs=pl.BlockSpec((1, _R, FQ), lambda r, q: (q, r, 0)),
        out_shape=jax.ShapeDtypeStruct((4, NP, FQ), jnp.float32),
    )(ga, hp, dis, brow, wa)


def _tc_pfin(gb, hp, dis, brow, wb, part):
    def body(a_ref, h_ref, d_ref, b_ref, w_ref, p_ref, o_ref):
        d = d_ref[...]
        z2 = jnp.maximum(d * (a_ref[0] + h_ref[2]) + b_ref[0], 0.0)
        z3 = jnp.maximum(d * (a_ref[1] + h_ref[3]) + b_ref[1], 0.0)
        z = jnp.concatenate([z2, z3], axis=1)
        h = p_ref[0] + jnp.dot(z, w_ref[0],
                               preferred_element_type=jnp.float32)
        o_ref[...] = (h * d)[None]

    return pl.pallas_call(
        body,
        grid=(NP // _R, 4),
        in_specs=[
            pl.BlockSpec((2, _R, FQ), lambda r, q: (0, r, 0)),
            pl.BlockSpec((4, _R, FQ), lambda r, q: (0, r, 0)),
            pl.BlockSpec((_R, 1), lambda r, q: (r, 0)),
            pl.BlockSpec((2, 1, FQ), lambda r, q: (1, 0, 0)),
            pl.BlockSpec((1, 128, FQ), lambda r, q: (q, 0, 0)),
            pl.BlockSpec((1, _R, FQ), lambda r, q: (q, r, 0)),
        ],
        out_specs=pl.BlockSpec((1, _R, FQ), lambda r, q: (q, r, 0)),
        out_shape=jax.ShapeDtypeStruct((4, NP, FQ), jnp.float32),
    )(gb, hp, dis, brow, wb, part)


def _tc_final(g4, hp, dis, brow):
    def body(a_ref, h_ref, d_ref, b_ref, o_ref):
        s0 = a_ref[0] + h_ref[0]
        s1 = a_ref[1] + h_ref[1]
        o_ref[...] = (d_ref[...] * jnp.concatenate([s0, s1], axis=1)
                      + b_ref[...])

    return pl.pallas_call(
        body,
        grid=(NP // _R,),
        in_specs=[
            pl.BlockSpec((2, _R, FQ), lambda r: (0, r, 0)),
            pl.BlockSpec((2, _R, FQ), lambda r: (0, r, 0)),
            pl.BlockSpec((_R, 1), lambda r: (r, 0)),
            pl.BlockSpec((1, 128), lambda r: (0, 0)),
        ],
        out_specs=pl.BlockSpec((_R, 128), lambda r: (r, 0)),
        out_shape=jax.ShapeDtypeStruct((NP, 128), jnp.float32),
    )(g4, hp, dis, brow)



def _rows_pt(a: int, b: int) -> int:
    r = -(-a // b)
    return -(-r // 8) * 8


def kernel(x, edge_index, W1, b1, W2, b2, W3, b3, W4, b4):
    src = edge_index[0].astype(jnp.int32)
    dst = edge_index[1].astype(jnp.int32)
    e = src.shape[0]

    def pad_edges(total):
        npad = total - e
        ps = jnp.arange(npad, dtype=jnp.int32) % N_REAL
        pd = N_REAL + jnp.arange(npad, dtype=jnp.int32) % (NP - N_REAL)
        return jnp.concatenate([src, ps]), jnp.concatenate([dst, pd])

    ra = _rows_pt(e, NSUB * CHUNK)
    sa, da = pad_edges(ra * NSUB * CHUNK)
    srcQ01 = jnp.stack([sa, sa + NP]).reshape(2, NSUB * ra, CHUNK)
    srcQ23 = jnp.stack([sa + 2 * NP, sa + 3 * NP]).reshape(2, NSUB * ra, CHUNK)
    dstA = jnp.stack([da, da]).reshape(2, NSUB * ra, CHUNK)

    rb = _rows_pt(e, 2 * NSUB * CHUNK)
    _, db = pad_edges(rb * 2 * NSUB * CHUNK)
    dstB = db.reshape(2, NSUB * rb, CHUNK)

    agg = _make_sc_agg(ra)
    agg_d = _make_sc_deg(rb)

    zq = jnp.zeros((NP, FQ), jnp.float32)
    z16 = jnp.zeros((NP, 16), jnp.float32)
    ones16 = jnp.ones((CHUNK, 16), jnp.float32)

    xp = jnp.pad(x, ((0, NP - N_REAL), (0, 0)))
    b1r = b1.reshape(4, 1, FQ)
    b2r = b2.reshape(4, 1, FQ)
    b3r = b3.reshape(4, 1, FQ)
    b4r = b4.reshape(1, 128)
    def wq(w):
        return w.reshape(w.shape[0], 4, FQ).transpose(1, 0, 2)

    w1q = wq(W1)
    w2q = wq(W2)
    w3q = wq(W3)
    w4q = wq(jnp.pad(W4, ((0, 0), (0, 128))))

    degp = agg_d(ones16, dstB, z16)
    dis = _tc_dis(degp)

    def sc_layer(h):
        t = h.reshape(4 * NP, FQ)
        return agg(t, srcQ01, dstA, zq), agg(t, srcQ23, dstA, zq)

    def layer(h, br, w):
        ga, gb = sc_layer(h)
        p = _tc_phalf(ga, h, dis, br, w[:, :128])
        return _tc_pfin(gb, h, dis, br, w[:, 128:], p)

    h1 = _tc_layer1(xp, w1q, dis)
    h2 = layer(h1, b1r, w2q)
    h3 = layer(h2, b2r, w3q)
    h4 = layer(h3, b3r, w4q)
    g4 = agg(h4.reshape(4 * NP, FQ), srcQ01, dstA, zq)
    out = _tc_final(g4, h4[:2], dis, b4r)
    return out[:N_REAL]

# --- scband reference (transcript-rebuilt; emitter-appended) ---
"""Pipeline reference for scband-gcn-89558658056319 (READ-ONLY COPY).

The authoritative reference and input builder live on the scoring server;
editing this copy changes nothing except your own understanding.
"""

import jax, jax.numpy as jnp
import numpy as np

N_NODES = 10000


def gcn_conv(x, src, dst, W, b, num_nodes):
    # symmetric-normalized GCN conv with self-loops (PyG GCNConv semantics)
    loop = jnp.arange(num_nodes, dtype=src.dtype)
    s = jnp.concatenate([src, loop])
    d = jnp.concatenate([dst, loop])
    deg = jnp.zeros((num_nodes,), dtype=x.dtype).at[d].add(1.0)
    deg_inv_sqrt = jnp.where(deg > 0, deg ** -0.5, 0.0)
    norm = deg_inv_sqrt[s] * deg_inv_sqrt[d]
    h = x @ W
    msg = h[s] * norm[:, None]
    out = jnp.zeros((num_nodes, h.shape[1]), dtype=x.dtype).at[d].add(msg)
    return out + b


def setup_inputs(seed: int = 0) -> dict:
    key = jax.random.key(seed)
    ks = jax.random.split(key, 12)
    x = jax.random.normal(ks[0], (N_NODES, 128), dtype=jnp.float32)
    edge_index = jax.random.randint(ks[1], (2, 320000), 0, N_NODES, dtype=jnp.int64)
    def lin(k, fan_in, fan_out):
        bound = 1.0 / np.sqrt(fan_in)
        return jax.random.uniform(k, (fan_in, fan_out), jnp.float32, -bound, bound)
    W1 = lin(ks[2], 128, 256); b1 = jnp.zeros((256,), jnp.float32)
    W2 = lin(ks[3], 256, 256); b2 = jnp.zeros((256,), jnp.float32)
    W3 = lin(ks[4], 256, 256); b3 = jnp.zeros((256,), jnp.float32)
    W4 = lin(ks[5], 256, 128); b4 = jnp.zeros((128,), jnp.float32)
    return {"x": x, "edge_index": edge_index, "W1": W1, "b1": b1, "W2": W2, "b2": b2, "W3": W3, "b3": b3, "W4": W4, "b4": b4}


def reference(x, edge_index, W1, b1, W2, b2, W3, b3, W4, b4):
    src, dst = edge_index[0], edge_index[1]
    h = gcn_conv(x, src, dst, W1, b1, N_NODES)
    h = jax.nn.relu(h)
    h = gcn_conv(h, src, dst, W2, b2, N_NODES)
    h = jax.nn.relu(h)
    h = gcn_conv(h, src, dst, W3, b3, N_NODES)
    h = jax.nn.relu(h)
    h = gcn_conv(h, src, dst, W4, b4, N_NODES)
    return h

if __name__ == "__main__":
    import jax
    _d = setup_inputs()
    print(jax.jit(kernel)(*tuple(_d.values())))

</pallas_src>

<mosaic_0001>
#map = affine_map<(d0, d1) -> (0, 0)>
#map1 = affine_map<(d0, d1) -> (0, 0, 0)>
module attributes {stable_mosaic.version = 14 : i64} {
  func.func @deg(%arg0: i32, %arg1: i32, %arg2: memref<128x16xf32, #tpu.memory_space<hbm>>, %arg3: memref<2x1280x128xi32, #tpu.memory_space<hbm>>, %arg4: memref<10240x16xf32, #tpu.memory_space<hbm>>, %arg5: memref<2x10240x16xf32, #tpu.memory_space<hbm>>, %arg6: memref<80x128xi32, #tpu.memory_space<vmem>>, %arg7: memref<128x16xf32, #tpu.memory_space<vmem>>, %arg8: memref<10240x16xf32, #tpu.memory_space<vmem_shared>>) attributes {dimension_semantics = [#tpu.dimension_semantics<core_parallel>, #tpu.dimension_semantics<subcore_parallel>], iteration_bounds = array<i64: 2, 16>, scalar_prefetch = 0 : i64, scratch_operands = 3 : i64, tpu.core_type = #tpu.core_type<sc_vector_subcore>, window_params = [{transform_indices = #map}, {transform_indices = #map1}, {transform_indices = #map}, {transform_indices = #map1}]} {
    %mul3A = arith.constant 640 : i32
    %mul3A_0 = arith.muli %arg1, %mul3A : i32
    "tpu.region"() ({
      %run_scoped3A = tpu.sem_alloc : memref<!tpu.dma_semaphore, #tpu.memory_space<semaphore_mem>>
      %dma_start3A = arith.constant 0 : i32
      %dma_start3A_9 = tpu.memref_slice %arg8[%mul3A_0, %dma_start3A] : memref<10240x16xf32, #tpu.memory_space<vmem_shared>> -> memref<640x16xf32, #tpu.memory_space<vmem_shared>>
      %dma_start3A_10 = arith.constant 0 : i32
      %dma_start3A_11 = tpu.memref_slice %arg4[%mul3A_0, %dma_start3A_10] : memref<10240x16xf32, #tpu.memory_space<hbm>> -> memref<640x16xf32, #tpu.memory_space<hbm>>
      tpu.enqueue_dma source(%dma_start3A_11 : memref<640x16xf32, #tpu.memory_space<hbm>>) target(%dma_start3A_9 : memref<640x16xf32, #tpu.memory_space<vmem_shared>>) target_semaphore(%run_scoped3A : memref<!tpu.dma_semaphore, #tpu.memory_space<semaphore_mem>>)
      %dma_wait3A = arith.constant 0 : i32
      %dma_wait3A_12 = tpu.memref_slice %arg8[%mul3A_0, %dma_wait3A] : memref<10240x16xf32, #tpu.memory_space<vmem_shared>> -> memref<640x16xf32, #tpu.memory_space<vmem_shared>>
      %dma_wait3A_13 = arith.constant 0 : i32
      %dma_wait3A_14 = tpu.memref_slice %arg4[%mul3A_0, %dma_wait3A_13] : memref<10240x16xf32, #tpu.memory_space<hbm>> -> memref<640x16xf32, #tpu.memory_space<hbm>>
      tpu.wait_dma2 semaphore(%run_scoped3A : memref<!tpu.dma_semaphore, #tpu.memory_space<semaphore_mem>>) src(%dma_wait3A_14 : memref<640x16xf32, #tpu.memory_space<hbm>>) dst(%dma_wait3A_12 : memref<640x16xf32, #tpu.memory_space<vmem_shared>>)
      tpu.yield
    }) : () -> ()
    %mul3A_1 = arith.constant 80 : i32
    %mul3A_2 = arith.muli %arg1, %mul3A_1 : i32
    "tpu.region"() ({
      %run_scoped3A = tpu.sem_alloc : memref<!tpu.dma_semaphore, #tpu.memory_space<semaphore_mem>>
      %dma_start3A = arith.constant 0 : i32
      %dma_start3A_9 = tpu.memref_slice %arg3[%arg0, %mul3A_2, %dma_start3A] : memref<2x1280x128xi32, #tpu.memory_space<hbm>> -> memref<1x80x128xi32, #tpu.memory_space<hbm>>
      %dma_start3A_10 = tpu.memref_squeeze %dma_start3A_9 : memref<1x80x128xi32, #tpu.memory_space<hbm>> -> memref<80x128xi32, #tpu.memory_space<hbm>>
      %dma_start3A_11 = arith.constant 0 : i32
      %dma_start3A_12 = tpu.memref_slice %arg3[%arg0, %mul3A_2, %dma_start3A_11] : memref<2x1280x128xi32, #tpu.memory_space<hbm>> -> memref<1x80x128xi32, #tpu.memory_space<hbm>>
      %dma_start3A_13 = tpu.memref_squeeze %dma_start3A_12 : memref<1x80x128xi32, #tpu.memory_space<hbm>> -> memref<80x128xi32, #tpu.memory_space<hbm>>
      tpu.enqueue_dma source(%dma_start3A_13 : memref<80x128xi32, #tpu.memory_space<hbm>>) target(%arg6 : memref<80x128xi32, #tpu.memory_space<vmem>>) target_semaphore(%run_scoped3A : memref<!tpu.dma_semaphore, #tpu.memory_space<semaphore_mem>>)
      %dma_wait3A = arith.constant 0 : i32
      %dma_wait3A_14 = tpu.memref_slice %arg3[%arg0, %mul3A_2, %dma_wait3A] : memref<2x1280x128xi32, #tpu.memory_space<hbm>> -> memref<1x80x128xi32, #tpu.memory_space<hbm>>
      %dma_wait3A_15 = tpu.memref_squeeze %dma_wait3A_14 : memref<1x80x128xi32, #tpu.memory_space<hbm>> -> memref<80x128xi32, #tpu.memory_space<hbm>>
      %dma_wait3A_16 = arith.constant 0 : i32
      %dma_wait3A_17 = tpu.memref_slice %arg3[%arg0, %mul3A_2, %dma_wait3A_16] : memref<2x1280x128xi32, #tpu.memory_space<hbm>> -> memref<1x80x128xi32, #tpu.memory_space<hbm>>
      %dma_wait3A_18 = tpu.memref_squeeze %dma_wait3A_17 : memref<1x80x128xi32, #tpu.memory_space<hbm>> -> memref<80x128xi32, #tpu.memory_space<hbm>>
      tpu.wait_dma2 semaphore(%run_scoped3A : memref<!tpu.dma_semaphore, #tpu.memory_space<semaphore_mem>>) src(%dma_wait3A_18 : memref<80x128xi32, #tpu.memory_space<hbm>>) dst(%arg6 : memref<80x128xi32, #tpu.memory_space<vmem>>)
      tpu.yield
    }) : () -> ()
    "tpu.region"() ({
      %run_scoped3A = tpu.sem_alloc : memref<!tpu.dma_semaphore, #tpu.memory_space<semaphore_mem>>
      tpu.enqueue_dma source(%arg2 : memref<128x16xf32, #tpu.memory_space<hbm>>) target(%arg7 : memref<128x16xf32, #tpu.memory_space<vmem>>) target_semaphore(%run_scoped3A : memref<!tpu.dma_semaphore, #tpu.memory_space<semaphore_mem>>)
      tpu.wait_dma2 semaphore(%run_scoped3A : memref<!tpu.dma_semaphore, #tpu.memory_space<semaphore_mem>>) src(%arg2 : memref<128x16xf32, #tpu.memory_space<hbm>>) dst(%arg7 : memref<128x16xf32, #tpu.memory_space<vmem>>)
      tpu.yield
    }) : () -> ()
    %barrier3A = arith.constant 0 : index
    tpu.barrier barrier_id(%barrier3A)
    %scan3A = arith.constant 0 : i32
    %scan3A_3 = arith.constant 0 : i32
    %scan3A_4 = arith.constant 80 : i32
    %scan3A_5 = arith.addi %scan3A_3, %scan3A_4 : i32
    %scan3A_6 = arith.constant 1 : i32
    scf.for %scan3A_9 = %scan3A_3 to %scan3A_5 step %scan3A_6  : i32 {
      "tpu.region"() ({
        %run_scoped3A = tpu.sem_alloc : memref<!tpu.dma_semaphore, #tpu.memory_space<semaphore_mem>>
        %dma_start3A = arith.constant 0 : i32
        %dma_start3A_10 = tpu.memref_slice %arg6[%scan3A_9, %dma_start3A] : memref<80x128xi32, #tpu.memory_space<vmem>> -> memref<1x128xi32, #tpu.memory_space<vmem>>
        %dma_start3A_11 = tpu.memref_squeeze %dma_start3A_10 : memref<1x128xi32, #tpu.memory_space<vmem>> -> memref<128xi32, #tpu.memory_space<vmem>>
        %dma_start3A_12 = arith.constant 0 : i32
        %dma_start3A_13 = arith.constant 0 : i32
        %dma_start3A_14 = tpu.memref_slice %arg8[%dma_start3A_12, %dma_start3A_13] : memref<10240x16xf32, #tpu.memory_space<vmem_shared>> -> memref<10240x16xf32, #tpu.memory_space<vmem_shared>>
        tpu.enqueue_indirect_dma source(%arg7 : memref<128x16xf32, #tpu.memory_space<vmem>>) target(%dma_start3A_14 : memref<10240x16xf32, #tpu.memory_space<vmem_shared>>) offsets(%dma_start3A_11 : memref<128xi32, #tpu.memory_space<vmem>>) semaphore(%run_scoped3A : memref<!tpu.dma_semaphore, #tpu.memory_space<semaphore_mem>>) {add = true}
        %dma_wait3A = arith.constant 0 : i32
        %dma_wait3A_15 = tpu.memref_slice %arg6[%scan3A_9, %dma_wait3A] : memref<80x128xi32, #tpu.memory_space<vmem>> -> memref<1x128xi32, #tpu.memory_space<vmem>>
        %dma_wait3A_16 = tpu.memref_squeeze %dma_wait3A_15 : memref<1x128xi32, #tpu.memory_space<vmem>> -> memref<128xi32, #tpu.memory_space<vmem>>
        %dma_wait3A_17 = arith.constant 0 : i32
        %dma_wait3A_18 = arith.constant 0 : i32
        %dma_wait3A_19 = tpu.memref_slice %arg8[%dma_wait3A_17, %dma_wait3A_18] : memref<10240x16xf32, #tpu.memory_space<vmem_shared>> -> memref<10240x16xf32, #tpu.memory_space<vmem_shared>>
        tpu.wait_indirect_dma semaphore(%run_scoped3A : memref<!tpu.dma_semaphore, #tpu.memory_space<semaphore_mem>>) src(%arg7 : memref<128x16xf32, #tpu.memory_space<vmem>>) dst(%dma_wait3A_19 : memref<10240x16xf32, #tpu.memory_space<vmem_shared>>)
        tpu.yield
      }) : () -> ()
    }
    %scan3A_7 = arith.constant 80 : i32
    %barrier3A_8 = arith.constant 0 : index
    tpu.barrier barrier_id(%barrier3A_8)
    "tpu.region"() ({
      %run_scoped3A = tpu.sem_alloc : memref<!tpu.dma_semaphore, #tpu.memory_space<semaphore_mem>>
      %dma_start3A = arith.constant 0 : i32
      %dma_start3A_9 = tpu.memref_slice %arg5[%arg0, %mul3A_0, %dma_start3A] : memref<2x10240x16xf32, #tpu.memory_space<hbm>> -> memref<1x640x16xf32, #tpu.memory_space<hbm>>
      %dma_start3A_10 = tpu.memref_squeeze %dma_start3A_9 : memref<1x640x16xf32, #tpu.memory_space<hbm>> -> memref<640x16xf32, #tpu.memory_space<hbm>>
      %dma_start3A_11 = arith.constant 0 : i32
      %dma_start3A_12 = tpu.memref_slice %arg8[%mul3A_0, %dma_start3A_11] : memref<10240x16xf32, #tpu.memory_space<vmem_shared>> -> memref<640x16xf32, #tpu.memory_space<vmem_shared>>
      tpu.enqueue_dma source(%dma_start3A_12 : memref<640x16xf32, #tpu.memory_space<vmem_shared>>) target(%dma_start3A_10 : memref<640x16xf32, #tpu.memory_space<hbm>>) target_semaphore(%run_scoped3A : memref<!tpu.dma_semaphore, #tpu.memory_space<semaphore_mem>>)
      %dma_wait3A = arith.constant 0 : i32
      %dma_wait3A_13 = tpu.memref_slice %arg5[%arg0, %mul3A_0, %dma_wait3A] : memref<2x10240x16xf32, #tpu.memory_space<hbm>> -> memref<1x640x16xf32, #tpu.memory_space<hbm>>
      %dma_wait3A_14 = tpu.memref_squeeze %dma_wait3A_13 : memref<1x640x16xf32, #tpu.memory_space<hbm>> -> memref<640x16xf32, #tpu.memory_space<hbm>>
      %dma_wait3A_15 = arith.constant 0 : i32
      %dma_wait3A_16 = tpu.memref_slice %arg8[%mul3A_0, %dma_wait3A_15] : memref<10240x16xf32, #tpu.memory_space<vmem_shared>> -> memref<640x16xf32, #tpu.memory_space<vmem_shared>>
      tpu.wait_dma2 semaphore(%run_scoped3A : memref<!tpu.dma_semaphore, #tpu.memory_space<semaphore_mem>>) src(%dma_wait3A_16 : memref<640x16xf32, #tpu.memory_space<vmem_shared>>) dst(%dma_wait3A_14 : memref<640x16xf32, #tpu.memory_space<hbm>>)
      tpu.yield
    }) : () -> ()
    return
  }
}

#map = affine_map<(d0, d1) -> (0, 0)>
#map1 = affine_map<(d0, d1) -> (0, 0, 0)>
module attributes {stable_mosaic.version = 14 : i64} {
  func.func @agg(%arg0: i32, %arg1: i32, %arg2: memref<40960x64xf32, #tpu.memory_space<hbm>>, %arg3: memref<2x2560x128xi32, #tpu.memory_space<hbm>>, %arg4: memref<2x2560x128xi32, #tpu.memory_space<hbm>>, %arg5: memref<10240x64xf32, #tpu.memory_space<hbm>>, %arg6: memref<2x10240x64xf32, #tpu.memory_space<hbm>>, %arg7: memref<160x128xi32, #tpu.memory_space<vmem>>, %arg8: memref<160x128xi32, #tpu.memory_space<vmem>>, %arg9: memref<128x64xf32, #tpu.memory_space<vmem>>, %arg10: memref<128x64xf32, #tpu.memory_space<vmem>>, %arg11: memref<10240x64xf32, #tpu.memory_space<vmem_shared>>, %arg12: memref<!tpu.dma_semaphore, #tpu.memory_space<semaphore_mem>>, %arg13: memref<!tpu.dma_semaphore, #tpu.memory_space<semaphore_mem>>) attributes {dimension_semantics = [#tpu.dimension_semantics<core_parallel>, #tpu.dimension_semantics<subcore_parallel>], iteration_bounds = array<i64: 2, 16>, scalar_prefetch = 0 : i64, scratch_operands = 7 : i64, tpu.core_type = #tpu.core_type<sc_vector_subcore>, window_params = [{transform_indices = #map}, {transform_indices = #map1}, {transform_indices = #map1}, {transform_indices = #map}, {transform_indices = #map1}]} {
    %mul3A = arith.constant 640 : i32
    %mul3A_0 = arith.muli %arg1, %mul3A : i32
    "tpu.region"() ({
      %run_scoped3A = tpu.sem_alloc : memref<!tpu.dma_semaphore, #tpu.memory_space<semaphore_mem>>
      %dma_start3A_22 = arith.constant 0 : i32
      %dma_start3A_23 = tpu.memref_slice %arg11[%mul3A_0, %dma_start3A_22] : memref<10240x64xf32, #tpu.memory_space<vmem_shared>> -> memref<640x64xf32, #tpu.memory_space<vmem_shared>>
      %dma_start3A_24 = arith.constant 0 : i32
      %dma_start3A_25 = tpu.memref_slice %arg5[%mul3A_0, %dma_start3A_24] : memref<10240x64xf32, #tpu.memory_space<hbm>> -> memref<640x64xf32, #tpu.memory_space<hbm>>
      tpu.enqueue_dma source(%dma_start3A_25 : memref<640x64xf32, #tpu.memory_space<hbm>>) target(%dma_start3A_23 : memref<640x64xf32, #tpu.memory_space<vmem_shared>>) target_semaphore(%run_scoped3A : memref<!tpu.dma_semaphore, #tpu.memory_space<semaphore_mem>>)
      %dma_wait3A = arith.constant 0 : i32
      %dma_wait3A_26 = tpu.memref_slice %arg11[%mul3A_0, %dma_wait3A] : memref<10240x64xf32, #tpu.memory_space<vmem_shared>> -> memref<640x64xf32, #tpu.memory_space<vmem_shared>>
      %dma_wait3A_27 = arith.constant 0 : i32
      %dma_wait3A_28 = tpu.memref_slice %arg5[%mul3A_0, %dma_wait3A_27] : memref<10240x64xf32, #tpu.memory_space<hbm>> -> memref<640x64xf32, #tpu.memory_space<hbm>>
      tpu.wait_dma2 semaphore(%run_scoped3A : memref<!tpu.dma_semaphore, #tpu.memory_space<semaphore_mem>>) src(%dma_wait3A_28 : memref<640x64xf32, #tpu.memory_space<hbm>>) dst(%dma_wait3A_26 : memref<640x64xf32, #tpu.memory_space<vmem_shared>>)
      tpu.yield
    }) : () -> ()
    %mul3A_1 = arith.constant 160 : i32
    %mul3A_2 = arith.muli %arg1, %mul3A_1 : i32
    "tpu.region"() ({
      %run_scoped3A = tpu.sem_alloc : memref<!tpu.dma_semaphore, #tpu.memory_space<semaphore_mem>>
      %dma_start3A_22 = arith.constant 0 : i32
      %dma_start3A_23 = tpu.memref_slice %arg3[%arg0, %mul3A_2, %dma_start3A_22] : memref<2x2560x128xi32, #tpu.memory_space<hbm>> -> memref<1x160x128xi32, #tpu.memory_space<hbm>>
      %dma_start3A_24 = tpu.memref_squeeze %dma_start3A_23 : memref<1x160x128xi32, #tpu.memory_space<hbm>> -> memref<160x128xi32, #tpu.memory_space<hbm>>
      %dma_start3A_25 = arith.constant 0 : i32
      %dma_start3A_26 = tpu.memref_slice %arg3[%arg0, %mul3A_2, %dma_start3A_25] : memref<2x2560x128xi32, #tpu.memory_space<hbm>> -> memref<1x160x128xi32, #tpu.memory_space<hbm>>
      %dma_start3A_27 = tpu.memref_squeeze %dma_start3A_26 : memref<1x160x128xi32, #tpu.memory_space<hbm>> -> memref<160x128xi32, #tpu.memory_space<hbm>>
      tpu.enqueue_dma source(%dma_start3A_27 : memref<160x128xi32, #tpu.memory_space<hbm>>) target(%arg7 : memref<160x128xi32, #tpu.memory_space<vmem>>) target_semaphore(%run_scoped3A : memref<!tpu.dma_semaphore, #tpu.memory_space<semaphore_mem>>)
      %dma_wait3A = arith.constant 0 : i32
      %dma_wait3A_28 = tpu.memref_slice %arg3[%arg0, %mul3A_2, %dma_wait3A] : memref<2x2560x128xi32, #tpu.memory_space<hbm>> -> memref<1x160x128xi32, #tpu.memory_space<hbm>>
      %dma_wait3A_29 = tpu.memref_squeeze %dma_wait3A_28 : memref<1x160x128xi32, #tpu.memory_space<hbm>> -> memref<160x128xi32, #tpu.memory_space<hbm>>
      %dma_wait3A_30 = arith.constant 0 : i32
      %dma_wait3A_31 = tpu.memref_slice %arg3[%arg0, %mul3A_2, %dma_wait3A_30] : memref<2x2560x128xi32, #tpu.memory_space<hbm>> -> memref<1x160x128xi32, #tpu.memory_space<hbm>>
      %dma_wait3A_32 = tpu.memref_squeeze %dma_wait3A_31 : memref<1x160x128xi32, #tpu.memory_space<hbm>> -> memref<160x128xi32, #tpu.memory_space<hbm>>
      tpu.wait_dma2 semaphore(%run_scoped3A : memref<!tpu.dma_semaphore, #tpu.memory_space<semaphore_mem>>) src(%dma_wait3A_32 : memref<160x128xi32, #tpu.memory_space<hbm>>) dst(%arg7 : memref<160x128xi32, #tpu.memory_space<vmem>>)
      tpu.yield
    }) : () -> ()
    "tpu.region"() ({
      %run_scoped3A = tpu.sem_alloc : memref<!tpu.dma_semaphore, #tpu.memory_space<semaphore_mem>>
      %dma_start3A_22 = arith.constant 0 : i32
      %dma_start3A_23 = tpu.memref_slice %arg4[%arg0, %mul3A_2, %dma_start3A_22] : memref<2x2560x128xi32, #tpu.memory_space<hbm>> -> memref<1x160x128xi32, #tpu.memory_space<hbm>>
      %dma_start3A_24 = tpu.memref_squeeze %dma_start3A_23 : memref<1x160x128xi32, #tpu.memory_space<hbm>> -> memref<160x128xi32, #tpu.memory_space<hbm>>
      %dma_start3A_25 = arith.constant 0 : i32
      %dma_start3A_26 = tpu.memref_slice %arg4[%arg0, %mul3A_2, %dma_start3A_25] : memref<2x2560x128xi32, #tpu.memory_space<hbm>> -> memref<1x160x128xi32, #tpu.memory_space<hbm>>
      %dma_start3A_27 = tpu.memref_squeeze %dma_start3A_26 : memref<1x160x128xi32, #tpu.memory_space<hbm>> -> memref<160x128xi32, #tpu.memory_space<hbm>>
      tpu.enqueue_dma source(%dma_start3A_27 : memref<160x128xi32, #tpu.memory_space<hbm>>) target(%arg8 : memref<160x128xi32, #tpu.memory_space<vmem>>) target_semaphore(%run_scoped3A : memref<!tpu.dma_semaphore, #tpu.memory_space<semaphore_mem>>)
      %dma_wait3A = arith.constant 0 : i32
      %dma_wait3A_28 = tpu.memref_slice %arg4[%arg0, %mul3A_2, %dma_wait3A] : memref<2x2560x128xi32, #tpu.memory_space<hbm>> -> memref<1x160x128xi32, #tpu.memory_space<hbm>>
      %dma_wait3A_29 = tpu.memref_squeeze %dma_wait3A_28 : memref<1x160x128xi32, #tpu.memory_space<hbm>> -> memref<160x128xi32, #tpu.memory_space<hbm>>
      %dma_wait3A_30 = arith.constant 0 : i32
      %dma_wait3A_31 = tpu.memref_slice %arg4[%arg0, %mul3A_2, %dma_wait3A_30] : memref<2x2560x128xi32, #tpu.memory_space<hbm>> -> memref<1x160x128xi32, #tpu.memory_space<hbm>>
      %dma_wait3A_32 = tpu.memref_squeeze %dma_wait3A_31 : memref<1x160x128xi32, #tpu.memory_space<hbm>> -> memref<160x128xi32, #tpu.memory_space<hbm>>
      tpu.wait_dma2 semaphore(%run_scoped3A : memref<!tpu.dma_semaphore, #tpu.memory_space<semaphore_mem>>) src(%dma_wait3A_32 : memref<160x128xi32, #tpu.memory_space<hbm>>) dst(%arg8 : memref<160x128xi32, #tpu.memory_space<vmem>>)
      tpu.yield
    }) : () -> ()
    %dma_start3A = arith.constant 0 : i32
    %dma_start3A_3 = arith.constant 0 : i32
    %dma_start3A_4 = tpu.memref_slice %arg7[%dma_start3A, %dma_start3A_3] : memref<160x128xi32, #tpu.memory_space<vmem>> -> memref<1x128xi32, #tpu.memory_space<vmem>>
    %dma_start3A_5 = tpu.memref_squeeze %dma_start3A_4 : memref<1x128xi32, #tpu.memory_space<vmem>> -> memref<128xi32, #tpu.memory_space<vmem>>
    %dma_start3A_6 = arith.constant 0 : i32
    %dma_start3A_7 = arith.constant 0 : i32
    %dma_start3A_8 = tpu.memref_slice %arg2[%dma_start3A_6, %dma_start3A_7] : memref<40960x64xf32, #tpu.memory_space<hbm>> -> memref<40960x64xf32, #tpu.memory_space<hbm>>
    tpu.enqueue_indirect_dma source(%dma_start3A_8 : memref<40960x64xf32, #tpu.memory_space<hbm>>) target(%arg9 : memref<128x64xf32, #tpu.memory_space<vmem>>) offsets(%dma_start3A_5 : memref<128xi32, #tpu.memory_space<vmem>>) semaphore(%arg12 : memref<!tpu.dma_semaphore, #tpu.memory_space<semaphore_mem>>)
    %dma_start3A_9 = arith.constant 1 : i32
    %dma_start3A_10 = arith.constant 0 : i32
    %dma_start3A_11 = tpu.memref_slice %arg7[%dma_start3A_9, %dma_start3A_10] : memref<160x128xi32, #tpu.memory_space<vmem>> -> memref<1x128xi32, #tpu.memory_space<vmem>>
    %dma_start3A_12 = tpu.memref_squeeze %dma_start3A_11 : memref<1x128xi32, #tpu.memory_space<vmem>> -> memref<128xi32, #tpu.memory_space<vmem>>
    %dma_start3A_13 = arith.constant 0 : i32
    %dma_start3A_14 = arith.constant 0 : i32
    %dma_start3A_15 = tpu.memref_slice %arg2[%dma_start3A_13, %dma_start3A_14] : memref<40960x64xf32, #tpu.memory_space<hbm>> -> memref<40960x64xf32, #tpu.memory_space<hbm>>
    tpu.enqueue_indirect_dma source(%dma_start3A_15 : memref<40960x64xf32, #tpu.memory_space<hbm>>) target(%arg10 : memref<128x64xf32, #tpu.memory_space<vmem>>) offsets(%dma_start3A_12 : memref<128xi32, #tpu.memory_space<vmem>>) semaphore(%arg13 : memref<!tpu.dma_semaphore, #tpu.memory_space<semaphore_mem>>)
    %barrier3A = arith.constant 0 : index
    tpu.barrier barrier_id(%barrier3A)
    %scan3A = arith.constant 0 : i32
    %scan3A_16 = arith.constant 0 : i32
    %scan3A_17 = arith.constant 80 : i32
    %scan3A_18 = arith.addi %scan3A_16, %scan3A_17 : i32
    %scan3A_19 = arith.constant 1 : i32
    scf.for %scan3A_22 = %scan3A_16 to %scan3A_18 step %scan3A_19  : i32 {
      %mul3A_23 = arith.constant 2 : i32
      %mul3A_24 = arith.muli %scan3A_22, %mul3A_23 : i32
      %add3A = arith.constant 0 : i32
      %add3A_25 = arith.addi %mul3A_24, %add3A : i32
      %dma_wait3A = arith.constant 0 : i32
      %dma_wait3A_26 = tpu.memref_slice %arg7[%add3A_25, %dma_wait3A] : memref<160x128xi32, #tpu.memory_space<vmem>> -> memref<1x128xi32, #tpu.memory_space<vmem>>
      %dma_wait3A_27 = tpu.memref_squeeze %dma_wait3A_26 : memref<1x128xi32, #tpu.memory_space<vmem>> -> memref<128xi32, #tpu.memory_space<vmem>>
      %dma_wait3A_28 = arith.constant 0 : i32
      %dma_wait3A_29 = arith.constant 0 : i32
      %dma_wait3A_30 = tpu.memref_slice %arg2[%dma_wait3A_28, %dma_wait3A_29] : memref<40960x64xf32, #tpu.memory_space<hbm>> -> memref<40960x64xf32, #tpu.memory_space<hbm>>
      tpu.wait_indirect_dma semaphore(%arg12 : memref<!tpu.dma_semaphore, #tpu.memory_space<semaphore_mem>>) src(%dma_wait3A_30 : memref<40960x64xf32, #tpu.memory_space<hbm>>) dst(%arg9 : memref<128x64xf32, #tpu.memory_space<vmem>>)
      "tpu.region"() ({
        %run_scoped3A = tpu.sem_alloc : memref<!tpu.dma_semaphore, #tpu.memory_space<semaphore_mem>>
        %dma_start3A_52 = arith.constant 0 : i32
        %dma_start3A_53 = tpu.memref_slice %arg8[%add3A_25, %dma_start3A_52] : memref<160x128xi32, #tpu.memory_space<vmem>> -> memref<1x128xi32, #tpu.memory_space<vmem>>
        %dma_start3A_54 = tpu.memref_squeeze %dma_start3A_53 : memref<1x128xi32, #tpu.memory_space<vmem>> -> memref<128xi32, #tpu.memory_space<vmem>>
        %dma_start3A_55 = arith.constant 0 : i32
        %dma_start3A_56 = arith.constant 0 : i32
        %dma_start3A_57 = tpu.memref_slice %arg11[%dma_start3A_55, %dma_start3A_56] : memref<10240x64xf32, #tpu.memory_space<vmem_shared>> -> memref<10240x64xf32, #tpu.memory_space<vmem_shared>>
        tpu.enqueue_indirect_dma source(%arg9 : memref<128x64xf32, #tpu.memory_space<vmem>>) target(%dma_start3A_57 : memref<10240x64xf32, #tpu.memory_space<vmem_shared>>) offsets(%dma_start3A_54 : memref<128xi32, #tpu.memory_space<vmem>>) semaphore(%run_scoped3A : memref<!tpu.dma_semaphore, #tpu.memory_space<semaphore_mem>>) {add = true}
        %dma_wait3A_58 = arith.constant 0 : i32
        %dma_wait3A_59 = tpu.memref_slice %arg8[%add3A_25, %dma_wait3A_58] : memref<160x128xi32, #tpu.memory_space<vmem>> -> memref<1x128xi32, #tpu.memory_space<vmem>>
        %dma_wait3A_60 = tpu.memref_squeeze %dma_wait3A_59 : memref<1x128xi32, #tpu.memory_space<vmem>> -> memref<128xi32, #tpu.memory_space<vmem>>
        %dma_wait3A_61 = arith.constant 0 : i32
        %dma_wait3A_62 = arith.constant 0 : i32
        %dma_wait3A_63 = tpu.memref_slice %arg11[%dma_wait3A_61, %dma_wait3A_62] : memref<10240x64xf32, #tpu.memory_space<vmem_shared>> -> memref<10240x64xf32, #tpu.memory_space<vmem_shared>>
        tpu.wait_indirect_dma semaphore(%run_scoped3A : memref<!tpu.dma_semaphore, #tpu.memory_space<semaphore_mem>>) src(%arg9 : memref<128x64xf32, #tpu.memory_space<vmem>>) dst(%dma_wait3A_63 : memref<10240x64xf32, #tpu.memory_space<vmem_shared>>)
        tpu.yield
      }) : () -> ()
      %add3A_31 = arith.constant 2 : i32
      %add3A_32 = arith.addi %add3A_25, %add3A_31 : i32
      %lt3A = arith.constant 160 : i32
      %lt3A_33 = arith.cmpi slt, %add3A_32, %lt3A : i32
      %convert_element_type3A = arith.extui %lt3A_33 : i1 to i32
      %cond3A = arith.constant 0 : i32
      %cond3A_34 = arith.cmpi ne, %convert_element_type3A, %cond3A : i32
      scf.if %cond3A_34 {
        %add3A_52 = arith.constant 2 : i32
        %add3A_53 = arith.addi %add3A_25, %add3A_52 : i32
        %dma_start3A_54 = arith.constant 0 : i32
        %dma_start3A_55 = tpu.memref_slice %arg7[%add3A_53, %dma_start3A_54] : memref<160x128xi32, #tpu.memory_space<vmem>> -> memref<1x128xi32, #tpu.memory_space<vmem>>
        %dma_start3A_56 = tpu.memref_squeeze %dma_start3A_55 : memref<1x128xi32, #tpu.memory_space<vmem>> -> memref<128xi32, #tpu.memory_space<vmem>>
        %dma_start3A_57 = arith.constant 0 : i32
        %dma_start3A_58 = arith.constant 0 : i32
        %dma_start3A_59 = tpu.memref_slice %arg2[%dma_start3A_57, %dma_start3A_58] : memref<40960x64xf32, #tpu.memory_space<hbm>> -> memref<40960x64xf32, #tpu.memory_space<hbm>>
        tpu.enqueue_indirect_dma source(%dma_start3A_59 : memref<40960x64xf32, #tpu.memory_space<hbm>>) target(%arg9 : memref<128x64xf32, #tpu.memory_space<vmem>>) offsets(%dma_start3A_56 : memref<128xi32, #tpu.memory_space<vmem>>) semaphore(%arg12 : memref<!tpu.dma_semaphore, #tpu.memory_space<semaphore_mem>>)
      } else {
      }
      %mul3A_35 = arith.constant 2 : i32
      %mul3A_36 = arith.muli %scan3A_22, %mul3A_35 : i32
      %add3A_37 = arith.constant 1 : i32
      %add3A_38 = arith.addi %mul3A_36, %add3A_37 : i32
      %dma_wait3A_39 = arith.constant 0 : i32
      %dma_wait3A_40 = tpu.memref_slice %arg7[%add3A_38, %dma_wait3A_39] : memref<160x128xi32, #tpu.memory_space<vmem>> -> memref<1x128xi32, #tpu.memory_space<vmem>>
      %dma_wait3A_41 = tpu.memref_squeeze %dma_wait3A_40 : memref<1x128xi32, #tpu.memory_space<vmem>> -> memref<128xi32, #tpu.memory_space<vmem>>
      %dma_wait3A_42 = arith.constant 0 : i32
      %dma_wait3A_43 = arith.constant 0 : i32
      %dma_wait3A_44 = tpu.memref_slice %arg2[%dma_wait3A_42, %dma_wait3A_43] : memref<40960x64xf32, #tpu.memory_space<hbm>> -> memref<40960x64xf32, #tpu.memory_space<hbm>>
      tpu.wait_indirect_dma semaphore(%arg13 : memref<!tpu.dma_semaphore, #tpu.memory_space<semaphore_mem>>) src(%dma_wait3A_44 : memref<40960x64xf32, #tpu.memory_space<hbm>>) dst(%arg10 : memref<128x64xf32, #tpu.memory_space<vmem>>)
      "tpu.region"() ({
        %run_scoped3A = tpu.sem_alloc : memref<!tpu.dma_semaphore, #tpu.memory_space<semaphore_mem>>
        %dma_start3A_52 = arith.constant 0 : i32
        %dma_start3A_53 = tpu.memref_slice %arg8[%add3A_38, %dma_start3A_52] : memref<160x128xi32, #tpu.memory_space<vmem>> -> memref<1x128xi32, #tpu.memory_space<vmem>>
        %dma_start3A_54 = tpu.memref_squeeze %dma_start3A_53 : memref<1x128xi32, #tpu.memory_space<vmem>> -> memref<128xi32, #tpu.memory_space<vmem>>
        %dma_start3A_55 = arith.constant 0 : i32
        %dma_start3A_56 = arith.constant 0 : i32
        %dma_start3A_57 = tpu.memref_slice %arg11[%dma_start3A_55, %dma_start3A_56] : memref<10240x64xf32, #tpu.memory_space<vmem_shared>> -> memref<10240x64xf32, #tpu.memory_space<vmem_shared>>
        tpu.enqueue_indirect_dma source(%arg10 : memref<128x64xf32, #tpu.memory_space<vmem>>) target(%dma_start3A_57 : memref<10240x64xf32, #tpu.memory_space<vmem_shared>>) offsets(%dma_start3A_54 : memref<128xi32, #tpu.memory_space<vmem>>) semaphore(%run_scoped3A : memref<!tpu.dma_semaphore, #tpu.memory_space<semaphore_mem>>) {add = true}
        %dma_wait3A_58 = arith.constant 0 : i32
        %dma_wait3A_59 = tpu.memref_slice %arg8[%add3A_38, %dma_wait3A_58] : memref<160x128xi32, #tpu.memory_space<vmem>> -> memref<1x128xi32, #tpu.memory_space<vmem>>
        %dma_wait3A_60 = tpu.memref_squeeze %dma_wait3A_59 : memref<1x128xi32, #tpu.memory_space<vmem>> -> memref<128xi32, #tpu.memory_space<vmem>>
        %dma_wait3A_61 = arith.constant 0 : i32
        %dma_wait3A_62 = arith.constant 0 : i32
        %dma_wait3A_63 = tpu.memref_slice %arg11[%dma_wait3A_61, %dma_wait3A_62] : memref<10240x64xf32, #tpu.memory_space<vmem_shared>> -> memref<10240x64xf32, #tpu.memory_space<vmem_shared>>
        tpu.wait_indirect_dma semaphore(%run_scoped3A : memref<!tpu.dma_semaphore, #tpu.memory_space<semaphore_mem>>) src(%arg10 : memref<128x64xf32, #tpu.memory_space<vmem>>) dst(%dma_wait3A_63 : memref<10240x64xf32, #tpu.memory_space<vmem_shared>>)
        tpu.yield
      }) : () -> ()
      %add3A_45 = arith.constant 2 : i32
      %add3A_46 = arith.addi %add3A_38, %add3A_45 : i32
      %lt3A_47 = arith.constant 160 : i32
      %lt3A_48 = arith.cmpi slt, %add3A_46, %lt3A_47 : i32
      %convert_element_type3A_49 = arith.extui %lt3A_48 : i1 to i32
      %cond3A_50 = arith.constant 0 : i32
      %cond3A_51 = arith.cmpi ne, %convert_element_type3A_49, %cond3A_50 : i32
      scf.if %cond3A_51 {
        %add3A_52 = arith.constant 2 : i32
        %add3A_53 = arith.addi %add3A_38, %add3A_52 : i32
        %dma_start3A_54 = arith.constant 0 : i32
        %dma_start3A_55 = tpu.memref_slice %arg7[%add3A_53, %dma_start3A_54] : memref<160x128xi32, #tpu.memory_space<vmem>> -> memref<1x128xi32, #tpu.memory_space<vmem>>
        %dma_start3A_56 = tpu.memref_squeeze %dma_start3A_55 : memref<1x128xi32, #tpu.memory_space<vmem>> -> memref<128xi32, #tpu.memory_space<vmem>>
        %dma_start3A_57 = arith.constant 0 : i32
        %dma_start3A_58 = arith.constant 0 : i32
        %dma_start3A_59 = tpu.memref_slice %arg2[%dma_start3A_57, %dma_start3A_58] : memref<40960x64xf32, #tpu.memory_space<hbm>> -> memref<40960x64xf32, #tpu.memory_space<hbm>>
        tpu.enqueue_indirect_dma source(%dma_start3A_59 : memref<40960x64xf32, #tpu.memory_space<hbm>>) target(%arg10 : memref<128x64xf32, #tpu.memory_space<vmem>>) offsets(%dma_start3A_56 : memref<128xi32, #tpu.memory_space<vmem>>) semaphore(%arg13 : memref<!tpu.dma_semaphore, #tpu.memory_space<semaphore_mem>>)
      } else {
      }
    }
    %scan3A_20 = arith.constant 80 : i32
    %barrier3A_21 = arith.constant 0 : index
    tpu.barrier barrier_id(%barrier3A_21)
    "tpu.region"() ({
      %run_scoped3A = tpu.sem_alloc : memref<!tpu.dma_semaphore, #tpu.memory_space<semaphore_mem>>
      %dma_start3A_22 = arith.constant 0 : i32
      %dma_start3A_23 = tpu.memref_slice %arg6[%arg0, %mul3A_0, %dma_start3A_22] : memref<2x10240x64xf32, #tpu.memory_space<hbm>> -> memref<1x640x64xf32, #tpu.memory_space<hbm>>
      %dma_start3A_24 = tpu.memref_squeeze %dma_start3A_23 : memref<1x640x64xf32, #tpu.memory_space<hbm>> -> memref<640x64xf32, #tpu.memory_space<hbm>>
      %dma_start3A_25 = arith.constant 0 : i32
      %dma_start3A_26 = tpu.memref_slice %arg11[%mul3A_0, %dma_start3A_25] : memref<10240x64xf32, #tpu.memory_space<vmem_shared>> -> memref<640x64xf32, #tpu.memory_space<vmem_shared>>
      tpu.enqueue_dma source(%dma_start3A_26 : memref<640x64xf32, #tpu.memory_space<vmem_shared>>) target(%dma_start3A_24 : memref<640x64xf32, #tpu.memory_space<hbm>>) target_semaphore(%run_scoped3A : memref<!tpu.dma_semaphore, #tpu.memory_space<semaphore_mem>>)
      %dma_wait3A = arith.constant 0 : i32
      %dma_wait3A_27 = tpu.memref_slice %arg6[%arg0, %mul3A_0, %dma_wait3A] : memref<2x10240x64xf32, #tpu.memory_space<hbm>> -> memref<1x640x64xf32, #tpu.memory_space<hbm>>
      %dma_wait3A_28 = tpu.memref_squeeze %dma_wait3A_27 : memref<1x640x64xf32, #tpu.memory_space<hbm>> -> memref<640x64xf32, #tpu.memory_space<hbm>>
      %dma_wait3A_29 = arith.constant 0 : i32
      %dma_wait3A_30 = tpu.memref_slice %arg11[%mul3A_0, %dma_wait3A_29] : memref<10240x64xf32, #tpu.memory_space<vmem_shared>> -> memref<640x64xf32, #tpu.memory_space<vmem_shared>>
      tpu.wait_dma2 semaphore(%run_scoped3A : memref<!tpu.dma_semaphore, #tpu.memory_space<semaphore_mem>>) src(%dma_wait3A_30 : memref<640x64xf32, #tpu.memory_space<vmem_shared>>) dst(%dma_wait3A_28 : memref<640x64xf32, #tpu.memory_space<hbm>>)
      tpu.yield
    }) : () -> ()
    return
  }
}

#map = affine_map<(d0, d1) -> (0, 0)>
#map1 = affine_map<(d0, d1) -> (0, 0, 0)>
module attributes {stable_mosaic.version = 14 : i64} {
  func.func @agg(%arg0: i32, %arg1: i32, %arg2: memref<40960x64xf32, #tpu.memory_space<hbm>>, %arg3: memref<2x2560x128xi32, #tpu.memory_space<hbm>>, %arg4: memref<2x2560x128xi32, #tpu.memory_space<hbm>>, %arg5: memref<10240x64xf32, #tpu.memory_space<hbm>>, %arg6: memref<2x10240x64xf32, #tpu.memory_space<hbm>>, %arg7: memref<160x128xi32, #tpu.memory_space<vmem>>, %arg8: memref<160x128xi32, #tpu.memory_space<vmem>>, %arg9: memref<128x64xf32, #tpu.memory_space<vmem>>, %arg10: memref<128x64xf32, #tpu.memory_space<vmem>>, %arg11: memref<10240x64xf32, #tpu.memory_space<vmem_shared>>, %arg12: memref<!tpu.dma_semaphore, #tpu.memory_space<semaphore_mem>>, %arg13: memref<!tpu.dma_semaphore, #tpu.memory_space<semaphore_mem>>) attributes {dimension_semantics = [#tpu.dimension_semantics<core_parallel>, #tpu.dimension_semantics<subcore_parallel>], iteration_bounds = array<i64: 2, 16>, scalar_prefetch = 0 : i64, scratch_operands = 7 : i64, tpu.core_type = #tpu.core_type<sc_vector_subcore>, window_params = [{transform_indices = #map}, {transform_indices = #map1}, {transform_indices = #map1}, {transform_indices = #map}, {transform_indices = #map1}]} {
    %mul3A = arith.constant 640 : i32
    %mul3A_0 = arith.muli %arg1, %mul3A : i32
    "tpu.region"() ({
      %run_scoped3A = tpu.sem_alloc : memref<!tpu.dma_semaphore, #tpu.memory_space<semaphore_mem>>
      %dma_start3A_22 = arith.constant 0 : i32
      %dma_start3A_23 = tpu.memref_slice %arg11[%mul3A_0, %dma_start3A_22] : memref<10240x64xf32, #tpu.memory_space<vmem_shared>> -> memref<640x64xf32, #tpu.memory_space<vmem_shared>>
      %dma_start3A_24 = arith.constant 0 : i32
      %dma_start3A_25 = tpu.memref_slice %arg5[%mul3A_0, %dma_start3A_24] : memref<10240x64xf32, #tpu.memory_space<hbm>> -> memref<640x64xf32, #tpu.memory_space<hbm>>
      tpu.enqueue_dma source(%dma_start3A_25 : memref<640x64xf32, #tpu.memory_space<hbm>>) target(%dma_start3A_23 : memref<640x64xf32, #tpu.memory_space<vmem_shared>>) target_semaphore(%run_scoped3A : memref<!tpu.dma_semaphore, #tpu.memory_space<semaphore_mem>>)
      %dma_wait3A = arith.constant 0 : i32
      %dma_wait3A_26 = tpu.memref_slice %arg11[%mul3A_0, %dma_wait3A] : memref<10240x64xf32, #tpu.memory_space<vmem_shared>> -> memref<640x64xf32, #tpu.memory_space<vmem_shared>>
      %dma_wait3A_27 = arith.constant 0 : i32
      %dma_wait3A_28 = tpu.memref_slice %arg5[%mul3A_0, %dma_wait3A_27] : memref<10240x64xf32, #tpu.memory_space<hbm>> -> memref<640x64xf32, #tpu.memory_space<hbm>>
      tpu.wait_dma2 semaphore(%run_scoped3A : memref<!tpu.dma_semaphore, #tpu.memory_space<semaphore_mem>>) src(%dma_wait3A_28 : memref<640x64xf32, #tpu.memory_space<hbm>>) dst(%dma_wait3A_26 : memref<640x64xf32, #tpu.memory_space<vmem_shared>>)
      tpu.yield
    }) : () -> ()
    %mul3A_1 = arith.constant 160 : i32
    %mul3A_2 = arith.muli %arg1, %mul3A_1 : i32
    "tpu.region"() ({
      %run_scoped3A = tpu.sem_alloc : memref<!tpu.dma_semaphore, #tpu.memory_space<semaphore_mem>>
      %dma_start3A_22 = arith.constant 0 : i32
      %dma_start3A_23 = tpu.memref_slice %arg3[%arg0, %mul3A_2, %dma_start3A_22] : memref<2x2560x128xi32, #tpu.memory_space<hbm>> -> memref<1x160x128xi32, #tpu.memory_space<hbm>>
      %dma_start3A_24 = tpu.memref_squeeze %dma_start3A_23 : memref<1x160x128xi32, #tpu.memory_space<hbm>> -> memref<160x128xi32, #tpu.memory_space<hbm>>
      %dma_start3A_25 = arith.constant 0 : i32
      %dma_start3A_26 = tpu.memref_slice %arg3[%arg0, %mul3A_2, %dma_start3A_25] : memref<2x2560x128xi32, #tpu.memory_space<hbm>> -> memref<1x160x128xi32, #tpu.memory_space<hbm>>
      %dma_start3A_27 = tpu.memref_squeeze %dma_start3A_26 : memref<1x160x128xi32, #tpu.memory_space<hbm>> -> memref<160x128xi32, #tpu.memory_space<hbm>>
      tpu.enqueue_dma source(%dma_start3A_27 : memref<160x128xi32, #tpu.memory_space<hbm>>) target(%arg7 : memref<160x128xi32, #tpu.memory_space<vmem>>) target_semaphore(%run_scoped3A : memref<!tpu.dma_semaphore, #tpu.memory_space<semaphore_mem>>)
      %dma_wait3A = arith.constant 0 : i32
      %dma_wait3A_28 = tpu.memref_slice %arg3[%arg0, %mul3A_2, %dma_wait3A] : memref<2x2560x128xi32, #tpu.memory_space<hbm>> -> memref<1x160x128xi32, #tpu.memory_space<hbm>>
      %dma_wait3A_29 = tpu.memref_squeeze %dma_wait3A_28 : memref<1x160x128xi32, #tpu.memory_space<hbm>> -> memref<160x128xi32, #tpu.memory_space<hbm>>
      %dma_wait3A_30 = arith.constant 0 : i32
      %dma_wait3A_31 = tpu.memref_slice %arg3[%arg0, %mul3A_2, %dma_wait3A_30] : memref<2x2560x128xi32, #tpu.memory_space<hbm>> -> memref<1x160x128xi32, #tpu.memory_space<hbm>>
      %dma_wait3A_32 = tpu.memref_squeeze %dma_wait3A_31 : memref<1x160x128xi32, #tpu.memory_space<hbm>> -> memref<160x128xi32, #tpu.memory_space<hbm>>
      tpu.wait_dma2 semaphore(%run_scoped3A : memref<!tpu.dma_semaphore, #tpu.memory_space<semaphore_mem>>) src(%dma_wait3A_32 : memref<160x128xi32, #tpu.memory_space<hbm>>) dst(%arg7 : memref<160x128xi32, #tpu.memory_space<vmem>>)
      tpu.yield
    }) : () -> ()
    "tpu.region"() ({
      %run_scoped3A = tpu.sem_alloc : memref<!tpu.dma_semaphore, #tpu.memory_space<semaphore_mem>>
      %dma_start3A_22 = arith.constant 0 : i32
      %dma_start3A_23 = tpu.memref_slice %arg4[%arg0, %mul3A_2, %dma_start3A_22] : memref<2x2560x128xi32, #tpu.memory_space<hbm>> -> memref<1x160x128xi32, #tpu.memory_space<hbm>>
      %dma_start3A_24 = tpu.memref_squeeze %dma_start3A_23 : memref<1x160x128xi32, #tpu.memory_space<hbm>> -> memref<160x128xi32, #tpu.memory_space<hbm>>
      %dma_start3A_25 = arith.constant 0 : i32
      %dma_start3A_26 = tpu.memref_slice %arg4[%arg0, %mul3A_2, %dma_start3A_25] : memref<2x2560x128xi32, #tpu.memory_space<hbm>> -> memref<1x160x128xi32, #tpu.memory_space<hbm>>
      %dma_start3A_27 = tpu.memref_squeeze %dma_start3A_26 : memref<1x160x128xi32, #tpu.memory_space<hbm>> -> memref<160x128xi32, #tpu.memory_space<hbm>>
      tpu.enqueue_dma source(%dma_start3A_27 : memref<160x128xi32, #tpu.memory_space<hbm>>) target(%arg8 : memref<160x128xi32, #tpu.memory_space<vmem>>) target_semaphore(%run_scoped3A : memref<!tpu.dma_semaphore, #tpu.memory_space<semaphore_mem>>)
      %dma_wait3A = arith.constant 0 : i32
      %dma_wait3A_28 = tpu.memref_slice %arg4[%arg0, %mul3A_2, %dma_wait3A] : memref<2x2560x128xi32, #tpu.memory_space<hbm>> -> memref<1x160x128xi32, #tpu.memory_space<hbm>>
      %dma_wait3A_29 = tpu.memref_squeeze %dma_wait3A_28 : memref<1x160x128xi32, #tpu.memory_space<hbm>> -> memref<160x128xi32, #tpu.memory_space<hbm>>
      %dma_wait3A_30 = arith.constant 0 : i32
      %dma_wait3A_31 = tpu.memref_slice %arg4[%arg0, %mul3A_2, %dma_wait3A_30] : memref<2x2560x128xi32, #tpu.memory_space<hbm>> -> memref<1x160x128xi32, #tpu.memory_space<hbm>>
      %dma_wait3A_32 = tpu.memref_squeeze %dma_wait3A_31 : memref<1x160x128xi32, #tpu.memory_space<hbm>> -> memref<160x128xi32, #tpu.memory_space<hbm>>
      tpu.wait_dma2 semaphore(%run_scoped3A : memref<!tpu.dma_semaphore, #tpu.memory_space<semaphore_mem>>) src(%dma_wait3A_32 : memref<160x128xi32, #tpu.memory_space<hbm>>) dst(%arg8 : memref<160x128xi32, #tpu.memory_space<vmem>>)
      tpu.yield
    }) : () -> ()
    %dma_start3A = arith.constant 0 : i32
    %dma_start3A_3 = arith.constant 0 : i32
    %dma_start3A_4 = tpu.memref_slice %arg7[%dma_start3A, %dma_start3A_3] : memref<160x128xi32, #tpu.memory_space<vmem>> -> memref<1x128xi32, #tpu.memory_space<vmem>>
    %dma_start3A_5 = tpu.memref_squeeze %dma_start3A_4 : memref<1x128xi32, #tpu.memory_space<vmem>> -> memref<128xi32, #tpu.memory_space<vmem>>
    %dma_start3A_6 = arith.constant 0 : i32
    %dma_start3A_7 = arith.constant 0 : i32
    %dma_start3A_8 = tpu.memref_slice %arg2[%dma_start3A_6, %dma_start3A_7] : memref<40960x64xf32, #tpu.memory_space<hbm>> -> memref<40960x64xf32, #tpu.memory_space<hbm>>
    tpu.enqueue_indirect_dma source(%dma_start3A_8 : memref<40960x64xf32, #tpu.memory_space<hbm>>) target(%arg9 : memref<128x64xf32, #tpu.memory_space<vmem>>) offsets(%dma_start3A_5 : memref<128xi32, #tpu.memory_space<vmem>>) semaphore(%arg12 : memref<!tpu.dma_semaphore, #tpu.memory_space<semaphore_mem>>)
    %dma_start3A_9 = arith.constant 1 : i32
    %dma_start3A_10 = arith.constant 0 : i32
    %dma_start3A_11 = tpu.memref_slice %arg7[%dma_start3A_9, %dma_start3A_10] : memref<160x128xi32, #tpu.memory_space<vmem>> -> memref<1x128xi32, #tpu.memory_space<vmem>>
    %dma_start3A_12 = tpu.memref_squeeze %dma_start3A_11 : memref<1x128xi32, #tpu.memory_space<vmem>> -> memref<128xi32, #tpu.memory_space<vmem>>
    %dma_start3A_13 = arith.constant 0 : i32
    %dma_start3A_14 = arith.constant 0 : i32
    %dma_start3A_15 = tpu.memref_slice %arg2[%dma_start3A_13, %dma_start3A_14] : memref<40960x64xf32, #tpu.memory_space<hbm>> -> memref<40960x64xf32, #tpu.memory_space<hbm>>
    tpu.enqueue_indirect_dma source(%dma_start3A_15 : memref<40960x64xf32, #tpu.memory_space<hbm>>) target(%arg10 : memref<128x64xf32, #tpu.memory_space<vmem>>) offsets(%dma_start3A_12 : memref<128xi32, #tpu.memory_space<vmem>>) semaphore(%arg13 : memref<!tpu.dma_semaphore, #tpu.memory_space<semaphore_mem>>)
    %barrier3A = arith.constant 0 : index
    tpu.barrier barrier_id(%barrier3A)
    %scan3A = arith.constant 0 : i32
    %scan3A_16 = arith.constant 0 : i32
    %scan3A_17 = arith.constant 80 : i32
    %scan3A_18 = arith.addi %scan3A_16, %scan3A_17 : i32
    %scan3A_19 = arith.constant 1 : i32
    scf.for %scan3A_22 = %scan3A_16 to %scan3A_18 step %scan3A_19  : i32 {
      %mul3A_23 = arith.constant 2 : i32
      %mul3A_24 = arith.muli %scan3A_22, %mul3A_23 : i32
      %add3A = arith.constant 0 : i32
      %add3A_25 = arith.addi %mul3A_24, %add3A : i32
      %dma_wait3A = arith.constant 0 : i32
      %dma_wait3A_26 = tpu.memref_slice %arg7[%add3A_25, %dma_wait3A] : memref<160x128xi32, #tpu.memory_space<vmem>> -> memref<1x128xi32, #tpu.memory_space<vmem>>
      %dma_wait3A_27 = tpu.memref_squeeze %dma_wait3A_26 : memref<1x128xi32, #tpu.memory_space<vmem>> -> memref<128xi32, #tpu.memory_space<vmem>>
      %dma_wait3A_28 = arith.constant 0 : i32
      %dma_wait3A_29 = arith.constant 0 : i32
      %dma_wait3A_30 = tpu.memref_slice %arg2[%dma_wait3A_28, %dma_wait3A_29] : memref<40960x64xf32, #tpu.memory_space<hbm>> -> memref<40960x64xf32, #tpu.memory_space<hbm>>
      tpu.wait_indirect_dma semaphore(%arg12 : memref<!tpu.dma_semaphore, #tpu.memory_space<semaphore_mem>>) src(%dma_wait3A_30 : memref<40960x64xf32, #tpu.memory_space<hbm>>) dst(%arg9 : memref<128x64xf32, #tpu.memory_space<vmem>>)
      "tpu.region"() ({
        %run_scoped3A = tpu.sem_alloc : memref<!tpu.dma_semaphore, #tpu.memory_space<semaphore_mem>>
        %dma_start3A_52 = arith.constant 0 : i32
        %dma_start3A_53 = tpu.memref_slice %arg8[%add3A_25, %dma_start3A_52] : memref<160x128xi32, #tpu.memory_space<vmem>> -> memref<1x128xi32, #tpu.memory_space<vmem>>
        %dma_start3A_54 = tpu.memref_squeeze %dma_start3A_53 : memref<1x128xi32, #tpu.memory_space<vmem>> -> memref<128xi32, #tpu.memory_space<vmem>>
        %dma_start3A_55 = arith.constant 0 : i32
        %dma_start3A_56 = arith.constant 0 : i32
        %dma_start3A_57 = tpu.memref_slice %arg11[%dma_start3A_55, %dma_start3A_56] : memref<10240x64xf32, #tpu.memory_space<vmem_shared>> -> memref<10240x64xf32, #tpu.memory_space<vmem_shared>>
        tpu.enqueue_indirect_dma source(%arg9 : memref<128x64xf32, #tpu.memory_space<vmem>>) target(%dma_start3A_57 : memref<10240x64xf32, #tpu.memory_space<vmem_shared>>) offsets(%dma_start3A_54 : memref<128xi32, #tpu.memory_space<vmem>>) semaphore(%run_scoped3A : memref<!tpu.dma_semaphore, #tpu.memory_space<semaphore_mem>>) {add = true}
        %dma_wait3A_58 = arith.constant 0 : i32
        %dma_wait3A_59 = tpu.memref_slice %arg8[%add3A_25, %dma_wait3A_58] : memref<160x128xi32, #tpu.memory_space<vmem>> -> memref<1x128xi32, #tpu.memory_space<vmem>>
        %dma_wait3A_60 = tpu.memref_squeeze %dma_wait3A_59 : memref<1x128xi32, #tpu.memory_space<vmem>> -> memref<128xi32, #tpu.memory_space<vmem>>
        %dma_wait3A_61 = arith.constant 0 : i32
        %dma_wait3A_62 = arith.constant 0 : i32
        %dma_wait3A_63 = tpu.memref_slice %arg11[%dma_wait3A_61, %dma_wait3A_62] : memref<10240x64xf32, #tpu.memory_space<vmem_shared>> -> memref<10240x64xf32, #tpu.memory_space<vmem_shared>>
        tpu.wait_indirect_dma semaphore(%run_scoped3A : memref<!tpu.dma_semaphore, #tpu.memory_space<semaphore_mem>>) src(%arg9 : memref<128x64xf32, #tpu.memory_space<vmem>>) dst(%dma_wait3A_63 : memref<10240x64xf32, #tpu.memory_space<vmem_shared>>)
        tpu.yield
      }) : () -> ()
      %add3A_31 = arith.constant 2 : i32
      %add3A_32 = arith.addi %add3A_25, %add3A_31 : i32
      %lt3A = arith.constant 160 : i32
      %lt3A_33 = arith.cmpi slt, %add3A_32, %lt3A : i32
      %convert_element_type3A = arith.extui %lt3A_33 : i1 to i32
      %cond3A = arith.constant 0 : i32
      %cond3A_34 = arith.cmpi ne, %convert_element_type3A, %cond3A : i32
      scf.if %cond3A_34 {
        %add3A_52 = arith.constant 2 : i32
        %add3A_53 = arith.addi %add3A_25, %add3A_52 : i32
        %dma_start3A_54 = arith.constant 0 : i32
        %dma_start3A_55 = tpu.memref_slice %arg7[%add3A_53, %dma_start3A_54] : memref<160x128xi32, #tpu.memory_space<vmem>> -> memref<1x128xi32, #tpu.memory_space<vmem>>
        %dma_start3A_56 = tpu.memref_squeeze %dma_start3A_55 : memref<1x128xi32, #tpu.memory_space<vmem>> -> memref<128xi32, #tpu.memory_space<vmem>>
        %dma_start3A_57 = arith.constant 0 : i32
        %dma_start3A_58 = arith.constant 0 : i32
        %dma_start3A_59 = tpu.memref_slice %arg2[%dma_start3A_57, %dma_start3A_58] : memref<40960x64xf32, #tpu.memory_space<hbm>> -> memref<40960x64xf32, #tpu.memory_space<hbm>>
        tpu.enqueue_indirect_dma source(%dma_start3A_59 : memref<40960x64xf32, #tpu.memory_space<hbm>>) target(%arg9 : memref<128x64xf32, #tpu.memory_space<vmem>>) offsets(%dma_start3A_56 : memref<128xi32, #tpu.memory_space<vmem>>) semaphore(%arg12 : memref<!tpu.dma_semaphore, #tpu.memory_space<semaphore_mem>>)
      } else {
      }
      %mul3A_35 = arith.constant 2 : i32
      %mul3A_36 = arith.muli %scan3A_22, %mul3A_35 : i32
      %add3A_37 = arith.constant 1 : i32
      %add3A_38 = arith.addi %mul3A_36, %add3A_37 : i32
      %dma_wait3A_39 = arith.constant 0 : i32
      %dma_wait3A_40 = tpu.memref_slice %arg7[%add3A_38, %dma_wait3A_39] : memref<160x128xi32, #tpu.memory_space<vmem>> -> memref<1x128xi32, #tpu.memory_space<vmem>>
      %dma_wait3A_41 = tpu.memref_squeeze %dma_wait3A_40 : memref<1x128xi32, #tpu.memory_space<vmem>> -> memref<128xi32, #tpu.memory_space<vmem>>
      %dma_wait3A_42 = arith.constant 0 : i32
      %dma_wait3A_43 = arith.constant 0 : i32
      %dma_wait3A_44 = tpu.memref_slice %arg2[%dma_wait3A_42, %dma_wait3A_43] : memref<40960x64xf32, #tpu.memory_space<hbm>> -> memref<40960x64xf32, #tpu.memory_space<hbm>>
      tpu.wait_indirect_dma semaphore(%arg13 : memref<!tpu.dma_semaphore, #tpu.memory_space<semaphore_mem>>) src(%dma_wait3A_44 : memref<40960x64xf32, #tpu.memory_space<hbm>>) dst(%arg10 : memref<128x64xf32, #tpu.memory_space<vmem>>)
      "tpu.region"() ({
        %run_scoped3A = tpu.sem_alloc : memref<!tpu.dma_semaphore, #tpu.memory_space<semaphore_mem>>
        %dma_start3A_52 = arith.constant 0 : i32
        %dma_start3A_53 = tpu.memref_slice %arg8[%add3A_38, %dma_start3A_52] : memref<160x128xi32, #tpu.memory_space<vmem>> -> memref<1x128xi32, #tpu.memory_space<vmem>>
        %dma_start3A_54 = tpu.memref_squeeze %dma_start3A_53 : memref<1x128xi32, #tpu.memory_space<vmem>> -> memref<128xi32, #tpu.memory_space<vmem>>
        %dma_start3A_55 = arith.constant 0 : i32
        %dma_start3A_56 = arith.constant 0 : i32
        %dma_start3A_57 = tpu.memref_slice %arg11[%dma_start3A_55, %dma_start3A_56] : memref<10240x64xf32, #tpu.memory_space<vmem_shared>> -> memref<10240x64xf32, #tpu.memory_space<vmem_shared>>
        tpu.enqueue_indirect_dma source(%arg10 : memref<128x64xf32, #tpu.memory_space<vmem>>) target(%dma_start3A_57 : memref<10240x64xf32, #tpu.memory_space<vmem_shared>>) offsets(%dma_start3A_54 : memref<128xi32, #tpu.memory_space<vmem>>) semaphore(%run_scoped3A : memref<!tpu.dma_semaphore, #tpu.memory_space<semaphore_mem>>) {add = true}
        %dma_wait3A_58 = arith.constant 0 : i32
        %dma_wait3A_59 = tpu.memref_slice %arg8[%add3A_38, %dma_wait3A_58] : memref<160x128xi32, #tpu.memory_space<vmem>> -> memref<1x128xi32, #tpu.memory_space<vmem>>
        %dma_wait3A_60 = tpu.memref_squeeze %dma_wait3A_59 : memref<1x128xi32, #tpu.memory_space<vmem>> -> memref<128xi32, #tpu.memory_space<vmem>>
        %dma_wait3A_61 = arith.constant 0 : i32
        %dma_wait3A_62 = arith.constant 0 : i32
        %dma_wait3A_63 = tpu.memref_slice %arg11[%dma_wait3A_61, %dma_wait3A_62] : memref<10240x64xf32, #tpu.memory_space<vmem_shared>> -> memref<10240x64xf32, #tpu.memory_space<vmem_shared>>
        tpu.wait_indirect_dma semaphore(%run_scoped3A : memref<!tpu.dma_semaphore, #tpu.memory_space<semaphore_mem>>) src(%arg10 : memref<128x64xf32, #tpu.memory_space<vmem>>) dst(%dma_wait3A_63 : memref<10240x64xf32, #tpu.memory_space<vmem_shared>>)
        tpu.yield
      }) : () -> ()
      %add3A_45 = arith.constant 2 : i32
      %add3A_46 = arith.addi %add3A_38, %add3A_45 : i32
      %lt3A_47 = arith.constant 160 : i32
      %lt3A_48 = arith.cmpi slt, %add3A_46, %lt3A_47 : i32
      %convert_element_type3A_49 = arith.extui %lt3A_48 : i1 to i32
      %cond3A_50 = arith.constant 0 : i32
      %cond3A_51 = arith.cmpi ne, %convert_element_type3A_49, %cond3A_50 : i32
      scf.if %cond3A_51 {
        %add3A_52 = arith.constant 2 : i32
        %add3A_53 = arith.addi %add3A_38, %add3A_52 : i32
        %dma_start3A_54 = arith.constant 0 : i32
        %dma_start3A_55 = tpu.memref_slice %arg7[%add3A_53, %dma_start3A_54] : memref<160x128xi32, #tpu.memory_space<vmem>> -> memref<1x128xi32, #tpu.memory_space<vmem>>
        %dma_start3A_56 = tpu.memref_squeeze %dma_start3A_55 : memref<1x128xi32, #tpu.memory_space<vmem>> -> memref<128xi32, #tpu.memory_space<vmem>>
        %dma_start3A_57 = arith.constant 0 : i32
        %dma_start3A_58 = arith.constant 0 : i32
        %dma_start3A_59 = tpu.memref_slice %arg2[%dma_start3A_57, %dma_start3A_58] : memref<40960x64xf32, #tpu.memory_space<hbm>> -> memref<40960x64xf32, #tpu.memory_space<hbm>>
        tpu.enqueue_indirect_dma source(%dma_start3A_59 : memref<40960x64xf32, #tpu.memory_space<hbm>>) target(%arg10 : memref<128x64xf32, #tpu.memory_space<vmem>>) offsets(%dma_start3A_56 : memref<128xi32, #tpu.memory_space<vmem>>) semaphore(%arg13 : memref<!tpu.dma_semaphore, #tpu.memory_space<semaphore_mem>>)
      } else {
      }
    }
    %scan3A_20 = arith.constant 80 : i32
    %barrier3A_21 = arith.constant 0 : index
    tpu.barrier barrier_id(%barrier3A_21)
    "tpu.region"() ({
      %run_scoped3A = tpu.sem_alloc : memref<!tpu.dma_semaphore, #tpu.memory_space<semaphore_mem>>
      %dma_start3A_22 = arith.constant 0 : i32
      %dma_start3A_23 = tpu.memref_slice %arg6[%arg0, %mul3A_0, %dma_start3A_22] : memref<2x10240x64xf32, #tpu.memory_space<hbm>> -> memref<1x640x64xf32, #tpu.memory_space<hbm>>
      %dma_start3A_24 = tpu.memref_squeeze %dma_start3A_23 : memref<1x640x64xf32, #tpu.memory_space<hbm>> -> memref<640x64xf32, #tpu.memory_space<hbm>>
      %dma_start3A_25 = arith.constant 0 : i32
      %dma_start3A_26 = tpu.memref_slice %arg11[%mul3A_0, %dma_start3A_25] : memref<10240x64xf32, #tpu.memory_space<vmem_shared>> -> memref<640x64xf32, #tpu.memory_space<vmem_shared>>
      tpu.enqueue_dma source(%dma_start3A_26 : memref<640x64xf32, #tpu.memory_space<vmem_shared>>) target(%dma_start3A_24 : memref<640x64xf32, #tpu.memory_space<hbm>>) target_semaphore(%run_scoped3A : memref<!tpu.dma_semaphore, #tpu.memory_space<semaphore_mem>>)
      %dma_wait3A = arith.constant 0 : i32
      %dma_wait3A_27 = tpu.memref_slice %arg6[%arg0, %mul3A_0, %dma_wait3A] : memref<2x10240x64xf32, #tpu.memory_space<hbm>> -> memref<1x640x64xf32, #tpu.memory_space<hbm>>
      %dma_wait3A_28 = tpu.memref_squeeze %dma_wait3A_27 : memref<1x640x64xf32, #tpu.memory_space<hbm>> -> memref<640x64xf32, #tpu.memory_space<hbm>>
      %dma_wait3A_29 = arith.constant 0 : i32
      %dma_wait3A_30 = tpu.memref_slice %arg11[%mul3A_0, %dma_wait3A_29] : memref<10240x64xf32, #tpu.memory_space<vmem_shared>> -> memref<640x64xf32, #tpu.memory_space<vmem_shared>>
      tpu.wait_dma2 semaphore(%run_scoped3A : memref<!tpu.dma_semaphore, #tpu.memory_space<semaphore_mem>>) src(%dma_wait3A_30 : memref<640x64xf32, #tpu.memory_space<vmem_shared>>) dst(%dma_wait3A_28 : memref<640x64xf32, #tpu.memory_space<hbm>>)
      tpu.yield
    }) : () -> ()
    return
  }
}

#map = affine_map<(d0, d1) -> (0, 0)>
#map1 = affine_map<(d0, d1) -> (0, 0, 0)>
module attributes {stable_mosaic.version = 14 : i64} {
  func.func @agg(%arg0: i32, %arg1: i32, %arg2: memref<40960x64xf32, #tpu.memory_space<hbm>>, %arg3: memref<2x2560x128xi32, #tpu.memory_space<hbm>>, %arg4: memref<2x2560x128xi32, #tpu.memory_space<hbm>>, %arg5: memref<10240x64xf32, #tpu.memory_space<hbm>>, %arg6: memref<2x10240x64xf32, #tpu.memory_space<hbm>>, %arg7: memref<160x128xi32, #tpu.memory_space<vmem>>, %arg8: memref<160x128xi32, #tpu.memory_space<vmem>>, %arg9: memref<128x64xf32, #tpu.memory_space<vmem>>, %arg10: memref<128x64xf32, #tpu.memory_space<vmem>>, %arg11: memref<10240x64xf32, #tpu.memory_space<vmem_shared>>, %arg12: memref<!tpu.dma_semaphore, #tpu.memory_space<semaphore_mem>>, %arg13: memref<!tpu.dma_semaphore, #tpu.memory_space<semaphore_mem>>) attributes {dimension_semantics = [#tpu.dimension_semantics<core_parallel>, #tpu.dimension_semantics<subcore_parallel>], iteration_bounds = array<i64: 2, 16>, scalar_prefetch = 0 : i64, scratch_operands = 7 : i64, tpu.core_type = #tpu.core_type<sc_vector_subcore>, window_params = [{transform_indices = #map}, {transform_indices = #map1}, {transform_indices = #map1}, {transform_indices = #map}, {transform_indices = #map1}]} {
    %mul3A = arith.constant 640 : i32
    %mul3A_0 = arith.muli %arg1, %mul3A : i32
    "tpu.region"() ({
      %run_scoped3A = tpu.sem_alloc : memref<!tpu.dma_semaphore, #tpu.memory_space<semaphore_mem>>
      %dma_start3A_22 = arith.constant 0 : i32
      %dma_start3A_23 = tpu.memref_slice %arg11[%mul3A_0, %dma_start3A_22] : memref<10240x64xf32, #tpu.memory_space<vmem_shared>> -> memref<640x64xf32, #tpu.memory_space<vmem_shared>>
      %dma_start3A_24 = arith.constant 0 : i32
      %dma_start3A_25 = tpu.memref_slice %arg5[%mul3A_0, %dma_start3A_24] : memref<10240x64xf32, #tpu.memory_space<hbm>> -> memref<640x64xf32, #tpu.memory_space<hbm>>
      tpu.enqueue_dma source(%dma_start3A_25 : memref<640x64xf32, #tpu.memory_space<hbm>>) target(%dma_start3A_23 : memref<640x64xf32, #tpu.memory_space<vmem_shared>>) target_semaphore(%run_scoped3A : memref<!tpu.dma_semaphore, #tpu.memory_space<semaphore_mem>>)
      %dma_wait3A = arith.constant 0 : i32
      %dma_wait3A_26 = tpu.memref_slice %arg11[%mul3A_0, %dma_wait3A] : memref<10240x64xf32, #tpu.memory_space<vmem_shared>> -> memref<640x64xf32, #tpu.memory_space<vmem_shared>>
      %dma_wait3A_27 = arith.constant 0 : i32
      %dma_wait3A_28 = tpu.memref_slice %arg5[%mul3A_0, %dma_wait3A_27] : memref<10240x64xf32, #tpu.memory_space<hbm>> -> memref<640x64xf32, #tpu.memory_space<hbm>>
      tpu.wait_dma2 semaphore(%run_scoped3A : memref<!tpu.dma_semaphore, #tpu.memory_space<semaphore_mem>>) src(%dma_wait3A_28 : memref<640x64xf32, #tpu.memory_space<hbm>>) dst(%dma_wait3A_26 : memref<640x64xf32, #tpu.memory_space<vmem_shared>>)
      tpu.yield
    }) : () -> ()
    %mul3A_1 = arith.constant 160 : i32
    %mul3A_2 = arith.muli %arg1, %mul3A_1 : i32
    "tpu.region"() ({
      %run_scoped3A = tpu.sem_alloc : memref<!tpu.dma_semaphore, #tpu.memory_space<semaphore_mem>>
      %dma_start3A_22 = arith.constant 0 : i32
      %dma_start3A_23 = tpu.memref_slice %arg3[%arg0, %mul3A_2, %dma_start3A_22] : memref<2x2560x128xi32, #tpu.memory_space<hbm>> -> memref<1x160x128xi32, #tpu.memory_space<hbm>>
      %dma_start3A_24 = tpu.memref_squeeze %dma_start3A_23 : memref<1x160x128xi32, #tpu.memory_space<hbm>> -> memref<160x128xi32, #tpu.memory_space<hbm>>
      %dma_start3A_25 = arith.constant 0 : i32
      %dma_start3A_26 = tpu.memref_slice %arg3[%arg0, %mul3A_2, %dma_start3A_25] : memref<2x2560x128xi32, #tpu.memory_space<hbm>> -> memref<1x160x128xi32, #tpu.memory_space<hbm>>
      %dma_start3A_27 = tpu.memref_squeeze %dma_start3A_26 : memref<1x160x128xi32, #tpu.memory_space<hbm>> -> memref<160x128xi32, #tpu.memory_space<hbm>>
      tpu.enqueue_dma source(%dma_start3A_27 : memref<160x128xi32, #tpu.memory_space<hbm>>) target(%arg7 : memref<160x128xi32, #tpu.memory_space<vmem>>) target_semaphore(%run_scoped3A : memref<!tpu.dma_semaphore, #tpu.memory_space<semaphore_mem>>)
      %dma_wait3A = arith.constant 0 : i32
      %dma_wait3A_28 = tpu.memref_slice %arg3[%arg0, %mul3A_2, %dma_wait3A] : memref<2x2560x128xi32, #tpu.memory_space<hbm>> -> memref<1x160x128xi32, #tpu.memory_space<hbm>>
      %dma_wait3A_29 = tpu.memref_squeeze %dma_wait3A_28 : memref<1x160x128xi32, #tpu.memory_space<hbm>> -> memref<160x128xi32, #tpu.memory_space<hbm>>
      %dma_wait3A_30 = arith.constant 0 : i32
      %dma_wait3A_31 = tpu.memref_slice %arg3[%arg0, %mul3A_2, %dma_wait3A_30] : memref<2x2560x128xi32, #tpu.memory_space<hbm>> -> memref<1x160x128xi32, #tpu.memory_space<hbm>>
      %dma_wait3A_32 = tpu.memref_squeeze %dma_wait3A_31 : memref<1x160x128xi32, #tpu.memory_space<hbm>> -> memref<160x128xi32, #tpu.memory_space<hbm>>
      tpu.wait_dma2 semaphore(%run_scoped3A : memref<!tpu.dma_semaphore, #tpu.memory_space<semaphore_mem>>) src(%dma_wait3A_32 : memref<160x128xi32, #tpu.memory_space<hbm>>) dst(%arg7 : memref<160x128xi32, #tpu.memory_space<vmem>>)
      tpu.yield
    }) : () -> ()
    "tpu.region"() ({
      %run_scoped3A = tpu.sem_alloc : memref<!tpu.dma_semaphore, #tpu.memory_space<semaphore_mem>>
      %dma_start3A_22 = arith.constant 0 : i32
      %dma_start3A_23 = tpu.memref_slice %arg4[%arg0, %mul3A_2, %dma_start3A_22] : memref<2x2560x128xi32, #tpu.memory_space<hbm>> -> memref<1x160x128xi32, #tpu.memory_space<hbm>>
      %dma_start3A_24 = tpu.memref_squeeze %dma_start3A_23 : memref<1x160x128xi32, #tpu.memory_space<hbm>> -> memref<160x128xi32, #tpu.memory_space<hbm>>
      %dma_start3A_25 = arith.constant 0 : i32
      %dma_start3A_26 = tpu.memref_slice %arg4[%arg0, %mul3A_2, %dma_start3A_25] : memref<2x2560x128xi32, #tpu.memory_space<hbm>> -> memref<1x160x128xi32, #tpu.memory_space<hbm>>
      %dma_start3A_27 = tpu.memref_squeeze %dma_start3A_26 : memref<1x160x128xi32, #tpu.memory_space<hbm>> -> memref<160x128xi32, #tpu.memory_space<hbm>>
      tpu.enqueue_dma source(%dma_start3A_27 : memref<160x128xi32, #tpu.memory_space<hbm>>) target(%arg8 : memref<160x128xi32, #tpu.memory_space<vmem>>) target_semaphore(%run_scoped3A : memref<!tpu.dma_semaphore, #tpu.memory_space<semaphore_mem>>)
      %dma_wait3A = arith.constant 0 : i32
      %dma_wait3A_28 = tpu.memref_slice %arg4[%arg0, %mul3A_2, %dma_wait3A] : memref<2x2560x128xi32, #tpu.memory_space<hbm>> -> memref<1x160x128xi32, #tpu.memory_space<hbm>>
      %dma_wait3A_29 = tpu.memref_squeeze %dma_wait3A_28 : memref<1x160x128xi32, #tpu.memory_space<hbm>> -> memref<160x128xi32, #tpu.memory_space<hbm>>
      %dma_wait3A_30 = arith.constant 0 : i32
      %dma_wait3A_31 = tpu.memref_slice %arg4[%arg0, %mul3A_2, %dma_wait3A_30] : memref<2x2560x128xi32, #tpu.memory_space<hbm>> -> memref<1x160x128xi32, #tpu.memory_space<hbm>>
      %dma_wait3A_32 = tpu.memref_squeeze %dma_wait3A_31 : memref<1x160x128xi32, #tpu.memory_space<hbm>> -> memref<160x128xi32, #tpu.memory_space<hbm>>
      tpu.wait_dma2 semaphore(%run_scoped3A : memref<!tpu.dma_semaphore, #tpu.memory_space<semaphore_mem>>) src(%dma_wait3A_32 : memref<160x128xi32, #tpu.memory_space<hbm>>) dst(%arg8 : memref<160x128xi32, #tpu.memory_space<vmem>>)
      tpu.yield
    }) : () -> ()
    %dma_start3A = arith.constant 0 : i32
    %dma_start3A_3 = arith.constant 0 : i32
    %dma_start3A_4 = tpu.memref_slice %arg7[%dma_start3A, %dma_start3A_3] : memref<160x128xi32, #tpu.memory_space<vmem>> -> memref<1x128xi32, #tpu.memory_space<vmem>>
    %dma_start3A_5 = tpu.memref_squeeze %dma_start3A_4 : memref<1x128xi32, #tpu.memory_space<vmem>> -> memref<128xi32, #tpu.memory_space<vmem>>
    %dma_start3A_6 = arith.constant 0 : i32
    %dma_start3A_7 = arith.constant 0 : i32
    %dma_start3A_8 = tpu.memref_slice %arg2[%dma_start3A_6, %dma_start3A_7] : memref<40960x64xf32, #tpu.memory_space<hbm>> -> memref<40960x64xf32, #tpu.memory_space<hbm>>
    tpu.enqueue_indirect_dma source(%dma_start3A_8 : memref<40960x64xf32, #tpu.memory_space<hbm>>) target(%arg9 : memref<128x64xf32, #tpu.memory_space<vmem>>) offsets(%dma_start3A_5 : memref<128xi32, #tpu.memory_space<vmem>>) semaphore(%arg12 : memref<!tpu.dma_semaphore, #tpu.memory_space<semaphore_mem>>)
    %dma_start3A_9 = arith.constant 1 : i32
    %dma_start3A_10 = arith.constant 0 : i32
    %dma_start3A_11 = tpu.memref_slice %arg7[%dma_start3A_9, %dma_start3A_10] : memref<160x128xi32, #tpu.memory_space<vmem>> -> memref<1x128xi32, #tpu.memory_space<vmem>>
    %dma_start3A_12 = tpu.memref_squeeze %dma_start3A_11 : memref<1x128xi32, #tpu.memory_space<vmem>> -> memref<128xi32, #tpu.memory_space<vmem>>
    %dma_start3A_13 = arith.constant 0 : i32
    %dma_start3A_14 = arith.constant 0 : i32
    %dma_start3A_15 = tpu.memref_slice %arg2[%dma_start3A_13, %dma_start3A_14] : memref<40960x64xf32, #tpu.memory_space<hbm>> -> memref<40960x64xf32, #tpu.memory_space<hbm>>
    tpu.enqueue_indirect_dma source(%dma_start3A_15 : memref<40960x64xf32, #tpu.memory_space<hbm>>) target(%arg10 : memref<128x64xf32, #tpu.memory_space<vmem>>) offsets(%dma_start3A_12 : memref<128xi32, #tpu.memory_space<vmem>>) semaphore(%arg13 : memref<!tpu.dma_semaphore, #tpu.memory_space<semaphore_mem>>)
    %barrier3A = arith.constant 0 : index
    tpu.barrier barrier_id(%barrier3A)
    %scan3A = arith.constant 0 : i32
    %scan3A_16 = arith.constant 0 : i32
    %scan3A_17 = arith.constant 80 : i32
    %scan3A_18 = arith.addi %scan3A_16, %scan3A_17 : i32
    %scan3A_19 = arith.constant 1 : i32
    scf.for %scan3A_22 = %scan3A_16 to %scan3A_18 step %scan3A_19  : i32 {
      %mul3A_23 = arith.constant 2 : i32
      %mul3A_24 = arith.muli %scan3A_22, %mul3A_23 : i32
      %add3A = arith.constant 0 : i32
      %add3A_25 = arith.addi %mul3A_24, %add3A : i32
      %dma_wait3A = arith.constant 0 : i32
      %dma_wait3A_26 = tpu.memref_slice %arg7[%add3A_25, %dma_wait3A] : memref<160x128xi32, #tpu.memory_space<vmem>> -> memref<1x128xi32, #tpu.memory_space<vmem>>
      %dma_wait3A_27 = tpu.memref_squeeze %dma_wait3A_26 : memref<1x128xi32, #tpu.memory_space<vmem>> -> memref<128xi32, #tpu.memory_space<vmem>>
      %dma_wait3A_28 = arith.constant 0 : i32
      %dma_wait3A_29 = arith.constant 0 : i32
      %dma_wait3A_30 = tpu.memref_slice %arg2[%dma_wait3A_28, %dma_wait3A_29] : memref<40960x64xf32, #tpu.memory_space<hbm>> -> memref<40960x64xf32, #tpu.memory_space<hbm>>
      tpu.wait_indirect_dma semaphore(%arg12 : memref<!tpu.dma_semaphore, #tpu.memory_space<semaphore_mem>>) src(%dma_wait3A_30 : memref<40960x64xf32, #tpu.memory_space<hbm>>) dst(%arg9 : memref<128x64xf32, #tpu.memory_space<vmem>>)
      "tpu.region"() ({
        %run_scoped3A = tpu.sem_alloc : memref<!tpu.dma_semaphore, #tpu.memory_space<semaphore_mem>>
        %dma_start3A_52 = arith.constant 0 : i32
        %dma_start3A_53 = tpu.memref_slice %arg8[%add3A_25, %dma_start3A_52] : memref<160x128xi32, #tpu.memory_space<vmem>> -> memref<1x128xi32, #tpu.memory_space<vmem>>
        %dma_start3A_54 = tpu.memref_squeeze %dma_start3A_53 : memref<1x128xi32, #tpu.memory_space<vmem>> -> memref<128xi32, #tpu.memory_space<vmem>>
        %dma_start3A_55 = arith.constant 0 : i32
        %dma_start3A_56 = arith.constant 0 : i32
        %dma_start3A_57 = tpu.memref_slice %arg11[%dma_start3A_55, %dma_start3A_56] : memref<10240x64xf32, #tpu.memory_space<vmem_shared>> -> memref<10240x64xf32, #tpu.memory_space<vmem_shared>>
        tpu.enqueue_indirect_dma source(%arg9 : memref<128x64xf32, #tpu.memory_space<vmem>>) target(%dma_start3A_57 : memref<10240x64xf32, #tpu.memory_space<vmem_shared>>) offsets(%dma_start3A_54 : memref<128xi32, #tpu.memory_space<vmem>>) semaphore(%run_scoped3A : memref<!tpu.dma_semaphore, #tpu.memory_space<semaphore_mem>>) {add = true}
        %dma_wait3A_58 = arith.constant 0 : i32
        %dma_wait3A_59 = tpu.memref_slice %arg8[%add3A_25, %dma_wait3A_58] : memref<160x128xi32, #tpu.memory_space<vmem>> -> memref<1x128xi32, #tpu.memory_space<vmem>>
        %dma_wait3A_60 = tpu.memref_squeeze %dma_wait3A_59 : memref<1x128xi32, #tpu.memory_space<vmem>> -> memref<128xi32, #tpu.memory_space<vmem>>
        %dma_wait3A_61 = arith.constant 0 : i32
        %dma_wait3A_62 = arith.constant 0 : i32
        %dma_wait3A_63 = tpu.memref_slice %arg11[%dma_wait3A_61, %dma_wait3A_62] : memref<10240x64xf32, #tpu.memory_space<vmem_shared>> -> memref<10240x64xf32, #tpu.memory_space<vmem_shared>>
        tpu.wait_indirect_dma semaphore(%run_scoped3A : memref<!tpu.dma_semaphore, #tpu.memory_space<semaphore_mem>>) src(%arg9 : memref<128x64xf32, #tpu.memory_space<vmem>>) dst(%dma_wait3A_63 : memref<10240x64xf32, #tpu.memory_space<vmem_shared>>)
        tpu.yield
      }) : () -> ()
      %add3A_31 = arith.constant 2 : i32
      %add3A_32 = arith.addi %add3A_25, %add3A_31 : i32
      %lt3A = arith.constant 160 : i32
      %lt3A_33 = arith.cmpi slt, %add3A_32, %lt3A : i32
      %convert_element_type3A = arith.extui %lt3A_33 : i1 to i32
      %cond3A = arith.constant 0 : i32
      %cond3A_34 = arith.cmpi ne, %convert_element_type3A, %cond3A : i32
      scf.if %cond3A_34 {
        %add3A_52 = arith.constant 2 : i32
        %add3A_53 = arith.addi %add3A_25, %add3A_52 : i32
        %dma_start3A_54 = arith.constant 0 : i32
        %dma_start3A_55 = tpu.memref_slice %arg7[%add3A_53, %dma_start3A_54] : memref<160x128xi32, #tpu.memory_space<vmem>> -> memref<1x128xi32, #tpu.memory_space<vmem>>
        %dma_start3A_56 = tpu.memref_squeeze %dma_start3A_55 : memref<1x128xi32, #tpu.memory_space<vmem>> -> memref<128xi32, #tpu.memory_space<vmem>>
        %dma_start3A_57 = arith.constant 0 : i32
        %dma_start3A_58 = arith.constant 0 : i32
        %dma_start3A_59 = tpu.memref_slice %arg2[%dma_start3A_57, %dma_start3A_58] : memref<40960x64xf32, #tpu.memory_space<hbm>> -> memref<40960x64xf32, #tpu.memory_space<hbm>>
        tpu.enqueue_indirect_dma source(%dma_start3A_59 : memref<40960x64xf32, #tpu.memory_space<hbm>>) target(%arg9 : memref<128x64xf32, #tpu.memory_space<vmem>>) offsets(%dma_start3A_56 : memref<128xi32, #tpu.memory_space<vmem>>) semaphore(%arg12 : memref<!tpu.dma_semaphore, #tpu.memory_space<semaphore_mem>>)
      } else {
      }
      %mul3A_35 = arith.constant 2 : i32
      %mul3A_36 = arith.muli %scan3A_22, %mul3A_35 : i32
      %add3A_37 = arith.constant 1 : i32
      %add3A_38 = arith.addi %mul3A_36, %add3A_37 : i32
      %dma_wait3A_39 = arith.constant 0 : i32
      %dma_wait3A_40 = tpu.memref_slice %arg7[%add3A_38, %dma_wait3A_39] : memref<160x128xi32, #tpu.memory_space<vmem>> -> memref<1x128xi32, #tpu.memory_space<vmem>>
      %dma_wait3A_41 = tpu.memref_squeeze %dma_wait3A_40 : memref<1x128xi32, #tpu.memory_space<vmem>> -> memref<128xi32, #tpu.memory_space<vmem>>
      %dma_wait3A_42 = arith.constant 0 : i32
      %dma_wait3A_43 = arith.constant 0 : i32
      %dma_wait3A_44 = tpu.memref_slice %arg2[%dma_wait3A_42, %dma_wait3A_43] : memref<40960x64xf32, #tpu.memory_space<hbm>> -> memref<40960x64xf32, #tpu.memory_space<hbm>>
      tpu.wait_indirect_dma semaphore(%arg13 : memref<!tpu.dma_semaphore, #tpu.memory_space<semaphore_mem>>) src(%dma_wait3A_44 : memref<40960x64xf32, #tpu.memory_space<hbm>>) dst(%arg10 : memref<128x64xf32, #tpu.memory_space<vmem>>)
      "tpu.region"() ({
        %run_scoped3A = tpu.sem_alloc : memref<!tpu.dma_semaphore, #tpu.memory_space<semaphore_mem>>
        %dma_start3A_52 = arith.constant 0 : i32
        %dma_start3A_53 = tpu.memref_slice %arg8[%add3A_38, %dma_start3A_52] : memref<160x128xi32, #tpu.memory_space<vmem>> -> memref<1x128xi32, #tpu.memory_space<vmem>>
        %dma_start3A_54 = tpu.memref_squeeze %dma_start3A_53 : memref<1x128xi32, #tpu.memory_space<vmem>> -> memref<128xi32, #tpu.memory_space<vmem>>
        %dma_start3A_55 = arith.constant 0 : i32
        %dma_start3A_56 = arith.constant 0 : i32
        %dma_start3A_57 = tpu.memref_slice %arg11[%dma_start3A_55, %dma_start3A_56] : memref<10240x64xf32, #tpu.memory_space<vmem_shared>> -> memref<10240x64xf32, #tpu.memory_space<vmem_shared>>
        tpu.enqueue_indirect_dma source(%arg10 : memref<128x64xf32, #tpu.memory_space<vmem>>) target(%dma_start3A_57 : memref<10240x64xf32, #tpu.memory_space<vmem_shared>>) offsets(%dma_start3A_54 : memref<128xi32, #tpu.memory_space<vmem>>) semaphore(%run_scoped3A : memref<!tpu.dma_semaphore, #tpu.memory_space<semaphore_mem>>) {add = true}
        %dma_wait3A_58 = arith.constant 0 : i32
        %dma_wait3A_59 = tpu.memref_slice %arg8[%add3A_38, %dma_wait3A_58] : memref<160x128xi32, #tpu.memory_space<vmem>> -> memref<1x128xi32, #tpu.memory_space<vmem>>
        %dma_wait3A_60 = tpu.memref_squeeze %dma_wait3A_59 : memref<1x128xi32, #tpu.memory_space<vmem>> -> memref<128xi32, #tpu.memory_space<vmem>>
        %dma_wait3A_61 = arith.constant 0 : i32
        %dma_wait3A_62 = arith.constant 0 : i32
        %dma_wait3A_63 = tpu.memref_slice %arg11[%dma_wait3A_61, %dma_wait3A_62] : memref<10240x64xf32, #tpu.memory_space<vmem_shared>> -> memref<10240x64xf32, #tpu.memory_space<vmem_shared>>
        tpu.wait_indirect_dma semaphore(%run_scoped3A : memref<!tpu.dma_semaphore, #tpu.memory_space<semaphore_mem>>) src(%arg10 : memref<128x64xf32, #tpu.memory_space<vmem>>) dst(%dma_wait3A_63 : memref<10240x64xf32, #tpu.memory_space<vmem_shared>>)
        tpu.yield
      }) : () -> ()
      %add3A_45 = arith.constant 2 : i32
      %add3A_46 = arith.addi %add3A_38, %add3A_45 : i32
      %lt3A_47 = arith.constant 160 : i32
      %lt3A_48 = arith.cmpi slt, %add3A_46, %lt3A_47 : i32
      %convert_element_type3A_49 = arith.extui %lt3A_48 : i1 to i32
      %cond3A_50 = arith.constant 0 : i32
      %cond3A_51 = arith.cmpi ne, %convert_element_type3A_49, %cond3A_50 : i32
      scf.if %cond3A_51 {
        %add3A_52 = arith.constant 2 : i32
        %add3A_53 = arith.addi %add3A_38, %add3A_52 : i32
        %dma_start3A_54 = arith.constant 0 : i32
        %dma_start3A_55 = tpu.memref_slice %arg7[%add3A_53, %dma_start3A_54] : memref<160x128xi32, #tpu.memory_space<vmem>> -> memref<1x128xi32, #tpu.memory_space<vmem>>
        %dma_start3A_56 = tpu.memref_squeeze %dma_start3A_55 : memref<1x128xi32, #tpu.memory_space<vmem>> -> memref<128xi32, #tpu.memory_space<vmem>>
        %dma_start3A_57 = arith.constant 0 : i32
        %dma_start3A_58 = arith.constant 0 : i32
        %dma_start3A_59 = tpu.memref_slice %arg2[%dma_start3A_57, %dma_start3A_58] : memref<40960x64xf32, #tpu.memory_space<hbm>> -> memref<40960x64xf32, #tpu.memory_space<hbm>>
        tpu.enqueue_indirect_dma source(%dma_start3A_59 : memref<40960x64xf32, #tpu.memory_space<hbm>>) target(%arg10 : memref<128x64xf32, #tpu.memory_space<vmem>>) offsets(%dma_start3A_56 : memref<128xi32, #tpu.memory_space<vmem>>) semaphore(%arg13 : memref<!tpu.dma_semaphore, #tpu.memory_space<semaphore_mem>>)
      } else {
      }
    }
    %scan3A_20 = arith.constant 80 : i32
    %barrier3A_21 = arith.constant 0 : index
    tpu.barrier barrier_id(%barrier3A_21)
    "tpu.region"() ({
      %run_scoped3A = tpu.sem_alloc : memref<!tpu.dma_semaphore, #tpu.memory_space<semaphore_mem>>
      %dma_start3A_22 = arith.constant 0 : i32
      %dma_start3A_23 = tpu.memref_slice %arg6[%arg0, %mul3A_0, %dma_start3A_22] : memref<2x10240x64xf32, #tpu.memory_space<hbm>> -> memref<1x640x64xf32, #tpu.memory_space<hbm>>
      %dma_start3A_24 = tpu.memref_squeeze %dma_start3A_23 : memref<1x640x64xf32, #tpu.memory_space<hbm>> -> memref<640x64xf32, #tpu.memory_space<hbm>>
      %dma_start3A_25 = arith.constant 0 : i32
      %dma_start3A_26 = tpu.memref_slice %arg11[%mul3A_0, %dma_start3A_25] : memref<10240x64xf32, #tpu.memory_space<vmem_shared>> -> memref<640x64xf32, #tpu.memory_space<vmem_shared>>
      tpu.enqueue_dma source(%dma_start3A_26 : memref<640x64xf32, #tpu.memory_space<vmem_shared>>) target(%dma_start3A_24 : memref<640x64xf32, #tpu.memory_space<hbm>>) target_semaphore(%run_scoped3A : memref<!tpu.dma_semaphore, #tpu.memory_space<semaphore_mem>>)
      %dma_wait3A = arith.constant 0 : i32
      %dma_wait3A_27 = tpu.memref_slice %arg6[%arg0, %mul3A_0, %dma_wait3A] : memref<2x10240x64xf32, #tpu.memory_space<hbm>> -> memref<1x640x64xf32, #tpu.memory_space<hbm>>
      %dma_wait3A_28 = tpu.memref_squeeze %dma_wait3A_27 : memref<1x640x64xf32, #tpu.memory_space<hbm>> -> memref<640x64xf32, #tpu.memory_space<hbm>>
      %dma_wait3A_29 = arith.constant 0 : i32
      %dma_wait3A_30 = tpu.memref_slice %arg11[%mul3A_0, %dma_wait3A_29] : memref<10240x64xf32, #tpu.memory_space<vmem_shared>> -> memref<640x64xf32, #tpu.memory_space<vmem_shared>>
      tpu.wait_dma2 semaphore(%run_scoped3A : memref<!tpu.dma_semaphore, #tpu.memory_space<semaphore_mem>>) src(%dma_wait3A_30 : memref<640x64xf32, #tpu.memory_space<vmem_shared>>) dst(%dma_wait3A_28 : memref<640x64xf32, #tpu.memory_space<hbm>>)
      tpu.yield
    }) : () -> ()
    return
  }
}

#map = affine_map<(d0, d1) -> (0, 0)>
#map1 = affine_map<(d0, d1) -> (0, 0, 0)>
module attributes {stable_mosaic.version = 14 : i64} {
  func.func @agg(%arg0: i32, %arg1: i32, %arg2: memref<40960x64xf32, #tpu.memory_space<hbm>>, %arg3: memref<2x2560x128xi32, #tpu.memory_space<hbm>>, %arg4: memref<2x2560x128xi32, #tpu.memory_space<hbm>>, %arg5: memref<10240x64xf32, #tpu.memory_space<hbm>>, %arg6: memref<2x10240x64xf32, #tpu.memory_space<hbm>>, %arg7: memref<160x128xi32, #tpu.memory_space<vmem>>, %arg8: memref<160x128xi32, #tpu.memory_space<vmem>>, %arg9: memref<128x64xf32, #tpu.memory_space<vmem>>, %arg10: memref<128x64xf32, #tpu.memory_space<vmem>>, %arg11: memref<10240x64xf32, #tpu.memory_space<vmem_shared>>, %arg12: memref<!tpu.dma_semaphore, #tpu.memory_space<semaphore_mem>>, %arg13: memref<!tpu.dma_semaphore, #tpu.memory_space<semaphore_mem>>) attributes {dimension_semantics = [#tpu.dimension_semantics<core_parallel>, #tpu.dimension_semantics<subcore_parallel>], iteration_bounds = array<i64: 2, 16>, scalar_prefetch = 0 : i64, scratch_operands = 7 : i64, tpu.core_type = #tpu.core_type<sc_vector_subcore>, window_params = [{transform_indices = #map}, {transform_indices = #map1}, {transform_indices = #map1}, {transform_indices = #map}, {transform_indices = #map1}]} {
    %mul3A = arith.constant 640 : i32
    %mul3A_0 = arith.muli %arg1, %mul3A : i32
    "tpu.region"() ({
      %run_scoped3A = tpu.sem_alloc : memref<!tpu.dma_semaphore, #tpu.memory_space<semaphore_mem>>
      %dma_start3A_22 = arith.constant 0 : i32
      %dma_start3A_23 = tpu.memref_slice %arg11[%mul3A_0, %dma_start3A_22] : memref<10240x64xf32, #tpu.memory_space<vmem_shared>> -> memref<640x64xf32, #tpu.memory_space<vmem_shared>>
      %dma_start3A_24 = arith.constant 0 : i32
      %dma_start3A_25 = tpu.memref_slice %arg5[%mul3A_0, %dma_start3A_24] : memref<10240x64xf32, #tpu.memory_space<hbm>> -> memref<640x64xf32, #tpu.memory_space<hbm>>
      tpu.enqueue_dma source(%dma_start3A_25 : memref<640x64xf32, #tpu.memory_space<hbm>>) target(%dma_start3A_23 : memref<640x64xf32, #tpu.memory_space<vmem_shared>>) target_semaphore(%run_scoped3A : memref<!tpu.dma_semaphore, #tpu.memory_space<semaphore_mem>>)
      %dma_wait3A = arith.constant 0 : i32
      %dma_wait3A_26 = tpu.memref_slice %arg11[%mul3A_0, %dma_wait3A] : memref<10240x64xf32, #tpu.memory_space<vmem_shared>> -> memref<640x64xf32, #tpu.memory_space<vmem_shared>>
      %dma_wait3A_27 = arith.constant 0 : i32
      %dma_wait3A_28 = tpu.memref_slice %arg5[%mul3A_0, %dma_wait3A_27] : memref<10240x64xf32, #tpu.memory_space<hbm>> -> memref<640x64xf32, #tpu.memory_space<hbm>>
      tpu.wait_dma2 semaphore(%run_scoped3A : memref<!tpu.dma_semaphore, #tpu.memory_space<semaphore_mem>>) src(%dma_wait3A_28 : memref<640x64xf32, #tpu.memory_space<hbm>>) dst(%dma_wait3A_26 : memref<640x64xf32, #tpu.memory_space<vmem_shared>>)
      tpu.yield
    }) : () -> ()
    %mul3A_1 = arith.constant 160 : i32
    %mul3A_2 = arith.muli %arg1, %mul3A_1 : i32
    "tpu.region"() ({
      %run_scoped3A = tpu.sem_alloc : memref<!tpu.dma_semaphore, #tpu.memory_space<semaphore_mem>>
      %dma_start3A_22 = arith.constant 0 : i32
      %dma_start3A_23 = tpu.memref_slice %arg3[%arg0, %mul3A_2, %dma_start3A_22] : memref<2x2560x128xi32, #tpu.memory_space<hbm>> -> memref<1x160x128xi32, #tpu.memory_space<hbm>>
      %dma_start3A_24 = tpu.memref_squeeze %dma_start3A_23 : memref<1x160x128xi32, #tpu.memory_space<hbm>> -> memref<160x128xi32, #tpu.memory_space<hbm>>
      %dma_start3A_25 = arith.constant 0 : i32
      %dma_start3A_26 = tpu.memref_slice %arg3[%arg0, %mul3A_2, %dma_start3A_25] : memref<2x2560x128xi32, #tpu.memory_space<hbm>> -> memref<1x160x128xi32, #tpu.memory_space<hbm>>
      %dma_start3A_27 = tpu.memref_squeeze %dma_start3A_26 : memref<1x160x128xi32, #tpu.memory_space<hbm>> -> memref<160x128xi32, #tpu.memory_space<hbm>>
      tpu.enqueue_dma source(%dma_start3A_27 : memref<160x128xi32, #tpu.memory_space<hbm>>) target(%arg7 : memref<160x128xi32, #tpu.memory_space<vmem>>) target_semaphore(%run_scoped3A : memref<!tpu.dma_semaphore, #tpu.memory_space<semaphore_mem>>)
      %dma_wait3A = arith.constant 0 : i32
      %dma_wait3A_28 = tpu.memref_slice %arg3[%arg0, %mul3A_2, %dma_wait3A] : memref<2x2560x128xi32, #tpu.memory_space<hbm>> -> memref<1x160x128xi32, #tpu.memory_space<hbm>>
      %dma_wait3A_29 = tpu.memref_squeeze %dma_wait3A_28 : memref<1x160x128xi32, #tpu.memory_space<hbm>> -> memref<160x128xi32, #tpu.memory_space<hbm>>
      %dma_wait3A_30 = arith.constant 0 : i32
      %dma_wait3A_31 = tpu.memref_slice %arg3[%arg0, %mul3A_2, %dma_wait3A_30] : memref<2x2560x128xi32, #tpu.memory_space<hbm>> -> memref<1x160x128xi32, #tpu.memory_space<hbm>>
      %dma_wait3A_32 = tpu.memref_squeeze %dma_wait3A_31 : memref<1x160x128xi32, #tpu.memory_space<hbm>> -> memref<160x128xi32, #tpu.memory_space<hbm>>
      tpu.wait_dma2 semaphore(%run_scoped3A : memref<!tpu.dma_semaphore, #tpu.memory_space<semaphore_mem>>) src(%dma_wait3A_32 : memref<160x128xi32, #tpu.memory_space<hbm>>) dst(%arg7 : memref<160x128xi32, #tpu.memory_space<vmem>>)
      tpu.yield
    }) : () -> ()
    "tpu.region"() ({
      %run_scoped3A = tpu.sem_alloc : memref<!tpu.dma_semaphore, #tpu.memory_space<semaphore_mem>>
      %dma_start3A_22 = arith.constant 0 : i32
      %dma_start3A_23 = tpu.memref_slice %arg4[%arg0, %mul3A_2, %dma_start3A_22] : memref<2x2560x128xi32, #tpu.memory_space<hbm>> -> memref<1x160x128xi32, #tpu.memory_space<hbm>>
      %dma_start3A_24 = tpu.memref_squeeze %dma_start3A_23 : memref<1x160x128xi32, #tpu.memory_space<hbm>> -> memref<160x128xi32, #tpu.memory_space<hbm>>
      %dma_start3A_25 = arith.constant 0 : i32
      %dma_start3A_26 = tpu.memref_slice %arg4[%arg0, %mul3A_2, %dma_start3A_25] : memref<2x2560x128xi32, #tpu.memory_space<hbm>> -> memref<1x160x128xi32, #tpu.memory_space<hbm>>
      %dma_start3A_27 = tpu.memref_squeeze %dma_start3A_26 : memref<1x160x128xi32, #tpu.memory_space<hbm>> -> memref<160x128xi32, #tpu.memory_space<hbm>>
      tpu.enqueue_dma source(%dma_start3A_27 : memref<160x128xi32, #tpu.memory_space<hbm>>) target(%arg8 : memref<160x128xi32, #tpu.memory_space<vmem>>) target_semaphore(%run_scoped3A : memref<!tpu.dma_semaphore, #tpu.memory_space<semaphore_mem>>)
      %dma_wait3A = arith.constant 0 : i32
      %dma_wait3A_28 = tpu.memref_slice %arg4[%arg0, %mul3A_2, %dma_wait3A] : memref<2x2560x128xi32, #tpu.memory_space<hbm>> -> memref<1x160x128xi32, #tpu.memory_space<hbm>>
      %dma_wait3A_29 = tpu.memref_squeeze %dma_wait3A_28 : memref<1x160x128xi32, #tpu.memory_space<hbm>> -> memref<160x128xi32, #tpu.memory_space<hbm>>
      %dma_wait3A_30 = arith.constant 0 : i32
      %dma_wait3A_31 = tpu.memref_slice %arg4[%arg0, %mul3A_2, %dma_wait3A_30] : memref<2x2560x128xi32, #tpu.memory_space<hbm>> -> memref<1x160x128xi32, #tpu.memory_space<hbm>>
      %dma_wait3A_32 = tpu.memref_squeeze %dma_wait3A_31 : memref<1x160x128xi32, #tpu.memory_space<hbm>> -> memref<160x128xi32, #tpu.memory_space<hbm>>
      tpu.wait_dma2 semaphore(%run_scoped3A : memref<!tpu.dma_semaphore, #tpu.memory_space<semaphore_mem>>) src(%dma_wait3A_32 : memref<160x128xi32, #tpu.memory_space<hbm>>) dst(%arg8 : memref<160x128xi32, #tpu.memory_space<vmem>>)
      tpu.yield
    }) : () -> ()
    %dma_start3A = arith.constant 0 : i32
    %dma_start3A_3 = arith.constant 0 : i32
    %dma_start3A_4 = tpu.memref_slice %arg7[%dma_start3A, %dma_start3A_3] : memref<160x128xi32, #tpu.memory_space<vmem>> -> memref<1x128xi32, #tpu.memory_space<vmem>>
    %dma_start3A_5 = tpu.memref_squeeze %dma_start3A_4 : memref<1x128xi32, #tpu.memory_space<vmem>> -> memref<128xi32, #tpu.memory_space<vmem>>
    %dma_start3A_6 = arith.constant 0 : i32
    %dma_start3A_7 = arith.constant 0 : i32
    %dma_start3A_8 = tpu.memref_slice %arg2[%dma_start3A_6, %dma_start3A_7] : memref<40960x64xf32, #tpu.memory_space<hbm>> -> memref<40960x64xf32, #tpu.memory_space<hbm>>
    tpu.enqueue_indirect_dma source(%dma_start3A_8 : memref<40960x64xf32, #tpu.memory_space<hbm>>) target(%arg9 : memref<128x64xf32, #tpu.memory_space<vmem>>) offsets(%dma_start3A_5 : memref<128xi32, #tpu.memory_space<vmem>>) semaphore(%arg12 : memref<!tpu.dma_semaphore, #tpu.memory_space<semaphore_mem>>)
    %dma_start3A_9 = arith.constant 1 : i32
    %dma_start3A_10 = arith.constant 0 : i32
    %dma_start3A_11 = tpu.memref_slice %arg7[%dma_start3A_9, %dma_start3A_10] : memref<160x128xi32, #tpu.memory_space<vmem>> -> memref<1x128xi32, #tpu.memory_space<vmem>>
    %dma_start3A_12 = tpu.memref_squeeze %dma_start3A_11 : memref<1x128xi32, #tpu.memory_space<vmem>> -> memref<128xi32, #tpu.memory_space<vmem>>
    %dma_start3A_13 = arith.constant 0 : i32
    %dma_start3A_14 = arith.constant 0 : i32
    %dma_start3A_15 = tpu.memref_slice %arg2[%dma_start3A_13, %dma_start3A_14] : memref<40960x64xf32, #tpu.memory_space<hbm>> -> memref<40960x64xf32, #tpu.memory_space<hbm>>
    tpu.enqueue_indirect_dma source(%dma_start3A_15 : memref<40960x64xf32, #tpu.memory_space<hbm>>) target(%arg10 : memref<128x64xf32, #tpu.memory_space<vmem>>) offsets(%dma_start3A_12 : memref<128xi32, #tpu.memory_space<vmem>>) semaphore(%arg13 : memref<!tpu.dma_semaphore, #tpu.memory_space<semaphore_mem>>)
    %barrier3A = arith.constant 0 : index
    tpu.barrier barrier_id(%barrier3A)
    %scan3A = arith.constant 0 : i32
    %scan3A_16 = arith.constant 0 : i32
    %scan3A_17 = arith.constant 80 : i32
    %scan3A_18 = arith.addi %scan3A_16, %scan3A_17 : i32
    %scan3A_19 = arith.constant 1 : i32
    scf.for %scan3A_22 = %scan3A_16 to %scan3A_18 step %scan3A_19  : i32 {
      %mul3A_23 = arith.constant 2 : i32
      %mul3A_24 = arith.muli %scan3A_22, %mul3A_23 : i32
      %add3A = arith.constant 0 : i32
      %add3A_25 = arith.addi %mul3A_24, %add3A : i32
      %dma_wait3A = arith.constant 0 : i32
      %dma_wait3A_26 = tpu.memref_slice %arg7[%add3A_25, %dma_wait3A] : memref<160x128xi32, #tpu.memory_space<vmem>> -> memref<1x128xi32, #tpu.memory_space<vmem>>
      %dma_wait3A_27 = tpu.memref_squeeze %dma_wait3A_26 : memref<1x128xi32, #tpu.memory_space<vmem>> -> memref<128xi32, #tpu.memory_space<vmem>>
      %dma_wait3A_28 = arith.constant 0 : i32
      %dma_wait3A_29 = arith.constant 0 : i32
      %dma_wait3A_30 = tpu.memref_slice %arg2[%dma_wait3A_28, %dma_wait3A_29] : memref<40960x64xf32, #tpu.memory_space<hbm>> -> memref<40960x64xf32, #tpu.memory_space<hbm>>
      tpu.wait_indirect_dma semaphore(%arg12 : memref<!tpu.dma_semaphore, #tpu.memory_space<semaphore_mem>>) src(%dma_wait3A_30 : memref<40960x64xf32, #tpu.memory_space<hbm>>) dst(%arg9 : memref<128x64xf32, #tpu.memory_space<vmem>>)
      "tpu.region"() ({
        %run_scoped3A = tpu.sem_alloc : memref<!tpu.dma_semaphore, #tpu.memory_space<semaphore_mem>>
        %dma_start3A_52 = arith.constant 0 : i32
        %dma_start3A_53 = tpu.memref_slice %arg8[%add3A_25, %dma_start3A_52] : memref<160x128xi32, #tpu.memory_space<vmem>> -> memref<1x128xi32, #tpu.memory_space<vmem>>
        %dma_start3A_54 = tpu.memref_squeeze %dma_start3A_53 : memref<1x128xi32, #tpu.memory_space<vmem>> -> memref<128xi32, #tpu.memory_space<vmem>>
        %dma_start3A_55 = arith.constant 0 : i32
        %dma_start3A_56 = arith.constant 0 : i32
        %dma_start3A_57 = tpu.memref_slice %arg11[%dma_start3A_55, %dma_start3A_56] : memref<10240x64xf32, #tpu.memory_space<vmem_shared>> -> memref<10240x64xf32, #tpu.memory_space<vmem_shared>>
        tpu.enqueue_indirect_dma source(%arg9 : memref<128x64xf32, #tpu.memory_space<vmem>>) target(%dma_start3A_57 : memref<10240x64xf32, #tpu.memory_space<vmem_shared>>) offsets(%dma_start3A_54 : memref<128xi32, #tpu.memory_space<vmem>>) semaphore(%run_scoped3A : memref<!tpu.dma_semaphore, #tpu.memory_space<semaphore_mem>>) {add = true}
        %dma_wait3A_58 = arith.constant 0 : i32
        %dma_wait3A_59 = tpu.memref_slice %arg8[%add3A_25, %dma_wait3A_58] : memref<160x128xi32, #tpu.memory_space<vmem>> -> memref<1x128xi32, #tpu.memory_space<vmem>>
        %dma_wait3A_60 = tpu.memref_squeeze %dma_wait3A_59 : memref<1x128xi32, #tpu.memory_space<vmem>> -> memref<128xi32, #tpu.memory_space<vmem>>
        %dma_wait3A_61 = arith.constant 0 : i32
        %dma_wait3A_62 = arith.constant 0 : i32
        %dma_wait3A_63 = tpu.memref_slice %arg11[%dma_wait3A_61, %dma_wait3A_62] : memref<10240x64xf32, #tpu.memory_space<vmem_shared>> -> memref<10240x64xf32, #tpu.memory_space<vmem_shared>>
        tpu.wait_indirect_dma semaphore(%run_scoped3A : memref<!tpu.dma_semaphore, #tpu.memory_space<semaphore_mem>>) src(%arg9 : memref<128x64xf32, #tpu.memory_space<vmem>>) dst(%dma_wait3A_63 : memref<10240x64xf32, #tpu.memory_space<vmem_shared>>)
        tpu.yield
      }) : () -> ()
      %add3A_31 = arith.constant 2 : i32
      %add3A_32 = arith.addi %add3A_25, %add3A_31 : i32
      %lt3A = arith.constant 160 : i32
      %lt3A_33 = arith.cmpi slt, %add3A_32, %lt3A : i32
      %convert_element_type3A = arith.extui %lt3A_33 : i1 to i32
      %cond3A = arith.constant 0 : i32
      %cond3A_34 = arith.cmpi ne, %convert_element_type3A, %cond3A : i32
      scf.if %cond3A_34 {
        %add3A_52 = arith.constant 2 : i32
        %add3A_53 = arith.addi %add3A_25, %add3A_52 : i32
        %dma_start3A_54 = arith.constant 0 : i32
        %dma_start3A_55 = tpu.memref_slice %arg7[%add3A_53, %dma_start3A_54] : memref<160x128xi32, #tpu.memory_space<vmem>> -> memref<1x128xi32, #tpu.memory_space<vmem>>
        %dma_start3A_56 = tpu.memref_squeeze %dma_start3A_55 : memref<1x128xi32, #tpu.memory_space<vmem>> -> memref<128xi32, #tpu.memory_space<vmem>>
        %dma_start3A_57 = arith.constant 0 : i32
        %dma_start3A_58 = arith.constant 0 : i32
        %dma_start3A_59 = tpu.memref_slice %arg2[%dma_start3A_57, %dma_start3A_58] : memref<40960x64xf32, #tpu.memory_space<hbm>> -> memref<40960x64xf32, #tpu.memory_space<hbm>>
        tpu.enqueue_indirect_dma source(%dma_start3A_59 : memref<40960x64xf32, #tpu.memory_space<hbm>>) target(%arg9 : memref<128x64xf32, #tpu.memory_space<vmem>>) offsets(%dma_start3A_56 : memref<128xi32, #tpu.memory_space<vmem>>) semaphore(%arg12 : memref<!tpu.dma_semaphore, #tpu.memory_space<semaphore_mem>>)
      } else {
      }
      %mul3A_35 = arith.constant 2 : i32
      %mul3A_36 = arith.muli %scan3A_22, %mul3A_35 : i32
      %add3A_37 = arith.constant 1 : i32
      %add3A_38 = arith.addi %mul3A_36, %add3A_37 : i32
      %dma_wait3A_39 = arith.constant 0 : i32
      %dma_wait3A_40 = tpu.memref_slice %arg7[%add3A_38, %dma_wait3A_39] : memref<160x128xi32, #tpu.memory_space<vmem>> -> memref<1x128xi32, #tpu.memory_space<vmem>>
      %dma_wait3A_41 = tpu.memref_squeeze %dma_wait3A_40 : memref<1x128xi32, #tpu.memory_space<vmem>> -> memref<128xi32, #tpu.memory_space<vmem>>
      %dma_wait3A_42 = arith.constant 0 : i32
      %dma_wait3A_43 = arith.constant 0 : i32
      %dma_wait3A_44 = tpu.memref_slice %arg2[%dma_wait3A_42, %dma_wait3A_43] : memref<40960x64xf32, #tpu.memory_space<hbm>> -> memref<40960x64xf32, #tpu.memory_space<hbm>>
      tpu.wait_indirect_dma semaphore(%arg13 : memref<!tpu.dma_semaphore, #tpu.memory_space<semaphore_mem>>) src(%dma_wait3A_44 : memref<40960x64xf32, #tpu.memory_space<hbm>>) dst(%arg10 : memref<128x64xf32, #tpu.memory_space<vmem>>)
      "tpu.region"() ({
        %run_scoped3A = tpu.sem_alloc : memref<!tpu.dma_semaphore, #tpu.memory_space<semaphore_mem>>
        %dma_start3A_52 = arith.constant 0 : i32
        %dma_start3A_53 = tpu.memref_slice %arg8[%add3A_38, %dma_start3A_52] : memref<160x128xi32, #tpu.memory_space<vmem>> -> memref<1x128xi32, #tpu.memory_space<vmem>>
        %dma_start3A_54 = tpu.memref_squeeze %dma_start3A_53 : memref<1x128xi32, #tpu.memory_space<vmem>> -> memref<128xi32, #tpu.memory_space<vmem>>
        %dma_start3A_55 = arith.constant 0 : i32
        %dma_start3A_56 = arith.constant 0 : i32
        %dma_start3A_57 = tpu.memref_slice %arg11[%dma_start3A_55, %dma_start3A_56] : memref<10240x64xf32, #tpu.memory_space<vmem_shared>> -> memref<10240x64xf32, #tpu.memory_space<vmem_shared>>
        tpu.enqueue_indirect_dma source(%arg10 : memref<128x64xf32, #tpu.memory_space<vmem>>) target(%dma_start3A_57 : memref<10240x64xf32, #tpu.memory_space<vmem_shared>>) offsets(%dma_start3A_54 : memref<128xi32, #tpu.memory_space<vmem>>) semaphore(%run_scoped3A : memref<!tpu.dma_semaphore, #tpu.memory_space<semaphore_mem>>) {add = true}
        %dma_wait3A_58 = arith.constant 0 : i32
        %dma_wait3A_59 = tpu.memref_slice %arg8[%add3A_38, %dma_wait3A_58] : memref<160x128xi32, #tpu.memory_space<vmem>> -> memref<1x128xi32, #tpu.memory_space<vmem>>
        %dma_wait3A_60 = tpu.memref_squeeze %dma_wait3A_59 : memref<1x128xi32, #tpu.memory_space<vmem>> -> memref<128xi32, #tpu.memory_space<vmem>>
        %dma_wait3A_61 = arith.constant 0 : i32
        %dma_wait3A_62 = arith.constant 0 : i32
        %dma_wait3A_63 = tpu.memref_slice %arg11[%dma_wait3A_61, %dma_wait3A_62] : memref<10240x64xf32, #tpu.memory_space<vmem_shared>> -> memref<10240x64xf32, #tpu.memory_space<vmem_shared>>
        tpu.wait_indirect_dma semaphore(%run_scoped3A : memref<!tpu.dma_semaphore, #tpu.memory_space<semaphore_mem>>) src(%arg10 : memref<128x64xf32, #tpu.memory_space<vmem>>) dst(%dma_wait3A_63 : memref<10240x64xf32, #tpu.memory_space<vmem_shared>>)
        tpu.yield
      }) : () -> ()
      %add3A_45 = arith.constant 2 : i32
      %add3A_46 = arith.addi %add3A_38, %add3A_45 : i32
      %lt3A_47 = arith.constant 160 : i32
      %lt3A_48 = arith.cmpi slt, %add3A_46, %lt3A_47 : i32
      %convert_element_type3A_49 = arith.extui %lt3A_48 : i1 to i32
      %cond3A_50 = arith.constant 0 : i32
      %cond3A_51 = arith.cmpi ne, %convert_element_type3A_49, %cond3A_50 : i32
      scf.if %cond3A_51 {
        %add3A_52 = arith.constant 2 : i32
        %add3A_53 = arith.addi %add3A_38, %add3A_52 : i32
        %dma_start3A_54 = arith.constant 0 : i32
        %dma_start3A_55 = tpu.memref_slice %arg7[%add3A_53, %dma_start3A_54] : memref<160x128xi32, #tpu.memory_space<vmem>> -> memref<1x128xi32, #tpu.memory_space<vmem>>
        %dma_start3A_56 = tpu.memref_squeeze %dma_start3A_55 : memref<1x128xi32, #tpu.memory_space<vmem>> -> memref<128xi32, #tpu.memory_space<vmem>>
        %dma_start3A_57 = arith.constant 0 : i32
        %dma_start3A_58 = arith.constant 0 : i32
        %dma_start3A_59 = tpu.memref_slice %arg2[%dma_start3A_57, %dma_start3A_58] : memref<40960x64xf32, #tpu.memory_space<hbm>> -> memref<40960x64xf32, #tpu.memory_space<hbm>>
        tpu.enqueue_indirect_dma source(%dma_start3A_59 : memref<40960x64xf32, #tpu.memory_space<hbm>>) target(%arg10 : memref<128x64xf32, #tpu.memory_space<vmem>>) offsets(%dma_start3A_56 : memref<128xi32, #tpu.memory_space<vmem>>) semaphore(%arg13 : memref<!tpu.dma_semaphore, #tpu.memory_space<semaphore_mem>>)
      } else {
      }
    }
    %scan3A_20 = arith.constant 80 : i32
    %barrier3A_21 = arith.constant 0 : index
    tpu.barrier barrier_id(%barrier3A_21)
    "tpu.region"() ({
      %run_scoped3A = tpu.sem_alloc : memref<!tpu.dma_semaphore, #tpu.memory_space<semaphore_mem>>
      %dma_start3A_22 = arith.constant 0 : i32
      %dma_start3A_23 = tpu.memref_slice %arg6[%arg0, %mul3A_0, %dma_start3A_22] : memref<2x10240x64xf32, #tpu.memory_space<hbm>> -> memref<1x640x64xf32, #tpu.memory_space<hbm>>
      %dma_start3A_24 = tpu.memref_squeeze %dma_start3A_23 : memref<1x640x64xf32, #tpu.memory_space<hbm>> -> memref<640x64xf32, #tpu.memory_space<hbm>>
      %dma_start3A_25 = arith.constant 0 : i32
      %dma_start3A_26 = tpu.memref_slice %arg11[%mul3A_0, %dma_start3A_25] : memref<10240x64xf32, #tpu.memory_space<vmem_shared>> -> memref<640x64xf32, #tpu.memory_space<vmem_shared>>
      tpu.enqueue_dma source(%dma_start3A_26 : memref<640x64xf32, #tpu.memory_space<vmem_shared>>) target(%dma_start3A_24 : memref<640x64xf32, #tpu.memory_space<hbm>>) target_semaphore(%run_scoped3A : memref<!tpu.dma_semaphore, #tpu.memory_space<semaphore_mem>>)
      %dma_wait3A = arith.constant 0 : i32
      %dma_wait3A_27 = tpu.memref_slice %arg6[%arg0, %mul3A_0, %dma_wait3A] : memref<2x10240x64xf32, #tpu.memory_space<hbm>> -> memref<1x640x64xf32, #tpu.memory_space<hbm>>
      %dma_wait3A_28 = tpu.memref_squeeze %dma_wait3A_27 : memref<1x640x64xf32, #tpu.memory_space<hbm>> -> memref<640x64xf32, #tpu.memory_space<hbm>>
      %dma_wait3A_29 = arith.constant 0 : i32
      %dma_wait3A_30 = tpu.memref_slice %arg11[%mul3A_0, %dma_wait3A_29] : memref<10240x64xf32, #tpu.memory_space<vmem_shared>> -> memref<640x64xf32, #tpu.memory_space<vmem_shared>>
      tpu.wait_dma2 semaphore(%run_scoped3A : memref<!tpu.dma_semaphore, #tpu.memory_space<semaphore_mem>>) src(%dma_wait3A_30 : memref<640x64xf32, #tpu.memory_space<vmem_shared>>) dst(%dma_wait3A_28 : memref<640x64xf32, #tpu.memory_space<hbm>>)
      tpu.yield
    }) : () -> ()
    return
  }
}

#map = affine_map<(d0, d1) -> (0, 0)>
#map1 = affine_map<(d0, d1) -> (0, 0, 0)>
module attributes {stable_mosaic.version = 14 : i64} {
  func.func @agg(%arg0: i32, %arg1: i32, %arg2: memref<40960x64xf32, #tpu.memory_space<hbm>>, %arg3: memref<2x2560x128xi32, #tpu.memory_space<hbm>>, %arg4: memref<2x2560x128xi32, #tpu.memory_space<hbm>>, %arg5: memref<10240x64xf32, #tpu.memory_space<hbm>>, %arg6: memref<2x10240x64xf32, #tpu.memory_space<hbm>>, %arg7: memref<160x128xi32, #tpu.memory_space<vmem>>, %arg8: memref<160x128xi32, #tpu.memory_space<vmem>>, %arg9: memref<128x64xf32, #tpu.memory_space<vmem>>, %arg10: memref<128x64xf32, #tpu.memory_space<vmem>>, %arg11: memref<10240x64xf32, #tpu.memory_space<vmem_shared>>, %arg12: memref<!tpu.dma_semaphore, #tpu.memory_space<semaphore_mem>>, %arg13: memref<!tpu.dma_semaphore, #tpu.memory_space<semaphore_mem>>) attributes {dimension_semantics = [#tpu.dimension_semantics<core_parallel>, #tpu.dimension_semantics<subcore_parallel>], iteration_bounds = array<i64: 2, 16>, scalar_prefetch = 0 : i64, scratch_operands = 7 : i64, tpu.core_type = #tpu.core_type<sc_vector_subcore>, window_params = [{transform_indices = #map}, {transform_indices = #map1}, {transform_indices = #map1}, {transform_indices = #map}, {transform_indices = #map1}]} {
    %mul3A = arith.constant 640 : i32
    %mul3A_0 = arith.muli %arg1, %mul3A : i32
    "tpu.region"() ({
      %run_scoped3A = tpu.sem_alloc : memref<!tpu.dma_semaphore, #tpu.memory_space<semaphore_mem>>
      %dma_start3A_22 = arith.constant 0 : i32
      %dma_start3A_23 = tpu.memref_slice %arg11[%mul3A_0, %dma_start3A_22] : memref<10240x64xf32, #tpu.memory_space<vmem_shared>> -> memref<640x64xf32, #tpu.memory_space<vmem_shared>>
      %dma_start3A_24 = arith.constant 0 : i32
      %dma_start3A_25 = tpu.memref_slice %arg5[%mul3A_0, %dma_start3A_24] : memref<10240x64xf32, #tpu.memory_space<hbm>> -> memref<640x64xf32, #tpu.memory_space<hbm>>
      tpu.enqueue_dma source(%dma_start3A_25 : memref<640x64xf32, #tpu.memory_space<hbm>>) target(%dma_start3A_23 : memref<640x64xf32, #tpu.memory_space<vmem_shared>>) target_semaphore(%run_scoped3A : memref<!tpu.dma_semaphore, #tpu.memory_space<semaphore_mem>>)
      %dma_wait3A = arith.constant 0 : i32
      %dma_wait3A_26 = tpu.memref_slice %arg11[%mul3A_0, %dma_wait3A] : memref<10240x64xf32, #tpu.memory_space<vmem_shared>> -> memref<640x64xf32, #tpu.memory_space<vmem_shared>>
      %dma_wait3A_27 = arith.constant 0 : i32
      %dma_wait3A_28 = tpu.memref_slice %arg5[%mul3A_0, %dma_wait3A_27] : memref<10240x64xf32, #tpu.memory_space<hbm>> -> memref<640x64xf32, #tpu.memory_space<hbm>>
      tpu.wait_dma2 semaphore(%run_scoped3A : memref<!tpu.dma_semaphore, #tpu.memory_space<semaphore_mem>>) src(%dma_wait3A_28 : memref<640x64xf32, #tpu.memory_space<hbm>>) dst(%dma_wait3A_26 : memref<640x64xf32, #tpu.memory_space<vmem_shared>>)
      tpu.yield
    }) : () -> ()
    %mul3A_1 = arith.constant 160 : i32
    %mul3A_2 = arith.muli %arg1, %mul3A_1 : i32
    "tpu.region"() ({
      %run_scoped3A = tpu.sem_alloc : memref<!tpu.dma_semaphore, #tpu.memory_space<semaphore_mem>>
      %dma_start3A_22 = arith.constant 0 : i32
      %dma_start3A_23 = tpu.memref_slice %arg3[%arg0, %mul3A_2, %dma_start3A_22] : memref<2x2560x128xi32, #tpu.memory_space<hbm>> -> memref<1x160x128xi32, #tpu.memory_space<hbm>>
      %dma_start3A_24 = tpu.memref_squeeze %dma_start3A_23 : memref<1x160x128xi32, #tpu.memory_space<hbm>> -> memref<160x128xi32, #tpu.memory_space<hbm>>
      %dma_start3A_25 = arith.constant 0 : i32
      %dma_start3A_26 = tpu.memref_slice %arg3[%arg0, %mul3A_2, %dma_start3A_25] : memref<2x2560x128xi32, #tpu.memory_space<hbm>> -> memref<1x160x128xi32, #tpu.memory_space<hbm>>
      %dma_start3A_27 = tpu.memref_squeeze %dma_start3A_26 : memref<1x160x128xi32, #tpu.memory_space<hbm>> -> memref<160x128xi32, #tpu.memory_space<hbm>>
      tpu.enqueue_dma source(%dma_start3A_27 : memref<160x128xi32, #tpu.memory_space<hbm>>) target(%arg7 : memref<160x128xi32, #tpu.memory_space<vmem>>) target_semaphore(%run_scoped3A : memref<!tpu.dma_semaphore, #tpu.memory_space<semaphore_mem>>)
      %dma_wait3A = arith.constant 0 : i32
      %dma_wait3A_28 = tpu.memref_slice %arg3[%arg0, %mul3A_2, %dma_wait3A] : memref<2x2560x128xi32, #tpu.memory_space<hbm>> -> memref<1x160x128xi32, #tpu.memory_space<hbm>>
      %dma_wait3A_29 = tpu.memref_squeeze %dma_wait3A_28 : memref<1x160x128xi32, #tpu.memory_space<hbm>> -> memref<160x128xi32, #tpu.memory_space<hbm>>
      %dma_wait3A_30 = arith.constant 0 : i32
      %dma_wait3A_31 = tpu.memref_slice %arg3[%arg0, %mul3A_2, %dma_wait3A_30] : memref<2x2560x128xi32, #tpu.memory_space<hbm>> -> memref<1x160x128xi32, #tpu.memory_space<hbm>>
      %dma_wait3A_32 = tpu.memref_squeeze %dma_wait3A_31 : memref<1x160x128xi32, #tpu.memory_space<hbm>> -> memref<160x128xi32, #tpu.memory_space<hbm>>
      tpu.wait_dma2 semaphore(%run_scoped3A : memref<!tpu.dma_semaphore, #tpu.memory_space<semaphore_mem>>) src(%dma_wait3A_32 : memref<160x128xi32, #tpu.memory_space<hbm>>) dst(%arg7 : memref<160x128xi32, #tpu.memory_space<vmem>>)
      tpu.yield
    }) : () -> ()
    "tpu.region"() ({
      %run_scoped3A = tpu.sem_alloc : memref<!tpu.dma_semaphore, #tpu.memory_space<semaphore_mem>>
      %dma_start3A_22 = arith.constant 0 : i32
      %dma_start3A_23 = tpu.memref_slice %arg4[%arg0, %mul3A_2, %dma_start3A_22] : memref<2x2560x128xi32, #tpu.memory_space<hbm>> -> memref<1x160x128xi32, #tpu.memory_space<hbm>>
      %dma_start3A_24 = tpu.memref_squeeze %dma_start3A_23 : memref<1x160x128xi32, #tpu.memory_space<hbm>> -> memref<160x128xi32, #tpu.memory_space<hbm>>
      %dma_start3A_25 = arith.constant 0 : i32
      %dma_start3A_26 = tpu.memref_slice %arg4[%arg0, %mul3A_2, %dma_start3A_25] : memref<2x2560x128xi32, #tpu.memory_space<hbm>> -> memref<1x160x128xi32, #tpu.memory_space<hbm>>
      %dma_start3A_27 = tpu.memref_squeeze %dma_start3A_26 : memref<1x160x128xi32, #tpu.memory_space<hbm>> -> memref<160x128xi32, #tpu.memory_space<hbm>>
      tpu.enqueue_dma source(%dma_start3A_27 : memref<160x128xi32, #tpu.memory_space<hbm>>) target(%arg8 : memref<160x128xi32, #tpu.memory_space<vmem>>) target_semaphore(%run_scoped3A : memref<!tpu.dma_semaphore, #tpu.memory_space<semaphore_mem>>)
      %dma_wait3A = arith.constant 0 : i32
      %dma_wait3A_28 = tpu.memref_slice %arg4[%arg0, %mul3A_2, %dma_wait3A] : memref<2x2560x128xi32, #tpu.memory_space<hbm>> -> memref<1x160x128xi32, #tpu.memory_space<hbm>>
      %dma_wait3A_29 = tpu.memref_squeeze %dma_wait3A_28 : memref<1x160x128xi32, #tpu.memory_space<hbm>> -> memref<160x128xi32, #tpu.memory_space<hbm>>
      %dma_wait3A_30 = arith.constant 0 : i32
      %dma_wait3A_31 = tpu.memref_slice %arg4[%arg0, %mul3A_2, %dma_wait3A_30] : memref<2x2560x128xi32, #tpu.memory_space<hbm>> -> memref<1x160x128xi32, #tpu.memory_space<hbm>>
      %dma_wait3A_32 = tpu.memref_squeeze %dma_wait3A_31 : memref<1x160x128xi32, #tpu.memory_space<hbm>> -> memref<160x128xi32, #tpu.memory_space<hbm>>
      tpu.wait_dma2 semaphore(%run_scoped3A : memref<!tpu.dma_semaphore, #tpu.memory_space<semaphore_mem>>) src(%dma_wait3A_32 : memref<160x128xi32, #tpu.memory_space<hbm>>) dst(%arg8 : memref<160x128xi32, #tpu.memory_space<vmem>>)
      tpu.yield
    }) : () -> ()
    %dma_start3A = arith.constant 0 : i32
    %dma_start3A_3 = arith.constant 0 : i32
    %dma_start3A_4 = tpu.memref_slice %arg7[%dma_start3A, %dma_start3A_3] : memref<160x128xi32, #tpu.memory_space<vmem>> -> memref<1x128xi32, #tpu.memory_space<vmem>>
    %dma_start3A_5 = tpu.memref_squeeze %dma_start3A_4 : memref<1x128xi32, #tpu.memory_space<vmem>> -> memref<128xi32, #tpu.memory_space<vmem>>
    %dma_start3A_6 = arith.constant 0 : i32
    %dma_start3A_7 = arith.constant 0 : i32
    %dma_start3A_8 = tpu.memref_slice %arg2[%dma_start3A_6, %dma_start3A_7] : memref<40960x64xf32, #tpu.memory_space<hbm>> -> memref<40960x64xf32, #tpu.memory_space<hbm>>
    tpu.enqueue_indirect_dma source(%dma_start3A_8 : memref<40960x64xf32, #tpu.memory_space<hbm>>) target(%arg9 : memref<128x64xf32, #tpu.memory_space<vmem>>) offsets(%dma_start3A_5 : memref<128xi32, #tpu.memory_space<vmem>>) semaphore(%arg12 : memref<!tpu.dma_semaphore, #tpu.memory_space<semaphore_mem>>)
    %dma_start3A_9 = arith.constant 1 : i32
    %dma_start3A_10 = arith.constant 0 : i32
    %dma_start3A_11 = tpu.memref_slice %arg7[%dma_start3A_9, %dma_start3A_10] : memref<160x128xi32, #tpu.memory_space<vmem>> -> memref<1x128xi32, #tpu.memory_space<vmem>>
    %dma_start3A_12 = tpu.memref_squeeze %dma_start3A_11 : memref<1x128xi32, #tpu.memory_space<vmem>> -> memref<128xi32, #tpu.memory_space<vmem>>
    %dma_start3A_13 = arith.constant 0 : i32
    %dma_start3A_14 = arith.constant 0 : i32
    %dma_start3A_15 = tpu.memref_slice %arg2[%dma_start3A_13, %dma_start3A_14] : memref<40960x64xf32, #tpu.memory_space<hbm>> -> memref<40960x64xf32, #tpu.memory_space<hbm>>
    tpu.enqueue_indirect_dma source(%dma_start3A_15 : memref<40960x64xf32, #tpu.memory_space<hbm>>) target(%arg10 : memref<128x64xf32, #tpu.memory_space<vmem>>) offsets(%dma_start3A_12 : memref<128xi32, #tpu.memory_space<vmem>>) semaphore(%arg13 : memref<!tpu.dma_semaphore, #tpu.memory_space<semaphore_mem>>)
    %barrier3A = arith.constant 0 : index
    tpu.barrier barrier_id(%barrier3A)
    %scan3A = arith.constant 0 : i32
    %scan3A_16 = arith.constant 0 : i32
    %scan3A_17 = arith.constant 80 : i32
    %scan3A_18 = arith.addi %scan3A_16, %scan3A_17 : i32
    %scan3A_19 = arith.constant 1 : i32
    scf.for %scan3A_22 = %scan3A_16 to %scan3A_18 step %scan3A_19  : i32 {
      %mul3A_23 = arith.constant 2 : i32
      %mul3A_24 = arith.muli %scan3A_22, %mul3A_23 : i32
      %add3A = arith.constant 0 : i32
      %add3A_25 = arith.addi %mul3A_24, %add3A : i32
      %dma_wait3A = arith.constant 0 : i32
      %dma_wait3A_26 = tpu.memref_slice %arg7[%add3A_25, %dma_wait3A] : memref<160x128xi32, #tpu.memory_space<vmem>> -> memref<1x128xi32, #tpu.memory_space<vmem>>
      %dma_wait3A_27 = tpu.memref_squeeze %dma_wait3A_26 : memref<1x128xi32, #tpu.memory_space<vmem>> -> memref<128xi32, #tpu.memory_space<vmem>>
      %dma_wait3A_28 = arith.constant 0 : i32
      %dma_wait3A_29 = arith.constant 0 : i32
      %dma_wait3A_30 = tpu.memref_slice %arg2[%dma_wait3A_28, %dma_wait3A_29] : memref<40960x64xf32, #tpu.memory_space<hbm>> -> memref<40960x64xf32, #tpu.memory_space<hbm>>
      tpu.wait_indirect_dma semaphore(%arg12 : memref<!tpu.dma_semaphore, #tpu.memory_space<semaphore_mem>>) src(%dma_wait3A_30 : memref<40960x64xf32, #tpu.memory_space<hbm>>) dst(%arg9 : memref<128x64xf32, #tpu.memory_space<vmem>>)
      "tpu.region"() ({
        %run_scoped3A = tpu.sem_alloc : memref<!tpu.dma_semaphore, #tpu.memory_space<semaphore_mem>>
        %dma_start3A_52 = arith.constant 0 : i32
        %dma_start3A_53 = tpu.memref_slice %arg8[%add3A_25, %dma_start3A_52] : memref<160x128xi32, #tpu.memory_space<vmem>> -> memref<1x128xi32, #tpu.memory_space<vmem>>
        %dma_start3A_54 = tpu.memref_squeeze %dma_start3A_53 : memref<1x128xi32, #tpu.memory_space<vmem>> -> memref<128xi32, #tpu.memory_space<vmem>>
        %dma_start3A_55 = arith.constant 0 : i32
        %dma_start3A_56 = arith.constant 0 : i32
        %dma_start3A_57 = tpu.memref_slice %arg11[%dma_start3A_55, %dma_start3A_56] : memref<10240x64xf32, #tpu.memory_space<vmem_shared>> -> memref<10240x64xf32, #tpu.memory_space<vmem_shared>>
        tpu.enqueue_indirect_dma source(%arg9 : memref<128x64xf32, #tpu.memory_space<vmem>>) target(%dma_start3A_57 : memref<10240x64xf32, #tpu.memory_space<vmem_shared>>) offsets(%dma_start3A_54 : memref<128xi32, #tpu.memory_space<vmem>>) semaphore(%run_scoped3A : memref<!tpu.dma_semaphore, #tpu.memory_space<semaphore_mem>>) {add = true}
        %dma_wait3A_58 = arith.constant 0 : i32
        %dma_wait3A_59 = tpu.memref_slice %arg8[%add3A_25, %dma_wait3A_58] : memref<160x128xi32, #tpu.memory_space<vmem>> -> memref<1x128xi32, #tpu.memory_space<vmem>>
        %dma_wait3A_60 = tpu.memref_squeeze %dma_wait3A_59 : memref<1x128xi32, #tpu.memory_space<vmem>> -> memref<128xi32, #tpu.memory_space<vmem>>
        %dma_wait3A_61 = arith.constant 0 : i32
        %dma_wait3A_62 = arith.constant 0 : i32
        %dma_wait3A_63 = tpu.memref_slice %arg11[%dma_wait3A_61, %dma_wait3A_62] : memref<10240x64xf32, #tpu.memory_space<vmem_shared>> -> memref<10240x64xf32, #tpu.memory_space<vmem_shared>>
        tpu.wait_indirect_dma semaphore(%run_scoped3A : memref<!tpu.dma_semaphore, #tpu.memory_space<semaphore_mem>>) src(%arg9 : memref<128x64xf32, #tpu.memory_space<vmem>>) dst(%dma_wait3A_63 : memref<10240x64xf32, #tpu.memory_space<vmem_shared>>)
        tpu.yield
      }) : () -> ()
      %add3A_31 = arith.constant 2 : i32
      %add3A_32 = arith.addi %add3A_25, %add3A_31 : i32
      %lt3A = arith.constant 160 : i32
      %lt3A_33 = arith.cmpi slt, %add3A_32, %lt3A : i32
      %convert_element_type3A = arith.extui %lt3A_33 : i1 to i32
      %cond3A = arith.constant 0 : i32
      %cond3A_34 = arith.cmpi ne, %convert_element_type3A, %cond3A : i32
      scf.if %cond3A_34 {
        %add3A_52 = arith.constant 2 : i32
        %add3A_53 = arith.addi %add3A_25, %add3A_52 : i32
        %dma_start3A_54 = arith.constant 0 : i32
        %dma_start3A_55 = tpu.memref_slice %arg7[%add3A_53, %dma_start3A_54] : memref<160x128xi32, #tpu.memory_space<vmem>> -> memref<1x128xi32, #tpu.memory_space<vmem>>
        %dma_start3A_56 = tpu.memref_squeeze %dma_start3A_55 : memref<1x128xi32, #tpu.memory_space<vmem>> -> memref<128xi32, #tpu.memory_space<vmem>>
        %dma_start3A_57 = arith.constant 0 : i32
        %dma_start3A_58 = arith.constant 0 : i32
        %dma_start3A_59 = tpu.memref_slice %arg2[%dma_start3A_57, %dma_start3A_58] : memref<40960x64xf32, #tpu.memory_space<hbm>> -> memref<40960x64xf32, #tpu.memory_space<hbm>>
        tpu.enqueue_indirect_dma source(%dma_start3A_59 : memref<40960x64xf32, #tpu.memory_space<hbm>>) target(%arg9 : memref<128x64xf32, #tpu.memory_space<vmem>>) offsets(%dma_start3A_56 : memref<128xi32, #tpu.memory_space<vmem>>) semaphore(%arg12 : memref<!tpu.dma_semaphore, #tpu.memory_space<semaphore_mem>>)
      } else {
      }
      %mul3A_35 = arith.constant 2 : i32
      %mul3A_36 = arith.muli %scan3A_22, %mul3A_35 : i32
      %add3A_37 = arith.constant 1 : i32
      %add3A_38 = arith.addi %mul3A_36, %add3A_37 : i32
      %dma_wait3A_39 = arith.constant 0 : i32
      %dma_wait3A_40 = tpu.memref_slice %arg7[%add3A_38, %dma_wait3A_39] : memref<160x128xi32, #tpu.memory_space<vmem>> -> memref<1x128xi32, #tpu.memory_space<vmem>>
      %dma_wait3A_41 = tpu.memref_squeeze %dma_wait3A_40 : memref<1x128xi32, #tpu.memory_space<vmem>> -> memref<128xi32, #tpu.memory_space<vmem>>
      %dma_wait3A_42 = arith.constant 0 : i32
      %dma_wait3A_43 = arith.constant 0 : i32
      %dma_wait3A_44 = tpu.memref_slice %arg2[%dma_wait3A_42, %dma_wait3A_43] : memref<40960x64xf32, #tpu.memory_space<hbm>> -> memref<40960x64xf32, #tpu.memory_space<hbm>>
      tpu.wait_indirect_dma semaphore(%arg13 : memref<!tpu.dma_semaphore, #tpu.memory_space<semaphore_mem>>) src(%dma_wait3A_44 : memref<40960x64xf32, #tpu.memory_space<hbm>>) dst(%arg10 : memref<128x64xf32, #tpu.memory_space<vmem>>)
      "tpu.region"() ({
        %run_scoped3A = tpu.sem_alloc : memref<!tpu.dma_semaphore, #tpu.memory_space<semaphore_mem>>
        %dma_start3A_52 = arith.constant 0 : i32
        %dma_start3A_53 = tpu.memref_slice %arg8[%add3A_38, %dma_start3A_52] : memref<160x128xi32, #tpu.memory_space<vmem>> -> memref<1x128xi32, #tpu.memory_space<vmem>>
        %dma_start3A_54 = tpu.memref_squeeze %dma_start3A_53 : memref<1x128xi32, #tpu.memory_space<vmem>> -> memref<128xi32, #tpu.memory_space<vmem>>
        %dma_start3A_55 = arith.constant 0 : i32
        %dma_start3A_56 = arith.constant 0 : i32
        %dma_start3A_57 = tpu.memref_slice %arg11[%dma_start3A_55, %dma_start3A_56] : memref<10240x64xf32, #tpu.memory_space<vmem_shared>> -> memref<10240x64xf32, #tpu.memory_space<vmem_shared>>
        tpu.enqueue_indirect_dma source(%arg10 : memref<128x64xf32, #tpu.memory_space<vmem>>) target(%dma_start3A_57 : memref<10240x64xf32, #tpu.memory_space<vmem_shared>>) offsets(%dma_start3A_54 : memref<128xi32, #tpu.memory_space<vmem>>) semaphore(%run_scoped3A : memref<!tpu.dma_semaphore, #tpu.memory_space<semaphore_mem>>) {add = true}
        %dma_wait3A_58 = arith.constant 0 : i32
        %dma_wait3A_59 = tpu.memref_slice %arg8[%add3A_38, %dma_wait3A_58] : memref<160x128xi32, #tpu.memory_space<vmem>> -> memref<1x128xi32, #tpu.memory_space<vmem>>
        %dma_wait3A_60 = tpu.memref_squeeze %dma_wait3A_59 : memref<1x128xi32, #tpu.memory_space<vmem>> -> memref<128xi32, #tpu.memory_space<vmem>>
        %dma_wait3A_61 = arith.constant 0 : i32
        %dma_wait3A_62 = arith.constant 0 : i32
        %dma_wait3A_63 = tpu.memref_slice %arg11[%dma_wait3A_61, %dma_wait3A_62] : memref<10240x64xf32, #tpu.memory_space<vmem_shared>> -> memref<10240x64xf32, #tpu.memory_space<vmem_shared>>
        tpu.wait_indirect_dma semaphore(%run_scoped3A : memref<!tpu.dma_semaphore, #tpu.memory_space<semaphore_mem>>) src(%arg10 : memref<128x64xf32, #tpu.memory_space<vmem>>) dst(%dma_wait3A_63 : memref<10240x64xf32, #tpu.memory_space<vmem_shared>>)
        tpu.yield
      }) : () -> ()
      %add3A_45 = arith.constant 2 : i32
      %add3A_46 = arith.addi %add3A_38, %add3A_45 : i32
      %lt3A_47 = arith.constant 160 : i32
      %lt3A_48 = arith.cmpi slt, %add3A_46, %lt3A_47 : i32
      %convert_element_type3A_49 = arith.extui %lt3A_48 : i1 to i32
      %cond3A_50 = arith.constant 0 : i32
      %cond3A_51 = arith.cmpi ne, %convert_element_type3A_49, %cond3A_50 : i32
      scf.if %cond3A_51 {
        %add3A_52 = arith.constant 2 : i32
        %add3A_53 = arith.addi %add3A_38, %add3A_52 : i32
        %dma_start3A_54 = arith.constant 0 : i32
        %dma_start3A_55 = tpu.memref_slice %arg7[%add3A_53, %dma_start3A_54] : memref<160x128xi32, #tpu.memory_space<vmem>> -> memref<1x128xi32, #tpu.memory_space<vmem>>
        %dma_start3A_56 = tpu.memref_squeeze %dma_start3A_55 : memref<1x128xi32, #tpu.memory_space<vmem>> -> memref<128xi32, #tpu.memory_space<vmem>>
        %dma_start3A_57 = arith.constant 0 : i32
        %dma_start3A_58 = arith.constant 0 : i32
        %dma_start3A_59 = tpu.memref_slice %arg2[%dma_start3A_57, %dma_start3A_58] : memref<40960x64xf32, #tpu.memory_space<hbm>> -> memref<40960x64xf32, #tpu.memory_space<hbm>>
        tpu.enqueue_indirect_dma source(%dma_start3A_59 : memref<40960x64xf32, #tpu.memory_space<hbm>>) target(%arg10 : memref<128x64xf32, #tpu.memory_space<vmem>>) offsets(%dma_start3A_56 : memref<128xi32, #tpu.memory_space<vmem>>) semaphore(%arg13 : memref<!tpu.dma_semaphore, #tpu.memory_space<semaphore_mem>>)
      } else {
      }
    }
    %scan3A_20 = arith.constant 80 : i32
    %barrier3A_21 = arith.constant 0 : index
    tpu.barrier barrier_id(%barrier3A_21)
    "tpu.region"() ({
      %run_scoped3A = tpu.sem_alloc : memref<!tpu.dma_semaphore, #tpu.memory_space<semaphore_mem>>
      %dma_start3A_22 = arith.constant 0 : i32
      %dma_start3A_23 = tpu.memref_slice %arg6[%arg0, %mul3A_0, %dma_start3A_22] : memref<2x10240x64xf32, #tpu.memory_space<hbm>> -> memref<1x640x64xf32, #tpu.memory_space<hbm>>
      %dma_start3A_24 = tpu.memref_squeeze %dma_start3A_23 : memref<1x640x64xf32, #tpu.memory_space<hbm>> -> memref<640x64xf32, #tpu.memory_space<hbm>>
      %dma_start3A_25 = arith.constant 0 : i32
      %dma_start3A_26 = tpu.memref_slice %arg11[%mul3A_0, %dma_start3A_25] : memref<10240x64xf32, #tpu.memory_space<vmem_shared>> -> memref<640x64xf32, #tpu.memory_space<vmem_shared>>
      tpu.enqueue_dma source(%dma_start3A_26 : memref<640x64xf32, #tpu.memory_space<vmem_shared>>) target(%dma_start3A_24 : memref<640x64xf32, #tpu.memory_space<hbm>>) target_semaphore(%run_scoped3A : memref<!tpu.dma_semaphore, #tpu.memory_space<semaphore_mem>>)
      %dma_wait3A = arith.constant 0 : i32
      %dma_wait3A_27 = tpu.memref_slice %arg6[%arg0, %mul3A_0, %dma_wait3A] : memref<2x10240x64xf32, #tpu.memory_space<hbm>> -> memref<1x640x64xf32, #tpu.memory_space<hbm>>
      %dma_wait3A_28 = tpu.memref_squeeze %dma_wait3A_27 : memref<1x640x64xf32, #tpu.memory_space<hbm>> -> memref<640x64xf32, #tpu.memory_space<hbm>>
      %dma_wait3A_29 = arith.constant 0 : i32
      %dma_wait3A_30 = tpu.memref_slice %arg11[%mul3A_0, %dma_wait3A_29] : memref<10240x64xf32, #tpu.memory_space<vmem_shared>> -> memref<640x64xf32, #tpu.memory_space<vmem_shared>>
      tpu.wait_dma2 semaphore(%run_scoped3A : memref<!tpu.dma_semaphore, #tpu.memory_space<semaphore_mem>>) src(%dma_wait3A_30 : memref<640x64xf32, #tpu.memory_space<vmem_shared>>) dst(%dma_wait3A_28 : memref<640x64xf32, #tpu.memory_space<hbm>>)
      tpu.yield
    }) : () -> ()
    return
  }
}

#map = affine_map<(d0, d1) -> (0, 0)>
#map1 = affine_map<(d0, d1) -> (0, 0, 0)>
module attributes {stable_mosaic.version = 14 : i64} {
  func.func @agg(%arg0: i32, %arg1: i32, %arg2: memref<40960x64xf32, #tpu.memory_space<hbm>>, %arg3: memref<2x2560x128xi32, #tpu.memory_space<hbm>>, %arg4: memref<2x2560x128xi32, #tpu.memory_space<hbm>>, %arg5: memref<10240x64xf32, #tpu.memory_space<hbm>>, %arg6: memref<2x10240x64xf32, #tpu.memory_space<hbm>>, %arg7: memref<160x128xi32, #tpu.memory_space<vmem>>, %arg8: memref<160x128xi32, #tpu.memory_space<vmem>>, %arg9: memref<128x64xf32, #tpu.memory_space<vmem>>, %arg10: memref<128x64xf32, #tpu.memory_space<vmem>>, %arg11: memref<10240x64xf32, #tpu.memory_space<vmem_shared>>, %arg12: memref<!tpu.dma_semaphore, #tpu.memory_space<semaphore_mem>>, %arg13: memref<!tpu.dma_semaphore, #tpu.memory_space<semaphore_mem>>) attributes {dimension_semantics = [#tpu.dimension_semantics<core_parallel>, #tpu.dimension_semantics<subcore_parallel>], iteration_bounds = array<i64: 2, 16>, scalar_prefetch = 0 : i64, scratch_operands = 7 : i64, tpu.core_type = #tpu.core_type<sc_vector_subcore>, window_params = [{transform_indices = #map}, {transform_indices = #map1}, {transform_indices = #map1}, {transform_indices = #map}, {transform_indices = #map1}]} {
    %mul3A = arith.constant 640 : i32
    %mul3A_0 = arith.muli %arg1, %mul3A : i32
    "tpu.region"() ({
      %run_scoped3A = tpu.sem_alloc : memref<!tpu.dma_semaphore, #tpu.memory_space<semaphore_mem>>
      %dma_start3A_22 = arith.constant 0 : i32
      %dma_start3A_23 = tpu.memref_slice %arg11[%mul3A_0, %dma_start3A_22] : memref<10240x64xf32, #tpu.memory_space<vmem_shared>> -> memref<640x64xf32, #tpu.memory_space<vmem_shared>>
      %dma_start3A_24 = arith.constant 0 : i32
      %dma_start3A_25 = tpu.memref_slice %arg5[%mul3A_0, %dma_start3A_24] : memref<10240x64xf32, #tpu.memory_space<hbm>> -> memref<640x64xf32, #tpu.memory_space<hbm>>
      tpu.enqueue_dma source(%dma_start3A_25 : memref<640x64xf32, #tpu.memory_space<hbm>>) target(%dma_start3A_23 : memref<640x64xf32, #tpu.memory_space<vmem_shared>>) target_semaphore(%run_scoped3A : memref<!tpu.dma_semaphore, #tpu.memory_space<semaphore_mem>>)
      %dma_wait3A = arith.constant 0 : i32
      %dma_wait3A_26 = tpu.memref_slice %arg11[%mul3A_0, %dma_wait3A] : memref<10240x64xf32, #tpu.memory_space<vmem_shared>> -> memref<640x64xf32, #tpu.memory_space<vmem_shared>>
      %dma_wait3A_27 = arith.constant 0 : i32
      %dma_wait3A_28 = tpu.memref_slice %arg5[%mul3A_0, %dma_wait3A_27] : memref<10240x64xf32, #tpu.memory_space<hbm>> -> memref<640x64xf32, #tpu.memory_space<hbm>>
      tpu.wait_dma2 semaphore(%run_scoped3A : memref<!tpu.dma_semaphore, #tpu.memory_space<semaphore_mem>>) src(%dma_wait3A_28 : memref<640x64xf32, #tpu.memory_space<hbm>>) dst(%dma_wait3A_26 : memref<640x64xf32, #tpu.memory_space<vmem_shared>>)
      tpu.yield
    }) : () -> ()
    %mul3A_1 = arith.constant 160 : i32
    %mul3A_2 = arith.muli %arg1, %mul3A_1 : i32
    "tpu.region"() ({
      %run_scoped3A = tpu.sem_alloc : memref<!tpu.dma_semaphore, #tpu.memory_space<semaphore_mem>>
      %dma_start3A_22 = arith.constant 0 : i32
      %dma_start3A_23 = tpu.memref_slice %arg3[%arg0, %mul3A_2, %dma_start3A_22] : memref<2x2560x128xi32, #tpu.memory_space<hbm>> -> memref<1x160x128xi32, #tpu.memory_space<hbm>>
      %dma_start3A_24 = tpu.memref_squeeze %dma_start3A_23 : memref<1x160x128xi32, #tpu.memory_space<hbm>> -> memref<160x128xi32, #tpu.memory_space<hbm>>
      %dma_start3A_25 = arith.constant 0 : i32
      %dma_start3A_26 = tpu.memref_slice %arg3[%arg0, %mul3A_2, %dma_start3A_25] : memref<2x2560x128xi32, #tpu.memory_space<hbm>> -> memref<1x160x128xi32, #tpu.memory_space<hbm>>
      %dma_start3A_27 = tpu.memref_squeeze %dma_start3A_26 : memref<1x160x128xi32, #tpu.memory_space<hbm>> -> memref<160x128xi32, #tpu.memory_space<hbm>>
      tpu.enqueue_dma source(%dma_start3A_27 : memref<160x128xi32, #tpu.memory_space<hbm>>) target(%arg7 : memref<160x128xi32, #tpu.memory_space<vmem>>) target_semaphore(%run_scoped3A : memref<!tpu.dma_semaphore, #tpu.memory_space<semaphore_mem>>)
      %dma_wait3A = arith.constant 0 : i32
      %dma_wait3A_28 = tpu.memref_slice %arg3[%arg0, %mul3A_2, %dma_wait3A] : memref<2x2560x128xi32, #tpu.memory_space<hbm>> -> memref<1x160x128xi32, #tpu.memory_space<hbm>>
      %dma_wait3A_29 = tpu.memref_squeeze %dma_wait3A_28 : memref<1x160x128xi32, #tpu.memory_space<hbm>> -> memref<160x128xi32, #tpu.memory_space<hbm>>
      %dma_wait3A_30 = arith.constant 0 : i32
      %dma_wait3A_31 = tpu.memref_slice %arg3[%arg0, %mul3A_2, %dma_wait3A_30] : memref<2x2560x128xi32, #tpu.memory_space<hbm>> -> memref<1x160x128xi32, #tpu.memory_space<hbm>>
      %dma_wait3A_32 = tpu.memref_squeeze %dma_wait3A_31 : memref<1x160x128xi32, #tpu.memory_space<hbm>> -> memref<160x128xi32, #tpu.memory_space<hbm>>
      tpu.wait_dma2 semaphore(%run_scoped3A : memref<!tpu.dma_semaphore, #tpu.memory_space<semaphore_mem>>) src(%dma_wait3A_32 : memref<160x128xi32, #tpu.memory_space<hbm>>) dst(%arg7 : memref<160x128xi32, #tpu.memory_space<vmem>>)
      tpu.yield
    }) : () -> ()
    "tpu.region"() ({
      %run_scoped3A = tpu.sem_alloc : memref<!tpu.dma_semaphore, #tpu.memory_space<semaphore_mem>>
      %dma_start3A_22 = arith.constant 0 : i32
      %dma_start3A_23 = tpu.memref_slice %arg4[%arg0, %mul3A_2, %dma_start3A_22] : memref<2x2560x128xi32, #tpu.memory_space<hbm>> -> memref<1x160x128xi32, #tpu.memory_space<hbm>>
      %dma_start3A_24 = tpu.memref_squeeze %dma_start3A_23 : memref<1x160x128xi32, #tpu.memory_space<hbm>> -> memref<160x128xi32, #tpu.memory_space<hbm>>
      %dma_start3A_25 = arith.constant 0 : i32
      %dma_start3A_26 = tpu.memref_slice %arg4[%arg0, %mul3A_2, %dma_start3A_25] : memref<2x2560x128xi32, #tpu.memory_space<hbm>> -> memref<1x160x128xi32, #tpu.memory_space<hbm>>
      %dma_start3A_27 = tpu.memref_squeeze %dma_start3A_26 : memref<1x160x128xi32, #tpu.memory_space<hbm>> -> memref<160x128xi32, #tpu.memory_space<hbm>>
      tpu.enqueue_dma source(%dma_start3A_27 : memref<160x128xi32, #tpu.memory_space<hbm>>) target(%arg8 : memref<160x128xi32, #tpu.memory_space<vmem>>) target_semaphore(%run_scoped3A : memref<!tpu.dma_semaphore, #tpu.memory_space<semaphore_mem>>)
      %dma_wait3A = arith.constant 0 : i32
      %dma_wait3A_28 = tpu.memref_slice %arg4[%arg0, %mul3A_2, %dma_wait3A] : memref<2x2560x128xi32, #tpu.memory_space<hbm>> -> memref<1x160x128xi32, #tpu.memory_space<hbm>>
      %dma_wait3A_29 = tpu.memref_squeeze %dma_wait3A_28 : memref<1x160x128xi32, #tpu.memory_space<hbm>> -> memref<160x128xi32, #tpu.memory_space<hbm>>
      %dma_wait3A_30 = arith.constant 0 : i32
      %dma_wait3A_31 = tpu.memref_slice %arg4[%arg0, %mul3A_2, %dma_wait3A_30] : memref<2x2560x128xi32, #tpu.memory_space<hbm>> -> memref<1x160x128xi32, #tpu.memory_space<hbm>>
      %dma_wait3A_32 = tpu.memref_squeeze %dma_wait3A_31 : memref<1x160x128xi32, #tpu.memory_space<hbm>> -> memref<160x128xi32, #tpu.memory_space<hbm>>
      tpu.wait_dma2 semaphore(%run_scoped3A : memref<!tpu.dma_semaphore, #tpu.memory_space<semaphore_mem>>) src(%dma_wait3A_32 : memref<160x128xi32, #tpu.memory_space<hbm>>) dst(%arg8 : memref<160x128xi32, #tpu.memory_space<vmem>>)
      tpu.yield
    }) : () -> ()
    %dma_start3A = arith.constant 0 : i32
    %dma_start3A_3 = arith.constant 0 : i32
    %dma_start3A_4 = tpu.memref_slice %arg7[%dma_start3A, %dma_start3A_3] : memref<160x128xi32, #tpu.memory_space<vmem>> -> memref<1x128xi32, #tpu.memory_space<vmem>>
    %dma_start3A_5 = tpu.memref_squeeze %dma_start3A_4 : memref<1x128xi32, #tpu.memory_space<vmem>> -> memref<128xi32, #tpu.memory_space<vmem>>
    %dma_start3A_6 = arith.constant 0 : i32
    %dma_start3A_7 = arith.constant 0 : i32
    %dma_start3A_8 = tpu.memref_slice %arg2[%dma_start3A_6, %dma_start3A_7] : memref<40960x64xf32, #tpu.memory_space<hbm>> -> memref<40960x64xf32, #tpu.memory_space<hbm>>
    tpu.enqueue_indirect_dma source(%dma_start3A_8 : memref<40960x64xf32, #tpu.memory_space<hbm>>) target(%arg9 : memref<128x64xf32, #tpu.memory_space<vmem>>) offsets(%dma_start3A_5 : memref<128xi32, #tpu.memory_space<vmem>>) semaphore(%arg12 : memref<!tpu.dma_semaphore, #tpu.memory_space<semaphore_mem>>)
    %dma_start3A_9 = arith.constant 1 : i32
    %dma_start3A_10 = arith.constant 0 : i32
    %dma_start3A_11 = tpu.memref_slice %arg7[%dma_start3A_9, %dma_start3A_10] : memref<160x128xi32, #tpu.memory_space<vmem>> -> memref<1x128xi32, #tpu.memory_space<vmem>>
    %dma_start3A_12 = tpu.memref_squeeze %dma_start3A_11 : memref<1x128xi32, #tpu.memory_space<vmem>> -> memref<128xi32, #tpu.memory_space<vmem>>
    %dma_start3A_13 = arith.constant 0 : i32
    %dma_start3A_14 = arith.constant 0 : i32
    %dma_start3A_15 = tpu.memref_slice %arg2[%dma_start3A_13, %dma_start3A_14] : memref<40960x64xf32, #tpu.memory_space<hbm>> -> memref<40960x64xf32, #tpu.memory_space<hbm>>
    tpu.enqueue_indirect_dma source(%dma_start3A_15 : memref<40960x64xf32, #tpu.memory_space<hbm>>) target(%arg10 : memref<128x64xf32, #tpu.memory_space<vmem>>) offsets(%dma_start3A_12 : memref<128xi32, #tpu.memory_space<vmem>>) semaphore(%arg13 : memref<!tpu.dma_semaphore, #tpu.memory_space<semaphore_mem>>)
    %barrier3A = arith.constant 0 : index
    tpu.barrier barrier_id(%barrier3A)
    %scan3A = arith.constant 0 : i32
    %scan3A_16 = arith.constant 0 : i32
    %scan3A_17 = arith.constant 80 : i32
    %scan3A_18 = arith.addi %scan3A_16, %scan3A_17 : i32
    %scan3A_19 = arith.constant 1 : i32
    scf.for %scan3A_22 = %scan3A_16 to %scan3A_18 step %scan3A_19  : i32 {
      %mul3A_23 = arith.constant 2 : i32
      %mul3A_24 = arith.muli %scan3A_22, %mul3A_23 : i32
      %add3A = arith.constant 0 : i32
      %add3A_25 = arith.addi %mul3A_24, %add3A : i32
      %dma_wait3A = arith.constant 0 : i32
      %dma_wait3A_26 = tpu.memref_slice %arg7[%add3A_25, %dma_wait3A] : memref<160x128xi32, #tpu.memory_space<vmem>> -> memref<1x128xi32, #tpu.memory_space<vmem>>
      %dma_wait3A_27 = tpu.memref_squeeze %dma_wait3A_26 : memref<1x128xi32, #tpu.memory_space<vmem>> -> memref<128xi32, #tpu.memory_space<vmem>>
      %dma_wait3A_28 = arith.constant 0 : i32
      %dma_wait3A_29 = arith.constant 0 : i32
      %dma_wait3A_30 = tpu.memref_slice %arg2[%dma_wait3A_28, %dma_wait3A_29] : memref<40960x64xf32, #tpu.memory_space<hbm>> -> memref<40960x64xf32, #tpu.memory_space<hbm>>
      tpu.wait_indirect_dma semaphore(%arg12 : memref<!tpu.dma_semaphore, #tpu.memory_space<semaphore_mem>>) src(%dma_wait3A_30 : memref<40960x64xf32, #tpu.memory_space<hbm>>) dst(%arg9 : memref<128x64xf32, #tpu.memory_space<vmem>>)
      "tpu.region"() ({
        %run_scoped3A = tpu.sem_alloc : memref<!tpu.dma_semaphore, #tpu.memory_space<semaphore_mem>>
        %dma_start3A_52 = arith.constant 0 : i32
        %dma_start3A_53 = tpu.memref_slice %arg8[%add3A_25, %dma_start3A_52] : memref<160x128xi32, #tpu.memory_space<vmem>> -> memref<1x128xi32, #tpu.memory_space<vmem>>
        %dma_start3A_54 = tpu.memref_squeeze %dma_start3A_53 : memref<1x128xi32, #tpu.memory_space<vmem>> -> memref<128xi32, #tpu.memory_space<vmem>>
        %dma_start3A_55 = arith.constant 0 : i32
        %dma_start3A_56 = arith.constant 0 : i32
        %dma_start3A_57 = tpu.memref_slice %arg11[%dma_start3A_55, %dma_start3A_56] : memref<10240x64xf32, #tpu.memory_space<vmem_shared>> -> memref<10240x64xf32, #tpu.memory_space<vmem_shared>>
        tpu.enqueue_indirect_dma source(%arg9 : memref<128x64xf32, #tpu.memory_space<vmem>>) target(%dma_start3A_57 : memref<10240x64xf32, #tpu.memory_space<vmem_shared>>) offsets(%dma_start3A_54 : memref<128xi32, #tpu.memory_space<vmem>>) semaphore(%run_scoped3A : memref<!tpu.dma_semaphore, #tpu.memory_space<semaphore_mem>>) {add = true}
        %dma_wait3A_58 = arith.constant 0 : i32
        %dma_wait3A_59 = tpu.memref_slice %arg8[%add3A_25, %dma_wait3A_58] : memref<160x128xi32, #tpu.memory_space<vmem>> -> memref<1x128xi32, #tpu.memory_space<vmem>>
        %dma_wait3A_60 = tpu.memref_squeeze %dma_wait3A_59 : memref<1x128xi32, #tpu.memory_space<vmem>> -> memref<128xi32, #tpu.memory_space<vmem>>
        %dma_wait3A_61 = arith.constant 0 : i32
        %dma_wait3A_62 = arith.constant 0 : i32
        %dma_wait3A_63 = tpu.memref_slice %arg11[%dma_wait3A_61, %dma_wait3A_62] : memref<10240x64xf32, #tpu.memory_space<vmem_shared>> -> memref<10240x64xf32, #tpu.memory_space<vmem_shared>>
        tpu.wait_indirect_dma semaphore(%run_scoped3A : memref<!tpu.dma_semaphore, #tpu.memory_space<semaphore_mem>>) src(%arg9 : memref<128x64xf32, #tpu.memory_space<vmem>>) dst(%dma_wait3A_63 : memref<10240x64xf32, #tpu.memory_space<vmem_shared>>)
        tpu.yield
      }) : () -> ()
      %add3A_31 = arith.constant 2 : i32
      %add3A_32 = arith.addi %add3A_25, %add3A_31 : i32
      %lt3A = arith.constant 160 : i32
      %lt3A_33 = arith.cmpi slt, %add3A_32, %lt3A : i32
      %convert_element_type3A = arith.extui %lt3A_33 : i1 to i32
      %cond3A = arith.constant 0 : i32
      %cond3A_34 = arith.cmpi ne, %convert_element_type3A, %cond3A : i32
      scf.if %cond3A_34 {
        %add3A_52 = arith.constant 2 : i32
        %add3A_53 = arith.addi %add3A_25, %add3A_52 : i32
        %dma_start3A_54 = arith.constant 0 : i32
        %dma_start3A_55 = tpu.memref_slice %arg7[%add3A_53, %dma_start3A_54] : memref<160x128xi32, #tpu.memory_space<vmem>> -> memref<1x128xi32, #tpu.memory_space<vmem>>
        %dma_start3A_56 = tpu.memref_squeeze %dma_start3A_55 : memref<1x128xi32, #tpu.memory_space<vmem>> -> memref<128xi32, #tpu.memory_space<vmem>>
        %dma_start3A_57 = arith.constant 0 : i32
        %dma_start3A_58 = arith.constant 0 : i32
        %dma_start3A_59 = tpu.memref_slice %arg2[%dma_start3A_57, %dma_start3A_58] : memref<40960x64xf32, #tpu.memory_space<hbm>> -> memref<40960x64xf32, #tpu.memory_space<hbm>>
        tpu.enqueue_indirect_dma source(%dma_start3A_59 : memref<40960x64xf32, #tpu.memory_space<hbm>>) target(%arg9 : memref<128x64xf32, #tpu.memory_space<vmem>>) offsets(%dma_start3A_56 : memref<128xi32, #tpu.memory_space<vmem>>) semaphore(%arg12 : memref<!tpu.dma_semaphore, #tpu.memory_space<semaphore_mem>>)
      } else {
      }
      %mul3A_35 = arith.constant 2 : i32
      %mul3A_36 = arith.muli %scan3A_22, %mul3A_35 : i32
      %add3A_37 = arith.constant 1 : i32
      %add3A_38 = arith.addi %mul3A_36, %add3A_37 : i32
      %dma_wait3A_39 = arith.constant 0 : i32
      %dma_wait3A_40 = tpu.memref_slice %arg7[%add3A_38, %dma_wait3A_39] : memref<160x128xi32, #tpu.memory_space<vmem>> -> memref<1x128xi32, #tpu.memory_space<vmem>>
      %dma_wait3A_41 = tpu.memref_squeeze %dma_wait3A_40 : memref<1x128xi32, #tpu.memory_space<vmem>> -> memref<128xi32, #tpu.memory_space<vmem>>
      %dma_wait3A_42 = arith.constant 0 : i32
      %dma_wait3A_43 = arith.constant 0 : i32
      %dma_wait3A_44 = tpu.memref_slice %arg2[%dma_wait3A_42, %dma_wait3A_43] : memref<40960x64xf32, #tpu.memory_space<hbm>> -> memref<40960x64xf32, #tpu.memory_space<hbm>>
      tpu.wait_indirect_dma semaphore(%arg13 : memref<!tpu.dma_semaphore, #tpu.memory_space<semaphore_mem>>) src(%dma_wait3A_44 : memref<40960x64xf32, #tpu.memory_space<hbm>>) dst(%arg10 : memref<128x64xf32, #tpu.memory_space<vmem>>)
      "tpu.region"() ({
        %run_scoped3A = tpu.sem_alloc : memref<!tpu.dma_semaphore, #tpu.memory_space<semaphore_mem>>
        %dma_start3A_52 = arith.constant 0 : i32
        %dma_start3A_53 = tpu.memref_slice %arg8[%add3A_38, %dma_start3A_52] : memref<160x128xi32, #tpu.memory_space<vmem>> -> memref<1x128xi32, #tpu.memory_space<vmem>>
        %dma_start3A_54 = tpu.memref_squeeze %dma_start3A_53 : memref<1x128xi32, #tpu.memory_space<vmem>> -> memref<128xi32, #tpu.memory_space<vmem>>
        %dma_start3A_55 = arith.constant 0 : i32
        %dma_start3A_56 = arith.constant 0 : i32
        %dma_start3A_57 = tpu.memref_slice %arg11[%dma_start3A_55, %dma_start3A_56] : memref<10240x64xf32, #tpu.memory_space<vmem_shared>> -> memref<10240x64xf32, #tpu.memory_space<vmem_shared>>
        tpu.enqueue_indirect_dma source(%arg10 : memref<128x64xf32, #tpu.memory_space<vmem>>) target(%dma_start3A_57 : memref<10240x64xf32, #tpu.memory_space<vmem_shared>>) offsets(%dma_start3A_54 : memref<128xi32, #tpu.memory_space<vmem>>) semaphore(%run_scoped3A : memref<!tpu.dma_semaphore, #tpu.memory_space<semaphore_mem>>) {add = true}
        %dma_wait3A_58 = arith.constant 0 : i32
        %dma_wait3A_59 = tpu.memref_slice %arg8[%add3A_38, %dma_wait3A_58] : memref<160x128xi32, #tpu.memory_space<vmem>> -> memref<1x128xi32, #tpu.memory_space<vmem>>
        %dma_wait3A_60 = tpu.memref_squeeze %dma_wait3A_59 : memref<1x128xi32, #tpu.memory_space<vmem>> -> memref<128xi32, #tpu.memory_space<vmem>>
        %dma_wait3A_61 = arith.constant 0 : i32
        %dma_wait3A_62 = arith.constant 0 : i32
        %dma_wait3A_63 = tpu.memref_slice %arg11[%dma_wait3A_61, %dma_wait3A_62] : memref<10240x64xf32, #tpu.memory_space<vmem_shared>> -> memref<10240x64xf32, #tpu.memory_space<vmem_shared>>
        tpu.wait_indirect_dma semaphore(%run_scoped3A : memref<!tpu.dma_semaphore, #tpu.memory_space<semaphore_mem>>) src(%arg10 : memref<128x64xf32, #tpu.memory_space<vmem>>) dst(%dma_wait3A_63 : memref<10240x64xf32, #tpu.memory_space<vmem_shared>>)
        tpu.yield
      }) : () -> ()
      %add3A_45 = arith.constant 2 : i32
      %add3A_46 = arith.addi %add3A_38, %add3A_45 : i32
      %lt3A_47 = arith.constant 160 : i32
      %lt3A_48 = arith.cmpi slt, %add3A_46, %lt3A_47 : i32
      %convert_element_type3A_49 = arith.extui %lt3A_48 : i1 to i32
      %cond3A_50 = arith.constant 0 : i32
      %cond3A_51 = arith.cmpi ne, %convert_element_type3A_49, %cond3A_50 : i32
      scf.if %cond3A_51 {
        %add3A_52 = arith.constant 2 : i32
        %add3A_53 = arith.addi %add3A_38, %add3A_52 : i32
        %dma_start3A_54 = arith.constant 0 : i32
        %dma_start3A_55 = tpu.memref_slice %arg7[%add3A_53, %dma_start3A_54] : memref<160x128xi32, #tpu.memory_space<vmem>> -> memref<1x128xi32, #tpu.memory_space<vmem>>
        %dma_start3A_56 = tpu.memref_squeeze %dma_start3A_55 : memref<1x128xi32, #tpu.memory_space<vmem>> -> memref<128xi32, #tpu.memory_space<vmem>>
        %dma_start3A_57 = arith.constant 0 : i32
        %dma_start3A_58 = arith.constant 0 : i32
        %dma_start3A_59 = tpu.memref_slice %arg2[%dma_start3A_57, %dma_start3A_58] : memref<40960x64xf32, #tpu.memory_space<hbm>> -> memref<40960x64xf32, #tpu.memory_space<hbm>>
        tpu.enqueue_indirect_dma source(%dma_start3A_59 : memref<40960x64xf32, #tpu.memory_space<hbm>>) target(%arg10 : memref<128x64xf32, #tpu.memory_space<vmem>>) offsets(%dma_start3A_56 : memref<128xi32, #tpu.memory_space<vmem>>) semaphore(%arg13 : memref<!tpu.dma_semaphore, #tpu.memory_space<semaphore_mem>>)
      } else {
      }
    }
    %scan3A_20 = arith.constant 80 : i32
    %barrier3A_21 = arith.constant 0 : index
    tpu.barrier barrier_id(%barrier3A_21)
    "tpu.region"() ({
      %run_scoped3A = tpu.sem_alloc : memref<!tpu.dma_semaphore, #tpu.memory_space<semaphore_mem>>
      %dma_start3A_22 = arith.constant 0 : i32
      %dma_start3A_23 = tpu.memref_slice %arg6[%arg0, %mul3A_0, %dma_start3A_22] : memref<2x10240x64xf32, #tpu.memory_space<hbm>> -> memref<1x640x64xf32, #tpu.memory_space<hbm>>
      %dma_start3A_24 = tpu.memref_squeeze %dma_start3A_23 : memref<1x640x64xf32, #tpu.memory_space<hbm>> -> memref<640x64xf32, #tpu.memory_space<hbm>>
      %dma_start3A_25 = arith.constant 0 : i32
      %dma_start3A_26 = tpu.memref_slice %arg11[%mul3A_0, %dma_start3A_25] : memref<10240x64xf32, #tpu.memory_space<vmem_shared>> -> memref<640x64xf32, #tpu.memory_space<vmem_shared>>
      tpu.enqueue_dma source(%dma_start3A_26 : memref<640x64xf32, #tpu.memory_space<vmem_shared>>) target(%dma_start3A_24 : memref<640x64xf32, #tpu.memory_space<hbm>>) target_semaphore(%run_scoped3A : memref<!tpu.dma_semaphore, #tpu.memory_space<semaphore_mem>>)
      %dma_wait3A = arith.constant 0 : i32
      %dma_wait3A_27 = tpu.memref_slice %arg6[%arg0, %mul3A_0, %dma_wait3A] : memref<2x10240x64xf32, #tpu.memory_space<hbm>> -> memref<1x640x64xf32, #tpu.memory_space<hbm>>
      %dma_wait3A_28 = tpu.memref_squeeze %dma_wait3A_27 : memref<1x640x64xf32, #tpu.memory_space<hbm>> -> memref<640x64xf32, #tpu.memory_space<hbm>>
      %dma_wait3A_29 = arith.constant 0 : i32
      %dma_wait3A_30 = tpu.memref_slice %arg11[%mul3A_0, %dma_wait3A_29] : memref<10240x64xf32, #tpu.memory_space<vmem_shared>> -> memref<640x64xf32, #tpu.memory_space<vmem_shared>>
      tpu.wait_dma2 semaphore(%run_scoped3A : memref<!tpu.dma_semaphore, #tpu.memory_space<semaphore_mem>>) src(%dma_wait3A_30 : memref<640x64xf32, #tpu.memory_space<vmem_shared>>) dst(%dma_wait3A_28 : memref<640x64xf32, #tpu.memory_space<hbm>>)
      tpu.yield
    }) : () -> ()
    return
  }
}

#map = affine_map<(d0, d1) -> (0, 0)>
#map1 = affine_map<(d0, d1) -> (0, 0, 0)>
module attributes {stable_mosaic.version = 14 : i64} {
  func.func @agg(%arg0: i32, %arg1: i32, %arg2: memref<40960x64xf32, #tpu.memory_space<hbm>>, %arg3: memref<2x2560x128xi32, #tpu.memory_space<hbm>>, %arg4: memref<2x2560x128xi32, #tpu.memory_space<hbm>>, %arg5: memref<10240x64xf32, #tpu.memory_space<hbm>>, %arg6: memref<2x10240x64xf32, #tpu.memory_space<hbm>>, %arg7: memref<160x128xi32, #tpu.memory_space<vmem>>, %arg8: memref<160x128xi32, #tpu.memory_space<vmem>>, %arg9: memref<128x64xf32, #tpu.memory_space<vmem>>, %arg10: memref<128x64xf32, #tpu.memory_space<vmem>>, %arg11: memref<10240x64xf32, #tpu.memory_space<vmem_shared>>, %arg12: memref<!tpu.dma_semaphore, #tpu.memory_space<semaphore_mem>>, %arg13: memref<!tpu.dma_semaphore, #tpu.memory_space<semaphore_mem>>) attributes {dimension_semantics = [#tpu.dimension_semantics<core_parallel>, #tpu.dimension_semantics<subcore_parallel>], iteration_bounds = array<i64: 2, 16>, scalar_prefetch = 0 : i64, scratch_operands = 7 : i64, tpu.core_type = #tpu.core_type<sc_vector_subcore>, window_params = [{transform_indices = #map}, {transform_indices = #map1}, {transform_indices = #map1}, {transform_indices = #map}, {transform_indices = #map1}]} {
    %mul3A = arith.constant 640 : i32
    %mul3A_0 = arith.muli %arg1, %mul3A : i32
    "tpu.region"() ({
      %run_scoped3A = tpu.sem_alloc : memref<!tpu.dma_semaphore, #tpu.memory_space<semaphore_mem>>
      %dma_start3A_22 = arith.constant 0 : i32
      %dma_start3A_23 = tpu.memref_slice %arg11[%mul3A_0, %dma_start3A_22] : memref<10240x64xf32, #tpu.memory_space<vmem_shared>> -> memref<640x64xf32, #tpu.memory_space<vmem_shared>>
      %dma_start3A_24 = arith.constant 0 : i32
      %dma_start3A_25 = tpu.memref_slice %arg5[%mul3A_0, %dma_start3A_24] : memref<10240x64xf32, #tpu.memory_space<hbm>> -> memref<640x64xf32, #tpu.memory_space<hbm>>
      tpu.enqueue_dma source(%dma_start3A_25 : memref<640x64xf32, #tpu.memory_space<hbm>>) target(%dma_start3A_23 : memref<640x64xf32, #tpu.memory_space<vmem_shared>>) target_semaphore(%run_scoped3A : memref<!tpu.dma_semaphore, #tpu.memory_space<semaphore_mem>>)
      %dma_wait3A = arith.constant 0 : i32
      %dma_wait3A_26 = tpu.memref_slice %arg11[%mul3A_0, %dma_wait3A] : memref<10240x64xf32, #tpu.memory_space<vmem_shared>> -> memref<640x64xf32, #tpu.memory_space<vmem_shared>>
      %dma_wait3A_27 = arith.constant 0 : i32
      %dma_wait3A_28 = tpu.memref_slice %arg5[%mul3A_0, %dma_wait3A_27] : memref<10240x64xf32, #tpu.memory_space<hbm>> -> memref<640x64xf32, #tpu.memory_space<hbm>>
      tpu.wait_dma2 semaphore(%run_scoped3A : memref<!tpu.dma_semaphore, #tpu.memory_space<semaphore_mem>>) src(%dma_wait3A_28 : memref<640x64xf32, #tpu.memory_space<hbm>>) dst(%dma_wait3A_26 : memref<640x64xf32, #tpu.memory_space<vmem_shared>>)
      tpu.yield
    }) : () -> ()
    %mul3A_1 = arith.constant 160 : i32
    %mul3A_2 = arith.muli %arg1, %mul3A_1 : i32
    "tpu.region"() ({
      %run_scoped3A = tpu.sem_alloc : memref<!tpu.dma_semaphore, #tpu.memory_space<semaphore_mem>>
      %dma_start3A_22 = arith.constant 0 : i32
      %dma_start3A_23 = tpu.memref_slice %arg3[%arg0, %mul3A_2, %dma_start3A_22] : memref<2x2560x128xi32, #tpu.memory_space<hbm>> -> memref<1x160x128xi32, #tpu.memory_space<hbm>>
      %dma_start3A_24 = tpu.memref_squeeze %dma_start3A_23 : memref<1x160x128xi32, #tpu.memory_space<hbm>> -> memref<160x128xi32, #tpu.memory_space<hbm>>
      %dma_start3A_25 = arith.constant 0 : i32
      %dma_start3A_26 = tpu.memref_slice %arg3[%arg0, %mul3A_2, %dma_start3A_25] : memref<2x2560x128xi32, #tpu.memory_space<hbm>> -> memref<1x160x128xi32, #tpu.memory_space<hbm>>
      %dma_start3A_27 = tpu.memref_squeeze %dma_start3A_26 : memref<1x160x128xi32, #tpu.memory_space<hbm>> -> memref<160x128xi32, #tpu.memory_space<hbm>>
      tpu.enqueue_dma source(%dma_start3A_27 : memref<160x128xi32, #tpu.memory_space<hbm>>) target(%arg7 : memref<160x128xi32, #tpu.memory_space<vmem>>) target_semaphore(%run_scoped3A : memref<!tpu.dma_semaphore, #tpu.memory_space<semaphore_mem>>)
      %dma_wait3A = arith.constant 0 : i32
      %dma_wait3A_28 = tpu.memref_slice %arg3[%arg0, %mul3A_2, %dma_wait3A] : memref<2x2560x128xi32, #tpu.memory_space<hbm>> -> memref<1x160x128xi32, #tpu.memory_space<hbm>>
      %dma_wait3A_29 = tpu.memref_squeeze %dma_wait3A_28 : memref<1x160x128xi32, #tpu.memory_space<hbm>> -> memref<160x128xi32, #tpu.memory_space<hbm>>
      %dma_wait3A_30 = arith.constant 0 : i32
      %dma_wait3A_31 = tpu.memref_slice %arg3[%arg0, %mul3A_2, %dma_wait3A_30] : memref<2x2560x128xi32, #tpu.memory_space<hbm>> -> memref<1x160x128xi32, #tpu.memory_space<hbm>>
      %dma_wait3A_32 = tpu.memref_squeeze %dma_wait3A_31 : memref<1x160x128xi32, #tpu.memory_space<hbm>> -> memref<160x128xi32, #tpu.memory_space<hbm>>
      tpu.wait_dma2 semaphore(%run_scoped3A : memref<!tpu.dma_semaphore, #tpu.memory_space<semaphore_mem>>) src(%dma_wait3A_32 : memref<160x128xi32, #tpu.memory_space<hbm>>) dst(%arg7 : memref<160x128xi32, #tpu.memory_space<vmem>>)
      tpu.yield
    }) : () -> ()
    "tpu.region"() ({
      %run_scoped3A = tpu.sem_alloc : memref<!tpu.dma_semaphore, #tpu.memory_space<semaphore_mem>>
      %dma_start3A_22 = arith.constant 0 : i32
      %dma_start3A_23 = tpu.memref_slice %arg4[%arg0, %mul3A_2, %dma_start3A_22] : memref<2x2560x128xi32, #tpu.memory_space<hbm>> -> memref<1x160x128xi32, #tpu.memory_space<hbm>>
      %dma_start3A_24 = tpu.memref_squeeze %dma_start3A_23 : memref<1x160x128xi32, #tpu.memory_space<hbm>> -> memref<160x128xi32, #tpu.memory_space<hbm>>
      %dma_start3A_25 = arith.constant 0 : i32
      %dma_start3A_26 = tpu.memref_slice %arg4[%arg0, %mul3A_2, %dma_start3A_25] : memref<2x2560x128xi32, #tpu.memory_space<hbm>> -> memref<1x160x128xi32, #tpu.memory_space<hbm>>
      %dma_start3A_27 = tpu.memref_squeeze %dma_start3A_26 : memref<1x160x128xi32, #tpu.memory_space<hbm>> -> memref<160x128xi32, #tpu.memory_space<hbm>>
      tpu.enqueue_dma source(%dma_start3A_27 : memref<160x128xi32, #tpu.memory_space<hbm>>) target(%arg8 : memref<160x128xi32, #tpu.memory_space<vmem>>) target_semaphore(%run_scoped3A : memref<!tpu.dma_semaphore, #tpu.memory_space<semaphore_mem>>)
      %dma_wait3A = arith.constant 0 : i32
      %dma_wait3A_28 = tpu.memref_slice %arg4[%arg0, %mul3A_2, %dma_wait3A] : memref<2x2560x128xi32, #tpu.memory_space<hbm>> -> memref<1x160x128xi32, #tpu.memory_space<hbm>>
      %dma_wait3A_29 = tpu.memref_squeeze %dma_wait3A_28 : memref<1x160x128xi32, #tpu.memory_space<hbm>> -> memref<160x128xi32, #tpu.memory_space<hbm>>
      %dma_wait3A_30 = arith.constant 0 : i32
      %dma_wait3A_31 = tpu.memref_slice %arg4[%arg0, %mul3A_2, %dma_wait3A_30] : memref<2x2560x128xi32, #tpu.memory_space<hbm>> -> memref<1x160x128xi32, #tpu.memory_space<hbm>>
      %dma_wait3A_32 = tpu.memref_squeeze %dma_wait3A_31 : memref<1x160x128xi32, #tpu.memory_space<hbm>> -> memref<160x128xi32, #tpu.memory_space<hbm>>
      tpu.wait_dma2 semaphore(%run_scoped3A : memref<!tpu.dma_semaphore, #tpu.memory_space<semaphore_mem>>) src(%dma_wait3A_32 : memref<160x128xi32, #tpu.memory_space<hbm>>) dst(%arg8 : memref<160x128xi32, #tpu.memory_space<vmem>>)
      tpu.yield
    }) : () -> ()
    %dma_start3A = arith.constant 0 : i32
    %dma_start3A_3 = arith.constant 0 : i32
    %dma_start3A_4 = tpu.memref_slice %arg7[%dma_start3A, %dma_start3A_3] : memref<160x128xi32, #tpu.memory_space<vmem>> -> memref<1x128xi32, #tpu.memory_space<vmem>>
    %dma_start3A_5 = tpu.memref_squeeze %dma_start3A_4 : memref<1x128xi32, #tpu.memory_space<vmem>> -> memref<128xi32, #tpu.memory_space<vmem>>
    %dma_start3A_6 = arith.constant 0 : i32
    %dma_start3A_7 = arith.constant 0 : i32
    %dma_start3A_8 = tpu.memref_slice %arg2[%dma_start3A_6, %dma_start3A_7] : memref<40960x64xf32, #tpu.memory_space<hbm>> -> memref<40960x64xf32, #tpu.memory_space<hbm>>
    tpu.enqueue_indirect_dma source(%dma_start3A_8 : memref<40960x64xf32, #tpu.memory_space<hbm>>) target(%arg9 : memref<128x64xf32, #tpu.memory_space<vmem>>) offsets(%dma_start3A_5 : memref<128xi32, #tpu.memory_space<vmem>>) semaphore(%arg12 : memref<!tpu.dma_semaphore, #tpu.memory_space<semaphore_mem>>)
    %dma_start3A_9 = arith.constant 1 : i32
    %dma_start3A_10 = arith.constant 0 : i32
    %dma_start3A_11 = tpu.memref_slice %arg7[%dma_start3A_9, %dma_start3A_10] : memref<160x128xi32, #tpu.memory_space<vmem>> -> memref<1x128xi32, #tpu.memory_space<vmem>>
    %dma_start3A_12 = tpu.memref_squeeze %dma_start3A_11 : memref<1x128xi32, #tpu.memory_space<vmem>> -> memref<128xi32, #tpu.memory_space<vmem>>
    %dma_start3A_13 = arith.constant 0 : i32
    %dma_start3A_14 = arith.constant 0 : i32
    %dma_start3A_15 = tpu.memref_slice %arg2[%dma_start3A_13, %dma_start3A_14] : memref<40960x64xf32, #tpu.memory_space<hbm>> -> memref<40960x64xf32, #tpu.memory_space<hbm>>
    tpu.enqueue_indirect_dma source(%dma_start3A_15 : memref<40960x64xf32, #tpu.memory_space<hbm>>) target(%arg10 : memref<128x64xf32, #tpu.memory_space<vmem>>) offsets(%dma_start3A_12 : memref<128xi32, #tpu.memory_space<vmem>>) semaphore(%arg13 : memref<!tpu.dma_semaphore, #tpu.memory_space<semaphore_mem>>)
    %barrier3A = arith.constant 0 : index
    tpu.barrier barrier_id(%barrier3A)
    %scan3A = arith.constant 0 : i32
    %scan3A_16 = arith.constant 0 : i32
    %scan3A_17 = arith.constant 80 : i32
    %scan3A_18 = arith.addi %scan3A_16, %scan3A_17 : i32
    %scan3A_19 = arith.constant 1 : i32
    scf.for %scan3A_22 = %scan3A_16 to %scan3A_18 step %scan3A_19  : i32 {
      %mul3A_23 = arith.constant 2 : i32
      %mul3A_24 = arith.muli %scan3A_22, %mul3A_23 : i32
      %add3A = arith.constant 0 : i32
      %add3A_25 = arith.addi %mul3A_24, %add3A : i32
      %dma_wait3A = arith.constant 0 : i32
      %dma_wait3A_26 = tpu.memref_slice %arg7[%add3A_25, %dma_wait3A] : memref<160x128xi32, #tpu.memory_space<vmem>> -> memref<1x128xi32, #tpu.memory_space<vmem>>
      %dma_wait3A_27 = tpu.memref_squeeze %dma_wait3A_26 : memref<1x128xi32, #tpu.memory_space<vmem>> -> memref<128xi32, #tpu.memory_space<vmem>>
      %dma_wait3A_28 = arith.constant 0 : i32
      %dma_wait3A_29 = arith.constant 0 : i32
      %dma_wait3A_30 = tpu.memref_slice %arg2[%dma_wait3A_28, %dma_wait3A_29] : memref<40960x64xf32, #tpu.memory_space<hbm>> -> memref<40960x64xf32, #tpu.memory_space<hbm>>
      tpu.wait_indirect_dma semaphore(%arg12 : memref<!tpu.dma_semaphore, #tpu.memory_space<semaphore_mem>>) src(%dma_wait3A_30 : memref<40960x64xf32, #tpu.memory_space<hbm>>) dst(%arg9 : memref<128x64xf32, #tpu.memory_space<vmem>>)
      "tpu.region"() ({
        %run_scoped3A = tpu.sem_alloc : memref<!tpu.dma_semaphore, #tpu.memory_space<semaphore_mem>>
        %dma_start3A_52 = arith.constant 0 : i32
        %dma_start3A_53 = tpu.memref_slice %arg8[%add3A_25, %dma_start3A_52] : memref<160x128xi32, #tpu.memory_space<vmem>> -> memref<1x128xi32, #tpu.memory_space<vmem>>
        %dma_start3A_54 = tpu.memref_squeeze %dma_start3A_53 : memref<1x128xi32, #tpu.memory_space<vmem>> -> memref<128xi32, #tpu.memory_space<vmem>>
        %dma_start3A_55 = arith.constant 0 : i32
        %dma_start3A_56 = arith.constant 0 : i32
        %dma_start3A_57 = tpu.memref_slice %arg11[%dma_start3A_55, %dma_start3A_56] : memref<10240x64xf32, #tpu.memory_space<vmem_shared>> -> memref<10240x64xf32, #tpu.memory_space<vmem_shared>>
        tpu.enqueue_indirect_dma source(%arg9 : memref<128x64xf32, #tpu.memory_space<vmem>>) target(%dma_start3A_57 : memref<10240x64xf32, #tpu.memory_space<vmem_shared>>) offsets(%dma_start3A_54 : memref<128xi32, #tpu.memory_space<vmem>>) semaphore(%run_scoped3A : memref<!tpu.dma_semaphore, #tpu.memory_space<semaphore_mem>>) {add = true}
        %dma_wait3A_58 = arith.constant 0 : i32
        %dma_wait3A_59 = tpu.memref_slice %arg8[%add3A_25, %dma_wait3A_58] : memref<160x128xi32, #tpu.memory_space<vmem>> -> memref<1x128xi32, #tpu.memory_space<vmem>>
        %dma_wait3A_60 = tpu.memref_squeeze %dma_wait3A_59 : memref<1x128xi32, #tpu.memory_space<vmem>> -> memref<128xi32, #tpu.memory_space<vmem>>
        %dma_wait3A_61 = arith.constant 0 : i32
        %dma_wait3A_62 = arith.constant 0 : i32
        %dma_wait3A_63 = tpu.memref_slice %arg11[%dma_wait3A_61, %dma_wait3A_62] : memref<10240x64xf32, #tpu.memory_space<vmem_shared>> -> memref<10240x64xf32, #tpu.memory_space<vmem_shared>>
        tpu.wait_indirect_dma semaphore(%run_scoped3A : memref<!tpu.dma_semaphore, #tpu.memory_space<semaphore_mem>>) src(%arg9 : memref<128x64xf32, #tpu.memory_space<vmem>>) dst(%dma_wait3A_63 : memref<10240x64xf32, #tpu.memory_space<vmem_shared>>)
        tpu.yield
      }) : () -> ()
      %add3A_31 = arith.constant 2 : i32
      %add3A_32 = arith.addi %add3A_25, %add3A_31 : i32
      %lt3A = arith.constant 160 : i32
      %lt3A_33 = arith.cmpi slt, %add3A_32, %lt3A : i32
      %convert_element_type3A = arith.extui %lt3A_33 : i1 to i32
      %cond3A = arith.constant 0 : i32
      %cond3A_34 = arith.cmpi ne, %convert_element_type3A, %cond3A : i32
      scf.if %cond3A_34 {
        %add3A_52 = arith.constant 2 : i32
        %add3A_53 = arith.addi %add3A_25, %add3A_52 : i32
        %dma_start3A_54 = arith.constant 0 : i32
        %dma_start3A_55 = tpu.memref_slice %arg7[%add3A_53, %dma_start3A_54] : memref<160x128xi32, #tpu.memory_space<vmem>> -> memref<1x128xi32, #tpu.memory_space<vmem>>
        %dma_start3A_56 = tpu.memref_squeeze %dma_start3A_55 : memref<1x128xi32, #tpu.memory_space<vmem>> -> memref<128xi32, #tpu.memory_space<vmem>>
        %dma_start3A_57 = arith.constant 0 : i32
        %dma_start3A_58 = arith.constant 0 : i32
        %dma_start3A_59 = tpu.memref_slice %arg2[%dma_start3A_57, %dma_start3A_58] : memref<40960x64xf32, #tpu.memory_space<hbm>> -> memref<40960x64xf32, #tpu.memory_space<hbm>>
        tpu.enqueue_indirect_dma source(%dma_start3A_59 : memref<40960x64xf32, #tpu.memory_space<hbm>>) target(%arg9 : memref<128x64xf32, #tpu.memory_space<vmem>>) offsets(%dma_start3A_56 : memref<128xi32, #tpu.memory_space<vmem>>) semaphore(%arg12 : memref<!tpu.dma_semaphore, #tpu.memory_space<semaphore_mem>>)
      } else {
      }
      %mul3A_35 = arith.constant 2 : i32
      %mul3A_36 = arith.muli %scan3A_22, %mul3A_35 : i32
      %add3A_37 = arith.constant 1 : i32
      %add3A_38 = arith.addi %mul3A_36, %add3A_37 : i32
      %dma_wait3A_39 = arith.constant 0 : i32
      %dma_wait3A_40 = tpu.memref_slice %arg7[%add3A_38, %dma_wait3A_39] : memref<160x128xi32, #tpu.memory_space<vmem>> -> memref<1x128xi32, #tpu.memory_space<vmem>>
      %dma_wait3A_41 = tpu.memref_squeeze %dma_wait3A_40 : memref<1x128xi32, #tpu.memory_space<vmem>> -> memref<128xi32, #tpu.memory_space<vmem>>
      %dma_wait3A_42 = arith.constant 0 : i32
      %dma_wait3A_43 = arith.constant 0 : i32
      %dma_wait3A_44 = tpu.memref_slice %arg2[%dma_wait3A_42, %dma_wait3A_43] : memref<40960x64xf32, #tpu.memory_space<hbm>> -> memref<40960x64xf32, #tpu.memory_space<hbm>>
      tpu.wait_indirect_dma semaphore(%arg13 : memref<!tpu.dma_semaphore, #tpu.memory_space<semaphore_mem>>) src(%dma_wait3A_44 : memref<40960x64xf32, #tpu.memory_space<hbm>>) dst(%arg10 : memref<128x64xf32, #tpu.memory_space<vmem>>)
      "tpu.region"() ({
        %run_scoped3A = tpu.sem_alloc : memref<!tpu.dma_semaphore, #tpu.memory_space<semaphore_mem>>
        %dma_start3A_52 = arith.constant 0 : i32
        %dma_start3A_53 = tpu.memref_slice %arg8[%add3A_38, %dma_start3A_52] : memref<160x128xi32, #tpu.memory_space<vmem>> -> memref<1x128xi32, #tpu.memory_space<vmem>>
        %dma_start3A_54 = tpu.memref_squeeze %dma_start3A_53 : memref<1x128xi32, #tpu.memory_space<vmem>> -> memref<128xi32, #tpu.memory_space<vmem>>
        %dma_start3A_55 = arith.constant 0 : i32
        %dma_start3A_56 = arith.constant 0 : i32
        %dma_start3A_57 = tpu.memref_slice %arg11[%dma_start3A_55, %dma_start3A_56] : memref<10240x64xf32, #tpu.memory_space<vmem_shared>> -> memref<10240x64xf32, #tpu.memory_space<vmem_shared>>
        tpu.enqueue_indirect_dma source(%arg10 : memref<128x64xf32, #tpu.memory_space<vmem>>) target(%dma_start3A_57 : memref<10240x64xf32, #tpu.memory_space<vmem_shared>>) offsets(%dma_start3A_54 : memref<128xi32, #tpu.memory_space<vmem>>) semaphore(%run_scoped3A : memref<!tpu.dma_semaphore, #tpu.memory_space<semaphore_mem>>) {add = true}
        %dma_wait3A_58 = arith.constant 0 : i32
        %dma_wait3A_59 = tpu.memref_slice %arg8[%add3A_38, %dma_wait3A_58] : memref<160x128xi32, #tpu.memory_space<vmem>> -> memref<1x128xi32, #tpu.memory_space<vmem>>
        %dma_wait3A_60 = tpu.memref_squeeze %dma_wait3A_59 : memref<1x128xi32, #tpu.memory_space<vmem>> -> memref<128xi32, #tpu.memory_space<vmem>>
        %dma_wait3A_61 = arith.constant 0 : i32
        %dma_wait3A_62 = arith.constant 0 : i32
        %dma_wait3A_63 = tpu.memref_slice %arg11[%dma_wait3A_61, %dma_wait3A_62] : memref<10240x64xf32, #tpu.memory_space<vmem_shared>> -> memref<10240x64xf32, #tpu.memory_space<vmem_shared>>
        tpu.wait_indirect_dma semaphore(%run_scoped3A : memref<!tpu.dma_semaphore, #tpu.memory_space<semaphore_mem>>) src(%arg10 : memref<128x64xf32, #tpu.memory_space<vmem>>) dst(%dma_wait3A_63 : memref<10240x64xf32, #tpu.memory_space<vmem_shared>>)
        tpu.yield
      }) : () -> ()
      %add3A_45 = arith.constant 2 : i32
      %add3A_46 = arith.addi %add3A_38, %add3A_45 : i32
      %lt3A_47 = arith.constant 160 : i32
      %lt3A_48 = arith.cmpi slt, %add3A_46, %lt3A_47 : i32
      %convert_element_type3A_49 = arith.extui %lt3A_48 : i1 to i32
      %cond3A_50 = arith.constant 0 : i32
      %cond3A_51 = arith.cmpi ne, %convert_element_type3A_49, %cond3A_50 : i32
      scf.if %cond3A_51 {
        %add3A_52 = arith.constant 2 : i32
        %add3A_53 = arith.addi %add3A_38, %add3A_52 : i32
        %dma_start3A_54 = arith.constant 0 : i32
        %dma_start3A_55 = tpu.memref_slice %arg7[%add3A_53, %dma_start3A_54] : memref<160x128xi32, #tpu.memory_space<vmem>> -> memref<1x128xi32, #tpu.memory_space<vmem>>
        %dma_start3A_56 = tpu.memref_squeeze %dma_start3A_55 : memref<1x128xi32, #tpu.memory_space<vmem>> -> memref<128xi32, #tpu.memory_space<vmem>>
        %dma_start3A_57 = arith.constant 0 : i32
        %dma_start3A_58 = arith.constant 0 : i32
        %dma_start3A_59 = tpu.memref_slice %arg2[%dma_start3A_57, %dma_start3A_58] : memref<40960x64xf32, #tpu.memory_space<hbm>> -> memref<40960x64xf32, #tpu.memory_space<hbm>>
        tpu.enqueue_indirect_dma source(%dma_start3A_59 : memref<40960x64xf32, #tpu.memory_space<hbm>>) target(%arg10 : memref<128x64xf32, #tpu.memory_space<vmem>>) offsets(%dma_start3A_56 : memref<128xi32, #tpu.memory_space<vmem>>) semaphore(%arg13 : memref<!tpu.dma_semaphore, #tpu.memory_space<semaphore_mem>>)
      } else {
      }
    }
    %scan3A_20 = arith.constant 80 : i32
    %barrier3A_21 = arith.constant 0 : index
    tpu.barrier barrier_id(%barrier3A_21)
    "tpu.region"() ({
      %run_scoped3A = tpu.sem_alloc : memref<!tpu.dma_semaphore, #tpu.memory_space<semaphore_mem>>
      %dma_start3A_22 = arith.constant 0 : i32
      %dma_start3A_23 = tpu.memref_slice %arg6[%arg0, %mul3A_0, %dma_start3A_22] : memref<2x10240x64xf32, #tpu.memory_space<hbm>> -> memref<1x640x64xf32, #tpu.memory_space<hbm>>
      %dma_start3A_24 = tpu.memref_squeeze %dma_start3A_23 : memref<1x640x64xf32, #tpu.memory_space<hbm>> -> memref<640x64xf32, #tpu.memory_space<hbm>>
      %dma_start3A_25 = arith.constant 0 : i32
      %dma_start3A_26 = tpu.memref_slice %arg11[%mul3A_0, %dma_start3A_25] : memref<10240x64xf32, #tpu.memory_space<vmem_shared>> -> memref<640x64xf32, #tpu.memory_space<vmem_shared>>
      tpu.enqueue_dma source(%dma_start3A_26 : memref<640x64xf32, #tpu.memory_space<vmem_shared>>) target(%dma_start3A_24 : memref<640x64xf32, #tpu.memory_space<hbm>>) target_semaphore(%run_scoped3A : memref<!tpu.dma_semaphore, #tpu.memory_space<semaphore_mem>>)
      %dma_wait3A = arith.constant 0 : i32
      %dma_wait3A_27 = tpu.memref_slice %arg6[%arg0, %mul3A_0, %dma_wait3A] : memref<2x10240x64xf32, #tpu.memory_space<hbm>> -> memref<1x640x64xf32, #tpu.memory_space<hbm>>
      %dma_wait3A_28 = tpu.memref_squeeze %dma_wait3A_27 : memref<1x640x64xf32, #tpu.memory_space<hbm>> -> memref<640x64xf32, #tpu.memory_space<hbm>>
      %dma_wait3A_29 = arith.constant 0 : i32
      %dma_wait3A_30 = tpu.memref_slice %arg11[%mul3A_0, %dma_wait3A_29] : memref<10240x64xf32, #tpu.memory_space<vmem_shared>> -> memref<640x64xf32, #tpu.memory_space<vmem_shared>>
      tpu.wait_dma2 semaphore(%run_scoped3A : memref<!tpu.dma_semaphore, #tpu.memory_space<semaphore_mem>>) src(%dma_wait3A_30 : memref<640x64xf32, #tpu.memory_space<vmem_shared>>) dst(%dma_wait3A_28 : memref<640x64xf32, #tpu.memory_space<hbm>>)
      tpu.yield
    }) : () -> ()
    return
  }
}

module attributes {stable_mosaic.version = 14 : i64} {
  func.func @body(%arg0: i32, %arg1: memref<2x512x16xf32, #tpu.memory_space<vmem>>, %arg2: memref<512x1xf32, #tpu.memory_space<vmem>>) attributes {dimension_semantics = [#tpu.dimension_semantics<arbitrary>], iteration_bounds = array<i64: 20>, scalar_prefetch = 0 : i64, scratch_operands = 0 : i64, tpu.core_type = #tpu.core_type<tc>, window_params = [{transform_indices = @transform_0, window_bounds = array<i64: 2, 512, 16>}, {transform_indices = @transform_1, window_bounds = array<i64: 512, 1>}]} {
    %get3A = arith.constant 0 : index
    %get3A_0 = arith.constant 0 : index
    %get3A_1 = arith.constant 0 : index
    %get3A_2 = vector.load %arg1[%get3A, %get3A_0, %get3A_1] : memref<2x512x16xf32, #tpu.memory_space<vmem>>, vector<1x512x16xf32>
    %get3A_3 = vector.shape_cast %get3A_2 : vector<1x512x16xf32> to vector<512x16xf32>
    %get3A_4 = arith.constant 1 : index
    %get3A_5 = arith.constant 0 : index
    %get3A_6 = arith.constant 0 : index
    %get3A_7 = vector.load %arg1[%get3A_4, %get3A_5, %get3A_6] : memref<2x512x16xf32, #tpu.memory_space<vmem>>, vector<1x512x16xf32>
    %get3A_8 = vector.shape_cast %get3A_7 : vector<1x512x16xf32> to vector<512x16xf32>
    %add3A = arith.addf %get3A_3, %get3A_8 : vector<512x16xf32>
    %reduce_sum3A = arith.constant dense<0.000000e+00> : vector<512xf32>
    %reduce_sum3A_9 = vector.multi_reduction <add>, %add3A, %reduce_sum3A [1] : vector<512x16xf32> to vector<512xf32>
    %broadcast_in_dim3A = vector.shape_cast %reduce_sum3A_9 : vector<512xf32> to vector<512x1xf32>
    %mul3A = arith.constant 6.250000e-02 : f32
    %mul3A_10 = vector.broadcast %mul3A : f32 to vector<512x1xf32>
    %mul3A_11 = arith.mulf %broadcast_in_dim3A, %mul3A_10 : vector<512x1xf32>
    %add3A_12 = arith.constant 1.000000e+00 : f32
    %add3A_13 = vector.broadcast %add3A_12 : f32 to vector<512x1xf32>
    %add3A_14 = arith.addf %mul3A_11, %add3A_13 : vector<512x1xf32>
    %rsqrt3A = math.rsqrt %add3A_14 : vector<512x1xf32>
    %swap3A = arith.constant 0 : index
    %swap3A_15 = arith.constant 0 : index
    %swap3A_16 = vector.load %arg2[%swap3A, %swap3A_15] : memref<512x1xf32, #tpu.memory_space<vmem>>, vector<512x1xf32>
    tpu.vector_store %arg2[%swap3A, %swap3A_15], %rsqrt3A {strides = array<i32>} : memref<512x1xf32, #tpu.memory_space<vmem>>, vector<512x1xf32>,
    return
  }
  func.func @transform_0(%arg0: i32) -> (i32, i32, i32) {
    %c0_i32 = arith.constant 0 : i32
    %c0_i32_0 = arith.constant 0 : i32
    %c0_i32_1 = arith.constant 0 : i32
    return %c0_i32, %arg0, %c0_i32_0 : i32, i32, i32
  }
  func.func @transform_1(%arg0: i32) -> (i32, i32) {
    %c0_i32 = arith.constant 0 : i32
    %c0_i32_0 = arith.constant 0 : i32
    return %arg0, %c0_i32 : i32, i32
  }
}

module attributes {stable_mosaic.version = 14 : i64} {
  func.func @body(%arg0: i32, %arg1: i32, %arg2: memref<512x128xf32, #tpu.memory_space<vmem>>, %arg3: memref<1x128x64xf32, #tpu.memory_space<vmem>>, %arg4: memref<512x1xf32, #tpu.memory_space<vmem>>, %arg5: memref<1x512x64xf32, #tpu.memory_space<vmem>>) attributes {dimension_semantics = [#tpu.dimension_semantics<arbitrary>, #tpu.dimension_semantics<arbitrary>], iteration_bounds = array<i64: 20, 4>, scalar_prefetch = 0 : i64, scratch_operands = 0 : i64, tpu.core_type = #tpu.core_type<tc>, window_params = [{transform_indices = @transform_0, window_bounds = array<i64: 512, 128>}, {transform_indices = @transform_1, window_bounds = array<i64: 1, 128, 64>}, {transform_indices = @transform_2, window_bounds = array<i64: 512, 1>}, {transform_indices = @transform_3, window_bounds = array<i64: 1, 512, 64>}]} {
    %get3A = arith.constant 0 : index
    %get3A_0 = arith.constant 0 : index
    %get3A_1 = vector.load %arg2[%get3A, %get3A_0] : memref<512x128xf32, #tpu.memory_space<vmem>>, vector<512x128xf32>
    %get3A_2 = arith.constant 0 : index
    %get3A_3 = arith.constant 0 : index
    %get3A_4 = arith.constant 0 : index
    %get3A_5 = vector.load %arg3[%get3A_2, %get3A_3, %get3A_4] : memref<1x128x64xf32, #tpu.memory_space<vmem>>, vector<1x128x64xf32>
    %get3A_6 = vector.shape_cast %get3A_5 : vector<1x128x64xf32> to vector<128x64xf32>
    %dot_general3A = arith.constant dense<0.000000e+00> : vector<512x64xf32>
    %dot_general3A_7 = tpu.matmul %get3A_1, %get3A_6, %dot_general3A {dimension_numbers = #tpu.dot_dimension_numbers<[1], [0], [0], [1], [0, 0, 1, 1], [], []>, transpose_lhs_hint = false} : vector<512x128xf32>, vector<128x64xf32>, vector<512x64xf32> -> vector<512x64xf32>
    %get3A_8 = arith.constant 0 : index
    %get3A_9 = arith.constant 0 : index
    %get3A_10 = vector.load %arg4[%get3A_8, %get3A_9] : memref<512x1xf32, #tpu.memory_space<vmem>>, vector<512x1xf32>
    %mul3A = vector.broadcast %get3A_10 : vector<512x1xf32> to vector<512x64xf32>
    %mul3A_11 = arith.mulf %dot_general3A_7, %mul3A : vector<512x64xf32>
    %broadcast_in_dim3A = vector.shape_cast %mul3A_11 : vector<512x64xf32> to vector<1x512x64xf32>
    %swap3A = arith.constant 0 : index
    %swap3A_12 = arith.constant 0 : index
    %swap3A_13 = arith.constant 0 : index
    %swap3A_14 = vector.load %arg5[%swap3A, %swap3A_12, %swap3A_13] : memref<1x512x64xf32, #tpu.memory_space<vmem>>, vector<1x512x64xf32>
    tpu.vector_store %arg5[%swap3A, %swap3A_12, %swap3A_13], %broadcast_in_dim3A {strides = array<i32>} : memref<1x512x64xf32, #tpu.memory_space<vmem>>, vector<1x512x64xf32>,
    return
  }
  func.func @transform_0(%arg0: i32, %arg1: i32) -> (i32, i32) {
    %c0_i32 = arith.constant 0 : i32
    %c0_i32_0 = arith.constant 0 : i32
    return %arg0, %c0_i32 : i32, i32
  }
  func.func @transform_1(%arg0: i32, %arg1: i32) -> (i32, i32, i32) {
    %c0_i32 = arith.constant 0 : i32
    %c0_i32_0 = arith.constant 0 : i32
    %c0_i32_1 = arith.constant 0 : i32
    return %arg1, %c0_i32, %c0_i32_0 : i32, i32, i32
  }
  func.func @transform_2(%arg0: i32, %arg1: i32) -> (i32, i32) {
    %c0_i32 = arith.constant 0 : i32
    %c0_i32_0 = arith.constant 0 : i32
    return %arg0, %c0_i32 : i32, i32
  }
  func.func @transform_3(%arg0: i32, %arg1: i32) -> (i32, i32, i32) {
    %c0_i32 = arith.constant 0 : i32
    %c0_i32_0 = arith.constant 0 : i32
    return %arg1, %arg0, %c0_i32 : i32, i32, i32
  }
}

module attributes {stable_mosaic.version = 14 : i64} {
  func.func @body(%arg0: i32, %arg1: i32, %arg2: memref<2x512x64xf32, #tpu.memory_space<vmem>>, %arg3: memref<2x512x64xf32, #tpu.memory_space<vmem>>, %arg4: memref<512x1xf32, #tpu.memory_space<vmem>>, %arg5: memref<2x1x64xf32, #tpu.memory_space<vmem>>, %arg6: memref<1x128x64xf32, #tpu.memory_space<vmem>>, %arg7: memref<1x512x64xf32, #tpu.memory_space<vmem>>) attributes {dimension_semantics = [#tpu.dimension_semantics<arbitrary>, #tpu.dimension_semantics<arbitrary>], iteration_bounds = array<i64: 20, 4>, scalar_prefetch = 0 : i64, scratch_operands = 0 : i64, tpu.core_type = #tpu.core_type<tc>, window_params = [{transform_indices = @transform_0, window_bounds = array<i64: 2, 512, 64>}, {transform_indices = @transform_1, window_bounds = array<i64: 2, 512, 64>}, {transform_indices = @transform_2, window_bounds = array<i64: 512, 1>}, {transform_indices = @transform_3, window_bounds = array<i64: 2, 1, 64>}, {transform_indices = @transform_4, window_bounds = array<i64: 1, 128, 64>}, {transform_indices = @transform_5, window_bounds = array<i64: 1, 512, 64>}]} {
    %get3A = arith.constant 0 : index
    %get3A_0 = arith.constant 0 : index
    %get3A_1 = vector.load %arg4[%get3A, %get3A_0] : memref<512x1xf32, #tpu.memory_space<vmem>>, vector<512x1xf32>
    %get3A_2 = arith.constant 0 : index
    %get3A_3 = arith.constant 0 : index
    %get3A_4 = arith.constant 0 : index
    %get3A_5 = vector.load %arg2[%get3A_2, %get3A_3, %get3A_4] : memref<2x512x64xf32, #tpu.memory_space<vmem>>, vector<1x512x64xf32>
    %get3A_6 = vector.shape_cast %get3A_5 : vector<1x512x64xf32> to vector<512x64xf32>
    %get3A_7 = arith.constant 0 : index
    %get3A_8 = arith.constant 0 : index
    %get3A_9 = arith.constant 0 : index
    %get3A_10 = vector.load %arg3[%get3A_7, %get3A_8, %get3A_9] : memref<2x512x64xf32, #tpu.memory_space<vmem>>, vector<1x512x64xf32>
    %get3A_11 = vector.shape_cast %get3A_10 : vector<1x512x64xf32> to vector<512x64xf32>
    %add3A = arith.addf %get3A_6, %get3A_11 : vector<512x64xf32>
    %mul3A = vector.broadcast %get3A_1 : vector<512x1xf32> to vector<512x64xf32>
    %mul3A_12 = arith.mulf %mul3A, %add3A : vector<512x64xf32>
    %get3A_13 = arith.constant 0 : index
    %get3A_14 = arith.constant 0 : index
    %get3A_15 = arith.constant 0 : index
    %get3A_16 = vector.load %arg5[%get3A_13, %get3A_14, %get3A_15] : memref<2x1x64xf32, #tpu.memory_space<vmem>>, vector<1x1x64xf32>
    %get3A_17 = vector.shape_cast %get3A_16 : vector<1x1x64xf32> to vector<1x64xf32>
    %add3A_18 = vector.broadcast %get3A_17 : vector<1x64xf32> to vector<512x64xf32>
    %add3A_19 = arith.addf %mul3A_12, %add3A_18 : vector<512x64xf32>
    %max3A = arith.constant 0.000000e+00 : f32
    %max3A_20 = vector.broadcast %max3A : f32 to vector<512x64xf32>
    %max3A_21 = arith.maximumf %add3A_19, %max3A_20 : vector<512x64xf32>
    %get3A_22 = arith.constant 1 : index
    %get3A_23 = arith.constant 0 : index
    %get3A_24 = arith.constant 0 : index
    %get3A_25 = vector.load %arg2[%get3A_22, %get3A_23, %get3A_24] : memref<2x512x64xf32, #tpu.memory_space<vmem>>, vector<1x512x64xf32>
    %get3A_26 = vector.shape_cast %get3A_25 : vector<1x512x64xf32> to vector<512x64xf32>
    %get3A_27 = arith.constant 1 : index
    %get3A_28 = arith.constant 0 : index
    %get3A_29 = arith.constant 0 : index
    %get3A_30 = vector.load %arg3[%get3A_27, %get3A_28, %get3A_29] : memref<2x512x64xf32, #tpu.memory_space<vmem>>, vector<1x512x64xf32>
    %get3A_31 = vector.shape_cast %get3A_30 : vector<1x512x64xf32> to vector<512x64xf32>
    %add3A_32 = arith.addf %get3A_26, %get3A_31 : vector<512x64xf32>
    %mul3A_33 = vector.broadcast %get3A_1 : vector<512x1xf32> to vector<512x64xf32>
    %mul3A_34 = arith.mulf %mul3A_33, %add3A_32 : vector<512x64xf32>
    %get3A_35 = arith.constant 1 : index
    %get3A_36 = arith.constant 0 : index
    %get3A_37 = arith.constant 0 : index
    %get3A_38 = vector.load %arg5[%get3A_35, %get3A_36, %get3A_37] : memref<2x1x64xf32, #tpu.memory_space<vmem>>, vector<1x1x64xf32>
    %get3A_39 = vector.shape_cast %get3A_38 : vector<1x1x64xf32> to vector<1x64xf32>
    %add3A_40 = vector.broadcast %get3A_39 : vector<1x64xf32> to vector<512x64xf32>
    %add3A_41 = arith.addf %mul3A_34, %add3A_40 : vector<512x64xf32>
    %max3A_42 = arith.constant 0.000000e+00 : f32
    %max3A_43 = vector.broadcast %max3A_42 : f32 to vector<512x64xf32>
    %max3A_44 = arith.maximumf %add3A_41, %max3A_43 : vector<512x64xf32>
    %concatenate3A = tpu.concatenate %max3A_21, %max3A_44 in 1 : vector<512x64xf32>, vector<512x64xf32> -> vector<512x128xf32>
    %get3A_45 = arith.constant 0 : index
    %get3A_46 = arith.constant 0 : index
    %get3A_47 = arith.constant 0 : index
    %get3A_48 = vector.load %arg6[%get3A_45, %get3A_46, %get3A_47] : memref<1x128x64xf32, #tpu.memory_space<vmem>>, vector<1x128x64xf32>
    %get3A_49 = vector.shape_cast %get3A_48 : vector<1x128x64xf32> to vector<128x64xf32>
    %dot_general3A = arith.constant dense<0.000000e+00> : vector<512x64xf32>
    %dot_general3A_50 = tpu.matmul %concatenate3A, %get3A_49, %dot_general3A {dimension_numbers = #tpu.dot_dimension_numbers<[1], [0], [0], [1], [0, 0, 1, 1], [], []>, transpose_lhs_hint = false} : vector<512x128xf32>, vector<128x64xf32>, vector<512x64xf32> -> vector<512x64xf32>
    %broadcast_in_dim3A = vector.shape_cast %dot_general3A_50 : vector<512x64xf32> to vector<1x512x64xf32>
    %swap3A = arith.constant 0 : index
    %swap3A_51 = arith.constant 0 : index
    %swap3A_52 = arith.constant 0 : index
    %swap3A_53 = vector.load %arg7[%swap3A, %swap3A_51, %swap3A_52] : memref<1x512x64xf32, #tpu.memory_space<vmem>>, vector<1x512x64xf32>
    tpu.vector_store %arg7[%swap3A, %swap3A_51, %swap3A_52], %broadcast_in_dim3A {strides = array<i32>} : memref<1x512x64xf32, #tpu.memory_space<vmem>>, vector<1x512x64xf32>,
    return
  }
  func.func @transform_0(%arg0: i32, %arg1: i32) -> (i32, i32, i32) {
    %c0_i32 = arith.constant 0 : i32
    %c0_i32_0 = arith.constant 0 : i32
    %c0_i32_1 = arith.constant 0 : i32
    return %c0_i32, %arg0, %c0_i32_0 : i32, i32, i32
  }
  func.func @transform_1(%arg0: i32, %arg1: i32) -> (i32, i32, i32) {
    %c0_i32 = arith.constant 0 : i32
    %c0_i32_0 = arith.constant 0 : i32
    %c0_i32_1 = arith.constant 0 : i32
    return %c0_i32, %arg0, %c0_i32_0 : i32, i32, i32
  }
  func.func @transform_2(%arg0: i32, %arg1: i32) -> (i32, i32) {
    %c0_i32 = arith.constant 0 : i32
    %c0_i32_0 = arith.constant 0 : i32
    return %arg0, %c0_i32 : i32, i32
  }
  func.func @transform_3(%arg0: i32, %arg1: i32) -> (i32, i32, i32) {
    %c0_i32 = arith.constant 0 : i32
    %c0_i32_0 = arith.constant 0 : i32
    %c0_i32_1 = arith.constant 0 : i32
    %c0_i32_2 = arith.constant 0 : i32
    return %c0_i32, %c0_i32_0, %c0_i32_1 : i32, i32, i32
  }
  func.func @transform_4(%arg0: i32, %arg1: i32) -> (i32, i32, i32) {
    %c0_i32 = arith.constant 0 : i32
    %c0_i32_0 = arith.constant 0 : i32
    %c0_i32_1 = arith.constant 0 : i32
    return %arg1, %c0_i32, %c0_i32_0 : i32, i32, i32
  }
  func.func @transform_5(%arg0: i32, %arg1: i32) -> (i32, i32, i32) {
    %c0_i32 = arith.constant 0 : i32
    %c0_i32_0 = arith.constant 0 : i32
    return %arg1, %arg0, %c0_i32 : i32, i32, i32
  }
}

module attributes {stable_mosaic.version = 14 : i64} {
  func.func @body(%arg0: i32, %arg1: i32, %arg2: memref<2x512x64xf32, #tpu.memory_space<vmem>>, %arg3: memref<4x512x64xf32, #tpu.memory_space<vmem>>, %arg4: memref<512x1xf32, #tpu.memory_space<vmem>>, %arg5: memref<2x1x64xf32, #tpu.memory_space<vmem>>, %arg6: memref<1x128x64xf32, #tpu.memory_space<vmem>>, %arg7: memref<1x512x64xf32, #tpu.memory_space<vmem>>, %arg8: memref<1x512x64xf32, #tpu.memory_space<vmem>>) attributes {dimension_semantics = [#tpu.dimension_semantics<arbitrary>, #tpu.dimension_semantics<arbitrary>], iteration_bounds = array<i64: 20, 4>, scalar_prefetch = 0 : i64, scratch_operands = 0 : i64, tpu.core_type = #tpu.core_type<tc>, window_params = [{transform_indices = @transform_0, window_bounds = array<i64: 2, 512, 64>}, {transform_indices = @transform_1, window_bounds = array<i64: 4, 512, 64>}, {transform_indices = @transform_2, window_bounds = array<i64: 512, 1>}, {transform_indices = @transform_3, window_bounds = array<i64: 2, 1, 64>}, {transform_indices = @transform_4, window_bounds = array<i64: 1, 128, 64>}, {transform_indices = @transform_5, window_bounds = array<i64: 1, 512, 64>}, {transform_indices = @transform_6, window_bounds = array<i64: 1, 512, 64>}]} {
    %get3A = arith.constant 0 : index
    %get3A_0 = arith.constant 0 : index
    %get3A_1 = vector.load %arg4[%get3A, %get3A_0] : memref<512x1xf32, #tpu.memory_space<vmem>>, vector<512x1xf32>
    %get3A_2 = arith.constant 0 : index
    %get3A_3 = arith.constant 0 : index
    %get3A_4 = arith.constant 0 : index
    %get3A_5 = vector.load %arg2[%get3A_2, %get3A_3, %get3A_4] : memref<2x512x64xf32, #tpu.memory_space<vmem>>, vector<1x512x64xf32>
    %get3A_6 = vector.shape_cast %get3A_5 : vector<1x512x64xf32> to vector<512x64xf32>
    %get3A_7 = arith.constant 2 : index
    %get3A_8 = arith.constant 0 : index
    %get3A_9 = arith.constant 0 : index
    %get3A_10 = vector.load %arg3[%get3A_7, %get3A_8, %get3A_9] : memref<4x512x64xf32, #tpu.memory_space<vmem>>, vector<1x512x64xf32>
    %get3A_11 = vector.shape_cast %get3A_10 : vector<1x512x64xf32> to vector<512x64xf32>
    %add3A = arith.addf %get3A_6, %get3A_11 : vector<512x64xf32>
    %mul3A = vector.broadcast %get3A_1 : vector<512x1xf32> to vector<512x64xf32>
    %mul3A_12 = arith.mulf %mul3A, %add3A : vector<512x64xf32>
    %get3A_13 = arith.constant 0 : index
    %get3A_14 = arith.constant 0 : index
    %get3A_15 = arith.constant 0 : index
    %get3A_16 = vector.load %arg5[%get3A_13, %get3A_14, %get3A_15] : memref<2x1x64xf32, #tpu.memory_space<vmem>>, vector<1x1x64xf32>
    %get3A_17 = vector.shape_cast %get3A_16 : vector<1x1x64xf32> to vector<1x64xf32>
    %add3A_18 = vector.broadcast %get3A_17 : vector<1x64xf32> to vector<512x64xf32>
    %add3A_19 = arith.addf %mul3A_12, %add3A_18 : vector<512x64xf32>
    %max3A = arith.constant 0.000000e+00 : f32
    %max3A_20 = vector.broadcast %max3A : f32 to vector<512x64xf32>
    %max3A_21 = arith.maximumf %add3A_19, %max3A_20 : vector<512x64xf32>
    %get3A_22 = arith.constant 1 : index
    %get3A_23 = arith.constant 0 : index
    %get3A_24 = arith.constant 0 : index
    %get3A_25 = vector.load %arg2[%get3A_22, %get3A_23, %get3A_24] : memref<2x512x64xf32, #tpu.memory_space<vmem>>, vector<1x512x64xf32>
    %get3A_26 = vector.shape_cast %get3A_25 : vector<1x512x64xf32> to vector<512x64xf32>
    %get3A_27 = arith.constant 3 : index
    %get3A_28 = arith.constant 0 : index
    %get3A_29 = arith.constant 0 : index
    %get3A_30 = vector.load %arg3[%get3A_27, %get3A_28, %get3A_29] : memref<4x512x64xf32, #tpu.memory_space<vmem>>, vector<1x512x64xf32>
    %get3A_31 = vector.shape_cast %get3A_30 : vector<1x512x64xf32> to vector<512x64xf32>
    %add3A_32 = arith.addf %get3A_26, %get3A_31 : vector<512x64xf32>
    %mul3A_33 = vector.broadcast %get3A_1 : vector<512x1xf32> to vector<512x64xf32>
    %mul3A_34 = arith.mulf %mul3A_33, %add3A_32 : vector<512x64xf32>
    %get3A_35 = arith.constant 1 : index
    %get3A_36 = arith.constant 0 : index
    %get3A_37 = arith.constant 0 : index
    %get3A_38 = vector.load %arg5[%get3A_35, %get3A_36, %get3A_37] : memref<2x1x64xf32, #tpu.memory_space<vmem>>, vector<1x1x64xf32>
    %get3A_39 = vector.shape_cast %get3A_38 : vector<1x1x64xf32> to vector<1x64xf32>
    %add3A_40 = vector.broadcast %get3A_39 : vector<1x64xf32> to vector<512x64xf32>
    %add3A_41 = arith.addf %mul3A_34, %add3A_40 : vector<512x64xf32>
    %max3A_42 = arith.constant 0.000000e+00 : f32
    %max3A_43 = vector.broadcast %max3A_42 : f32 to vector<512x64xf32>
    %max3A_44 = arith.maximumf %add3A_41, %max3A_43 : vector<512x64xf32>
    %concatenate3A = tpu.concatenate %max3A_21, %max3A_44 in 1 : vector<512x64xf32>, vector<512x64xf32> -> vector<512x128xf32>
    %get3A_45 = arith.constant 0 : index
    %get3A_46 = arith.constant 0 : index
    %get3A_47 = arith.constant 0 : index
    %get3A_48 = vector.load %arg7[%get3A_45, %get3A_46, %get3A_47] : memref<1x512x64xf32, #tpu.memory_space<vmem>>, vector<1x512x64xf32>
    %get3A_49 = vector.shape_cast %get3A_48 : vector<1x512x64xf32> to vector<512x64xf32>
    %get3A_50 = arith.constant 0 : index
    %get3A_51 = arith.constant 0 : index
    %get3A_52 = arith.constant 0 : index
    %get3A_53 = vector.load %arg6[%get3A_50, %get3A_51, %get3A_52] : memref<1x128x64xf32, #tpu.memory_space<vmem>>, vector<1x128x64xf32>
    %get3A_54 = vector.shape_cast %get3A_53 : vector<1x128x64xf32> to vector<128x64xf32>
    %dot_general3A = arith.constant dense<0.000000e+00> : vector<512x64xf32>
    %dot_general3A_55 = tpu.matmul %concatenate3A, %get3A_54, %dot_general3A {dimension_numbers = #tpu.dot_dimension_numbers<[1], [0], [0], [1], [0, 0, 1, 1], [], []>, transpose_lhs_hint = false} : vector<512x128xf32>, vector<128x64xf32>, vector<512x64xf32> -> vector<512x64xf32>
    %add3A_56 = arith.addf %get3A_49, %dot_general3A_55 : vector<512x64xf32>
    %mul3A_57 = vector.broadcast %get3A_1 : vector<512x1xf32> to vector<512x64xf32>
    %mul3A_58 = arith.mulf %add3A_56, %mul3A_57 : vector<512x64xf32>
    %broadcast_in_dim3A = vector.shape_cast %mul3A_58 : vector<512x64xf32> to vector<1x512x64xf32>
    %swap3A = arith.constant 0 : index
    %swap3A_59 = arith.constant 0 : index
    %swap3A_60 = arith.constant 0 : index
    %swap3A_61 = vector.load %arg8[%swap3A, %swap3A_59, %swap3A_60] : memref<1x512x64xf32, #tpu.memory_space<vmem>>, vector<1x512x64xf32>
    tpu.vector_store %arg8[%swap3A, %swap3A_59, %swap3A_60], %broadcast_in_dim3A {strides = array<i32>} : memref<1x512x64xf32, #tpu.memory_space<vmem>>, vector<1x512x64xf32>,
    return
  }
  func.func @transform_0(%arg0: i32, %arg1: i32) -> (i32, i32, i32) {
    %c0_i32 = arith.constant 0 : i32
    %c0_i32_0 = arith.constant 0 : i32
    %c0_i32_1 = arith.constant 0 : i32
    return %c0_i32, %arg0, %c0_i32_0 : i32, i32, i32
  }
  func.func @transform_1(%arg0: i32, %arg1: i32) -> (i32, i32, i32) {
    %c0_i32 = arith.constant 0 : i32
    %c0_i32_0 = arith.constant 0 : i32
    %c0_i32_1 = arith.constant 0 : i32
    return %c0_i32, %arg0, %c0_i32_0 : i32, i32, i32
  }
  func.func @transform_2(%arg0: i32, %arg1: i32) -> (i32, i32) {
    %c0_i32 = arith.constant 0 : i32
    %c0_i32_0 = arith.constant 0 : i32
    return %arg0, %c0_i32 : i32, i32
  }
  func.func @transform_3(%arg0: i32, %arg1: i32) -> (i32, i32, i32) {
    %c1_i32 = arith.constant 1 : i32
    %c0_i32 = arith.constant 0 : i32
    %c0_i32_0 = arith.constant 0 : i32
    %c0_i32_1 = arith.constant 0 : i32
    return %c1_i32, %c0_i32, %c0_i32_0 : i32, i32, i32
  }
  func.func @transform_4(%arg0: i32, %arg1: i32) -> (i32, i32, i32) {
    %c0_i32 = arith.constant 0 : i32
    %c0_i32_0 = arith.constant 0 : i32
    %c0_i32_1 = arith.constant 0 : i32
    return %arg1, %c0_i32, %c0_i32_0 : i32, i32, i32
  }
  func.func @transform_5(%arg0: i32, %arg1: i32) -> (i32, i32, i32) {
    %c0_i32 = arith.constant 0 : i32
    %c0_i32_0 = arith.constant 0 : i32
    return %arg1, %arg0, %c0_i32 : i32, i32, i32
  }
  func.func @transform_6(%arg0: i32, %arg1: i32) -> (i32, i32, i32) {
    %c0_i32 = arith.constant 0 : i32
    %c0_i32_0 = arith.constant 0 : i32
    return %arg1, %arg0, %c0_i32 : i32, i32, i32
  }
}

module attributes {stable_mosaic.version = 14 : i64} {
  func.func @body(%arg0: i32, %arg1: memref<2x512x64xf32, #tpu.memory_space<vmem>>, %arg2: memref<2x512x64xf32, #tpu.memory_space<vmem>>, %arg3: memref<512x1xf32, #tpu.memory_space<vmem>>, %arg4: memref<1x128xf32, #tpu.memory_space<vmem>>, %arg5: memref<512x128xf32, #tpu.memory_space<vmem>>) attributes {dimension_semantics = [#tpu.dimension_semantics<arbitrary>], iteration_bounds = array<i64: 20>, scalar_prefetch = 0 : i64, scratch_operands = 0 : i64, tpu.core_type = #tpu.core_type<tc>, window_params = [{transform_indices = @transform_0, window_bounds = array<i64: 2, 512, 64>}, {transform_indices = @transform_1, window_bounds = array<i64: 2, 512, 64>}, {transform_indices = @transform_2, window_bounds = array<i64: 512, 1>}, {pipeline_mode = #tpu.pipeline_mode<synchronous>, transform_indices = @transform_3, window_bounds = array<i64: 1, 128>}, {transform_indices = @transform_4, window_bounds = array<i64: 512, 128>}]} {
    %get3A = arith.constant 0 : index
    %get3A_0 = arith.constant 0 : index
    %get3A_1 = arith.constant 0 : index
    %get3A_2 = vector.load %arg1[%get3A, %get3A_0, %get3A_1] : memref<2x512x64xf32, #tpu.memory_space<vmem>>, vector<1x512x64xf32>
    %get3A_3 = vector.shape_cast %get3A_2 : vector<1x512x64xf32> to vector<512x64xf32>
    %get3A_4 = arith.constant 0 : index
    %get3A_5 = arith.constant 0 : index
    %get3A_6 = arith.constant 0 : index
    %get3A_7 = vector.load %arg2[%get3A_4, %get3A_5, %get3A_6] : memref<2x512x64xf32, #tpu.memory_space<vmem>>, vector<1x512x64xf32>
    %get3A_8 = vector.shape_cast %get3A_7 : vector<1x512x64xf32> to vector<512x64xf32>
    %add3A = arith.addf %get3A_3, %get3A_8 : vector<512x64xf32>
    %get3A_9 = arith.constant 1 : index
    %get3A_10 = arith.constant 0 : index
    %get3A_11 = arith.constant 0 : index
    %get3A_12 = vector.load %arg1[%get3A_9, %get3A_10, %get3A_11] : memref<2x512x64xf32, #tpu.memory_space<vmem>>, vector<1x512x64xf32>
    %get3A_13 = vector.shape_cast %get3A_12 : vector<1x512x64xf32> to vector<512x64xf32>
    %get3A_14 = arith.constant 1 : index
    %get3A_15 = arith.constant 0 : index
    %get3A_16 = arith.constant 0 : index
    %get3A_17 = vector.load %arg2[%get3A_14, %get3A_15, %get3A_16] : memref<2x512x64xf32, #tpu.memory_space<vmem>>, vector<1x512x64xf32>
    %get3A_18 = vector.shape_cast %get3A_17 : vector<1x512x64xf32> to vector<512x64xf32>
    %add3A_19 = arith.addf %get3A_13, %get3A_18 : vector<512x64xf32>
    %get3A_20 = arith.constant 0 : index
    %get3A_21 = arith.constant 0 : index
    %get3A_22 = vector.load %arg3[%get3A_20, %get3A_21] : memref<512x1xf32, #tpu.memory_space<vmem>>, vector<512x1xf32>
    %concatenate3A = tpu.concatenate %add3A, %add3A_19 in 1 : vector<512x64xf32>, vector<512x64xf32> -> vector<512x128xf32>
    %mul3A = vector.broadcast %get3A_22 : vector<512x1xf32> to vector<512x128xf32>
    %mul3A_23 = arith.mulf %mul3A, %concatenate3A : vector<512x128xf32>
    %get3A_24 = arith.constant 0 : index
    %get3A_25 = arith.constant 0 : index
    %get3A_26 = vector.load %arg4[%get3A_24, %get3A_25] : memref<1x128xf32, #tpu.memory_space<vmem>>, vector<1x128xf32>
    %add3A_27 = vector.broadcast %get3A_26 : vector<1x128xf32> to vector<512x128xf32>
    %add3A_28 = arith.addf %mul3A_23, %add3A_27 : vector<512x128xf32>
    %swap3A = arith.constant 0 : index
    %swap3A_29 = arith.constant 0 : index
    %swap3A_30 = vector.load %arg5[%swap3A, %swap3A_29] : memref<512x128xf32, #tpu.memory_space<vmem>>, vector<512x128xf32>
    tpu.vector_store %arg5[%swap3A, %swap3A_29], %add3A_28 {strides = array<i32>} : memref<512x128xf32, #tpu.memory_space<vmem>>, vector<512x128xf32>,
    return
  }
  func.func @transform_0(%arg0: i32) -> (i32, i32, i32) {
    %c0_i32 = arith.constant 0 : i32
    %c0_i32_0 = arith.constant 0 : i32
    %c0_i32_1 = arith.constant 0 : i32
    return %c0_i32, %arg0, %c0_i32_0 : i32, i32, i32
  }
  func.func @transform_1(%arg0: i32) -> (i32, i32, i32) {
    %c0_i32 = arith.constant 0 : i32
    %c0_i32_0 = arith.constant 0 : i32
    %c0_i32_1 = arith.constant 0 : i32
    return %c0_i32, %arg0, %c0_i32_0 : i32, i32, i32
  }
  func.func @transform_2(%arg0: i32) -> (i32, i32) {
    %c0_i32 = arith.constant 0 : i32
    %c0_i32_0 = arith.constant 0 : i32
    return %arg0, %c0_i32 : i32, i32
  }
  func.func @transform_3(%arg0: i32) -> (i32, i32) {
    %c0_i32 = arith.constant 0 : i32
    %c0_i32_0 = arith.constant 0 : i32
    %c0_i32_1 = arith.constant 0 : i32
    return %c0_i32, %c0_i32_0 : i32, i32
  }
  func.func @transform_4(%arg0: i32) -> (i32, i32) {
    %c0_i32 = arith.constant 0 : i32
    %c0_i32_0 = arith.constant 0 : i32
    return %arg0, %c0_i32 : i32, i32
  }
}

</mosaic_0001>

<sc_bundles>
// kernel: kernel.19.cloned.1.call-start
scs
__scs_entry_jumppad:
0x0: {  	(pc) =	sbr.rel $0x88, $3  }
0x1: {  	(tag) =	ssettag $0x0;
	lr =	simm.s32 $0x1  }
0x2: {  	[smem:$0x3F97] =	sst lr;
	_ =	strace $0xD0000000  }
0x3: {  	_ = 	snop  }
0x4: {  	_ = 	snop  }
0x5: {  	_ = 	snop  }
0x6: {  	_ = 	snop  }
0x7: {  	_ = 	snop  }
__scs_overlays_trampoline_lowered:
0x8: {  	[smem:$0x3FA6] =	sst s0  }
0x9: {  	[smem:$0x3FA7] =	sst s1  }
0xa: {  	[smem:$0x3FA8] =	sst s2  }
0xb: {  	[smem:$0x3FA9] =	sst s3  }
0xc: {  	[smem:$0x3FAA] =	sst s4  }
0xd: {  	[smem:$0x3FAB] =	sst s5  }
0xe: {  	[smem:$0x3FAC] =	sst s6  }
0xf: {  	[smem:$0x3FAD] =	sst s7  }
0x10: {  	[smem:$0x3FAE] =	sst s8  }
0x11: {  	[smem:$0x3FAF] =	sst s9;
	s0 =	simm.s32 @!p0 $0x0  }
0x12: {  	s1 =	sld [smem:$0x3F95];
	s0 =	simm.s32 @p0 $0x1  }
0x13: {  	[smem:$0x3FB0] =	sst s0;
	s0 =	simm.s32 @!p1 $0x0  }
0x14: {  	s2 =	sld [smem:$0x3F94];
	s0 =	simm.s32 @p1 $0x1  }
0x15: {  	[smem:$0x3FB1] =	sst s0;
	s0 =	simm.s32 @!p2 $0x0  }
0x16: {  	s3 =	sld [smem:$0x3FDB];
	s0 =	simm.s32 @p2 $0x1  }
0x17: {  	s4 =	simm.s32 $0x1BF5;
	[smem:$0x3FB3] =	sst s0  }
0x18: {  	s0 =	sld [smem:$0x3F96];
	_ =	swait.ge [sflag:s4], $0x0  }
0x19: {  	s7 =	sld [smem:$0x3F97]  }
0x1a: {  	s8 =	sadd.s32 $0xFFFFE003, lr  }
0x1b: {  	s9 =	sadd.s32 $0xFFFFFEF7, lr;
	s5 =	simm.s32 $0xFFFFFFFF;
	p2 =	slt.u32 s8, $0xFFFFF086  }
0x1c: {  	p1 =	slt.u32 s9, $0xF7A;
	s5 =	simm.s32 @!p2 $0x0  }
0x1d: {  	s5 =	simm.s32 @p1 $0x1;
	p0 =	seq.s32 s7, s2  }
0x1e: {  	s7 =	smul.u32 @!p0 $0xF7A, s2;
	p2 =	seq.s32 @!p0 s5, $0x0  }
0x1f: {  	s9 =	smul.u32 $0xF7A, s1;
	s8 =	simm.s32 @!p0 $0x1BF5;
	p2 =	por !p2, p0  }
0x20: {  	[sflag:s8] =	ssyncset.s32 @!p0 $0xFFFFF086;
	s6 =	sadd.s32 @!p0 s3, s7;
	s7 =	simm.s32 @!p0 $0x108  }
0x21: {  	s3 =	sadd.s32 s3, s9;
	s6 =	sadd.s32 @!p0 $0x88, s6;
	s7 =	simm.s32 @p2 $0x1082  }
0x22: {  	[simem:s7], [sflag:s8] =	dma.local @!p0 [hbm:s6], $0xF7A  }
0x23: {  	s9 =	sor.u32 $0xD0000000, s2;
	s6 =	simm.s32 $0x108;
	_ =	swait.ge @!p0 [sflag:s8], $0x0  }
0x24: {  	s3 =	sadd.s32 $0x88, s3;
	s6 =	simm.s32 @!p1 $0x1082;
	[sflag:s4] =	ssyncset.s32 $0xFFFFF086  }
0x25: {  	[simem:s6], [sflag:s4] =	dma.local [hbm:s3], $0xF7A  }
0x26: {  	[smem:$0x3F97] =	sst s1;
	(tag) =	ssettag s2;
	_ =	strace s9  }
0x27: {  	s1 =	sld [smem:$0x3FA7]  }
0x28: {  	s2 =	sld [smem:$0x3FA8]  }
0x29: {  	s4 =	sld [smem:$0x3FAA]  }
0x2a: {  	p0 =	seq.s32 s5, $0x0;
	s5 =	sld [smem:$0x3FAB]  }
0x2b: {  	s6 =	sld [smem:$0x3FAC]  }
0x2c: {  	s7 =	sld [smem:$0x3FAD]  }
0x2d: {  	s3 =	simm.s32 $0x108;
	s8 =	sld [smem:$0x3FAE]  }
0x2e: {  	s3 =	simm.s32 @!p0 $0x1082;
	s9 =	sld [smem:$0x3FAF]  }
0x2f: {  	lr =	sadd.s32 s0, s3;
	s0 =	sld [smem:$0x3FA6]  }
0x30: {  	s3 =	sld [smem:$0x3FA9]  }
0x31: {  	[smem:$0x3FB2] =	sst s10  }
0x32: {  	s10 =	sld [smem:$0x3FB0];
	_ =	sdelay $0x3  }
0x33: {  	p0 =	seq.s32 s10, $0x1;
	s10 =	sld [smem:$0x3FB2];
	_ =	sdelay $0x3  }
0x34: {  	[smem:$0x3FB2] =	sst s10  }
0x35: {  	s10 =	sld [smem:$0x3FB1];
	_ =	sdelay $0x3  }
0x36: {  	p1 =	seq.s32 s10, $0x1;
	s10 =	sld [smem:$0x3FB2];
	_ =	sdelay $0x3  }
0x37: {  	[smem:$0x3FB2] =	sst s10  }
0x38: {  	s10 =	sld [smem:$0x3FB3]  }
0x39: {  	_ = 	snop;
	(pc) =	sbr.ind lr, $3  }
0x3a: {  	_ = 	snop  }
0x3b: {  	_ = 	snop  }
0x3c: {  	p2 =	seq.s32 s10, $0x1;
	s10 =	sld [smem:$0x3FB2]  }
0x3d: {  	_ =	shalt  }
0x3e: {  	_ =	shalt  }
0x3f: {  	_ =	shalt  }
0x40: {  	_ =	shalt  }
0x41: {  	_ =	shalt  }
0x42: {  	_ =	shalt  }
0x43: {  	_ =	shalt  }
0x44: {  	_ =	shalt  }
0x45: {  	_ =	shalt  }
0x46: {  	_ =	shalt  }
0x47: {  	_ =	shalt  }
0x48: {  	_ =	shalt  }
0x49: {  	_ =	shalt  }
0x4a: {  	_ =	shalt  }
0x4b: {  	_ =	shalt  }
0x4c: {  	_ =	shalt  }
0x4d: {  	_ =	shalt  }
0x4e: {  	_ =	shalt  }
0x4f: {  	_ =	shalt  }
0x50: {  	_ =	shalt  }
0x51: {  	_ =	shalt  }
0x52: {  	_ =	shalt  }
0x53: {  	_ =	shalt  }
0x54: {  	_ =	shalt  }
0x55: {  	_ =	shalt  }
0x56: {  	_ =	shalt  }
0x57: {  	_ =	shalt  }
0x58: {  	_ =	shalt  }
0x59: {  	_ =	shalt  }
0x5a: {  	_ =	shalt  }
0x5b: {  	_ =	shalt  }
0x5c: {  	_ =	shalt  }
0x5d: {  	_ =	shalt  }
0x5e: {  	_ =	shalt  }
0x5f: {  	_ =	shalt  }
0x60: {  	_ =	shalt  }
0x61: {  	_ =	shalt  }
0x62: {  	_ =	shalt  }
0x63: {  	_ =	shalt  }
0x64: {  	_ =	shalt  }
0x65: {  	_ =	shalt  }
0x66: {  	_ =	shalt  }
0x67: {  	_ =	shalt  }
0x68: {  	_ =	shalt  }
0x69: {  	_ =	shalt  }
0x6a: {  	_ =	shalt  }
0x6b: {  	_ =	shalt  }
0x6c: {  	_ =	shalt  }
0x6d: {  	_ =	shalt  }
0x6e: {  	_ =	shalt  }
0x6f: {  	_ =	shalt  }
0x70: {  	_ =	shalt  }
0x71: {  	_ =	shalt  }
0x72: {  	_ =	shalt  }
0x73: {  	_ =	shalt  }
0x74: {  	_ =	shalt  }
0x75: {  	_ =	shalt  }
0x76: {  	_ =	shalt  }
0x77: {  	_ =	shalt  }
0x78: {  	_ =	shalt  }
0x79: {  	_ =	shalt  }
0x7a: {  	_ =	shalt  }
0x7b: {  	_ =	shalt  }
0x7c: {  	_ =	shalt  }
0x7d: {  	_ =	shalt  }
0x7e: {  	_ =	shalt  }
0x7f: {  	_ =	shalt  }
0x80: {  	_ =	shalt  }
0x81: {  	_ =	shalt  }
0x82: {  	_ =	shalt  }
0x83: {  	_ =	shalt  }
0x84: {  	_ =	shalt  }
0x85: {  	_ =	shalt  }
0x86: {  	_ =	shalt  }
0x87: {  	_ =	shalt  }
.Lfunc_end0:
.L_simem_size_0:
called_computation_lowered:
.L_overlay_start_0:
0x88: {  	s2 =	sld [smem:$0x3FD9]  }
0x89: {  	s3 =	sld [smem:$0x3FFE];
	_ =	sdelay $0x1  }
0x8a: {  	s1 =	srdreg.scid  }
0x8b: {  	s0 =	sand.u32 $0x1, s1  }
0x8c: {  	s17 =	sshll.u32 s0, $0xA;
	s2 =	sadd.s32 s3, s2  }
0x8d: {  	s2 =	sadd.s32 s2, s17  }
0x8e: {  	[smem:$0x3FBE] =	sst s2  }
0x8f: {  	_ = 	snop  }
0x90: {  	s2 =	sld [smem:$0x3FD0];
	(tm) =	ssettm $0x1  }
0x91: {  	s18 =	sld [smem:$0x3FFB];
	_ =	sdelay $0x3  }
0x92: {  	_ =	strace s18  }
0x93: {  	s3 =	sld [smem:$0x3FFC];
	_ =	sdelay $0x3  }
0x94: {  	_ =	strace s3  }
0x95: {  	s3 =	sld [smem:$0x3FFD];
	_ =	sdelay $0x3  }
0x96: {  	_ =	strace s3  }
0x97: {  	_ =	strace $0x8FFFFFFF  }
0x98: {  	s19 =	sld [smem:$0x3FDB];
	_ =	sdelay $0x1  }
0x99: {  	s4 =	simm.s32 $_scs_section_size  }
0x9a: {  	s5 =	simm.s32 $_size__tile_overlayer_lowered;
	s6 =	simm.s32 $_tile_overlayer_lowered  }
0x9b: {  	s22 =	simm.s32 $0x1BFF;
	s21 =	sshll.u32 s6, $0x1;
	s3 =	sadd.s32 s4, s19  }
0x9c: {  	s7 =	simm.s32 $0x0;
	s20 =	sshll.u32 s5, $0x1;
	s5 =	sadd.s32 s21, s3  }
0x9d: {  	[timem:s7], [sflag:s22] =	dma.local [hbm:s5], s20  }
0x9e: {  	_ =	swait.ge [sflag:s22], s20  }
0x9f: {  	s4 =	ssub.s32 $0x0, s20;
	[sflag:s22] =	ssyncset.done $0x0  }
0xa0: {  	[sflag:s22] =	ssyncadd.s32 s4;
	_ =	sdelay $0x1  }
0xa1: {  	s23 =	simm.s32 $0x1B8B  }
0xa2: {  	_ =	swait.ge [sflag:s23], $0x1  }
0xa3: {  	[sflag:s23] =	ssyncset.done $0x0  }
0xa4: {  	s25 =	simm.s32 $0x1B8E;
	s24 =	sld [smem:$0x3FFE];
	[sflag:s23] =	ssyncadd.s32 $0xFFFFFFFF  }
0xa5: {  	s26 =	simm.s32 $execute0_lowered;
	[smem:$0x3FD2] =	sst s25  }
0xa6: {  	s5 =	sshll.u32 s26, $0x1;
	_ =	strace $0x80000046;
	[dreg:$0x1] =	wrdreg $0xFFFFFFFF  }
0xa7: {  	s28 =	simm.s32 $_size_execute0_lowered;
	s3 =	sadd.s32 s3, s5;
	[dreg:$0x0] =	wrdreg $0x0  }
0xa8: {  	s5 =	sshll.u32 s28, $0x1;
	[dreg:$0x2] =	wrdreg s3  }
0xa9: {  	[dreg:$0x3] =	wrdreg s5  }
0xaa: {  	[dreg:$0x4] =	wrdreg $0xC0  }
0xab: {  	_ =	task [dreg:s7], $0x5FFFF  }
0xac: {  	[dreg:$0x1] =	wrdreg $0xFFFFFFFF  }
0xad: {  	[dreg:$0x0] =	wrdreg $0x60  }
0xae: {  	[dreg:$0x2] =	wrdreg s24  }
0xaf: {  	[dreg:$0x3] =	wrdreg s2  }
0xb0: {  	[dreg:$0x4] =	wrdreg $0x30000  }
0xb1: {  	[dreg:$0x5] =	wrdreg $0x9  }
0xb2: {  	_ =	task.clear_ibuf [dreg:s7], $0x6FFFF;
	_ =	strace $0x90000046  }
0xb3: {  	s29 =	simm.s32 $0x9;
	_ =	strace $0x80000048  }
0xb4: {  	_ =	swait.ge [sflag:s29], $0x1  }
0xb5: {  	[sflag:s29] =	ssyncadd.s32 $0xFFFFFFFF  }
0xb6: {  	_ =	strace $0x90000048  }
0xb7: {  	_ =	sfence  }
0xb8: {  	s30 =	sld [smem:$0x0];
	_ =	sdelay $0x2  }
0xb9: {  	s31 =	sshll.u32 s1, $0xD;
	s1 =	sshrl.u32 s1, $0x2  }
0xba: {  	s3 =	sand.u32 $0x4000, s31;
	s1 =	sadd.s32 s1, s30  }
0xbb: {  	s0 =	sor.u32 s3, s0;
	s1 =	sshll.u32 s1, $0x11  }
0xbc: {  	s0 =	sor.u32 s1, s0  }
0xbd: {  	s0 =	sadd.s32 $0x8F2B, s0  }
0xbe: {  	[sflag:s0] =	ssyncadd.remote.s32 $0x1  }
0xbf: {  	_ =	sfence.sel $0xFFFF  }
0xc0: {  	[dreg:$0x0] =	wrdreg $0xFFFFFFFF;
	(pc) =	sbr.abs _section_cstart, $3  }
0xc1: {  	[dreg:$0x1] =	wrdreg $0xFFFFFFFF  }
0xc2: {  	_ =	task.clear_ibuf [dreg:s7], $0x2FFFF;
	_ =	strace $0x9FFFFFFF  }
0xc3: {  	(tm) =	ssettm $0x7FFFFFFF  }
tec
execute0_lowered:
.L_overlay_start_1:
0x0: {  	(tag) =	ssettag $0x1  }
0x1: {  	s5 =	rddreg [dreg:$0x0]  }
0x2: {  	s7 =	rddreg [dreg:$0x1]  }
0x3: {  	s2 =	rddreg [dreg:$0x2]  }
0x4: {  	s0 =	rddreg [dreg:$0x3]  }
0x5: {  	s1 =	stileid.u32;
	s4 =	srdreg.scid  }
0x6: {  	s3 =	simm.s32 $0x0;
	s14 =	simm.s32 $0x0;
	s6 =	smul.u32 $0x2800, s1  }
0x7: {  	s8 =	sand.u32 $0x1, s4;
	[smem:$0x7FF] =	sst s3;
	s4 =	sadd.s32 $0xA200, s5  }
0x8: {  	s31 =	sshll.u32 s1, $0x6;
	s9 =	smul.u32 $0x28000, s8;
	s8 =	ssub.s32 $0x2, s8  }
0x9: {  	_ =	strace $0x80000047;
	s10 =	sshrl.u32 s6, $0x3;
	s11 =	sshrl.u32 s8, $0x1  }
0xa: {  	s13 =	sadd.s32 s6, s2;
	s9 =	sadd.s32 s6, s9;
	s10 =	sadd.s32 s10, s5  }
0xb: {  	s11 =	ssub.s32 s8, s11;
	s6 =	sor.u32 $0x1C01, s31;
	s9 =	sshrl.u32 s9, $0x3  }
0xc: {  	s12 =	sadd.s32 s9, s5;
	s5 =	sadd.s32 $0x5200, s10;
	s7 =	sadd.s32 s7, s9  }
0xd: {  	s9 =	smax.u32 s11, $0x1;
	s10 =	sshrl.u32 s13, $0x3;
	s11 =	simm.s32 $0x1  }
0xe: {  	s13 =	simm.s32 $0x80;
	s8 =	sadd.s32 $0xA400, s12;
	s12 =	simm.s32 $0x2800  }
.LBB2_1:
0xf: {  	[spmem:s10], [sflag:s6] =	dma.local [hbm:s5], $0x500  }
0x10: {  	_ =	swait.ge [sflag:s11], $0x500  }
0x11: {  	[sflag:s11] =	ssyncset.done $0x0  }
0x12: {  	[sflag:s11] =	ssyncadd.s32 $0xFFFFFB00  }
0x13: {  	[tilespmem:s3], [sflag:$0x1] =	stream.linear.gather [hbm4b:s7+s3], $0x2800, $0x38;
	[tilespmem:$0x5800] =	vst v63  }
0x14: {  	_ =	swait.ge [sflag:s11], $0x2800  }
0x15: {  	[sflag:s11] =	ssyncset.done $0x0  }
0x16: {  	[sflag:s11] =	ssyncadd.s32 $0xFFFFD800  }
0x17: {  	[tilespmem:s12], [sflag:$0x1] =	stream.linear.gather [hbm4b:s4+s3], $0x800, $0x38;
	[tilespmem:$0x5800] =	vst v63  }
0x18: {  	_ =	swait.ge [sflag:s11], $0x800  }
0x19: {  	[sflag:s11] =	ssyncset.done $0x0  }
0x1a: {  	[sflag:s11] =	ssyncadd.s32 $0xFFFFF800  }
0x1b: {  	s15 =	simm.s32 $0x0;
	[bflag:$0x0] =	sbarrier.arrive $0xFFFF  }
0x1c: {  	[spmem:s2] =	stream.indirect.scatter.add.f32 [tilespmem:s12], [sflag:$0x1], $0x10, s15, s13, $0xb8;
	[tilespmem:$0x5800] =	vst v63  }
0x1d: {  	_ =	swait.ge [sflag:s11], $0x800  }
0x1e: {  	s15 =	simm.s32 $0x200;
	[sflag:s11] =	ssyncset.done $0x0  }
.LBB2_2:
0x1f: {  	s16 =	sshra.s32 s15, $0x2;
	[sflag:s11] =	ssyncadd.s32 $0xFFFFF800;
	p0 =	sne.s32 s15, $0x9E00  }
0x20: {  	[spmem:s2] =	stream.indirect.scatter.add.f32 [tilespmem:s12], [sflag:$0x1], $0x10, s16, s13, $0xb8;
	[tilespmem:$0x5800] =	vst v63  }
.Ltmp0:
0x21: {  	_ = 	snop;
	(pc) =	sbr.rel @p0 .LBB2_2-.Ltmp0, $4  }
0x22: {  	_ = 	snop  }
0x23: {  	s15 =	sadd.s32 $0x200, s15  }
0x24: {  	_ =	swait.ge [sflag:s11], $0x800  }
0x25: {  	[sflag:s11] =	ssyncset.done $0x0  }
0x26: {  	s14 =	sadd.s32 $0x1, s14  }
0x27: {  	[sflag:s11] =	ssyncadd.s32 $0xFFFFF800;
	p0 =	sne.s32 s14, s9  }
.Ltmp1:
0x28: {  	[bflag:$0x0] =	sbarrier.arrive $0xFFFF;
	(pc) =	sbr.rel @p0 .LBB2_1-.Ltmp1, $4  }
0x29: {  	[hbm:s8], [sflag:s6] =	dma.local [spmem:s10], $0x500  }
0x2a: {  	_ =	swait.ge [sflag:s11], $0x500  }
0x2b: {  	[sflag:s11] =	ssyncset.done $0x0  }
0x2c: {  	[sflag:s11] =	ssyncadd.s32 $0xFFFFFB00  }
0x2d: {  	_ =	sfence.sel $0x180000  }
0x2e: {  	[bflag:$0x0] =	sbarrier.arrive $0xFFFF  }
0x2f: {  	p0 =	sne.s32 s1, $0x0;
	_ =	strace $0x90000047  }
0x30: {  	s0 =	sadd.s32 @!p0 $0x100000, s0;
	[bflag:$0x2] =	sbarrier.arrive $0xFFFF  }
0x31: {  	[sflag:s0] =	ssyncadd.tile.s32 @!p0 $0x1;
	_ =	shalt  }
.Lfunc_end2:
_tile_overlayer_lowered:
.L_overlay_start_2:
0x32: {  	(tag) =	ssettag $0x2  }
0x33: {  	s0 =	rddreg [dreg:$0x0];
	s2 =	stileid.u32  }
0x34: {  	s1 =	rddreg [dreg:$0x1];
	p0 =	sne.s32 s2, $0x0  }
0x35: {  	s3 =	rddreg [dreg:$0x2];
	[bflag:$0x3] =	sbarrier.arrive $0xFFFF;
	s2 =	simm.s32 @!p0 $0x1C01  }
0x36: {  	[timem:s3], [sflag:s2] =	dma.local @!p0 [hbm:s0], s1  }
0x37: {  	s0 =	simm.s32 @!p0 $0x1  }
0x38: {  	_ =	swait.ge @!p0 [sflag:s0], s1  }
0x39: {  	s1 =	ssub.s32 @!p0 $0x0, s1;
	[sflag:s0] =	ssyncset.done @!p0 $0x0  }
0x3a: {  	[sflag:s0] =	ssyncadd.s32 @!p0 s1  }
0x3b: {  	[bflag:$0x3] =	sbarrier.arrive $0xFFFF  }
0x3c: {  	_ =	shalt  }

// kernel: kernel.22.cloned.1.call-start
scs
__scs_entry_jumppad:
0x0: {  	(pc) =	sbr.rel $0x88, $3  }
0x1: {  	(tag) =	ssettag $0x0;
	lr =	simm.s32 $0x1  }
0x2: {  	[smem:$0x3F97] =	sst lr;
	_ =	strace $0xD0000000  }
0x3: {  	_ = 	snop  }
0x4: {  	_ = 	snop  }
0x5: {  	_ = 	snop  }
0x6: {  	_ = 	snop  }
0x7: {  	_ = 	snop  }
__scs_overlays_trampoline_lowered:
0x8: {  	[smem:$0x3FA6] =	sst s0  }
0x9: {  	[smem:$0x3FA7] =	sst s1  }
0xa: {  	[smem:$0x3FA8] =	sst s2  }
0xb: {  	[smem:$0x3FA9] =	sst s3  }
0xc: {  	[smem:$0x3FAA] =	sst s4  }
0xd: {  	[smem:$0x3FAB] =	sst s5  }
0xe: {  	[smem:$0x3FAC] =	sst s6  }
0xf: {  	[smem:$0x3FAD] =	sst s7  }
0x10: {  	[smem:$0x3FAE] =	sst s8  }
0x11: {  	[smem:$0x3FAF] =	sst s9;
	s0 =	simm.s32 @!p0 $0x0  }
0x12: {  	s1 =	sld [smem:$0x3F95];
	s0 =	simm.s32 @p0 $0x1  }
0x13: {  	[smem:$0x3FB0] =	sst s0;
	s0 =	simm.s32 @!p1 $0x0  }
0x14: {  	s2 =	sld [smem:$0x3F94];
	s0 =	simm.s32 @p1 $0x1  }
0x15: {  	[smem:$0x3FB1] =	sst s0;
	s0 =	simm.s32 @!p2 $0x0  }
0x16: {  	s3 =	sld [smem:$0x3FDB];
	s0 =	simm.s32 @p2 $0x1  }
0x17: {  	s4 =	simm.s32 $0x1BF5;
	[smem:$0x3FB3] =	sst s0  }
0x18: {  	s0 =	sld [smem:$0x3F96];
	_ =	swait.ge [sflag:s4], $0x0  }
0x19: {  	s7 =	sld [smem:$0x3F97]  }
0x1a: {  	s8 =	sadd.s32 $0xFFFFE003, lr  }
0x1b: {  	s9 =	sadd.s32 $0xFFFFFEF7, lr;
	s5 =	simm.s32 $0xFFFFFFFF;
	p2 =	slt.u32 s8, $0xFFFFF086  }
0x1c: {  	p1 =	slt.u32 s9, $0xF7A;
	s5 =	simm.s32 @!p2 $0x0  }
0x1d: {  	s5 =	simm.s32 @p1 $0x1;
	p0 =	seq.s32 s7, s2  }
0x1e: {  	s7 =	smul.u32 @!p0 $0xF7A, s2;
	p2 =	seq.s32 @!p0 s5, $0x0  }
0x1f: {  	s9 =	smul.u32 $0xF7A, s1;
	s8 =	simm.s32 @!p0 $0x1BF5;
	p2 =	por !p2, p0  }
0x20: {  	[sflag:s8] =	ssyncset.s32 @!p0 $0xFFFFF086;
	s6 =	sadd.s32 @!p0 s3, s7;
	s7 =	simm.s32 @!p0 $0x108  }
0x21: {  	s3 =	sadd.s32 s3, s9;
	s6 =	sadd.s32 @!p0 $0x88, s6;
	s7 =	simm.s32 @p2 $0x1082  }
0x22: {  	[simem:s7], [sflag:s8] =	dma.local @!p0 [hbm:s6], $0xF7A  }
0x23: {  	s9 =	sor.u32 $0xD0000000, s2;
	s6 =	simm.s32 $0x108;
	_ =	swait.ge @!p0 [sflag:s8], $0x0  }
0x24: {  	s3 =	sadd.s32 $0x88, s3;
	s6 =	simm.s32 @!p1 $0x1082;
	[sflag:s4] =	ssyncset.s32 $0xFFFFF086  }
0x25: {  	[simem:s6], [sflag:s4] =	dma.local [hbm:s3], $0xF7A  }
0x26: {  	[smem:$0x3F97] =	sst s1;
	(tag) =	ssettag s2;
	_ =	strace s9  }
0x27: {  	s1 =	sld [smem:$0x3FA7]  }
0x28: {  	s2 =	sld [smem:$0x3FA8]  }
0x29: {  	s4 =	sld [smem:$0x3FAA]  }
0x2a: {  	p0 =	seq.s32 s5, $0x0;
	s5 =	sld [smem:$0x3FAB]  }
0x2b: {  	s6 =	sld [smem:$0x3FAC]  }
0x2c: {  	s7 =	sld [smem:$0x3FAD]  }
0x2d: {  	s3 =	simm.s32 $0x108;
	s8 =	sld [smem:$0x3FAE]  }
0x2e: {  	s3 =	simm.s32 @!p0 $0x1082;
	s9 =	sld [smem:$0x3FAF]  }
0x2f: {  	lr =	sadd.s32 s0, s3;
	s0 =	sld [smem:$0x3FA6]  }
0x30: {  	s3 =	sld [smem:$0x3FA9]  }
0x31: {  	[smem:$0x3FB2] =	sst s10  }
0x32: {  	s10 =	sld [smem:$0x3FB0];
	_ =	sdelay $0x3  }
0x33: {  	p0 =	seq.s32 s10, $0x1;
	s10 =	sld [smem:$0x3FB2];
	_ =	sdelay $0x3  }
0x34: {  	[smem:$0x3FB2] =	sst s10  }
0x35: {  	s10 =	sld [smem:$0x3FB1];
	_ =	sdelay $0x3  }
0x36: {  	p1 =	seq.s32 s10, $0x1;
	s10 =	sld [smem:$0x3FB2];
	_ =	sdelay $0x3  }
0x37: {  	[smem:$0x3FB2] =	sst s10  }
0x38: {  	s10 =	sld [smem:$0x3FB3]  }
0x39: {  	_ = 	snop;
	(pc) =	sbr.ind lr, $3  }
0x3a: {  	_ = 	snop  }
0x3b: {  	_ = 	snop  }
0x3c: {  	p2 =	seq.s32 s10, $0x1;
	s10 =	sld [smem:$0x3FB2]  }
0x3d: {  	_ =	shalt  }
0x3e: {  	_ =	shalt  }
0x3f: {  	_ =	shalt  }
0x40: {  	_ =	shalt  }
0x41: {  	_ =	shalt  }
0x42: {  	_ =	shalt  }
0x43: {  	_ =	shalt  }
0x44: {  	_ =	shalt  }
0x45: {  	_ =	shalt  }
0x46: {  	_ =	shalt  }
0x47: {  	_ =	shalt  }
0x48: {  	_ =	shalt  }
0x49: {  	_ =	shalt  }
0x4a: {  	_ =	shalt  }
0x4b: {  	_ =	shalt  }
0x4c: {  	_ =	shalt  }
0x4d: {  	_ =	shalt  }
0x4e: {  	_ =	shalt  }
0x4f: {  	_ =	shalt  }
0x50: {  	_ =	shalt  }
0x51: {  	_ =	shalt  }
0x52: {  	_ =	shalt  }
0x53: {  	_ =	shalt  }
0x54: {  	_ =	shalt  }
0x55: {  	_ =	shalt  }
0x56: {  	_ =	shalt  }
0x57: {  	_ =	shalt  }
0x58: {  	_ =	shalt  }
0x59: {  	_ =	shalt  }
0x5a: {  	_ =	shalt  }
0x5b: {  	_ =	shalt  }
0x5c: {  	_ =	shalt  }
0x5d: {  	_ =	shalt  }
0x5e: {  	_ =	shalt  }
0x5f: {  	_ =	shalt  }
0x60: {  	_ =	shalt  }
0x61: {  	_ =	shalt  }
0x62: {  	_ =	shalt  }
0x63: {  	_ =	shalt  }
0x64: {  	_ =	shalt  }
0x65: {  	_ =	shalt  }
0x66: {  	_ =	shalt  }
0x67: {  	_ =	shalt  }
0x68: {  	_ =	shalt  }
0x69: {  	_ =	shalt  }
0x6a: {  	_ =	shalt  }
0x6b: {  	_ =	shalt  }
0x6c: {  	_ =	shalt  }
0x6d: {  	_ =	shalt  }
0x6e: {  	_ =	shalt  }
0x6f: {  	_ =	shalt  }
0x70: {  	_ =	shalt  }
0x71: {  	_ =	shalt  }
0x72: {  	_ =	shalt  }
0x73: {  	_ =	shalt  }
0x74: {  	_ =	shalt  }
0x75: {  	_ =	shalt  }
0x76: {  	_ =	shalt  }
0x77: {  	_ =	shalt  }
0x78: {  	_ =	shalt  }
0x79: {  	_ =	shalt  }
0x7a: {  	_ =	shalt  }
0x7b: {  	_ =	shalt  }
0x7c: {  	_ =	shalt  }
0x7d: {  	_ =	shalt  }
0x7e: {  	_ =	shalt  }
0x7f: {  	_ =	shalt  }
0x80: {  	_ =	shalt  }
0x81: {  	_ =	shalt  }
0x82: {  	_ =	shalt  }
0x83: {  	_ =	shalt  }
0x84: {  	_ =	shalt  }
0x85: {  	_ =	shalt  }
0x86: {  	_ =	shalt  }
0x87: {  	_ =	shalt  }
.Lfunc_end0:
.L_simem_size_0:
called_computation.1_lowered:
.L_overlay_start_0:
0x88: {  	s2 =	sld [smem:$0x3FD9]  }
0x89: {  	s3 =	sld [smem:$0x3FFE];
	_ =	sdelay $0x1  }
0x8a: {  	s1 =	srdreg.scid  }
0x8b: {  	s0 =	sand.u32 $0x1, s1  }
0x8c: {  	s16 =	sshll.u32 s0, $0xA;
	s2 =	sadd.s32 s3, s2  }
0x8d: {  	s2 =	sadd.s32 s2, s16  }
0x8e: {  	[smem:$0x3FBE] =	sst s2  }
0x8f: {  	_ = 	snop  }
0x90: {  	(tm) =	ssettm $0x1  }
0x91: {  	s17 =	sld [smem:$0x3FFB];
	_ =	sdelay $0x3  }
0x92: {  	_ =	strace s17  }
0x93: {  	s2 =	sld [smem:$0x3FFC];
	_ =	sdelay $0x3  }
0x94: {  	_ =	strace s2  }
0x95: {  	s2 =	sld [smem:$0x3FFD];
	_ =	sdelay $0x3  }
0x96: {  	_ =	strace s2  }
0x97: {  	_ =	strace $0x8FFFFFFF  }
0x98: {  	s18 =	sld [smem:$0x3FDB];
	_ =	sdelay $0x1  }
0x99: {  	s19 =	simm.s32 $_scs_section_size  }
0x9a: {  	s4 =	simm.s32 $_size__tile_overlayer_lowered;
	s5 =	simm.s32 $_tile_overlayer_lowered  }
0x9b: {  	s22 =	simm.s32 $0x1BFF;
	s21 =	sshll.u32 s5, $0x1;
	s2 =	sadd.s32 s19, s18  }
0x9c: {  	s6 =	simm.s32 $0x0;
	s20 =	sshll.u32 s4, $0x1;
	s4 =	sadd.s32 s21, s2  }
0x9d: {  	[timem:s6], [sflag:s22] =	dma.local [hbm:s4], s20  }
0x9e: {  	_ =	swait.ge [sflag:s22], s20  }
0x9f: {  	s3 =	ssub.s32 $0x0, s20;
	[sflag:s22] =	ssyncset.done $0x0  }
0xa0: {  	[sflag:s22] =	ssyncadd.s32 s3;
	_ =	sdelay $0x1  }
0xa1: {  	s23 =	simm.s32 $0x1B8B  }
0xa2: {  	_ =	swait.ge [sflag:s23], $0x1  }
0xa3: {  	[sflag:s23] =	ssyncset.done $0x0  }
0xa4: {  	s25 =	simm.s32 $0x1B8E;
	s24 =	sld [smem:$0x3FFE];
	[sflag:s23] =	ssyncadd.s32 $0xFFFFFFFF  }
0xa5: {  	s26 =	simm.s32 $execute0_lowered;
	[smem:$0x3FD2] =	sst s25  }
0xa6: {  	s4 =	sshll.u32 s26, $0x1;
	_ =	strace $0x80000049;
	[dreg:$0x1] =	wrdreg $0xFFFFFFFF  }
0xa7: {  	s28 =	simm.s32 $_size_execute0_lowered;
	s2 =	sadd.s32 s2, s4;
	[dreg:$0x0] =	wrdreg $0x0  }
0xa8: {  	s4 =	sshll.u32 s28, $0x1;
	[dreg:$0x2] =	wrdreg s2  }
0xa9: {  	[dreg:$0x3] =	wrdreg s4  }
0xaa: {  	[dreg:$0x4] =	wrdreg $0xC0  }
0xab: {  	_ =	task [dreg:s6], $0x5FFFF  }
0xac: {  	[dreg:$0x1] =	wrdreg $0xFFFFFFFF  }
0xad: {  	[dreg:$0x0] =	wrdreg $0x60  }
0xae: {  	[dreg:$0x2] =	wrdreg s24  }
0xaf: {  	[dreg:$0x3] =	wrdreg $0xE0000  }
0xb0: {  	[dreg:$0x4] =	wrdreg $0x9  }
0xb1: {  	_ =	task.clear_ibuf [dreg:s6], $0x5FFFF;
	_ =	strace $0x90000049  }
0xb2: {  	s29 =	simm.s32 $0x9;
	_ =	strace $0x8000004B  }
0xb3: {  	_ =	swait.ge [sflag:s29], $0x1  }
0xb4: {  	[sflag:s29] =	ssyncadd.s32 $0xFFFFFFFF  }
0xb5: {  	_ =	strace $0x9000004B  }
0xb6: {  	_ =	sfence  }
0xb7: {  	s30 =	sld [smem:$0x0];
	_ =	sdelay $0x2  }
0xb8: {  	s31 =	sshll.u32 s1, $0xD;
	s1 =	sshrl.u32 s1, $0x2  }
0xb9: {  	s3 =	sand.u32 $0x4000, s31;
	s1 =	sadd.s32 s1, s30  }
0xba: {  	s0 =	sor.u32 s3, s0;
	s1 =	sshll.u32 s1, $0x11  }
0xbb: {  	s0 =	sor.u32 s1, s0  }
0xbc: {  	s0 =	sadd.s32 $0x8F2B, s0  }
0xbd: {  	[sflag:s0] =	ssyncadd.remote.s32 $0x1  }
0xbe: {  	_ =	sfence.sel $0xFFFF  }
0xbf: {  	[dreg:$0x0] =	wrdreg $0xFFFFFFFF;
	(pc) =	sbr.abs _section_cstart, $3  }
0xc0: {  	[dreg:$0x1] =	wrdreg $0xFFFFFFFF  }
0xc1: {  	_ =	task.clear_ibuf [dreg:s6], $0x2FFFF;
	_ =	strace $0x9FFFFFFF  }
0xc2: {  	(tm) =	ssettm $0x7FFFFFFF  }
0xc3: {  	_ =	shalt  }
tec
execute0_lowered:
.L_overlay_start_1:
0x0: {  	(tag) =	ssettag $0x1  }
0x1: {  	s5 =	rddreg [dreg:$0x0]  }
0x2: {  	s2 =	rddreg [dreg:$0x1]  }
0x3: {  	s0 =	srdreg.scid;
	s1 =	rddreg [dreg:$0x2];
	s3 =	simm.s32 $0x0  }
0x4: {  	s13 =	simm.s32 $0x5000;
	s14 =	simm.s32 $0x80;
	s15 =	simm.s32 $0xA000  }
0x5: {  	s16 =	simm.s32 $0xC000;
	s17 =	simm.s32 $0x1;
	s6 =	sand.u32 $0x1, s0  }
0x6: {  	s18 =	simm.s32 $0x2;
	s0 =	stileid.u32;
	s4 =	smul.u32 $0x50000, s6  }
0x7: {  	s19 =	simm.s32 $0x9F00;
	s20 =	simm.s32 $0x9F80;
	s7 =	smul.u32 $0x5000, s0  }
0x8: {  	s21 =	simm.s32 $0x0;
	[smem:$0x7FF] =	sst s3;
	s30 =	smul.u32 $0xA000, s0  }
0x9: {  	s9 =	smul.u32 $0xA0000, s6;
	_ =	strace $0x8000004A;
	s6 =	ssub.s32 $0x2, s6  }
0xa: {  	s31 =	sshll.u32 s0, $0x6;
	s11 =	sshrl.u32 s6, $0x1;
	s4 =	sadd.s32 s7, s4  }
0xb: {  	s10 =	sshrl.u32 s30, $0x3;
	s9 =	sadd.s32 s30, s9;
	s11 =	ssub.s32 s6, s11  }
0xc: {  	s12 =	sadd.s32 s30, s2;
	s6 =	sor.u32 $0x1C03, s31;
	s8 =	sshrl.u32 s4, $0x3  }
0xd: {  	s4 =	sadd.s32 $0xDC400, s5;
	s10 =	sadd.s32 s10, s5;
	s9 =	sshrl.u32 s9, $0x3  }
0xe: {  	s8 =	sadd.s32 s8, s5;
	s9 =	sadd.s32 s9, s5;
	s5 =	sadd.s32 $0x12C400, s10  }
0xf: {  	s10 =	smax.u32 s11, $0x1;
	s11 =	sshrl.u32 s12, $0x3;
	s12 =	simm.s32 $0x3  }
0x10: {  	s7 =	sadd.s32 $0x28400, s8;
	s8 =	sadd.s32 $0x14400, s8;
	s9 =	sadd.s32 $0x140400, s9  }
.LBB2_1:
0x11: {  	[spmem:s11], [sflag:s6] =	dma.local [hbm:s5], $0x1400  }
0x12: {  	_ =	swait.ge [sflag:s12], $0x1400  }
0x13: {  	[sflag:s12] =	ssyncset.done $0x0  }
0x14: {  	[sflag:s12] =	ssyncadd.s32 $0xFFFFEC00  }
0x15: {  	[tilespmem:s3], [sflag:$0x3] =	stream.linear.gather [hbm4b:s7+s3], $0x5000, $0x38;
	[tilespmem:$0x18000] =	vst v63  }
0x16: {  	_ =	swait.ge [sflag:s12], $0x5000  }
0x17: {  	[sflag:s12] =	ssyncset.done $0x0  }
0x18: {  	[sflag:s12] =	ssyncadd.s32 $0xFFFFB000  }
0x19: {  	[tilespmem:s13], [sflag:$0x3] =	stream.linear.gather [hbm4b:s8+s3], $0x5000, $0x38;
	[tilespmem:$0x18000] =	vst v63  }
0x1a: {  	_ =	swait.ge [sflag:s12], $0x5000  }
0x1b: {  	[sflag:s12] =	ssyncset.done $0x0  }
0x1c: {  	[sflag:s12] =	ssyncadd.s32 $0xFFFFB000  }
0x1d: {  	[tilespmem:s15], [sflag:$0x1] =	stream.indirect.gather [hbm4b:s4+s14], $0x40, s3, s14, $0xb8;
	[tilespmem:$0x18000] =	vst v63  }
0x1e: {  	_ = 	snop  }
0x1f: {  	[tilespmem:s16], [sflag:$0x2] =	stream.indirect.gather [hbm4b:s4+s14], $0x40, s14, s14, $0xb8;
	[tilespmem:$0x18000] =	vst v63  }
0x20: {  	[bflag:$0x0] =	sbarrier.arrive $0xFFFF  }
0x21: {  	_ =	swait.ge [sflag:s17], $0x2000  }
0x22: {  	[sflag:s17] =	ssyncset.done $0x0  }
0x23: {  	s22 =	simm.s32 $0x5000;
	[sflag:s17] =	ssyncadd.s32 $0xFFFFE000  }
0x24: {  	[spmem:s2] =	stream.indirect.scatter.add.f32 [tilespmem:s15], [sflag:$0x3], $0x40, s22, s14, $0xb8;
	[tilespmem:$0x18000] =	vst v63  }
0x25: {  	_ =	swait.ge [sflag:s12], $0x2000  }
0x26: {  	[sflag:s12] =	ssyncset.done $0x0  }
0x27: {  	s30 =	simm.s32 $0x100;
	[sflag:s12] =	ssyncadd.s32 $0xFFFFE000  }
0x28: {  	[tilespmem:s15], [sflag:$0x1] =	stream.indirect.gather [hbm4b:s4+s14], $0x40, s30, s14, $0xb8;
	[tilespmem:$0x18000] =	vst v63  }
0x29: {  	_ =	swait.ge [sflag:s18], $0x2000  }
0x2a: {  	[sflag:s18] =	ssyncset.done $0x0  }
0x2b: {  	s31 =	simm.s32 $0x5080;
	[sflag:s18] =	ssyncadd.s32 $0xFFFFE000  }
0x2c: {  	[spmem:s2] =	stream.indirect.scatter.add.f32 [tilespmem:s16], [sflag:$0x3], $0x40, s31, s14, $0xb8;
	[tilespmem:$0x18000] =	vst v63  }
0x2d: {  	_ =	swait.ge [sflag:s12], $0x2000  }
0x2e: {  	[sflag:s12] =	ssyncset.done $0x0  }
0x2f: {  	s23 =	simm.s32 $0x180;
	s22 =	simm.s32 $0x400;
	[sflag:s12] =	ssyncadd.s32 $0xFFFFE000  }
.LBB2_2:
0x30: {  	[tilespmem:s16], [sflag:$0x2] =	stream.indirect.gather [hbm4b:s4+s14], $0x40, s23, s14, $0xb8;
	[tilespmem:$0x18000] =	vst v63  }
0x31: {  	s23 =	smov.u32 s22  }
0x32: {  	p0 =	sne.s32 s22, $0x13800;
	s22 =	sadd.s32 $0x400, s22;
	_ =	swait.ge [sflag:s17], $0x2000  }
0x33: {  	s23 =	sshra.s32 s23, $0x2;
	[sflag:s17] =	ssyncset.done $0x0  }
0x34: {  	s24 =	sadd.s32 $0x5000, s23;
	[sflag:s17] =	ssyncadd.s32 $0xFFFFE000  }
0x35: {  	[spmem:s2] =	stream.indirect.scatter.add.f32 [tilespmem:s15], [sflag:$0x3], $0x40, s24, s14, $0xb8;
	[tilespmem:$0x18000] =	vst v63  }
0x36: {  	_ =	swait.ge [sflag:s12], $0x2000  }
0x37: {  	[sflag:s12] =	ssyncset.done $0x0  }
0x38: {  	s24 =	sadd.s32 $0x100, s23;
	[sflag:s12] =	ssyncadd.s32 $0xFFFFE000  }
0x39: {  	[tilespmem:s15], [sflag:$0x1] =	stream.indirect.gather [hbm4b:s4+s14], $0x40, s24, s14, $0xb8;
	[tilespmem:$0x18000] =	vst v63  }
0x3a: {  	_ =	swait.ge [sflag:s18], $0x2000  }
0x3b: {  	[sflag:s18] =	ssyncset.done $0x0  }
.Ltmp0:
0x3c: {  	s24 =	sadd.s32 $0x5080, s23;
	[sflag:s18] =	ssyncadd.s32 $0xFFFFE000;
	(pc) =	sbr.rel @p0 .LBB2_2-.Ltmp0, $4  }
0x3d: {  	[spmem:s2] =	stream.indirect.scatter.add.f32 [tilespmem:s16], [sflag:$0x3], $0x40, s24, s14, $0xb8;
	[tilespmem:$0x18000] =	vst v63  }
0x3e: {  	_ =	swait.ge [sflag:s12], $0x2000  }
0x3f: {  	[sflag:s12] =	ssyncset.done $0x0  }
0x40: {  	s23 =	sadd.s32 $0x180, s23;
	[sflag:s12] =	ssyncadd.s32 $0xFFFFE000  }
0x41: {  	[tilespmem:s16], [sflag:$0x2] =	stream.indirect.gather [hbm4b:s4+s14], $0x40, s23, s14, $0xb8;
	[tilespmem:$0x18000] =	vst v63  }
0x42: {  	_ =	swait.ge [sflag:s17], $0x2000  }
0x43: {  	[sflag:s17] =	ssyncset.done $0x0  }
0x44: {  	[sflag:s17] =	ssyncadd.s32 $0xFFFFE000  }
0x45: {  	[spmem:s2] =	stream.indirect.scatter.add.f32 [tilespmem:s15], [sflag:$0x3], $0x40, s19, s14, $0xb8;
	[tilespmem:$0x18000] =	vst v63  }
0x46: {  	_ =	swait.ge [sflag:s12], $0x2000  }
0x47: {  	[sflag:s12] =	ssyncset.done $0x0  }
0x48: {  	[sflag:s12] =	ssyncadd.s32 $0xFFFFE000  }
0x49: {  	_ =	swait.ge [sflag:s18], $0x2000  }
0x4a: {  	[sflag:s18] =	ssyncset.done $0x0  }
0x4b: {  	[sflag:s18] =	ssyncadd.s32 $0xFFFFE000  }
0x4c: {  	[spmem:s2] =	stream.indirect.scatter.add.f32 [tilespmem:s16], [sflag:$0x3], $0x40, s20, s14, $0xb8;
	[tilespmem:$0x18000] =	vst v63  }
0x4d: {  	_ =	swait.ge [sflag:s12], $0x2000  }
0x4e: {  	s21 =	sadd.s32 $0x1, s21;
	[sflag:s12] =	ssyncset.done $0x0  }
0x4f: {  	p0 =	sne.s32 s21, s10;
	[sflag:s12] =	ssyncadd.s32 $0xFFFFE000  }
.Ltmp1:
0x50: {  	[bflag:$0x0] =	sbarrier.arrive $0xFFFF;
	(pc) =	sbr.rel @p0 .LBB2_1-.Ltmp1, $4  }
0x51: {  	[hbm:s9], [sflag:s6] =	dma.local [spmem:s11], $0x1400  }
0x52: {  	_ =	swait.ge [sflag:s12], $0x1400  }
0x53: {  	[sflag:s12] =	ssyncset.done $0x0  }
0x54: {  	[sflag:s12] =	ssyncadd.s32 $0xFFFFEC00  }
0x55: {  	_ =	sfence.sel $0x180000  }
0x56: {  	[bflag:$0x0] =	sbarrier.arrive $0xFFFF  }
0x57: {  	p0 =	sne.s32 s0, $0x0;
	_ =	strace $0x9000004A  }
0x58: {  	s0 =	sadd.s32 @!p0 $0x100000, s1;
	[bflag:$0x2] =	sbarrier.arrive $0xFFFF  }
0x59: {  	[sflag:s0] =	ssyncadd.tile.s32 @!p0 $0x1;
	_ =	shalt  }
.Lfunc_end2:
_tile_overlayer_lowered:
.L_overlay_start_2:
0x5a: {  	(tag) =	ssettag $0x2  }
0x5b: {  	s0 =	rddreg [dreg:$0x0];
	s2 =	stileid.u32  }
0x5c: {  	s1 =	rddreg [dreg:$0x1];
	p0 =	sne.s32 s2, $0x0  }
0x5d: {  	s3 =	rddreg [dreg:$0x2];
	[bflag:$0x3] =	sbarrier.arrive $0xFFFF;
	s2 =	simm.s32 @!p0 $0x1C03  }
0x5e: {  	[timem:s3], [sflag:s2] =	dma.local @!p0 [hbm:s0], s1  }
0x5f: {  	s0 =	simm.s32 @!p0 $0x3  }
0x60: {  	_ =	swait.ge @!p0 [sflag:s0], s1  }
0x61: {  	s1 =	ssub.s32 @!p0 $0x0, s1;
	[sflag:s0] =	ssyncset.done @!p0 $0x0  }
0x62: {  	[sflag:s0] =	ssyncadd.s32 @!p0 s1  }
0x63: {  	[bflag:$0x3] =	sbarrier.arrive $0xFFFF  }
0x64: {  	_ =	shalt  }

// kernel: kernel.25.cloned.1.call-start
scs
__scs_entry_jumppad:
0x0: {  	(pc) =	sbr.rel $0x88, $3  }
0x1: {  	(tag) =	ssettag $0x0;
	lr =	simm.s32 $0x1  }
0x2: {  	[smem:$0x3F97] =	sst lr;
	_ =	strace $0xD0000000  }
0x3: {  	_ = 	snop  }
0x4: {  	_ = 	snop  }
0x5: {  	_ = 	snop  }
0x6: {  	_ = 	snop  }
0x7: {  	_ = 	snop  }
__scs_overlays_trampoline_lowered:
0x8: {  	[smem:$0x3FA6] =	sst s0  }
0x9: {  	[smem:$0x3FA7] =	sst s1  }
0xa: {  	[smem:$0x3FA8] =	sst s2  }
0xb: {  	[smem:$0x3FA9] =	sst s3  }
0xc: {  	[smem:$0x3FAA] =	sst s4  }
0xd: {  	[smem:$0x3FAB] =	sst s5  }
0xe: {  	[smem:$0x3FAC] =	sst s6  }
0xf: {  	[smem:$0x3FAD] =	sst s7  }
0x10: {  	[smem:$0x3FAE] =	sst s8  }
0x11: {  	[smem:$0x3FAF] =	sst s9;
	s0 =	simm.s32 @!p0 $0x0  }
0x12: {  	s1 =	sld [smem:$0x3F95];
	s0 =	simm.s32 @p0 $0x1  }
0x13: {  	[smem:$0x3FB0] =	sst s0;
	s0 =	simm.s32 @!p1 $0x0  }
0x14: {  	s2 =	sld [smem:$0x3F94];
	s0 =	simm.s32 @p1 $0x1  }
0x15: {  	[smem:$0x3FB1] =	sst s0;
	s0 =	simm.s32 @!p2 $0x0  }
0x16: {  	s3 =	sld [smem:$0x3FDB];
	s0 =	simm.s32 @p2 $0x1  }
0x17: {  	s4 =	simm.s32 $0x1BF5;
	[smem:$0x3FB3] =	sst s0  }
0x18: {  	s0 =	sld [smem:$0x3F96];
	_ =	swait.ge [sflag:s4], $0x0  }
0x19: {  	s7 =	sld [smem:$0x3F97]  }
0x1a: {  	s8 =	sadd.s32 $0xFFFFE003, lr  }
0x1b: {  	s9 =	sadd.s32 $0xFFFFFEF7, lr;
	s5 =	simm.s32 $0xFFFFFFFF;
	p2 =	slt.u32 s8, $0xFFFFF086  }
0x1c: {  	p1 =	slt.u32 s9, $0xF7A;
	s5 =	simm.s32 @!p2 $0x0  }
0x1d: {  	s5 =	simm.s32 @p1 $0x1;
	p0 =	seq.s32 s7, s2  }
0x1e: {  	s7 =	smul.u32 @!p0 $0xF7A, s2;
	p2 =	seq.s32 @!p0 s5, $0x0  }
0x1f: {  	s9 =	smul.u32 $0xF7A, s1;
	s8 =	simm.s32 @!p0 $0x1BF5;
	p2 =	por !p2, p0  }
0x20: {  	[sflag:s8] =	ssyncset.s32 @!p0 $0xFFFFF086;
	s6 =	sadd.s32 @!p0 s3, s7;
	s7 =	simm.s32 @!p0 $0x108  }
0x21: {  	s3 =	sadd.s32 s3, s9;
	s6 =	sadd.s32 @!p0 $0x88, s6;
	s7 =	simm.s32 @p2 $0x1082  }
0x22: {  	[simem:s7], [sflag:s8] =	dma.local @!p0 [hbm:s6], $0xF7A  }
0x23: {  	s9 =	sor.u32 $0xD0000000, s2;
	s6 =	simm.s32 $0x108;
	_ =	swait.ge @!p0 [sflag:s8], $0x0  }
0x24: {  	s3 =	sadd.s32 $0x88, s3;
	s6 =	simm.s32 @!p1 $0x1082;
	[sflag:s4] =	ssyncset.s32 $0xFFFFF086  }
0x25: {  	[simem:s6], [sflag:s4] =	dma.local [hbm:s3], $0xF7A  }
0x26: {  	[smem:$0x3F97] =	sst s1;
	(tag) =	ssettag s2;
	_ =	strace s9  }
0x27: {  	s1 =	sld [smem:$0x3FA7]  }
0x28: {  	s2 =	sld [smem:$0x3FA8]  }
0x29: {  	s4 =	sld [smem:$0x3FAA]  }
0x2a: {  	p0 =	seq.s32 s5, $0x0;
	s5 =	sld [smem:$0x3FAB]  }
0x2b: {  	s6 =	sld [smem:$0x3FAC]  }
0x2c: {  	s7 =	sld [smem:$0x3FAD]  }
0x2d: {  	s3 =	simm.s32 $0x108;
	s8 =	sld [smem:$0x3FAE]  }
0x2e: {  	s3 =	simm.s32 @!p0 $0x1082;
	s9 =	sld [smem:$0x3FAF]  }
0x2f: {  	lr =	sadd.s32 s0, s3;
	s0 =	sld [smem:$0x3FA6]  }
0x30: {  	s3 =	sld [smem:$0x3FA9]  }
0x31: {  	[smem:$0x3FB2] =	sst s10  }
0x32: {  	s10 =	sld [smem:$0x3FB0];
	_ =	sdelay $0x3  }
0x33: {  	p0 =	seq.s32 s10, $0x1;
	s10 =	sld [smem:$0x3FB2];
	_ =	sdelay $0x3  }
0x34: {  	[smem:$0x3FB2] =	sst s10  }
0x35: {  	s10 =	sld [smem:$0x3FB1];
	_ =	sdelay $0x3  }
0x36: {  	p1 =	seq.s32 s10, $0x1;
	s10 =	sld [smem:$0x3FB2];
	_ =	sdelay $0x3  }
0x37: {  	[smem:$0x3FB2] =	sst s10  }
0x38: {  	s10 =	sld [smem:$0x3FB3]  }
0x39: {  	_ = 	snop;
	(pc) =	sbr.ind lr, $3  }
0x3a: {  	_ = 	snop  }
0x3b: {  	_ = 	snop  }
0x3c: {  	p2 =	seq.s32 s10, $0x1;
	s10 =	sld [smem:$0x3FB2]  }
0x3d: {  	_ =	shalt  }
0x3e: {  	_ =	shalt  }
0x3f: {  	_ =	shalt  }
0x40: {  	_ =	shalt  }
0x41: {  	_ =	shalt  }
0x42: {  	_ =	shalt  }
0x43: {  	_ =	shalt  }
0x44: {  	_ =	shalt  }
0x45: {  	_ =	shalt  }
0x46: {  	_ =	shalt  }
0x47: {  	_ =	shalt  }
0x48: {  	_ =	shalt  }
0x49: {  	_ =	shalt  }
0x4a: {  	_ =	shalt  }
0x4b: {  	_ =	shalt  }
0x4c: {  	_ =	shalt  }
0x4d: {  	_ =	shalt  }
0x4e: {  	_ =	shalt  }
0x4f: {  	_ =	shalt  }
0x50: {  	_ =	shalt  }
0x51: {  	_ =	shalt  }
0x52: {  	_ =	shalt  }
0x53: {  	_ =	shalt  }
0x54: {  	_ =	shalt  }
0x55: {  	_ =	shalt  }
0x56: {  	_ =	shalt  }
0x57: {  	_ =	shalt  }
0x58: {  	_ =	shalt  }
0x59: {  	_ =	shalt  }
0x5a: {  	_ =	shalt  }
0x5b: {  	_ =	shalt  }
0x5c: {  	_ =	shalt  }
0x5d: {  	_ =	shalt  }
0x5e: {  	_ =	shalt  }
0x5f: {  	_ =	shalt  }
0x60: {  	_ =	shalt  }
0x61: {  	_ =	shalt  }
0x62: {  	_ =	shalt  }
0x63: {  	_ =	shalt  }
0x64: {  	_ =	shalt  }
0x65: {  	_ =	shalt  }
0x66: {  	_ =	shalt  }
0x67: {  	_ =	shalt  }
0x68: {  	_ =	shalt  }
0x69: {  	_ =	shalt  }
0x6a: {  	_ =	shalt  }
0x6b: {  	_ =	shalt  }
0x6c: {  	_ =	shalt  }
0x6d: {  	_ =	shalt  }
0x6e: {  	_ =	shalt  }
0x6f: {  	_ =	shalt  }
0x70: {  	_ =	shalt  }
0x71: {  	_ =	shalt  }
0x72: {  	_ =	shalt  }
0x73: {  	_ =	shalt  }
0x74: {  	_ =	shalt  }
0x75: {  	_ =	shalt  }
0x76: {  	_ =	shalt  }
0x77: {  	_ =	shalt  }
0x78: {  	_ =	shalt  }
0x79: {  	_ =	shalt  }
0x7a: {  	_ =	shalt  }
0x7b: {  	_ =	shalt  }
0x7c: {  	_ =	shalt  }
0x7d: {  	_ =	shalt  }
0x7e: {  	_ =	shalt  }
0x7f: {  	_ =	shalt  }
0x80: {  	_ =	shalt  }
0x81: {  	_ =	shalt  }
0x82: {  	_ =	shalt  }
0x83: {  	_ =	shalt  }
0x84: {  	_ =	shalt  }
0x85: {  	_ =	shalt  }
0x86: {  	_ =	shalt  }
0x87: {  	_ =	shalt  }
.Lfunc_end0:
.L_simem_size_0:
called_computation.2_lowered:
.L_overlay_start_0:
0x88: {  	s2 =	sld [smem:$0x3FD9]  }
0x89: {  	s3 =	sld [smem:$0x3FFE];
	_ =	sdelay $0x1  }
0x8a: {  	s1 =	srdreg.scid  }
0x8b: {  	s0 =	sand.u32 $0x1, s1  }
0x8c: {  	s17 =	sshll.u32 s0, $0xA;
	s2 =	sadd.s32 s3, s2  }
0x8d: {  	s2 =	sadd.s32 s2, s17  }
0x8e: {  	[smem:$0x3FBE] =	sst s2  }
0x8f: {  	_ = 	snop  }
0x90: {  	s18 =	sld [smem:$0x3FD0];
	(tm) =	ssettm $0x1  }
0x91: {  	s19 =	sld [smem:$0x3FFB];
	_ =	sdelay $0x3  }
0x92: {  	_ =	strace s19  }
0x93: {  	s2 =	sld [smem:$0x3FFC];
	_ =	sdelay $0x3  }
0x94: {  	_ =	strace s2  }
0x95: {  	s2 =	sld [smem:$0x3FFD];
	_ =	sdelay $0x3  }
0x96: {  	_ =	strace s2  }
0x97: {  	_ =	strace $0x8FFFFFFF  }
0x98: {  	s20 =	sld [smem:$0x3FDB];
	_ =	sdelay $0x1  }
0x99: {  	s4 =	simm.s32 $_scs_section_size  }
0x9a: {  	s5 =	simm.s32 $_size__tile_overlayer_lowered;
	s6 =	simm.s32 $_tile_overlayer_lowered  }
0x9b: {  	s7 =	simm.s32 $0x1BFF;
	s21 =	sshll.u32 s6, $0x1;
	s4 =	sadd.s32 s4, s20  }
0x9c: {  	s22 =	simm.s32 $0x0;
	s5 =	sshll.u32 s5, $0x1;
	s6 =	sadd.s32 s21, s4  }
0x9d: {  	[timem:s22], [sflag:s7] =	dma.local [hbm:s6], s5  }
0x9e: {  	_ =	swait.ge [sflag:s7], s5  }
0x9f: {  	s5 =	ssub.s32 $0x0, s5;
	[sflag:s7] =	ssyncset.done $0x0  }
0xa0: {  	[sflag:s7] =	ssyncadd.s32 s5;
	_ =	sdelay $0x1  }
0xa1: {  	s23 =	simm.s32 $0x1B8B  }
0xa2: {  	_ =	swait.ge [sflag:s23], $0x1  }
0xa3: {  	[sflag:s23] =	ssyncset.done $0x0  }
0xa4: {  	[sflag:s23] =	ssyncadd.s32 $0xFFFFFFFF  }
0xa5: {  	s5 =	sld [smem:$0x0]  }
0xa6: {  	s6 =	sand.u32 $0xFFFFFFFE, s1  }
0xa7: {  	p0 =	sne.s32 s1, s6  }
0xa8: {  	s6 =	sshll.u32 @p0 s6, $0xE  }
0xa9: {  	s6 =	sadd.s32 @p0 $0x11B8D, s6;
	s7 =	sshll.u32 @p0 s5, $0x11  }
0xaa: {  	s6 =	sor.u32 @p0 s7, s6  }
0xab: {  	[sflag:s6] =	ssyncadd.remote.s32 @p0 $0x1;
	_ =	sdelay $0x1  }
0xac: {  	s6 =	simm.s32 @p0 $0x1B8D  }
0xad: {  	_ =	swait.eq @p0 [sflag:s6], $0x1  }
0xae: {  	[sflag:s6] =	ssyncadd.s32 @p0 $0xFFFFFFFF  }
0xaf: {  	s7 =	sshll.u32 @!p0 s1, $0xE  }
0xb0: {  	s7 =	sor.u32 @!p0 $0x4000, s7;
	s6 =	simm.s32 @!p0 $0x1B8D  }
0xb1: {  	s5 =	sshll.u32 @!p0 s5, $0x11;
	s7 =	sadd.s32 @!p0 $0x11B8D, s7;
	_ =	swait.eq @!p0 [sflag:s6], $0x1  }
0xb2: {  	s5 =	sor.u32 @!p0 s5, s7;
	[sflag:s6] =	ssyncadd.s32 @!p0 $0xFFFFFFFF  }
0xb3: {  	s25 =	simm.s32 $0x1B8E;
	s24 =	sld [smem:$0x3FFE];
	[sflag:s5] =	ssyncadd.remote.s32 @!p0 $0x1  }
0xb4: {  	s26 =	simm.s32 $execute0_lowered;
	[smem:$0x3FD2] =	sst s25  }
0xb5: {  	s6 =	sshll.u32 s26, $0x1;
	_ =	strace $0x8000004C;
	[dreg:$0x1] =	wrdreg $0xFFFFFFFF  }
0xb6: {  	s28 =	simm.s32 $_size_execute0_lowered;
	s4 =	sadd.s32 s4, s6;
	[dreg:$0x0] =	wrdreg $0x0  }
0xb7: {  	s6 =	sshll.u32 s28, $0x1;
	[dreg:$0x2] =	wrdreg s4  }
0xb8: {  	[dreg:$0x3] =	wrdreg s6  }
0xb9: {  	[dreg:$0x4] =	wrdreg $0xC0  }
0xba: {  	_ =	task [dreg:s22], $0x5FFFF  }
0xbb: {  	[dreg:$0x1] =	wrdreg $0xFFFFFFFF  }
0xbc: {  	[dreg:$0x0] =	wrdreg $0x60  }
0xbd: {  	[dreg:$0x2] =	wrdreg s24  }
0xbe: {  	[dreg:$0x3] =	wrdreg s18  }
0xbf: {  	[dreg:$0x4] =	wrdreg $0xE0000  }
0xc0: {  	[dreg:$0x5] =	wrdreg $0xA  }
0xc1: {  	_ =	task.clear_ibuf [dreg:s22], $0x6FFFF;
	_ =	strace $0x9000004C  }
0xc2: {  	s29 =	simm.s32 $0xA;
	_ =	strace $0x8000004E  }
0xc3: {  	_ =	swait.ge [sflag:s29], $0x1  }
0xc4: {  	[sflag:s29] =	ssyncadd.s32 $0xFFFFFFFF  }
0xc5: {  	_ =	strace $0x9000004E  }
0xc6: {  	_ =	sfence  }
0xc7: {  	s30 =	sld [smem:$0x0];
	_ =	sdelay $0x2  }
0xc8: {  	s31 =	sshll.u32 s1, $0xD;
	s1 =	sshrl.u32 s1, $0x2  }
0xc9: {  	s4 =	sand.u32 $0x4000, s31;
	s1 =	sadd.s32 s1, s30  }
0xca: {  	s0 =	sor.u32 s4, s0;
	s1 =	sshll.u32 s1, $0x11  }
0xcb: {  	s0 =	sor.u32 s1, s0  }
0xcc: {  	s0 =	sadd.s32 $0x8F2B, s0  }
0xcd: {  	[sflag:s0] =	ssyncadd.remote.s32 $0x1  }
0xce: {  	_ =	sfence.sel $0xFFFF  }
0xcf: {  	[dreg:$0x0] =	wrdreg $0xFFFFFFFF;
	(pc) =	sbr.abs _section_cstart, $3  }
0xd0: {  	[dreg:$0x1] =	wrdreg $0xFFFFFFFF  }
0xd1: {  	_ =	task.clear_ibuf [dreg:s22], $0x2FFFF;
	_ =	strace $0x9FFFFFFF  }
0xd2: {  	(tm) =	ssettm $0x7FFFFFFF  }
0xd3: {  	_ =	shalt  }
tec
execute0_lowered:
.L_overlay_start_1:
0x0: {  	(tag) =	ssettag $0x1  }
0x1: {  	s5 =	rddreg [dreg:$0x0]  }
0x2: {  	s7 =	rddreg [dreg:$0x1]  }
0x3: {  	s2 =	rddreg [dreg:$0x2]  }
0x4: {  	s0 =	srdreg.scid;
	s1 =	rddreg [dreg:$0x3];
	s3 =	simm.s32 $0x0  }
0x5: {  	s15 =	simm.s32 $0xA000;
	s16 =	simm.s32 $0xC000;
	s6 =	sand.u32 $0x1, s0  }
0x6: {  	s17 =	simm.s32 $0x1;
	s0 =	stileid.u32;
	s4 =	smul.u32 $0x50000, s6  }
0x7: {  	s18 =	simm.s32 $0x2;
	s19 =	simm.s32 $0x9F00;
	s8 =	smul.u32 $0x5000, s0  }
0x8: {  	s20 =	simm.s32 $0x9F80;
	s21 =	simm.s32 $0x0;
	s30 =	smul.u32 $0xA000, s0  }
0x9: {  	[smem:$0x7FF] =	sst s3;
	s10 =	smul.u32 $0xA0000, s6;
	s6 =	ssub.s32 $0x2, s6  }
0xa: {  	_ =	strace $0x8000004D;
	s31 =	sshll.u32 s0, $0x6;
	s13 =	sshrl.u32 s6, $0x1  }
0xb: {  	s4 =	sadd.s32 s8, s4;
	s12 =	sshrl.u32 s30, $0x3;
	s10 =	sadd.s32 s30, s10  }
0xc: {  	s13 =	ssub.s32 s6, s13;
	s14 =	sadd.s32 s30, s2;
	s6 =	sor.u32 $0x1C03, s31  }
0xd: {  	s9 =	sshrl.u32 s4, $0x3;
	s4 =	sadd.s32 $0xDC400, s5;
	s10 =	sshrl.u32 s10, $0x3  }
0xe: {  	s12 =	sadd.s32 s12, s5;
	s11 =	sadd.s32 s9, s5;
	s10 =	sadd.s32 s10, s5  }
0xf: {  	s5 =	sadd.s32 $0x12C400, s12;
	s7 =	sadd.s32 s7, s9;
	s12 =	simm.s32 $0x3  }
0x10: {  	s8 =	sadd.s32 $0x14400, s11;
	s9 =	sadd.s32 $0x168400, s10;
	s10 =	smax.u32 s13, $0x1  }
0x11: {  	s11 =	sshrl.u32 s14, $0x3;
	s13 =	simm.s32 $0x5000;
	s14 =	simm.s32 $0x80  }
.LBB2_1:
0x12: {  	[spmem:s11], [sflag:s6] =	dma.local [hbm:s5], $0x1400  }
0x13: {  	_ =	swait.ge [sflag:s12], $0x1400  }
0x14: {  	[sflag:s12] =	ssyncset.done $0x0  }
0x15: {  	[sflag:s12] =	ssyncadd.s32 $0xFFFFEC00  }
0x16: {  	[tilespmem:s3], [sflag:$0x3] =	stream.linear.gather [hbm4b:s7+s3], $0x5000, $0x38;
	[tilespmem:$0x18000] =	vst v63  }
0x17: {  	_ =	swait.ge [sflag:s12], $0x5000  }
0x18: {  	[sflag:s12] =	ssyncset.done $0x0  }
0x19: {  	[sflag:s12] =	ssyncadd.s32 $0xFFFFB000  }
0x1a: {  	[tilespmem:s13], [sflag:$0x3] =	stream.linear.gather [hbm4b:s8+s3], $0x5000, $0x38;
	[tilespmem:$0x18000] =	vst v63  }
0x1b: {  	_ =	swait.ge [sflag:s12], $0x5000  }
0x1c: {  	[sflag:s12] =	ssyncset.done $0x0  }
0x1d: {  	[sflag:s12] =	ssyncadd.s32 $0xFFFFB000  }
0x1e: {  	[tilespmem:s15], [sflag:$0x1] =	stream.indirect.gather [hbm4b:s4+s14], $0x40, s3, s14, $0xb8;
	[tilespmem:$0x18000] =	vst v63  }
0x1f: {  	_ = 	snop  }
0x20: {  	[tilespmem:s16], [sflag:$0x2] =	stream.indirect.gather [hbm4b:s4+s14], $0x40, s14, s14, $0xb8;
	[tilespmem:$0x18000] =	vst v63  }
0x21: {  	[bflag:$0x0] =	sbarrier.arrive $0xFFFF  }
0x22: {  	_ =	swait.ge [sflag:s17], $0x2000  }
0x23: {  	[sflag:s17] =	ssyncset.done $0x0  }
0x24: {  	s22 =	simm.s32 $0x5000;
	[sflag:s17] =	ssyncadd.s32 $0xFFFFE000  }
0x25: {  	[spmem:s2] =	stream.indirect.scatter.add.f32 [tilespmem:s15], [sflag:$0x3], $0x40, s22, s14, $0xb8;
	[tilespmem:$0x18000] =	vst v63  }
0x26: {  	_ =	swait.ge [sflag:s12], $0x2000  }
0x27: {  	[sflag:s12] =	ssyncset.done $0x0  }
0x28: {  	s30 =	simm.s32 $0x100;
	[sflag:s12] =	ssyncadd.s32 $0xFFFFE000  }
0x29: {  	[tilespmem:s15], [sflag:$0x1] =	stream.indirect.gather [hbm4b:s4+s14], $0x40, s30, s14, $0xb8;
	[tilespmem:$0x18000] =	vst v63  }
0x2a: {  	_ =	swait.ge [sflag:s18], $0x2000  }
0x2b: {  	[sflag:s18] =	ssyncset.done $0x0  }
0x2c: {  	s31 =	simm.s32 $0x5080;
	[sflag:s18] =	ssyncadd.s32 $0xFFFFE000  }
0x2d: {  	[spmem:s2] =	stream.indirect.scatter.add.f32 [tilespmem:s16], [sflag:$0x3], $0x40, s31, s14, $0xb8;
	[tilespmem:$0x18000] =	vst v63  }
0x2e: {  	_ =	swait.ge [sflag:s12], $0x2000  }
0x2f: {  	[sflag:s12] =	ssyncset.done $0x0  }
0x30: {  	s23 =	simm.s32 $0x180;
	s22 =	simm.s32 $0x400;
	[sflag:s12] =	ssyncadd.s32 $0xFFFFE000  }
.LBB2_2:
0x31: {  	[tilespmem:s16], [sflag:$0x2] =	stream.indirect.gather [hbm4b:s4+s14], $0x40, s23, s14, $0xb8;
	[tilespmem:$0x18000] =	vst v63  }
0x32: {  	s23 =	smov.u32 s22  }
0x33: {  	p0 =	sne.s32 s22, $0x13800;
	s22 =	sadd.s32 $0x400, s22;
	_ =	swait.ge [sflag:s17], $0x2000  }
0x34: {  	s23 =	sshra.s32 s23, $0x2;
	[sflag:s17] =	ssyncset.done $0x0  }
0x35: {  	s24 =	sadd.s32 $0x5000, s23;
	[sflag:s17] =	ssyncadd.s32 $0xFFFFE000  }
0x36: {  	[spmem:s2] =	stream.indirect.scatter.add.f32 [tilespmem:s15], [sflag:$0x3], $0x40, s24, s14, $0xb8;
	[tilespmem:$0x18000] =	vst v63  }
0x37: {  	_ =	swait.ge [sflag:s12], $0x2000  }
0x38: {  	[sflag:s12] =	ssyncset.done $0x0  }
0x39: {  	s24 =	sadd.s32 $0x100, s23;
	[sflag:s12] =	ssyncadd.s32 $0xFFFFE000  }
0x3a: {  	[tilespmem:s15], [sflag:$0x1] =	stream.indirect.gather [hbm4b:s4+s14], $0x40, s24, s14, $0xb8;
	[tilespmem:$0x18000] =	vst v63  }
0x3b: {  	_ =	swait.ge [sflag:s18], $0x2000  }
0x3c: {  	[sflag:s18] =	ssyncset.done $0x0  }
.Ltmp0:
0x3d: {  	s24 =	sadd.s32 $0x5080, s23;
	[sflag:s18] =	ssyncadd.s32 $0xFFFFE000;
	(pc) =	sbr.rel @p0 .LBB2_2-.Ltmp0, $4  }
0x3e: {  	[spmem:s2] =	stream.indirect.scatter.add.f32 [tilespmem:s16], [sflag:$0x3], $0x40, s24, s14, $0xb8;
	[tilespmem:$0x18000] =	vst v63  }
0x3f: {  	_ =	swait.ge [sflag:s12], $0x2000  }
0x40: {  	[sflag:s12] =	ssyncset.done $0x0  }
0x41: {  	s23 =	sadd.s32 $0x180, s23;
	[sflag:s12] =	ssyncadd.s32 $0xFFFFE000  }
0x42: {  	[tilespmem:s16], [sflag:$0x2] =	stream.indirect.gather [hbm4b:s4+s14], $0x40, s23, s14, $0xb8;
	[tilespmem:$0x18000] =	vst v63  }
0x43: {  	_ =	swait.ge [sflag:s17], $0x2000  }
0x44: {  	[sflag:s17] =	ssyncset.done $0x0  }
0x45: {  	[sflag:s17] =	ssyncadd.s32 $0xFFFFE000  }
0x46: {  	[spmem:s2] =	stream.indirect.scatter.add.f32 [tilespmem:s15], [sflag:$0x3], $0x40, s19, s14, $0xb8;
	[tilespmem:$0x18000] =	vst v63  }
0x47: {  	_ =	swait.ge [sflag:s12], $0x2000  }
0x48: {  	[sflag:s12] =	ssyncset.done $0x0  }
0x49: {  	[sflag:s12] =	ssyncadd.s32 $0xFFFFE000  }
0x4a: {  	_ =	swait.ge [sflag:s18], $0x2000  }
0x4b: {  	[sflag:s18] =	ssyncset.done $0x0  }
0x4c: {  	[sflag:s18] =	ssyncadd.s32 $0xFFFFE000  }
0x4d: {  	[spmem:s2] =	stream.indirect.scatter.add.f32 [tilespmem:s16], [sflag:$0x3], $0x40, s20, s14, $0xb8;
	[tilespmem:$0x18000] =	vst v63  }
0x4e: {  	_ =	swait.ge [sflag:s12], $0x2000  }
0x4f: {  	s21 =	sadd.s32 $0x1, s21;
	[sflag:s12] =	ssyncset.done $0x0  }
0x50: {  	p0 =	sne.s32 s21, s10;
	[sflag:s12] =	ssyncadd.s32 $0xFFFFE000  }
.Ltmp1:
0x51: {  	[bflag:$0x0] =	sbarrier.arrive $0xFFFF;
	(pc) =	sbr.rel @p0 .LBB2_1-.Ltmp1, $4  }
0x52: {  	[hbm:s9], [sflag:s6] =	dma.local [spmem:s11], $0x1400  }
0x53: {  	_ =	swait.ge [sflag:s12], $0x1400  }
0x54: {  	[sflag:s12] =	ssyncset.done $0x0  }
0x55: {  	[sflag:s12] =	ssyncadd.s32 $0xFFFFEC00  }
0x56: {  	_ =	sfence.sel $0x180000  }
0x57: {  	[bflag:$0x0] =	sbarrier.arrive $0xFFFF  }
0x58: {  	p0 =	sne.s32 s0, $0x0;
	_ =	strace $0x9000004D  }
0x59: {  	s0 =	sadd.s32 @!p0 $0x100000, s1;
	[bflag:$0x2] =	sbarrier.arrive $0xFFFF  }
0x5a: {  	[sflag:s0] =	ssyncadd.tile.s32 @!p0 $0x1;
	_ =	shalt  }
.Lfunc_end2:
_tile_overlayer_lowered:
.L_overlay_start_2:
0x5b: {  	(tag) =	ssettag $0x2  }
0x5c: {  	s0 =	rddreg [dreg:$0x0];
	s2 =	stileid.u32  }
0x5d: {  	s1 =	rddreg [dreg:$0x1];
	p0 =	sne.s32 s2, $0x0  }
0x5e: {  	s3 =	rddreg [dreg:$0x2];
	[bflag:$0x3] =	sbarrier.arrive $0xFFFF;
	s2 =	simm.s32 @!p0 $0x1C03  }
0x5f: {  	[timem:s3], [sflag:s2] =	dma.local @!p0 [hbm:s0], s1  }
0x60: {  	s0 =	simm.s32 @!p0 $0x3  }
0x61: {  	_ =	swait.ge @!p0 [sflag:s0], s1  }
0x62: {  	s1 =	ssub.s32 @!p0 $0x0, s1;
	[sflag:s0] =	ssyncset.done @!p0 $0x0  }
0x63: {  	[sflag:s0] =	ssyncadd.s32 @!p0 s1  }
0x64: {  	[bflag:$0x3] =	sbarrier.arrive $0xFFFF  }
0x65: {  	_ =	shalt  }

// kernel: kernel.28.cloned.1.call-start
scs
__scs_entry_jumppad:
0x0: {  	(pc) =	sbr.rel $0x88, $3  }
0x1: {  	(tag) =	ssettag $0x0;
	lr =	simm.s32 $0x1  }
0x2: {  	[smem:$0x3F97] =	sst lr;
	_ =	strace $0xD0000000  }
0x3: {  	_ = 	snop  }
0x4: {  	_ = 	snop  }
0x5: {  	_ = 	snop  }
0x6: {  	_ = 	snop  }
0x7: {  	_ = 	snop  }
__scs_overlays_trampoline_lowered:
0x8: {  	[smem:$0x3FA6] =	sst s0  }
0x9: {  	[smem:$0x3FA7] =	sst s1  }
0xa: {  	[smem:$0x3FA8] =	sst s2  }
0xb: {  	[smem:$0x3FA9] =	sst s3  }
0xc: {  	[smem:$0x3FAA] =	sst s4  }
0xd: {  	[smem:$0x3FAB] =	sst s5  }
0xe: {  	[smem:$0x3FAC] =	sst s6  }
0xf: {  	[smem:$0x3FAD] =	sst s7  }
0x10: {  	[smem:$0x3FAE] =	sst s8  }
0x11: {  	[smem:$0x3FAF] =	sst s9;
	s0 =	simm.s32 @!p0 $0x0  }
0x12: {  	s1 =	sld [smem:$0x3F95];
	s0 =	simm.s32 @p0 $0x1  }
0x13: {  	[smem:$0x3FB0] =	sst s0;
	s0 =	simm.s32 @!p1 $0x0  }
0x14: {  	s2 =	sld [smem:$0x3F94];
	s0 =	simm.s32 @p1 $0x1  }
0x15: {  	[smem:$0x3FB1] =	sst s0;
	s0 =	simm.s32 @!p2 $0x0  }
0x16: {  	s3 =	sld [smem:$0x3FDB];
	s0 =	simm.s32 @p2 $0x1  }
0x17: {  	s4 =	simm.s32 $0x1BF5;
	[smem:$0x3FB3] =	sst s0  }
0x18: {  	s0 =	sld [smem:$0x3F96];
	_ =	swait.ge [sflag:s4], $0x0  }
0x19: {  	s7 =	sld [smem:$0x3F97]  }
0x1a: {  	s8 =	sadd.s32 $0xFFFFE003, lr  }
0x1b: {  	s9 =	sadd.s32 $0xFFFFFEF7, lr;
	s5 =	simm.s32 $0xFFFFFFFF;
	p2 =	slt.u32 s8, $0xFFFFF086  }
0x1c: {  	p1 =	slt.u32 s9, $0xF7A;
	s5 =	simm.s32 @!p2 $0x0  }
0x1d: {  	s5 =	simm.s32 @p1 $0x1;
	p0 =	seq.s32 s7, s2  }
0x1e: {  	s7 =	smul.u32 @!p0 $0xF7A, s2;
	p2 =	seq.s32 @!p0 s5, $0x0  }
0x1f: {  	s9 =	smul.u32 $0xF7A, s1;
	s8 =	simm.s32 @!p0 $0x1BF5;
	p2 =	por !p2, p0  }
0x20: {  	[sflag:s8] =	ssyncset.s32 @!p0 $0xFFFFF086;
	s6 =	sadd.s32 @!p0 s3, s7;
	s7 =	simm.s32 @!p0 $0x108  }
0x21: {  	s3 =	sadd.s32 s3, s9;
	s6 =	sadd.s32 @!p0 $0x88, s6;
	s7 =	simm.s32 @p2 $0x1082  }
0x22: {  	[simem:s7], [sflag:s8] =	dma.local @!p0 [hbm:s6], $0xF7A  }
0x23: {  	s9 =	sor.u32 $0xD0000000, s2;
	s6 =	simm.s32 $0x108;
	_ =	swait.ge @!p0 [sflag:s8], $0x0  }
0x24: {  	s3 =	sadd.s32 $0x88, s3;
	s6 =	simm.s32 @!p1 $0x1082;
	[sflag:s4] =	ssyncset.s32 $0xFFFFF086  }
0x25: {  	[simem:s6], [sflag:s4] =	dma.local [hbm:s3], $0xF7A  }
0x26: {  	[smem:$0x3F97] =	sst s1;
	(tag) =	ssettag s2;
	_ =	strace s9  }
0x27: {  	s1 =	sld [smem:$0x3FA7]  }
0x28: {  	s2 =	sld [smem:$0x3FA8]  }
0x29: {  	s4 =	sld [smem:$0x3FAA]  }
0x2a: {  	p0 =	seq.s32 s5, $0x0;
	s5 =	sld [smem:$0x3FAB]  }
0x2b: {  	s6 =	sld [smem:$0x3FAC]  }
0x2c: {  	s7 =	sld [smem:$0x3FAD]  }
0x2d: {  	s3 =	simm.s32 $0x108;
	s8 =	sld [smem:$0x3FAE]  }
0x2e: {  	s3 =	simm.s32 @!p0 $0x1082;
	s9 =	sld [smem:$0x3FAF]  }
0x2f: {  	lr =	sadd.s32 s0, s3;
	s0 =	sld [smem:$0x3FA6]  }
0x30: {  	s3 =	sld [smem:$0x3FA9]  }
0x31: {  	[smem:$0x3FB2] =	sst s10  }
0x32: {  	s10 =	sld [smem:$0x3FB0];
	_ =	sdelay $0x3  }
0x33: {  	p0 =	seq.s32 s10, $0x1;
	s10 =	sld [smem:$0x3FB2];
	_ =	sdelay $0x3  }
0x34: {  	[smem:$0x3FB2] =	sst s10  }
0x35: {  	s10 =	sld [smem:$0x3FB1];
	_ =	sdelay $0x3  }
0x36: {  	p1 =	seq.s32 s10, $0x1;
	s10 =	sld [smem:$0x3FB2];
	_ =	sdelay $0x3  }
0x37: {  	[smem:$0x3FB2] =	sst s10  }
0x38: {  	s10 =	sld [smem:$0x3FB3]  }
0x39: {  	_ = 	snop;
	(pc) =	sbr.ind lr, $3  }
0x3a: {  	_ = 	snop  }
0x3b: {  	_ = 	snop  }
0x3c: {  	p2 =	seq.s32 s10, $0x1;
	s10 =	sld [smem:$0x3FB2]  }
0x3d: {  	_ =	shalt  }
0x3e: {  	_ =	shalt  }
0x3f: {  	_ =	shalt  }
0x40: {  	_ =	shalt  }
0x41: {  	_ =	shalt  }
0x42: {  	_ =	shalt  }
0x43: {  	_ =	shalt  }
0x44: {  	_ =	shalt  }
0x45: {  	_ =	shalt  }
0x46: {  	_ =	shalt  }
0x47: {  	_ =	shalt  }
0x48: {  	_ =	shalt  }
0x49: {  	_ =	shalt  }
0x4a: {  	_ =	shalt  }
0x4b: {  	_ =	shalt  }
0x4c: {  	_ =	shalt  }
0x4d: {  	_ =	shalt  }
0x4e: {  	_ =	shalt  }
0x4f: {  	_ =	shalt  }
0x50: {  	_ =	shalt  }
0x51: {  	_ =	shalt  }
0x52: {  	_ =	shalt  }
0x53: {  	_ =	shalt  }
0x54: {  	_ =	shalt  }
0x55: {  	_ =	shalt  }
0x56: {  	_ =	shalt  }
0x57: {  	_ =	shalt  }
0x58: {  	_ =	shalt  }
0x59: {  	_ =	shalt  }
0x5a: {  	_ =	shalt  }
0x5b: {  	_ =	shalt  }
0x5c: {  	_ =	shalt  }
0x5d: {  	_ =	shalt  }
0x5e: {  	_ =	shalt  }
0x5f: {  	_ =	shalt  }
0x60: {  	_ =	shalt  }
0x61: {  	_ =	shalt  }
0x62: {  	_ =	shalt  }
0x63: {  	_ =	shalt  }
0x64: {  	_ =	shalt  }
0x65: {  	_ =	shalt  }
0x66: {  	_ =	shalt  }
0x67: {  	_ =	shalt  }
0x68: {  	_ =	shalt  }
0x69: {  	_ =	shalt  }
0x6a: {  	_ =	shalt  }
0x6b: {  	_ =	shalt  }
0x6c: {  	_ =	shalt  }
0x6d: {  	_ =	shalt  }
0x6e: {  	_ =	shalt  }
0x6f: {  	_ =	shalt  }
0x70: {  	_ =	shalt  }
0x71: {  	_ =	shalt  }
0x72: {  	_ =	shalt  }
0x73: {  	_ =	shalt  }
0x74: {  	_ =	shalt  }
0x75: {  	_ =	shalt  }
0x76: {  	_ =	shalt  }
0x77: {  	_ =	shalt  }
0x78: {  	_ =	shalt  }
0x79: {  	_ =	shalt  }
0x7a: {  	_ =	shalt  }
0x7b: {  	_ =	shalt  }
0x7c: {  	_ =	shalt  }
0x7d: {  	_ =	shalt  }
0x7e: {  	_ =	shalt  }
0x7f: {  	_ =	shalt  }
0x80: {  	_ =	shalt  }
0x81: {  	_ =	shalt  }
0x82: {  	_ =	shalt  }
0x83: {  	_ =	shalt  }
0x84: {  	_ =	shalt  }
0x85: {  	_ =	shalt  }
0x86: {  	_ =	shalt  }
0x87: {  	_ =	shalt  }
.Lfunc_end0:
.L_simem_size_0:
called_computation.3_lowered:
.L_overlay_start_0:
0x88: {  	s2 =	sld [smem:$0x3FD9]  }
0x89: {  	s3 =	sld [smem:$0x3FFE];
	_ =	sdelay $0x1  }
0x8a: {  	s1 =	srdreg.scid  }
0x8b: {  	s0 =	sand.u32 $0x1, s1  }
0x8c: {  	s16 =	sshll.u32 s0, $0xA;
	s2 =	sadd.s32 s3, s2  }
0x8d: {  	s2 =	sadd.s32 s2, s16  }
0x8e: {  	[smem:$0x3FBE] =	sst s2  }
0x8f: {  	_ = 	snop  }
0x90: {  	(tm) =	ssettm $0x1  }
0x91: {  	s17 =	sld [smem:$0x3FFB];
	_ =	sdelay $0x3  }
0x92: {  	_ =	strace s17  }
0x93: {  	s2 =	sld [smem:$0x3FFC];
	_ =	sdelay $0x3  }
0x94: {  	_ =	strace s2  }
0x95: {  	s2 =	sld [smem:$0x3FFD];
	_ =	sdelay $0x3  }
0x96: {  	_ =	strace s2  }
0x97: {  	_ =	strace $0x8FFFFFFF  }
0x98: {  	s18 =	sld [smem:$0x3FDB];
	_ =	sdelay $0x1  }
0x99: {  	s19 =	simm.s32 $_scs_section_size  }
0x9a: {  	s4 =	simm.s32 $_size__tile_overlayer_lowered;
	s5 =	simm.s32 $_tile_overlayer_lowered  }
0x9b: {  	s22 =	simm.s32 $0x1BFF;
	s21 =	sshll.u32 s5, $0x1;
	s2 =	sadd.s32 s19, s18  }
0x9c: {  	s6 =	simm.s32 $0x0;
	s20 =	sshll.u32 s4, $0x1;
	s4 =	sadd.s32 s21, s2  }
0x9d: {  	[timem:s6], [sflag:s22] =	dma.local [hbm:s4], s20  }
0x9e: {  	_ =	swait.ge [sflag:s22], s20  }
0x9f: {  	s3 =	ssub.s32 $0x0, s20;
	[sflag:s22] =	ssyncset.done $0x0  }
0xa0: {  	[sflag:s22] =	ssyncadd.s32 s3;
	_ =	sdelay $0x1  }
0xa1: {  	s23 =	simm.s32 $0x1B8B  }
0xa2: {  	_ =	swait.ge [sflag:s23], $0x1  }
0xa3: {  	[sflag:s23] =	ssyncset.done $0x0  }
0xa4: {  	s25 =	simm.s32 $0x1B8E;
	s24 =	sld [smem:$0x3FFE];
	[sflag:s23] =	ssyncadd.s32 $0xFFFFFFFF  }
0xa5: {  	s26 =	simm.s32 $execute0_lowered;
	[smem:$0x3FD2] =	sst s25  }
0xa6: {  	s4 =	sshll.u32 s26, $0x1;
	_ =	strace $0x8000004F;
	[dreg:$0x1] =	wrdreg $0xFFFFFFFF  }
0xa7: {  	s28 =	simm.s32 $_size_execute0_lowered;
	s2 =	sadd.s32 s2, s4;
	[dreg:$0x0] =	wrdreg $0x0  }
0xa8: {  	s4 =	sshll.u32 s28, $0x1;
	[dreg:$0x2] =	wrdreg s2  }
0xa9: {  	[dreg:$0x3] =	wrdreg s4  }
0xaa: {  	[dreg:$0x4] =	wrdreg $0xC0  }
0xab: {  	_ =	task [dreg:s6], $0x5FFFF  }
0xac: {  	[dreg:$0x1] =	wrdreg $0xFFFFFFFF  }
0xad: {  	[dreg:$0x0] =	wrdreg $0x60  }
0xae: {  	[dreg:$0x2] =	wrdreg s24  }
0xaf: {  	[dreg:$0x3] =	wrdreg $0xE0000  }
0xb0: {  	[dreg:$0x4] =	wrdreg $0x9  }
0xb1: {  	_ =	task.clear_ibuf [dreg:s6], $0x5FFFF;
	_ =	strace $0x9000004F  }
0xb2: {  	s29 =	simm.s32 $0x9;
	_ =	strace $0x80000051  }
0xb3: {  	_ =	swait.ge [sflag:s29], $0x1  }
0xb4: {  	[sflag:s29] =	ssyncadd.s32 $0xFFFFFFFF  }
0xb5: {  	_ =	strace $0x90000051  }
0xb6: {  	_ =	sfence  }
0xb7: {  	s30 =	sld [smem:$0x0];
	_ =	sdelay $0x2  }
0xb8: {  	s31 =	sshll.u32 s1, $0xD;
	s1 =	sshrl.u32 s1, $0x2  }
0xb9: {  	s3 =	sand.u32 $0x4000, s31;
	s1 =	sadd.s32 s1, s30  }
0xba: {  	s0 =	sor.u32 s3, s0;
	s1 =	sshll.u32 s1, $0x11  }
0xbb: {  	s0 =	sor.u32 s1, s0  }
0xbc: {  	s0 =	sadd.s32 $0x8F2B, s0  }
0xbd: {  	[sflag:s0] =	ssyncadd.remote.s32 $0x1  }
0xbe: {  	_ =	sfence.sel $0xFFFF  }
0xbf: {  	[dreg:$0x0] =	wrdreg $0xFFFFFFFF;
	(pc) =	sbr.abs _section_cstart, $3  }
0xc0: {  	[dreg:$0x1] =	wrdreg $0xFFFFFFFF  }
0xc1: {  	_ =	task.clear_ibuf [dreg:s6], $0x2FFFF;
	_ =	strace $0x9FFFFFFF  }
0xc2: {  	(tm) =	ssettm $0x7FFFFFFF  }
0xc3: {  	_ =	shalt  }
tec
execute0_lowered:
.L_overlay_start_1:
0x0: {  	(tag) =	ssettag $0x1  }
0x1: {  	s5 =	rddreg [dreg:$0x0]  }
0x2: {  	s2 =	rddreg [dreg:$0x1]  }
0x3: {  	s0 =	srdreg.scid;
	s1 =	rddreg [dreg:$0x2];
	s3 =	simm.s32 $0x0  }
0x4: {  	s13 =	simm.s32 $0x5000;
	s14 =	simm.s32 $0x80;
	s15 =	simm.s32 $0xA000  }
0x5: {  	s16 =	simm.s32 $0xC000;
	s17 =	simm.s32 $0x1;
	s6 =	sand.u32 $0x1, s0  }
0x6: {  	s18 =	simm.s32 $0x2;
	s0 =	stileid.u32;
	s4 =	smul.u32 $0x50000, s6  }
0x7: {  	s19 =	simm.s32 $0x9F00;
	s20 =	simm.s32 $0x9F80;
	s7 =	smul.u32 $0x5000, s0  }
0x8: {  	s21 =	simm.s32 $0x0;
	[smem:$0x7FF] =	sst s3;
	s30 =	smul.u32 $0xA000, s0  }
0x9: {  	s9 =	smul.u32 $0xA0000, s6;
	_ =	strace $0x80000050;
	s6 =	ssub.s32 $0x2, s6  }
0xa: {  	s31 =	sshll.u32 s0, $0x6;
	s11 =	sshrl.u32 s6, $0x1;
	s4 =	sadd.s32 s7, s4  }
0xb: {  	s10 =	sshrl.u32 s30, $0x3;
	s9 =	sadd.s32 s30, s9;
	s11 =	ssub.s32 s6, s11  }
0xc: {  	s12 =	sadd.s32 s30, s2;
	s6 =	sor.u32 $0x1C03, s31;
	s8 =	sshrl.u32 s4, $0x3  }
0xd: {  	s4 =	sadd.s32 $0x140400, s5;
	s10 =	sadd.s32 s10, s5;
	s9 =	sshrl.u32 s9, $0x3  }
0xe: {  	s8 =	sadd.s32 s8, s5;
	s9 =	sadd.s32 s9, s5;
	s5 =	sadd.s32 $0x12C400, s10  }
0xf: {  	s10 =	smax.u32 s11, $0x1;
	s11 =	sshrl.u32 s12, $0x3;
	s12 =	simm.s32 $0x3  }
0x10: {  	s7 =	sadd.s32 $0x28400, s8;
	s8 =	sadd.s32 $0x14400, s8;
	s9 =	sadd.s32 $0x190400, s9  }
.LBB2_1:
0x11: {  	[spmem:s11], [sflag:s6] =	dma.local [hbm:s5], $0x1400  }
0x12: {  	_ =	swait.ge [sflag:s12], $0x1400  }
0x13: {  	[sflag:s12] =	ssyncset.done $0x0  }
0x14: {  	[sflag:s12] =	ssyncadd.s32 $0xFFFFEC00  }
0x15: {  	[tilespmem:s3], [sflag:$0x3] =	stream.linear.gather [hbm4b:s7+s3], $0x5000, $0x38;
	[tilespmem:$0x18000] =	vst v63  }
0x16: {  	_ =	swait.ge [sflag:s12], $0x5000  }
0x17: {  	[sflag:s12] =	ssyncset.done $0x0  }
0x18: {  	[sflag:s12] =	ssyncadd.s32 $0xFFFFB000  }
0x19: {  	[tilespmem:s13], [sflag:$0x3] =	stream.linear.gather [hbm4b:s8+s3], $0x5000, $0x38;
	[tilespmem:$0x18000] =	vst v63  }
0x1a: {  	_ =	swait.ge [sflag:s12], $0x5000  }
0x1b: {  	[sflag:s12] =	ssyncset.done $0x0  }
0x1c: {  	[sflag:s12] =	ssyncadd.s32 $0xFFFFB000  }
0x1d: {  	[tilespmem:s15], [sflag:$0x1] =	stream.indirect.gather [hbm4b:s4+s14], $0x40, s3, s14, $0xb8;
	[tilespmem:$0x18000] =	vst v63  }
0x1e: {  	_ = 	snop  }
0x1f: {  	[tilespmem:s16], [sflag:$0x2] =	stream.indirect.gather [hbm4b:s4+s14], $0x40, s14, s14, $0xb8;
	[tilespmem:$0x18000] =	vst v63  }
0x20: {  	[bflag:$0x0] =	sbarrier.arrive $0xFFFF  }
0x21: {  	_ =	swait.ge [sflag:s17], $0x2000  }
0x22: {  	[sflag:s17] =	ssyncset.done $0x0  }
0x23: {  	s22 =	simm.s32 $0x5000;
	[sflag:s17] =	ssyncadd.s32 $0xFFFFE000  }
0x24: {  	[spmem:s2] =	stream.indirect.scatter.add.f32 [tilespmem:s15], [sflag:$0x3], $0x40, s22, s14, $0xb8;
	[tilespmem:$0x18000] =	vst v63  }
0x25: {  	_ =	swait.ge [sflag:s12], $0x2000  }
0x26: {  	[sflag:s12] =	ssyncset.done $0x0  }
0x27: {  	s30 =	simm.s32 $0x100;
	[sflag:s12] =	ssyncadd.s32 $0xFFFFE000  }
0x28: {  	[tilespmem:s15], [sflag:$0x1] =	stream.indirect.gather [hbm4b:s4+s14], $0x40, s30, s14, $0xb8;
	[tilespmem:$0x18000] =	vst v63  }
0x29: {  	_ =	swait.ge [sflag:s18], $0x2000  }
0x2a: {  	[sflag:s18] =	ssyncset.done $0x0  }
0x2b: {  	s31 =	simm.s32 $0x5080;
	[sflag:s18] =	ssyncadd.s32 $0xFFFFE000  }
0x2c: {  	[spmem:s2] =	stream.indirect.scatter.add.f32 [tilespmem:s16], [sflag:$0x3], $0x40, s31, s14, $0xb8;
	[tilespmem:$0x18000] =	vst v63  }
0x2d: {  	_ =	swait.ge [sflag:s12], $0x2000  }
0x2e: {  	[sflag:s12] =	ssyncset.done $0x0  }
0x2f: {  	s23 =	simm.s32 $0x180;
	s22 =	simm.s32 $0x400;
	[sflag:s12] =	ssyncadd.s32 $0xFFFFE000  }
.LBB2_2:
0x30: {  	[tilespmem:s16], [sflag:$0x2] =	stream.indirect.gather [hbm4b:s4+s14], $0x40, s23, s14, $0xb8;
	[tilespmem:$0x18000] =	vst v63  }
0x31: {  	s23 =	smov.u32 s22  }
0x32: {  	p0 =	sne.s32 s22, $0x13800;
	s22 =	sadd.s32 $0x400, s22;
	_ =	swait.ge [sflag:s17], $0x2000  }
0x33: {  	s23 =	sshra.s32 s23, $0x2;
	[sflag:s17] =	ssyncset.done $0x0  }
0x34: {  	s24 =	sadd.s32 $0x5000, s23;
	[sflag:s17] =	ssyncadd.s32 $0xFFFFE000  }
0x35: {  	[spmem:s2] =	stream.indirect.scatter.add.f32 [tilespmem:s15], [sflag:$0x3], $0x40, s24, s14, $0xb8;
	[tilespmem:$0x18000] =	vst v63  }
0x36: {  	_ =	swait.ge [sflag:s12], $0x2000  }
0x37: {  	[sflag:s12] =	ssyncset.done $0x0  }
0x38: {  	s24 =	sadd.s32 $0x100, s23;
	[sflag:s12] =	ssyncadd.s32 $0xFFFFE000  }
0x39: {  	[tilespmem:s15], [sflag:$0x1] =	stream.indirect.gather [hbm4b:s4+s14], $0x40, s24, s14, $0xb8;
	[tilespmem:$0x18000] =	vst v63  }
0x3a: {  	_ =	swait.ge [sflag:s18], $0x2000  }
0x3b: {  	[sflag:s18] =	ssyncset.done $0x0  }
.Ltmp0:
0x3c: {  	s24 =	sadd.s32 $0x5080, s23;
	[sflag:s18] =	ssyncadd.s32 $0xFFFFE000;
	(pc) =	sbr.rel @p0 .LBB2_2-.Ltmp0, $4  }
0x3d: {  	[spmem:s2] =	stream.indirect.scatter.add.f32 [tilespmem:s16], [sflag:$0x3], $0x40, s24, s14, $0xb8;
	[tilespmem:$0x18000] =	vst v63  }
0x3e: {  	_ =	swait.ge [sflag:s12], $0x2000  }
0x3f: {  	[sflag:s12] =	ssyncset.done $0x0  }
0x40: {  	s23 =	sadd.s32 $0x180, s23;
	[sflag:s12] =	ssyncadd.s32 $0xFFFFE000  }
0x41: {  	[tilespmem:s16], [sflag:$0x2] =	stream.indirect.gather [hbm4b:s4+s14], $0x40, s23, s14, $0xb8;
	[tilespmem:$0x18000] =	vst v63  }
0x42: {  	_ =	swait.ge [sflag:s17], $0x2000  }
0x43: {  	[sflag:s17] =	ssyncset.done $0x0  }
0x44: {  	[sflag:s17] =	ssyncadd.s32 $0xFFFFE000  }
0x45: {  	[spmem:s2] =	stream.indirect.scatter.add.f32 [tilespmem:s15], [sflag:$0x3], $0x40, s19, s14, $0xb8;
	[tilespmem:$0x18000] =	vst v63  }
0x46: {  	_ =	swait.ge [sflag:s12], $0x2000  }
0x47: {  	[sflag:s12] =	ssyncset.done $0x0  }
0x48: {  	[sflag:s12] =	ssyncadd.s32 $0xFFFFE000  }
0x49: {  	_ =	swait.ge [sflag:s18], $0x2000  }
0x4a: {  	[sflag:s18] =	ssyncset.done $0x0  }
0x4b: {  	[sflag:s18] =	ssyncadd.s32 $0xFFFFE000  }
0x4c: {  	[spmem:s2] =	stream.indirect.scatter.add.f32 [tilespmem:s16], [sflag:$0x3], $0x40, s20, s14, $0xb8;
	[tilespmem:$0x18000] =	vst v63  }
0x4d: {  	_ =	swait.ge [sflag:s12], $0x2000  }
0x4e: {  	s21 =	sadd.s32 $0x1, s21;
	[sflag:s12] =	ssyncset.done $0x0  }
0x4f: {  	p0 =	sne.s32 s21, s10;
	[sflag:s12] =	ssyncadd.s32 $0xFFFFE000  }
.Ltmp1:
0x50: {  	[bflag:$0x0] =	sbarrier.arrive $0xFFFF;
	(pc) =	sbr.rel @p0 .LBB2_1-.Ltmp1, $4  }
0x51: {  	[hbm:s9], [sflag:s6] =	dma.local [spmem:s11], $0x1400  }
0x52: {  	_ =	swait.ge [sflag:s12], $0x1400  }
0x53: {  	[sflag:s12] =	ssyncset.done $0x0  }
0x54: {  	[sflag:s12] =	ssyncadd.s32 $0xFFFFEC00  }
0x55: {  	_ =	sfence.sel $0x180000  }
0x56: {  	[bflag:$0x0] =	sbarrier.arrive $0xFFFF  }
0x57: {  	p0 =	sne.s32 s0, $0x0;
	_ =	strace $0x90000050  }
0x58: {  	s0 =	sadd.s32 @!p0 $0x100000, s1;
	[bflag:$0x2] =	sbarrier.arrive $0xFFFF  }
0x59: {  	[sflag:s0] =	ssyncadd.tile.s32 @!p0 $0x1;
	_ =	shalt  }
.Lfunc_end2:
_tile_overlayer_lowered:
.L_overlay_start_2:
0x5a: {  	(tag) =	ssettag $0x2  }
0x5b: {  	s0 =	rddreg [dreg:$0x0];
	s2 =	stileid.u32  }
0x5c: {  	s1 =	rddreg [dreg:$0x1];
	p0 =	sne.s32 s2, $0x0  }
0x5d: {  	s3 =	rddreg [dreg:$0x2];
	[bflag:$0x3] =	sbarrier.arrive $0xFFFF;
	s2 =	simm.s32 @!p0 $0x1C03  }
0x5e: {  	[timem:s3], [sflag:s2] =	dma.local @!p0 [hbm:s0], s1  }
0x5f: {  	s0 =	simm.s32 @!p0 $0x3  }
0x60: {  	_ =	swait.ge @!p0 [sflag:s0], s1  }
0x61: {  	s1 =	ssub.s32 @!p0 $0x0, s1;
	[sflag:s0] =	ssyncset.done @!p0 $0x0  }
0x62: {  	[sflag:s0] =	ssyncadd.s32 @!p0 s1  }
0x63: {  	[bflag:$0x3] =	sbarrier.arrive $0xFFFF  }
0x64: {  	_ =	shalt  }

// kernel: kernel.31.cloned.1.call-start
scs
__scs_entry_jumppad:
0x0: {  	(pc) =	sbr.rel $0x88, $3  }
0x1: {  	(tag) =	ssettag $0x0;
	lr =	simm.s32 $0x1  }
0x2: {  	[smem:$0x3F97] =	sst lr;
	_ =	strace $0xD0000000  }
0x3: {  	_ = 	snop  }
0x4: {  	_ = 	snop  }
0x5: {  	_ = 	snop  }
0x6: {  	_ = 	snop  }
0x7: {  	_ = 	snop  }
__scs_overlays_trampoline_lowered:
0x8: {  	[smem:$0x3FA6] =	sst s0  }
0x9: {  	[smem:$0x3FA7] =	sst s1  }
0xa: {  	[smem:$0x3FA8] =	sst s2  }
0xb: {  	[smem:$0x3FA9] =	sst s3  }
0xc: {  	[smem:$0x3FAA] =	sst s4  }
0xd: {  	[smem:$0x3FAB] =	sst s5  }
0xe: {  	[smem:$0x3FAC] =	sst s6  }
0xf: {  	[smem:$0x3FAD] =	sst s7  }
0x10: {  	[smem:$0x3FAE] =	sst s8  }
0x11: {  	[smem:$0x3FAF] =	sst s9;
	s0 =	simm.s32 @!p0 $0x0  }
0x12: {  	s1 =	sld [smem:$0x3F95];
	s0 =	simm.s32 @p0 $0x1  }
0x13: {  	[smem:$0x3FB0] =	sst s0;
	s0 =	simm.s32 @!p1 $0x0  }
0x14: {  	s2 =	sld [smem:$0x3F94];
	s0 =	simm.s32 @p1 $0x1  }
0x15: {  	[smem:$0x3FB1] =	sst s0;
	s0 =	simm.s32 @!p2 $0x0  }
0x16: {  	s3 =	sld [smem:$0x3FDB];
	s0 =	simm.s32 @p2 $0x1  }
0x17: {  	s4 =	simm.s32 $0x1BF5;
	[smem:$0x3FB3] =	sst s0  }
0x18: {  	s0 =	sld [smem:$0x3F96];
	_ =	swait.ge [sflag:s4], $0x0  }
0x19: {  	s7 =	sld [smem:$0x3F97]  }
0x1a: {  	s8 =	sadd.s32 $0xFFFFE003, lr  }
0x1b: {  	s9 =	sadd.s32 $0xFFFFFEF7, lr;
	s5 =	simm.s32 $0xFFFFFFFF;
	p2 =	slt.u32 s8, $0xFFFFF086  }
0x1c: {  	p1 =	slt.u32 s9, $0xF7A;
	s5 =	simm.s32 @!p2 $0x0  }
0x1d: {  	s5 =	simm.s32 @p1 $0x1;
	p0 =	seq.s32 s7, s2  }
0x1e: {  	s7 =	smul.u32 @!p0 $0xF7A, s2;
	p2 =	seq.s32 @!p0 s5, $0x0  }
0x1f: {  	s9 =	smul.u32 $0xF7A, s1;
	s8 =	simm.s32 @!p0 $0x1BF5;
	p2 =	por !p2, p0  }
0x20: {  	[sflag:s8] =	ssyncset.s32 @!p0 $0xFFFFF086;
	s6 =	sadd.s32 @!p0 s3, s7;
	s7 =	simm.s32 @!p0 $0x108  }
0x21: {  	s3 =	sadd.s32 s3, s9;
	s6 =	sadd.s32 @!p0 $0x88, s6;
	s7 =	simm.s32 @p2 $0x1082  }
0x22: {  	[simem:s7], [sflag:s8] =	dma.local @!p0 [hbm:s6], $0xF7A  }
0x23: {  	s9 =	sor.u32 $0xD0000000, s2;
	s6 =	simm.s32 $0x108;
	_ =	swait.ge @!p0 [sflag:s8], $0x0  }
0x24: {  	s3 =	sadd.s32 $0x88, s3;
	s6 =	simm.s32 @!p1 $0x1082;
	[sflag:s4] =	ssyncset.s32 $0xFFFFF086  }
0x25: {  	[simem:s6], [sflag:s4] =	dma.local [hbm:s3], $0xF7A  }
0x26: {  	[smem:$0x3F97] =	sst s1;
	(tag) =	ssettag s2;
	_ =	strace s9  }
0x27: {  	s1 =	sld [smem:$0x3FA7]  }
0x28: {  	s2 =	sld [smem:$0x3FA8]  }
0x29: {  	s4 =	sld [smem:$0x3FAA]  }
0x2a: {  	p0 =	seq.s32 s5, $0x0;
	s5 =	sld [smem:$0x3FAB]  }
0x2b: {  	s6 =	sld [smem:$0x3FAC]  }
0x2c: {  	s7 =	sld [smem:$0x3FAD]  }
0x2d: {  	s3 =	simm.s32 $0x108;
	s8 =	sld [smem:$0x3FAE]  }
0x2e: {  	s3 =	simm.s32 @!p0 $0x1082;
	s9 =	sld [smem:$0x3FAF]  }
0x2f: {  	lr =	sadd.s32 s0, s3;
	s0 =	sld [smem:$0x3FA6]  }
0x30: {  	s3 =	sld [smem:$0x3FA9]  }
0x31: {  	[smem:$0x3FB2] =	sst s10  }
0x32: {  	s10 =	sld [smem:$0x3FB0];
	_ =	sdelay $0x3  }
0x33: {  	p0 =	seq.s32 s10, $0x1;
	s10 =	sld [smem:$0x3FB2];
	_ =	sdelay $0x3  }
0x34: {  	[smem:$0x3FB2] =	sst s10  }
0x35: {  	s10 =	sld [smem:$0x3FB1];
	_ =	sdelay $0x3  }
0x36: {  	p1 =	seq.s32 s10, $0x1;
	s10 =	sld [smem:$0x3FB2];
	_ =	sdelay $0x3  }
0x37: {  	[smem:$0x3FB2] =	sst s10  }
0x38: {  	s10 =	sld [smem:$0x3FB3]  }
0x39: {  	_ = 	snop;
	(pc) =	sbr.ind lr, $3  }
0x3a: {  	_ = 	snop  }
0x3b: {  	_ = 	snop  }
0x3c: {  	p2 =	seq.s32 s10, $0x1;
	s10 =	sld [smem:$0x3FB2]  }
0x3d: {  	_ =	shalt  }
0x3e: {  	_ =	shalt  }
0x3f: {  	_ =	shalt  }
0x40: {  	_ =	shalt  }
0x41: {  	_ =	shalt  }
0x42: {  	_ =	shalt  }
0x43: {  	_ =	shalt  }
0x44: {  	_ =	shalt  }
0x45: {  	_ =	shalt  }
0x46: {  	_ =	shalt  }
0x47: {  	_ =	shalt  }
0x48: {  	_ =	shalt  }
0x49: {  	_ =	shalt  }
0x4a: {  	_ =	shalt  }
0x4b: {  	_ =	shalt  }
0x4c: {  	_ =	shalt  }
0x4d: {  	_ =	shalt  }
0x4e: {  	_ =	shalt  }
0x4f: {  	_ =	shalt  }
0x50: {  	_ =	shalt  }
0x51: {  	_ =	shalt  }
0x52: {  	_ =	shalt  }
0x53: {  	_ =	shalt  }
0x54: {  	_ =	shalt  }
0x55: {  	_ =	shalt  }
0x56: {  	_ =	shalt  }
0x57: {  	_ =	shalt  }
0x58: {  	_ =	shalt  }
0x59: {  	_ =	shalt  }
0x5a: {  	_ =	shalt  }
0x5b: {  	_ =	shalt  }
0x5c: {  	_ =	shalt  }
0x5d: {  	_ =	shalt  }
0x5e: {  	_ =	shalt  }
0x5f: {  	_ =	shalt  }
0x60: {  	_ =	shalt  }
0x61: {  	_ =	shalt  }
0x62: {  	_ =	shalt  }
0x63: {  	_ =	shalt  }
0x64: {  	_ =	shalt  }
0x65: {  	_ =	shalt  }
0x66: {  	_ =	shalt  }
0x67: {  	_ =	shalt  }
0x68: {  	_ =	shalt  }
0x69: {  	_ =	shalt  }
0x6a: {  	_ =	shalt  }
0x6b: {  	_ =	shalt  }
0x6c: {  	_ =	shalt  }
0x6d: {  	_ =	shalt  }
0x6e: {  	_ =	shalt  }
0x6f: {  	_ =	shalt  }
0x70: {  	_ =	shalt  }
0x71: {  	_ =	shalt  }
0x72: {  	_ =	shalt  }
0x73: {  	_ =	shalt  }
0x74: {  	_ =	shalt  }
0x75: {  	_ =	shalt  }
0x76: {  	_ =	shalt  }
0x77: {  	_ =	shalt  }
0x78: {  	_ =	shalt  }
0x79: {  	_ =	shalt  }
0x7a: {  	_ =	shalt  }
0x7b: {  	_ =	shalt  }
0x7c: {  	_ =	shalt  }
0x7d: {  	_ =	shalt  }
0x7e: {  	_ =	shalt  }
0x7f: {  	_ =	shalt  }
0x80: {  	_ =	shalt  }
0x81: {  	_ =	shalt  }
0x82: {  	_ =	shalt  }
0x83: {  	_ =	shalt  }
0x84: {  	_ =	shalt  }
0x85: {  	_ =	shalt  }
0x86: {  	_ =	shalt  }
0x87: {  	_ =	shalt  }
.Lfunc_end0:
.L_simem_size_0:
called_computation.4_lowered:
.L_overlay_start_0:
0x88: {  	s2 =	sld [smem:$0x3FD9]  }
0x89: {  	s3 =	sld [smem:$0x3FFE];
	_ =	sdelay $0x1  }
0x8a: {  	s1 =	srdreg.scid  }
0x8b: {  	s0 =	sand.u32 $0x1, s1  }
0x8c: {  	s17 =	sshll.u32 s0, $0xA;
	s2 =	sadd.s32 s3, s2  }
0x8d: {  	s2 =	sadd.s32 s2, s17  }
0x8e: {  	[smem:$0x3FBE] =	sst s2  }
0x8f: {  	_ = 	snop  }
0x90: {  	s18 =	sld [smem:$0x3FD0];
	(tm) =	ssettm $0x1  }
0x91: {  	s19 =	sld [smem:$0x3FFB];
	_ =	sdelay $0x3  }
0x92: {  	_ =	strace s19  }
0x93: {  	s2 =	sld [smem:$0x3FFC];
	_ =	sdelay $0x3  }
0x94: {  	_ =	strace s2  }
0x95: {  	s2 =	sld [smem:$0x3FFD];
	_ =	sdelay $0x3  }
0x96: {  	_ =	strace s2  }
0x97: {  	_ =	strace $0x8FFFFFFF  }
0x98: {  	s20 =	sld [smem:$0x3FDB];
	_ =	sdelay $0x1  }
0x99: {  	s4 =	simm.s32 $_scs_section_size  }
0x9a: {  	s5 =	simm.s32 $_size__tile_overlayer_lowered;
	s6 =	simm.s32 $_tile_overlayer_lowered  }
0x9b: {  	s7 =	simm.s32 $0x1BFF;
	s21 =	sshll.u32 s6, $0x1;
	s4 =	sadd.s32 s4, s20  }
0x9c: {  	s22 =	simm.s32 $0x0;
	s5 =	sshll.u32 s5, $0x1;
	s6 =	sadd.s32 s21, s4  }
0x9d: {  	[timem:s22], [sflag:s7] =	dma.local [hbm:s6], s5  }
0x9e: {  	_ =	swait.ge [sflag:s7], s5  }
0x9f: {  	s5 =	ssub.s32 $0x0, s5;
	[sflag:s7] =	ssyncset.done $0x0  }
0xa0: {  	[sflag:s7] =	ssyncadd.s32 s5;
	_ =	sdelay $0x1  }
0xa1: {  	s23 =	simm.s32 $0x1B8B  }
0xa2: {  	_ =	swait.ge [sflag:s23], $0x1  }
0xa3: {  	[sflag:s23] =	ssyncset.done $0x0  }
0xa4: {  	[sflag:s23] =	ssyncadd.s32 $0xFFFFFFFF  }
0xa5: {  	s5 =	sld [smem:$0x0]  }
0xa6: {  	s6 =	sand.u32 $0xFFFFFFFE, s1  }
0xa7: {  	p0 =	sne.s32 s1, s6  }
0xa8: {  	s6 =	sshll.u32 @p0 s6, $0xE  }
0xa9: {  	s6 =	sadd.s32 @p0 $0x11B8D, s6;
	s7 =	sshll.u32 @p0 s5, $0x11  }
0xaa: {  	s6 =	sor.u32 @p0 s7, s6  }
0xab: {  	[sflag:s6] =	ssyncadd.remote.s32 @p0 $0x1;
	_ =	sdelay $0x1  }
0xac: {  	s6 =	simm.s32 @p0 $0x1B8D  }
0xad: {  	_ =	swait.eq @p0 [sflag:s6], $0x1  }
0xae: {  	[sflag:s6] =	ssyncadd.s32 @p0 $0xFFFFFFFF  }
0xaf: {  	s7 =	sshll.u32 @!p0 s1, $0xE  }
0xb0: {  	s7 =	sor.u32 @!p0 $0x4000, s7;
	s6 =	simm.s32 @!p0 $0x1B8D  }
0xb1: {  	s5 =	sshll.u32 @!p0 s5, $0x11;
	s7 =	sadd.s32 @!p0 $0x11B8D, s7;
	_ =	swait.eq @!p0 [sflag:s6], $0x1  }
0xb2: {  	s5 =	sor.u32 @!p0 s5, s7;
	[sflag:s6] =	ssyncadd.s32 @!p0 $0xFFFFFFFF  }
0xb3: {  	s25 =	simm.s32 $0x1B8E;
	s24 =	sld [smem:$0x3FFE];
	[sflag:s5] =	ssyncadd.remote.s32 @!p0 $0x1  }
0xb4: {  	s26 =	simm.s32 $execute0_lowered;
	[smem:$0x3FD2] =	sst s25  }
0xb5: {  	s6 =	sshll.u32 s26, $0x1;
	_ =	strace $0x80000052;
	[dreg:$0x1] =	wrdreg $0xFFFFFFFF  }
0xb6: {  	s28 =	simm.s32 $_size_execute0_lowered;
	s4 =	sadd.s32 s4, s6;
	[dreg:$0x0] =	wrdreg $0x0  }
0xb7: {  	s6 =	sshll.u32 s28, $0x1;
	[dreg:$0x2] =	wrdreg s4  }
0xb8: {  	[dreg:$0x3] =	wrdreg s6  }
0xb9: {  	[dreg:$0x4] =	wrdreg $0xC0  }
0xba: {  	_ =	task [dreg:s22], $0x5FFFF  }
0xbb: {  	[dreg:$0x1] =	wrdreg $0xFFFFFFFF  }
0xbc: {  	[dreg:$0x0] =	wrdreg $0x60  }
0xbd: {  	[dreg:$0x2] =	wrdreg s24  }
0xbe: {  	[dreg:$0x3] =	wrdreg s18  }
0xbf: {  	[dreg:$0x4] =	wrdreg $0xE0000  }
0xc0: {  	[dreg:$0x5] =	wrdreg $0xA  }
0xc1: {  	_ =	task.clear_ibuf [dreg:s22], $0x6FFFF;
	_ =	strace $0x90000052  }
0xc2: {  	s29 =	simm.s32 $0xA;
	_ =	strace $0x80000054  }
0xc3: {  	_ =	swait.ge [sflag:s29], $0x1  }
0xc4: {  	[sflag:s29] =	ssyncadd.s32 $0xFFFFFFFF  }
0xc5: {  	_ =	strace $0x90000054  }
0xc6: {  	_ =	sfence  }
0xc7: {  	s30 =	sld [smem:$0x0];
	_ =	sdelay $0x2  }
0xc8: {  	s31 =	sshll.u32 s1, $0xD;
	s1 =	sshrl.u32 s1, $0x2  }
0xc9: {  	s4 =	sand.u32 $0x4000, s31;
	s1 =	sadd.s32 s1, s30  }
0xca: {  	s0 =	sor.u32 s4, s0;
	s1 =	sshll.u32 s1, $0x11  }
0xcb: {  	s0 =	sor.u32 s1, s0  }
0xcc: {  	s0 =	sadd.s32 $0x8F2B, s0  }
0xcd: {  	[sflag:s0] =	ssyncadd.remote.s32 $0x1  }
0xce: {  	_ =	sfence.sel $0xFFFF  }
0xcf: {  	[dreg:$0x0] =	wrdreg $0xFFFFFFFF;
	(pc) =	sbr.abs _section_cstart, $3  }
0xd0: {  	[dreg:$0x1] =	wrdreg $0xFFFFFFFF  }
0xd1: {  	_ =	task.clear_ibuf [dreg:s22], $0x2FFFF;
	_ =	strace $0x9FFFFFFF  }
0xd2: {  	(tm) =	ssettm $0x7FFFFFFF  }
0xd3: {  	_ =	shalt  }
tec
execute0_lowered:
.L_overlay_start_1:
0x0: {  	(tag) =	ssettag $0x1  }
0x1: {  	s5 =	rddreg [dreg:$0x0]  }
0x2: {  	s7 =	rddreg [dreg:$0x1]  }
0x3: {  	s2 =	rddreg [dreg:$0x2]  }
0x4: {  	s0 =	srdreg.scid;
	s1 =	rddreg [dreg:$0x3];
	s3 =	simm.s32 $0x0  }
0x5: {  	s15 =	simm.s32 $0xA000;
	s16 =	simm.s32 $0xC000;
	s6 =	sand.u32 $0x1, s0  }
0x6: {  	s17 =	simm.s32 $0x1;
	s0 =	stileid.u32;
	s4 =	smul.u32 $0x50000, s6  }
0x7: {  	s18 =	simm.s32 $0x2;
	s19 =	simm.s32 $0x9F00;
	s8 =	smul.u32 $0x5000, s0  }
0x8: {  	s20 =	simm.s32 $0x9F80;
	s21 =	simm.s32 $0x0;
	s30 =	smul.u32 $0xA000, s0  }
0x9: {  	[smem:$0x7FF] =	sst s3;
	s10 =	smul.u32 $0xA0000, s6;
	s6 =	ssub.s32 $0x2, s6  }
0xa: {  	_ =	strace $0x80000053;
	s31 =	sshll.u32 s0, $0x6;
	s13 =	sshrl.u32 s6, $0x1  }
0xb: {  	s4 =	sadd.s32 s8, s4;
	s12 =	sshrl.u32 s30, $0x3;
	s10 =	sadd.s32 s30, s10  }
0xc: {  	s13 =	ssub.s32 s6, s13;
	s14 =	sadd.s32 s30, s2;
	s6 =	sor.u32 $0x1C03, s31  }
0xd: {  	s9 =	sshrl.u32 s4, $0x3;
	s4 =	sadd.s32 $0x140400, s5;
	s10 =	sshrl.u32 s10, $0x3  }
0xe: {  	s12 =	sadd.s32 s12, s5;
	s11 =	sadd.s32 s9, s5;
	s10 =	sadd.s32 s10, s5  }
0xf: {  	s5 =	sadd.s32 $0x12C400, s12;
	s7 =	sadd.s32 s7, s9;
	s12 =	simm.s32 $0x3  }
0x10: {  	s8 =	sadd.s32 $0x14400, s11;
	s9 =	sadd.s32 $0x1B8400, s10;
	s10 =	smax.u32 s13, $0x1  }
0x11: {  	s11 =	sshrl.u32 s14, $0x3;
	s13 =	simm.s32 $0x5000;
	s14 =	simm.s32 $0x80  }
.LBB2_1:
0x12: {  	[spmem:s11], [sflag:s6] =	dma.local [hbm:s5], $0x1400  }
0x13: {  	_ =	swait.ge [sflag:s12], $0x1400  }
0x14: {  	[sflag:s12] =	ssyncset.done $0x0  }
0x15: {  	[sflag:s12] =	ssyncadd.s32 $0xFFFFEC00  }
0x16: {  	[tilespmem:s3], [sflag:$0x3] =	stream.linear.gather [hbm4b:s7+s3], $0x5000, $0x38;
	[tilespmem:$0x18000] =	vst v63  }
0x17: {  	_ =	swait.ge [sflag:s12], $0x5000  }
0x18: {  	[sflag:s12] =	ssyncset.done $0x0  }
0x19: {  	[sflag:s12] =	ssyncadd.s32 $0xFFFFB000  }
0x1a: {  	[tilespmem:s13], [sflag:$0x3] =	stream.linear.gather [hbm4b:s8+s3], $0x5000, $0x38;
	[tilespmem:$0x18000] =	vst v63  }
0x1b: {  	_ =	swait.ge [sflag:s12], $0x5000  }
0x1c: {  	[sflag:s12] =	ssyncset.done $0x0  }
0x1d: {  	[sflag:s12] =	ssyncadd.s32 $0xFFFFB000  }
0x1e: {  	[tilespmem:s15], [sflag:$0x1] =	stream.indirect.gather [hbm4b:s4+s14], $0x40, s3, s14, $0xb8;
	[tilespmem:$0x18000] =	vst v63  }
0x1f: {  	_ = 	snop  }
0x20: {  	[tilespmem:s16], [sflag:$0x2] =	stream.indirect.gather [hbm4b:s4+s14], $0x40, s14, s14, $0xb8;
	[tilespmem:$0x18000] =	vst v63  }
0x21: {  	[bflag:$0x0] =	sbarrier.arrive $0xFFFF  }
0x22: {  	_ =	swait.ge [sflag:s17], $0x2000  }
0x23: {  	[sflag:s17] =	ssyncset.done $0x0  }
0x24: {  	s22 =	simm.s32 $0x5000;
	[sflag:s17] =	ssyncadd.s32 $0xFFFFE000  }
0x25: {  	[spmem:s2] =	stream.indirect.scatter.add.f32 [tilespmem:s15], [sflag:$0x3], $0x40, s22, s14, $0xb8;
	[tilespmem:$0x18000] =	vst v63  }
0x26: {  	_ =	swait.ge [sflag:s12], $0x2000  }
0x27: {  	[sflag:s12] =	ssyncset.done $0x0  }
0x28: {  	s30 =	simm.s32 $0x100;
	[sflag:s12] =	ssyncadd.s32 $0xFFFFE000  }
0x29: {  	[tilespmem:s15], [sflag:$0x1] =	stream.indirect.gather [hbm4b:s4+s14], $0x40, s30, s14, $0xb8;
	[tilespmem:$0x18000] =	vst v63  }
0x2a: {  	_ =	swait.ge [sflag:s18], $0x2000  }
0x2b: {  	[sflag:s18] =	ssyncset.done $0x0  }
0x2c: {  	s31 =	simm.s32 $0x5080;
	[sflag:s18] =	ssyncadd.s32 $0xFFFFE000  }
0x2d: {  	[spmem:s2] =	stream.indirect.scatter.add.f32 [tilespmem:s16], [sflag:$0x3], $0x40, s31, s14, $0xb8;
	[tilespmem:$0x18000] =	vst v63  }
0x2e: {  	_ =	swait.ge [sflag:s12], $0x2000  }
0x2f: {  	[sflag:s12] =	ssyncset.done $0x0  }
0x30: {  	s23 =	simm.s32 $0x180;
	s22 =	simm.s32 $0x400;
	[sflag:s12] =	ssyncadd.s32 $0xFFFFE000  }
.LBB2_2:
0x31: {  	[tilespmem:s16], [sflag:$0x2] =	stream.indirect.gather [hbm4b:s4+s14], $0x40, s23, s14, $0xb8;
	[tilespmem:$0x18000] =	vst v63  }
0x32: {  	s23 =	smov.u32 s22  }
0x33: {  	p0 =	sne.s32 s22, $0x13800;
	s22 =	sadd.s32 $0x400, s22;
	_ =	swait.ge [sflag:s17], $0x2000  }
0x34: {  	s23 =	sshra.s32 s23, $0x2;
	[sflag:s17] =	ssyncset.done $0x0  }
0x35: {  	s24 =	sadd.s32 $0x5000, s23;
	[sflag:s17] =	ssyncadd.s32 $0xFFFFE000  }
0x36: {  	[spmem:s2] =	stream.indirect.scatter.add.f32 [tilespmem:s15], [sflag:$0x3], $0x40, s24, s14, $0xb8;
	[tilespmem:$0x18000] =	vst v63  }
0x37: {  	_ =	swait.ge [sflag:s12], $0x2000  }
0x38: {  	[sflag:s12] =	ssyncset.done $0x0  }
0x39: {  	s24 =	sadd.s32 $0x100, s23;
	[sflag:s12] =	ssyncadd.s32 $0xFFFFE000  }
0x3a: {  	[tilespmem:s15], [sflag:$0x1] =	stream.indirect.gather [hbm4b:s4+s14], $0x40, s24, s14, $0xb8;
	[tilespmem:$0x18000] =	vst v63  }
0x3b: {  	_ =	swait.ge [sflag:s18], $0x2000  }
0x3c: {  	[sflag:s18] =	ssyncset.done $0x0  }
.Ltmp0:
0x3d: {  	s24 =	sadd.s32 $0x5080, s23;
	[sflag:s18] =	ssyncadd.s32 $0xFFFFE000;
	(pc) =	sbr.rel @p0 .LBB2_2-.Ltmp0, $4  }
0x3e: {  	[spmem:s2] =	stream.indirect.scatter.add.f32 [tilespmem:s16], [sflag:$0x3], $0x40, s24, s14, $0xb8;
	[tilespmem:$0x18000] =	vst v63  }
0x3f: {  	_ =	swait.ge [sflag:s12], $0x2000  }
0x40: {  	[sflag:s12] =	ssyncset.done $0x0  }
0x41: {  	s23 =	sadd.s32 $0x180, s23;
	[sflag:s12] =	ssyncadd.s32 $0xFFFFE000  }
0x42: {  	[tilespmem:s16], [sflag:$0x2] =	stream.indirect.gather [hbm4b:s4+s14], $0x40, s23, s14, $0xb8;
	[tilespmem:$0x18000] =	vst v63  }
0x43: {  	_ =	swait.ge [sflag:s17], $0x2000  }
0x44: {  	[sflag:s17] =	ssyncset.done $0x0  }
0x45: {  	[sflag:s17] =	ssyncadd.s32 $0xFFFFE000  }
0x46: {  	[spmem:s2] =	stream.indirect.scatter.add.f32 [tilespmem:s15], [sflag:$0x3], $0x40, s19, s14, $0xb8;
	[tilespmem:$0x18000] =	vst v63  }
0x47: {  	_ =	swait.ge [sflag:s12], $0x2000  }
0x48: {  	[sflag:s12] =	ssyncset.done $0x0  }
0x49: {  	[sflag:s12] =	ssyncadd.s32 $0xFFFFE000  }
0x4a: {  	_ =	swait.ge [sflag:s18], $0x2000  }
0x4b: {  	[sflag:s18] =	ssyncset.done $0x0  }
0x4c: {  	[sflag:s18] =	ssyncadd.s32 $0xFFFFE000  }
0x4d: {  	[spmem:s2] =	stream.indirect.scatter.add.f32 [tilespmem:s16], [sflag:$0x3], $0x40, s20, s14, $0xb8;
	[tilespmem:$0x18000] =	vst v63  }
0x4e: {  	_ =	swait.ge [sflag:s12], $0x2000  }
0x4f: {  	s21 =	sadd.s32 $0x1, s21;
	[sflag:s12] =	ssyncset.done $0x0  }
0x50: {  	p0 =	sne.s32 s21, s10;
	[sflag:s12] =	ssyncadd.s32 $0xFFFFE000  }
.Ltmp1:
0x51: {  	[bflag:$0x0] =	sbarrier.arrive $0xFFFF;
	(pc) =	sbr.rel @p0 .LBB2_1-.Ltmp1, $4  }
0x52: {  	[hbm:s9], [sflag:s6] =	dma.local [spmem:s11], $0x1400  }
0x53: {  	_ =	swait.ge [sflag:s12], $0x1400  }
0x54: {  	[sflag:s12] =	ssyncset.done $0x0  }
0x55: {  	[sflag:s12] =	ssyncadd.s32 $0xFFFFEC00  }
0x56: {  	_ =	sfence.sel $0x180000  }
0x57: {  	[bflag:$0x0] =	sbarrier.arrive $0xFFFF  }
0x58: {  	p0 =	sne.s32 s0, $0x0;
	_ =	strace $0x90000053  }
0x59: {  	s0 =	sadd.s32 @!p0 $0x100000, s1;
	[bflag:$0x2] =	sbarrier.arrive $0xFFFF  }
0x5a: {  	[sflag:s0] =	ssyncadd.tile.s32 @!p0 $0x1;
	_ =	shalt  }
.Lfunc_end2:
_tile_overlayer_lowered:
.L_overlay_start_2:
0x5b: {  	(tag) =	ssettag $0x2  }
0x5c: {  	s0 =	rddreg [dreg:$0x0];
	s2 =	stileid.u32  }
0x5d: {  	s1 =	rddreg [dreg:$0x1];
	p0 =	sne.s32 s2, $0x0  }
0x5e: {  	s3 =	rddreg [dreg:$0x2];
	[bflag:$0x3] =	sbarrier.arrive $0xFFFF;
	s2 =	simm.s32 @!p0 $0x1C03  }
0x5f: {  	[timem:s3], [sflag:s2] =	dma.local @!p0 [hbm:s0], s1  }
0x60: {  	s0 =	simm.s32 @!p0 $0x3  }
0x61: {  	_ =	swait.ge @!p0 [sflag:s0], s1  }
0x62: {  	s1 =	ssub.s32 @!p0 $0x0, s1;
	[sflag:s0] =	ssyncset.done @!p0 $0x0  }
0x63: {  	[sflag:s0] =	ssyncadd.s32 @!p0 s1  }
0x64: {  	[bflag:$0x3] =	sbarrier.arrive $0xFFFF  }
0x65: {  	_ =	shalt  }

// kernel: kernel.34.cloned.1.call-start
scs
__scs_entry_jumppad:
0x0: {  	(pc) =	sbr.rel $0x88, $3  }
0x1: {  	(tag) =	ssettag $0x0;
	lr =	simm.s32 $0x1  }
0x2: {  	[smem:$0x3F97] =	sst lr;
	_ =	strace $0xD0000000  }
0x3: {  	_ = 	snop  }
0x4: {  	_ = 	snop  }
0x5: {  	_ = 	snop  }
0x6: {  	_ = 	snop  }
0x7: {  	_ = 	snop  }
__scs_overlays_trampoline_lowered:
0x8: {  	[smem:$0x3FA6] =	sst s0  }
0x9: {  	[smem:$0x3FA7] =	sst s1  }
0xa: {  	[smem:$0x3FA8] =	sst s2  }
0xb: {  	[smem:$0x3FA9] =	sst s3  }
0xc: {  	[smem:$0x3FAA] =	sst s4  }
0xd: {  	[smem:$0x3FAB] =	sst s5  }
0xe: {  	[smem:$0x3FAC] =	sst s6  }
0xf: {  	[smem:$0x3FAD] =	sst s7  }
0x10: {  	[smem:$0x3FAE] =	sst s8  }
0x11: {  	[smem:$0x3FAF] =	sst s9;
	s0 =	simm.s32 @!p0 $0x0  }
0x12: {  	s1 =	sld [smem:$0x3F95];
	s0 =	simm.s32 @p0 $0x1  }
0x13: {  	[smem:$0x3FB0] =	sst s0;
	s0 =	simm.s32 @!p1 $0x0  }
0x14: {  	s2 =	sld [smem:$0x3F94];
	s0 =	simm.s32 @p1 $0x1  }
0x15: {  	[smem:$0x3FB1] =	sst s0;
	s0 =	simm.s32 @!p2 $0x0  }
0x16: {  	s3 =	sld [smem:$0x3FDB];
	s0 =	simm.s32 @p2 $0x1  }
0x17: {  	s4 =	simm.s32 $0x1BF5;
	[smem:$0x3FB3] =	sst s0  }
0x18: {  	s0 =	sld [smem:$0x3F96];
	_ =	swait.ge [sflag:s4], $0x0  }
0x19: {  	s7 =	sld [smem:$0x3F97]  }
0x1a: {  	s8 =	sadd.s32 $0xFFFFE003, lr  }
0x1b: {  	s9 =	sadd.s32 $0xFFFFFEF7, lr;
	s5 =	simm.s32 $0xFFFFFFFF;
	p2 =	slt.u32 s8, $0xFFFFF086  }
0x1c: {  	p1 =	slt.u32 s9, $0xF7A;
	s5 =	simm.s32 @!p2 $0x0  }
0x1d: {  	s5 =	simm.s32 @p1 $0x1;
	p0 =	seq.s32 s7, s2  }
0x1e: {  	s7 =	smul.u32 @!p0 $0xF7A, s2;
	p2 =	seq.s32 @!p0 s5, $0x0  }
0x1f: {  	s9 =	smul.u32 $0xF7A, s1;
	s8 =	simm.s32 @!p0 $0x1BF5;
	p2 =	por !p2, p0  }
0x20: {  	[sflag:s8] =	ssyncset.s32 @!p0 $0xFFFFF086;
	s6 =	sadd.s32 @!p0 s3, s7;
	s7 =	simm.s32 @!p0 $0x108  }
0x21: {  	s3 =	sadd.s32 s3, s9;
	s6 =	sadd.s32 @!p0 $0x88, s6;
	s7 =	simm.s32 @p2 $0x1082  }
0x22: {  	[simem:s7], [sflag:s8] =	dma.local @!p0 [hbm:s6], $0xF7A  }
0x23: {  	s9 =	sor.u32 $0xD0000000, s2;
	s6 =	simm.s32 $0x108;
	_ =	swait.ge @!p0 [sflag:s8], $0x0  }
0x24: {  	s3 =	sadd.s32 $0x88, s3;
	s6 =	simm.s32 @!p1 $0x1082;
	[sflag:s4] =	ssyncset.s32 $0xFFFFF086  }
0x25: {  	[simem:s6], [sflag:s4] =	dma.local [hbm:s3], $0xF7A  }
0x26: {  	[smem:$0x3F97] =	sst s1;
	(tag) =	ssettag s2;
	_ =	strace s9  }
0x27: {  	s1 =	sld [smem:$0x3FA7]  }
0x28: {  	s2 =	sld [smem:$0x3FA8]  }
0x29: {  	s4 =	sld [smem:$0x3FAA]  }
0x2a: {  	p0 =	seq.s32 s5, $0x0;
	s5 =	sld [smem:$0x3FAB]  }
0x2b: {  	s6 =	sld [smem:$0x3FAC]  }
0x2c: {  	s7 =	sld [smem:$0x3FAD]  }
0x2d: {  	s3 =	simm.s32 $0x108;
	s8 =	sld [smem:$0x3FAE]  }
0x2e: {  	s3 =	simm.s32 @!p0 $0x1082;
	s9 =	sld [smem:$0x3FAF]  }
0x2f: {  	lr =	sadd.s32 s0, s3;
	s0 =	sld [smem:$0x3FA6]  }
0x30: {  	s3 =	sld [smem:$0x3FA9]  }
0x31: {  	[smem:$0x3FB2] =	sst s10  }
0x32: {  	s10 =	sld [smem:$0x3FB0];
	_ =	sdelay $0x3  }
0x33: {  	p0 =	seq.s32 s10, $0x1;
	s10 =	sld [smem:$0x3FB2];
	_ =	sdelay $0x3  }
0x34: {  	[smem:$0x3FB2] =	sst s10  }
0x35: {  	s10 =	sld [smem:$0x3FB1];
	_ =	sdelay $0x3  }
0x36: {  	p1 =	seq.s32 s10, $0x1;
	s10 =	sld [smem:$0x3FB2];
	_ =	sdelay $0x3  }
0x37: {  	[smem:$0x3FB2] =	sst s10  }
0x38: {  	s10 =	sld [smem:$0x3FB3]  }
0x39: {  	_ = 	snop;
	(pc) =	sbr.ind lr, $3  }
0x3a: {  	_ = 	snop  }
0x3b: {  	_ = 	snop  }
0x3c: {  	p2 =	seq.s32 s10, $0x1;
	s10 =	sld [smem:$0x3FB2]  }
0x3d: {  	_ =	shalt  }
0x3e: {  	_ =	shalt  }
0x3f: {  	_ =	shalt  }
0x40: {  	_ =	shalt  }
0x41: {  	_ =	shalt  }
0x42: {  	_ =	shalt  }
0x43: {  	_ =	shalt  }
0x44: {  	_ =	shalt  }
0x45: {  	_ =	shalt  }
0x46: {  	_ =	shalt  }
0x47: {  	_ =	shalt  }
0x48: {  	_ =	shalt  }
0x49: {  	_ =	shalt  }
0x4a: {  	_ =	shalt  }
0x4b: {  	_ =	shalt  }
0x4c: {  	_ =	shalt  }
0x4d: {  	_ =	shalt  }
0x4e: {  	_ =	shalt  }
0x4f: {  	_ =	shalt  }
0x50: {  	_ =	shalt  }
0x51: {  	_ =	shalt  }
0x52: {  	_ =	shalt  }
0x53: {  	_ =	shalt  }
0x54: {  	_ =	shalt  }
0x55: {  	_ =	shalt  }
0x56: {  	_ =	shalt  }
0x57: {  	_ =	shalt  }
0x58: {  	_ =	shalt  }
0x59: {  	_ =	shalt  }
0x5a: {  	_ =	shalt  }
0x5b: {  	_ =	shalt  }
0x5c: {  	_ =	shalt  }
0x5d: {  	_ =	shalt  }
0x5e: {  	_ =	shalt  }
0x5f: {  	_ =	shalt  }
0x60: {  	_ =	shalt  }
0x61: {  	_ =	shalt  }
0x62: {  	_ =	shalt  }
0x63: {  	_ =	shalt  }
0x64: {  	_ =	shalt  }
0x65: {  	_ =	shalt  }
0x66: {  	_ =	shalt  }
0x67: {  	_ =	shalt  }
0x68: {  	_ =	shalt  }
0x69: {  	_ =	shalt  }
0x6a: {  	_ =	shalt  }
0x6b: {  	_ =	shalt  }
0x6c: {  	_ =	shalt  }
0x6d: {  	_ =	shalt  }
0x6e: {  	_ =	shalt  }
0x6f: {  	_ =	shalt  }
0x70: {  	_ =	shalt  }
0x71: {  	_ =	shalt  }
0x72: {  	_ =	shalt  }
0x73: {  	_ =	shalt  }
0x74: {  	_ =	shalt  }
0x75: {  	_ =	shalt  }
0x76: {  	_ =	shalt  }
0x77: {  	_ =	shalt  }
0x78: {  	_ =	shalt  }
0x79: {  	_ =	shalt  }
0x7a: {  	_ =	shalt  }
0x7b: {  	_ =	shalt  }
0x7c: {  	_ =	shalt  }
0x7d: {  	_ =	shalt  }
0x7e: {  	_ =	shalt  }
0x7f: {  	_ =	shalt  }
0x80: {  	_ =	shalt  }
0x81: {  	_ =	shalt  }
0x82: {  	_ =	shalt  }
0x83: {  	_ =	shalt  }
0x84: {  	_ =	shalt  }
0x85: {  	_ =	shalt  }
0x86: {  	_ =	shalt  }
0x87: {  	_ =	shalt  }
.Lfunc_end0:
.L_simem_size_0:
called_computation.5_lowered:
.L_overlay_start_0:
0x88: {  	s2 =	sld [smem:$0x3FD9]  }
0x89: {  	s3 =	sld [smem:$0x3FFE];
	_ =	sdelay $0x1  }
0x8a: {  	s1 =	srdreg.scid  }
0x8b: {  	s0 =	sand.u32 $0x1, s1  }
0x8c: {  	s16 =	sshll.u32 s0, $0xA;
	s2 =	sadd.s32 s3, s2  }
0x8d: {  	s2 =	sadd.s32 s2, s16  }
0x8e: {  	[smem:$0x3FBE] =	sst s2  }
0x8f: {  	_ = 	snop  }
0x90: {  	(tm) =	ssettm $0x1  }
0x91: {  	s17 =	sld [smem:$0x3FFB];
	_ =	sdelay $0x3  }
0x92: {  	_ =	strace s17  }
0x93: {  	s2 =	sld [smem:$0x3FFC];
	_ =	sdelay $0x3  }
0x94: {  	_ =	strace s2  }
0x95: {  	s2 =	sld [smem:$0x3FFD];
	_ =	sdelay $0x3  }
0x96: {  	_ =	strace s2  }
0x97: {  	_ =	strace $0x8FFFFFFF  }
0x98: {  	s18 =	sld [smem:$0x3FDB];
	_ =	sdelay $0x1  }
0x99: {  	s19 =	simm.s32 $_scs_section_size  }
0x9a: {  	s4 =	simm.s32 $_size__tile_overlayer_lowered;
	s5 =	simm.s32 $_tile_overlayer_lowered  }
0x9b: {  	s22 =	simm.s32 $0x1BFF;
	s21 =	sshll.u32 s5, $0x1;
	s2 =	sadd.s32 s19, s18  }
0x9c: {  	s6 =	simm.s32 $0x0;
	s20 =	sshll.u32 s4, $0x1;
	s4 =	sadd.s32 s21, s2  }
0x9d: {  	[timem:s6], [sflag:s22] =	dma.local [hbm:s4], s20  }
0x9e: {  	_ =	swait.ge [sflag:s22], s20  }
0x9f: {  	s3 =	ssub.s32 $0x0, s20;
	[sflag:s22] =	ssyncset.done $0x0  }
0xa0: {  	[sflag:s22] =	ssyncadd.s32 s3;
	_ =	sdelay $0x1  }
0xa1: {  	s23 =	simm.s32 $0x1B8B  }
0xa2: {  	_ =	swait.ge [sflag:s23], $0x1  }
0xa3: {  	[sflag:s23] =	ssyncset.done $0x0  }
0xa4: {  	s25 =	simm.s32 $0x1B8E;
	s24 =	sld [smem:$0x3FFE];
	[sflag:s23] =	ssyncadd.s32 $0xFFFFFFFF  }
0xa5: {  	s26 =	simm.s32 $execute0_lowered;
	[smem:$0x3FD2] =	sst s25  }
0xa6: {  	s4 =	sshll.u32 s26, $0x1;
	_ =	strace $0x80000055;
	[dreg:$0x1] =	wrdreg $0xFFFFFFFF  }
0xa7: {  	s28 =	simm.s32 $_size_execute0_lowered;
	s2 =	sadd.s32 s2, s4;
	[dreg:$0x0] =	wrdreg $0x0  }
0xa8: {  	s4 =	sshll.u32 s28, $0x1;
	[dreg:$0x2] =	wrdreg s2  }
0xa9: {  	[dreg:$0x3] =	wrdreg s4  }
0xaa: {  	[dreg:$0x4] =	wrdreg $0xC0  }
0xab: {  	_ =	task [dreg:s6], $0x5FFFF  }
0xac: {  	[dreg:$0x1] =	wrdreg $0xFFFFFFFF  }
0xad: {  	[dreg:$0x0] =	wrdreg $0x60  }
0xae: {  	[dreg:$0x2] =	wrdreg s24  }
0xaf: {  	[dreg:$0x3] =	wrdreg $0xE0000  }
0xb0: {  	[dreg:$0x4] =	wrdreg $0x9  }
0xb1: {  	_ =	task.clear_ibuf [dreg:s6], $0x5FFFF;
	_ =	strace $0x90000055  }
0xb2: {  	s29 =	simm.s32 $0x9;
	_ =	strace $0x80000057  }
0xb3: {  	_ =	swait.ge [sflag:s29], $0x1  }
0xb4: {  	[sflag:s29] =	ssyncadd.s32 $0xFFFFFFFF  }
0xb5: {  	_ =	strace $0x90000057  }
0xb6: {  	_ =	sfence  }
0xb7: {  	s30 =	sld [smem:$0x0];
	_ =	sdelay $0x2  }
0xb8: {  	s31 =	sshll.u32 s1, $0xD;
	s1 =	sshrl.u32 s1, $0x2  }
0xb9: {  	s3 =	sand.u32 $0x4000, s31;
	s1 =	sadd.s32 s1, s30  }
0xba: {  	s0 =	sor.u32 s3, s0;
	s1 =	sshll.u32 s1, $0x11  }
0xbb: {  	s0 =	sor.u32 s1, s0  }
0xbc: {  	s0 =	sadd.s32 $0x8F2B, s0  }
0xbd: {  	[sflag:s0] =	ssyncadd.remote.s32 $0x1  }
0xbe: {  	_ =	sfence.sel $0xFFFF  }
0xbf: {  	[dreg:$0x0] =	wrdreg $0xFFFFFFFF;
	(pc) =	sbr.abs _section_cstart, $3  }
0xc0: {  	[dreg:$0x1] =	wrdreg $0xFFFFFFFF  }
0xc1: {  	_ =	task.clear_ibuf [dreg:s6], $0x2FFFF;
	_ =	strace $0x9FFFFFFF  }
0xc2: {  	(tm) =	ssettm $0x7FFFFFFF  }
0xc3: {  	_ =	shalt  }
tec
execute0_lowered:
.L_overlay_start_1:
0x0: {  	(tag) =	ssettag $0x1  }
0x1: {  	s5 =	rddreg [dreg:$0x0]  }
0x2: {  	s2 =	rddreg [dreg:$0x1]  }
0x3: {  	s0 =	srdreg.scid;
	s1 =	rddreg [dreg:$0x2];
	s3 =	simm.s32 $0x0  }
0x4: {  	s13 =	simm.s32 $0x5000;
	s14 =	simm.s32 $0x80;
	s15 =	simm.s32 $0xA000  }
0x5: {  	s16 =	simm.s32 $0xC000;
	s17 =	simm.s32 $0x1;
	s6 =	sand.u32 $0x1, s0  }
0x6: {  	s18 =	simm.s32 $0x2;
	s0 =	stileid.u32;
	s4 =	smul.u32 $0x50000, s6  }
0x7: {  	s19 =	simm.s32 $0x9F00;
	s20 =	simm.s32 $0x9F80;
	s7 =	smul.u32 $0x5000, s0  }
0x8: {  	s21 =	simm.s32 $0x0;
	[smem:$0x7FF] =	sst s3;
	s30 =	smul.u32 $0xA000, s0  }
0x9: {  	s9 =	smul.u32 $0xA0000, s6;
	_ =	strace $0x80000056;
	s6 =	ssub.s32 $0x2, s6  }
0xa: {  	s31 =	sshll.u32 s0, $0x6;
	s11 =	sshrl.u32 s6, $0x1;
	s4 =	sadd.s32 s7, s4  }
0xb: {  	s10 =	sshrl.u32 s30, $0x3;
	s9 =	sadd.s32 s30, s9;
	s11 =	ssub.s32 s6, s11  }
0xc: {  	s12 =	sadd.s32 s30, s2;
	s6 =	sor.u32 $0x1C03, s31;
	s8 =	sshrl.u32 s4, $0x3  }
0xd: {  	s4 =	sadd.s32 $0x3C400, s5;
	s10 =	sadd.s32 s10, s5;
	s9 =	sshrl.u32 s9, $0x3  }
0xe: {  	s8 =	sadd.s32 s8, s5;
	s9 =	sadd.s32 s9, s5;
	s5 =	sadd.s32 $0x12C400, s10  }
0xf: {  	s10 =	smax.u32 s11, $0x1;
	s11 =	sshrl.u32 s12, $0x3;
	s12 =	simm.s32 $0x3  }
0x10: {  	s7 =	sadd.s32 $0x28400, s8;
	s8 =	sadd.s32 $0x14400, s8;
	s9 =	sadd.s32 $0x8C400, s9  }
.LBB2_1:
0x11: {  	[spmem:s11], [sflag:s6] =	dma.local [hbm:s5], $0x1400  }
0x12: {  	_ =	swait.ge [sflag:s12], $0x1400  }
0x13: {  	[sflag:s12] =	ssyncset.done $0x0  }
0x14: {  	[sflag:s12] =	ssyncadd.s32 $0xFFFFEC00  }
0x15: {  	[tilespmem:s3], [sflag:$0x3] =	stream.linear.gather [hbm4b:s7+s3], $0x5000, $0x38;
	[tilespmem:$0x18000] =	vst v63  }
0x16: {  	_ =	swait.ge [sflag:s12], $0x5000  }
0x17: {  	[sflag:s12] =	ssyncset.done $0x0  }
0x18: {  	[sflag:s12] =	ssyncadd.s32 $0xFFFFB000  }
0x19: {  	[tilespmem:s13], [sflag:$0x3] =	stream.linear.gather [hbm4b:s8+s3], $0x5000, $0x38;
	[tilespmem:$0x18000] =	vst v63  }
0x1a: {  	_ =	swait.ge [sflag:s12], $0x5000  }
0x1b: {  	[sflag:s12] =	ssyncset.done $0x0  }
0x1c: {  	[sflag:s12] =	ssyncadd.s32 $0xFFFFB000  }
0x1d: {  	[tilespmem:s15], [sflag:$0x1] =	stream.indirect.gather [hbm4b:s4+s14], $0x40, s3, s14, $0xb8;
	[tilespmem:$0x18000] =	vst v63  }
0x1e: {  	_ = 	snop  }
0x1f: {  	[tilespmem:s16], [sflag:$0x2] =	stream.indirect.gather [hbm4b:s4+s14], $0x40, s14, s14, $0xb8;
	[tilespmem:$0x18000] =	vst v63  }
0x20: {  	[bflag:$0x0] =	sbarrier.arrive $0xFFFF  }
0x21: {  	_ =	swait.ge [sflag:s17], $0x2000  }
0x22: {  	[sflag:s17] =	ssyncset.done $0x0  }
0x23: {  	s22 =	simm.s32 $0x5000;
	[sflag:s17] =	ssyncadd.s32 $0xFFFFE000  }
0x24: {  	[spmem:s2] =	stream.indirect.scatter.add.f32 [tilespmem:s15], [sflag:$0x3], $0x40, s22, s14, $0xb8;
	[tilespmem:$0x18000] =	vst v63  }
0x25: {  	_ =	swait.ge [sflag:s12], $0x2000  }
0x26: {  	[sflag:s12] =	ssyncset.done $0x0  }
0x27: {  	s30 =	simm.s32 $0x100;
	[sflag:s12] =	ssyncadd.s32 $0xFFFFE000  }
0x28: {  	[tilespmem:s15], [sflag:$0x1] =	stream.indirect.gather [hbm4b:s4+s14], $0x40, s30, s14, $0xb8;
	[tilespmem:$0x18000] =	vst v63  }
0x29: {  	_ =	swait.ge [sflag:s18], $0x2000  }
0x2a: {  	[sflag:s18] =	ssyncset.done $0x0  }
0x2b: {  	s31 =	simm.s32 $0x5080;
	[sflag:s18] =	ssyncadd.s32 $0xFFFFE000  }
0x2c: {  	[spmem:s2] =	stream.indirect.scatter.add.f32 [tilespmem:s16], [sflag:$0x3], $0x40, s31, s14, $0xb8;
	[tilespmem:$0x18000] =	vst v63  }
0x2d: {  	_ =	swait.ge [sflag:s12], $0x2000  }
0x2e: {  	[sflag:s12] =	ssyncset.done $0x0  }
0x2f: {  	s23 =	simm.s32 $0x180;
	s22 =	simm.s32 $0x400;
	[sflag:s12] =	ssyncadd.s32 $0xFFFFE000  }
.LBB2_2:
0x30: {  	[tilespmem:s16], [sflag:$0x2] =	stream.indirect.gather [hbm4b:s4+s14], $0x40, s23, s14, $0xb8;
	[tilespmem:$0x18000] =	vst v63  }
0x31: {  	s23 =	smov.u32 s22  }
0x32: {  	p0 =	sne.s32 s22, $0x13800;
	s22 =	sadd.s32 $0x400, s22;
	_ =	swait.ge [sflag:s17], $0x2000  }
0x33: {  	s23 =	sshra.s32 s23, $0x2;
	[sflag:s17] =	ssyncset.done $0x0  }
0x34: {  	s24 =	sadd.s32 $0x5000, s23;
	[sflag:s17] =	ssyncadd.s32 $0xFFFFE000  }
0x35: {  	[spmem:s2] =	stream.indirect.scatter.add.f32 [tilespmem:s15], [sflag:$0x3], $0x40, s24, s14, $0xb8;
	[tilespmem:$0x18000] =	vst v63  }
0x36: {  	_ =	swait.ge [sflag:s12], $0x2000  }
0x37: {  	[sflag:s12] =	ssyncset.done $0x0  }
0x38: {  	s24 =	sadd.s32 $0x100, s23;
	[sflag:s12] =	ssyncadd.s32 $0xFFFFE000  }
0x39: {  	[tilespmem:s15], [sflag:$0x1] =	stream.indirect.gather [hbm4b:s4+s14], $0x40, s24, s14, $0xb8;
	[tilespmem:$0x18000] =	vst v63  }
0x3a: {  	_ =	swait.ge [sflag:s18], $0x2000  }
0x3b: {  	[sflag:s18] =	ssyncset.done $0x0  }
.Ltmp0:
0x3c: {  	s24 =	sadd.s32 $0x5080, s23;
	[sflag:s18] =	ssyncadd.s32 $0xFFFFE000;
	(pc) =	sbr.rel @p0 .LBB2_2-.Ltmp0, $4  }
0x3d: {  	[spmem:s2] =	stream.indirect.scatter.add.f32 [tilespmem:s16], [sflag:$0x3], $0x40, s24, s14, $0xb8;
	[tilespmem:$0x18000] =	vst v63  }
0x3e: {  	_ =	swait.ge [sflag:s12], $0x2000  }
0x3f: {  	[sflag:s12] =	ssyncset.done $0x0  }
0x40: {  	s23 =	sadd.s32 $0x180, s23;
	[sflag:s12] =	ssyncadd.s32 $0xFFFFE000  }
0x41: {  	[tilespmem:s16], [sflag:$0x2] =	stream.indirect.gather [hbm4b:s4+s14], $0x40, s23, s14, $0xb8;
	[tilespmem:$0x18000] =	vst v63  }
0x42: {  	_ =	swait.ge [sflag:s17], $0x2000  }
0x43: {  	[sflag:s17] =	ssyncset.done $0x0  }
0x44: {  	[sflag:s17] =	ssyncadd.s32 $0xFFFFE000  }
0x45: {  	[spmem:s2] =	stream.indirect.scatter.add.f32 [tilespmem:s15], [sflag:$0x3], $0x40, s19, s14, $0xb8;
	[tilespmem:$0x18000] =	vst v63  }
0x46: {  	_ =	swait.ge [sflag:s12], $0x2000  }
0x47: {  	[sflag:s12] =	ssyncset.done $0x0  }
0x48: {  	[sflag:s12] =	ssyncadd.s32 $0xFFFFE000  }
0x49: {  	_ =	swait.ge [sflag:s18], $0x2000  }
0x4a: {  	[sflag:s18] =	ssyncset.done $0x0  }
0x4b: {  	[sflag:s18] =	ssyncadd.s32 $0xFFFFE000  }
0x4c: {  	[spmem:s2] =	stream.indirect.scatter.add.f32 [tilespmem:s16], [sflag:$0x3], $0x40, s20, s14, $0xb8;
	[tilespmem:$0x18000] =	vst v63  }
0x4d: {  	_ =	swait.ge [sflag:s12], $0x2000  }
0x4e: {  	s21 =	sadd.s32 $0x1, s21;
	[sflag:s12] =	ssyncset.done $0x0  }
0x4f: {  	p0 =	sne.s32 s21, s10;
	[sflag:s12] =	ssyncadd.s32 $0xFFFFE000  }
.Ltmp1:
0x50: {  	[bflag:$0x0] =	sbarrier.arrive $0xFFFF;
	(pc) =	sbr.rel @p0 .LBB2_1-.Ltmp1, $4  }
0x51: {  	[hbm:s9], [sflag:s6] =	dma.local [spmem:s11], $0x1400  }
0x52: {  	_ =	swait.ge [sflag:s12], $0x1400  }
0x53: {  	[sflag:s12] =	ssyncset.done $0x0  }
0x54: {  	[sflag:s12] =	ssyncadd.s32 $0xFFFFEC00  }
0x55: {  	_ =	sfence.sel $0x180000  }
0x56: {  	[bflag:$0x0] =	sbarrier.arrive $0xFFFF  }
0x57: {  	p0 =	sne.s32 s0, $0x0;
	_ =	strace $0x90000056  }
0x58: {  	s0 =	sadd.s32 @!p0 $0x100000, s1;
	[bflag:$0x2] =	sbarrier.arrive $0xFFFF  }
0x59: {  	[sflag:s0] =	ssyncadd.tile.s32 @!p0 $0x1;
	_ =	shalt  }
.Lfunc_end2:
_tile_overlayer_lowered:
.L_overlay_start_2:
0x5a: {  	(tag) =	ssettag $0x2  }
0x5b: {  	s0 =	rddreg [dreg:$0x0];
	s2 =	stileid.u32  }
0x5c: {  	s1 =	rddreg [dreg:$0x1];
	p0 =	sne.s32 s2, $0x0  }
0x5d: {  	s3 =	rddreg [dreg:$0x2];
	[bflag:$0x3] =	sbarrier.arrive $0xFFFF;
	s2 =	simm.s32 @!p0 $0x1C03  }
0x5e: {  	[timem:s3], [sflag:s2] =	dma.local @!p0 [hbm:s0], s1  }
0x5f: {  	s0 =	simm.s32 @!p0 $0x3  }
0x60: {  	_ =	swait.ge @!p0 [sflag:s0], s1  }
0x61: {  	s1 =	ssub.s32 @!p0 $0x0, s1;
	[sflag:s0] =	ssyncset.done @!p0 $0x0  }
0x62: {  	[sflag:s0] =	ssyncadd.s32 @!p0 s1  }
0x63: {  	[bflag:$0x3] =	sbarrier.arrive $0xFFFF  }
0x64: {  	_ =	shalt  }

// kernel: kernel.37.cloned.1.call-start
scs
__scs_entry_jumppad:
0x0: {  	(pc) =	sbr.rel $0x88, $3  }
0x1: {  	(tag) =	ssettag $0x0;
	lr =	simm.s32 $0x1  }
0x2: {  	[smem:$0x3F97] =	sst lr;
	_ =	strace $0xD0000000  }
0x3: {  	_ = 	snop  }
0x4: {  	_ = 	snop  }
0x5: {  	_ = 	snop  }
0x6: {  	_ = 	snop  }
0x7: {  	_ = 	snop  }
__scs_overlays_trampoline_lowered:
0x8: {  	[smem:$0x3FA6] =	sst s0  }
0x9: {  	[smem:$0x3FA7] =	sst s1  }
0xa: {  	[smem:$0x3FA8] =	sst s2  }
0xb: {  	[smem:$0x3FA9] =	sst s3  }
0xc: {  	[smem:$0x3FAA] =	sst s4  }
0xd: {  	[smem:$0x3FAB] =	sst s5  }
0xe: {  	[smem:$0x3FAC] =	sst s6  }
0xf: {  	[smem:$0x3FAD] =	sst s7  }
0x10: {  	[smem:$0x3FAE] =	sst s8  }
0x11: {  	[smem:$0x3FAF] =	sst s9;
	s0 =	simm.s32 @!p0 $0x0  }
0x12: {  	s1 =	sld [smem:$0x3F95];
	s0 =	simm.s32 @p0 $0x1  }
0x13: {  	[smem:$0x3FB0] =	sst s0;
	s0 =	simm.s32 @!p1 $0x0  }
0x14: {  	s2 =	sld [smem:$0x3F94];
	s0 =	simm.s32 @p1 $0x1  }
0x15: {  	[smem:$0x3FB1] =	sst s0;
	s0 =	simm.s32 @!p2 $0x0  }
0x16: {  	s3 =	sld [smem:$0x3FDB];
	s0 =	simm.s32 @p2 $0x1  }
0x17: {  	s4 =	simm.s32 $0x1BF5;
	[smem:$0x3FB3] =	sst s0  }
0x18: {  	s0 =	sld [smem:$0x3F96];
	_ =	swait.ge [sflag:s4], $0x0  }
0x19: {  	s7 =	sld [smem:$0x3F97]  }
0x1a: {  	s8 =	sadd.s32 $0xFFFFE003, lr  }
0x1b: {  	s9 =	sadd.s32 $0xFFFFFEF7, lr;
	s5 =	simm.s32 $0xFFFFFFFF;
	p2 =	slt.u32 s8, $0xFFFFF086  }
0x1c: {  	p1 =	slt.u32 s9, $0xF7A;
	s5 =	simm.s32 @!p2 $0x0  }
0x1d: {  	s5 =	simm.s32 @p1 $0x1;
	p0 =	seq.s32 s7, s2  }
0x1e: {  	s7 =	smul.u32 @!p0 $0xF7A, s2;
	p2 =	seq.s32 @!p0 s5, $0x0  }
0x1f: {  	s9 =	smul.u32 $0xF7A, s1;
	s8 =	simm.s32 @!p0 $0x1BF5;
	p2 =	por !p2, p0  }
0x20: {  	[sflag:s8] =	ssyncset.s32 @!p0 $0xFFFFF086;
	s6 =	sadd.s32 @!p0 s3, s7;
	s7 =	simm.s32 @!p0 $0x108  }
0x21: {  	s3 =	sadd.s32 s3, s9;
	s6 =	sadd.s32 @!p0 $0x88, s6;
	s7 =	simm.s32 @p2 $0x1082  }
0x22: {  	[simem:s7], [sflag:s8] =	dma.local @!p0 [hbm:s6], $0xF7A  }
0x23: {  	s9 =	sor.u32 $0xD0000000, s2;
	s6 =	simm.s32 $0x108;
	_ =	swait.ge @!p0 [sflag:s8], $0x0  }
0x24: {  	s3 =	sadd.s32 $0x88, s3;
	s6 =	simm.s32 @!p1 $0x1082;
	[sflag:s4] =	ssyncset.s32 $0xFFFFF086  }
0x25: {  	[simem:s6], [sflag:s4] =	dma.local [hbm:s3], $0xF7A  }
0x26: {  	[smem:$0x3F97] =	sst s1;
	(tag) =	ssettag s2;
	_ =	strace s9  }
0x27: {  	s1 =	sld [smem:$0x3FA7]  }
0x28: {  	s2 =	sld [smem:$0x3FA8]  }
0x29: {  	s4 =	sld [smem:$0x3FAA]  }
0x2a: {  	p0 =	seq.s32 s5, $0x0;
	s5 =	sld [smem:$0x3FAB]  }
0x2b: {  	s6 =	sld [smem:$0x3FAC]  }
0x2c: {  	s7 =	sld [smem:$0x3FAD]  }
0x2d: {  	s3 =	simm.s32 $0x108;
	s8 =	sld [smem:$0x3FAE]  }
0x2e: {  	s3 =	simm.s32 @!p0 $0x1082;
	s9 =	sld [smem:$0x3FAF]  }
0x2f: {  	lr =	sadd.s32 s0, s3;
	s0 =	sld [smem:$0x3FA6]  }
0x30: {  	s3 =	sld [smem:$0x3FA9]  }
0x31: {  	[smem:$0x3FB2] =	sst s10  }
0x32: {  	s10 =	sld [smem:$0x3FB0];
	_ =	sdelay $0x3  }
0x33: {  	p0 =	seq.s32 s10, $0x1;
	s10 =	sld [smem:$0x3FB2];
	_ =	sdelay $0x3  }
0x34: {  	[smem:$0x3FB2] =	sst s10  }
0x35: {  	s10 =	sld [smem:$0x3FB1];
	_ =	sdelay $0x3  }
0x36: {  	p1 =	seq.s32 s10, $0x1;
	s10 =	sld [smem:$0x3FB2];
	_ =	sdelay $0x3  }
0x37: {  	[smem:$0x3FB2] =	sst s10  }
0x38: {  	s10 =	sld [smem:$0x3FB3]  }
0x39: {  	_ = 	snop;
	(pc) =	sbr.ind lr, $3  }
0x3a: {  	_ = 	snop  }
0x3b: {  	_ = 	snop  }
0x3c: {  	p2 =	seq.s32 s10, $0x1;
	s10 =	sld [smem:$0x3FB2]  }
0x3d: {  	_ =	shalt  }
0x3e: {  	_ =	shalt  }
0x3f: {  	_ =	shalt  }
0x40: {  	_ =	shalt  }
0x41: {  	_ =	shalt  }
0x42: {  	_ =	shalt  }
0x43: {  	_ =	shalt  }
0x44: {  	_ =	shalt  }
0x45: {  	_ =	shalt  }
0x46: {  	_ =	shalt  }
0x47: {  	_ =	shalt  }
0x48: {  	_ =	shalt  }
0x49: {  	_ =	shalt  }
0x4a: {  	_ =	shalt  }
0x4b: {  	_ =	shalt  }
0x4c: {  	_ =	shalt  }
0x4d: {  	_ =	shalt  }
0x4e: {  	_ =	shalt  }
0x4f: {  	_ =	shalt  }
0x50: {  	_ =	shalt  }
0x51: {  	_ =	shalt  }
0x52: {  	_ =	shalt  }
0x53: {  	_ =	shalt  }
0x54: {  	_ =	shalt  }
0x55: {  	_ =	shalt  }
0x56: {  	_ =	shalt  }
0x57: {  	_ =	shalt  }
0x58: {  	_ =	shalt  }
0x59: {  	_ =	shalt  }
0x5a: {  	_ =	shalt  }
0x5b: {  	_ =	shalt  }
0x5c: {  	_ =	shalt  }
0x5d: {  	_ =	shalt  }
0x5e: {  	_ =	shalt  }
0x5f: {  	_ =	shalt  }
0x60: {  	_ =	shalt  }
0x61: {  	_ =	shalt  }
0x62: {  	_ =	shalt  }
0x63: {  	_ =	shalt  }
0x64: {  	_ =	shalt  }
0x65: {  	_ =	shalt  }
0x66: {  	_ =	shalt  }
0x67: {  	_ =	shalt  }
0x68: {  	_ =	shalt  }
0x69: {  	_ =	shalt  }
0x6a: {  	_ =	shalt  }
0x6b: {  	_ =	shalt  }
0x6c: {  	_ =	shalt  }
0x6d: {  	_ =	shalt  }
0x6e: {  	_ =	shalt  }
0x6f: {  	_ =	shalt  }
0x70: {  	_ =	shalt  }
0x71: {  	_ =	shalt  }
0x72: {  	_ =	shalt  }
0x73: {  	_ =	shalt  }
0x74: {  	_ =	shalt  }
0x75: {  	_ =	shalt  }
0x76: {  	_ =	shalt  }
0x77: {  	_ =	shalt  }
0x78: {  	_ =	shalt  }
0x79: {  	_ =	shalt  }
0x7a: {  	_ =	shalt  }
0x7b: {  	_ =	shalt  }
0x7c: {  	_ =	shalt  }
0x7d: {  	_ =	shalt  }
0x7e: {  	_ =	shalt  }
0x7f: {  	_ =	shalt  }
0x80: {  	_ =	shalt  }
0x81: {  	_ =	shalt  }
0x82: {  	_ =	shalt  }
0x83: {  	_ =	shalt  }
0x84: {  	_ =	shalt  }
0x85: {  	_ =	shalt  }
0x86: {  	_ =	shalt  }
0x87: {  	_ =	shalt  }
.Lfunc_end0:
.L_simem_size_0:
called_computation.6_lowered:
.L_overlay_start_0:
0x88: {  	s2 =	sld [smem:$0x3FD9]  }
0x89: {  	s3 =	sld [smem:$0x3FFE];
	_ =	sdelay $0x1  }
0x8a: {  	s1 =	srdreg.scid  }
0x8b: {  	s0 =	sand.u32 $0x1, s1  }
0x8c: {  	s17 =	sshll.u32 s0, $0xA;
	s2 =	sadd.s32 s3, s2  }
0x8d: {  	s2 =	sadd.s32 s2, s17  }
0x8e: {  	[smem:$0x3FBE] =	sst s2  }
0x8f: {  	_ = 	snop  }
0x90: {  	s18 =	sld [smem:$0x3FD0];
	(tm) =	ssettm $0x1  }
0x91: {  	s19 =	sld [smem:$0x3FFB];
	_ =	sdelay $0x3  }
0x92: {  	_ =	strace s19  }
0x93: {  	s2 =	sld [smem:$0x3FFC];
	_ =	sdelay $0x3  }
0x94: {  	_ =	strace s2  }
0x95: {  	s2 =	sld [smem:$0x3FFD];
	_ =	sdelay $0x3  }
0x96: {  	_ =	strace s2  }
0x97: {  	_ =	strace $0x8FFFFFFF  }
0x98: {  	s20 =	sld [smem:$0x3FDB];
	_ =	sdelay $0x1  }
0x99: {  	s4 =	simm.s32 $_scs_section_size  }
0x9a: {  	s5 =	simm.s32 $_size__tile_overlayer_lowered;
	s6 =	simm.s32 $_tile_overlayer_lowered  }
0x9b: {  	s7 =	simm.s32 $0x1BFF;
	s21 =	sshll.u32 s6, $0x1;
	s4 =	sadd.s32 s4, s20  }
0x9c: {  	s22 =	simm.s32 $0x0;
	s5 =	sshll.u32 s5, $0x1;
	s6 =	sadd.s32 s21, s4  }
0x9d: {  	[timem:s22], [sflag:s7] =	dma.local [hbm:s6], s5  }
0x9e: {  	_ =	swait.ge [sflag:s7], s5  }
0x9f: {  	s5 =	ssub.s32 $0x0, s5;
	[sflag:s7] =	ssyncset.done $0x0  }
0xa0: {  	[sflag:s7] =	ssyncadd.s32 s5;
	_ =	sdelay $0x1  }
0xa1: {  	s23 =	simm.s32 $0x1B8B  }
0xa2: {  	_ =	swait.ge [sflag:s23], $0x1  }
0xa3: {  	[sflag:s23] =	ssyncset.done $0x0  }
0xa4: {  	[sflag:s23] =	ssyncadd.s32 $0xFFFFFFFF  }
0xa5: {  	s5 =	sld [smem:$0x0]  }
0xa6: {  	s6 =	sand.u32 $0xFFFFFFFE, s1  }
0xa7: {  	p0 =	sne.s32 s1, s6  }
0xa8: {  	s6 =	sshll.u32 @p0 s6, $0xE  }
0xa9: {  	s6 =	sadd.s32 @p0 $0x11B8D, s6;
	s7 =	sshll.u32 @p0 s5, $0x11  }
0xaa: {  	s6 =	sor.u32 @p0 s7, s6  }
0xab: {  	[sflag:s6] =	ssyncadd.remote.s32 @p0 $0x1;
	_ =	sdelay $0x1  }
0xac: {  	s6 =	simm.s32 @p0 $0x1B8D  }
0xad: {  	_ =	swait.eq @p0 [sflag:s6], $0x1  }
0xae: {  	[sflag:s6] =	ssyncadd.s32 @p0 $0xFFFFFFFF  }
0xaf: {  	s7 =	sshll.u32 @!p0 s1, $0xE  }
0xb0: {  	s7 =	sor.u32 @!p0 $0x4000, s7;
	s6 =	simm.s32 @!p0 $0x1B8D  }
0xb1: {  	s5 =	sshll.u32 @!p0 s5, $0x11;
	s7 =	sadd.s32 @!p0 $0x11B8D, s7;
	_ =	swait.eq @!p0 [sflag:s6], $0x1  }
0xb2: {  	s5 =	sor.u32 @!p0 s5, s7;
	[sflag:s6] =	ssyncadd.s32 @!p0 $0xFFFFFFFF  }
0xb3: {  	s25 =	simm.s32 $0x1B8E;
	s24 =	sld [smem:$0x3FFE];
	[sflag:s5] =	ssyncadd.remote.s32 @!p0 $0x1  }
0xb4: {  	s26 =	simm.s32 $execute0_lowered;
	[smem:$0x3FD2] =	sst s25  }
0xb5: {  	s6 =	sshll.u32 s26, $0x1;
	_ =	strace $0x80000058;
	[dreg:$0x1] =	wrdreg $0xFFFFFFFF  }
0xb6: {  	s28 =	simm.s32 $_size_execute0_lowered;
	s4 =	sadd.s32 s4, s6;
	[dreg:$0x0] =	wrdreg $0x0  }
0xb7: {  	s6 =	sshll.u32 s28, $0x1;
	[dreg:$0x2] =	wrdreg s4  }
0xb8: {  	[dreg:$0x3] =	wrdreg s6  }
0xb9: {  	[dreg:$0x4] =	wrdreg $0xC0  }
0xba: {  	_ =	task [dreg:s22], $0x5FFFF  }
0xbb: {  	[dreg:$0x1] =	wrdreg $0xFFFFFFFF  }
0xbc: {  	[dreg:$0x0] =	wrdreg $0x60  }
0xbd: {  	[dreg:$0x2] =	wrdreg s24  }
0xbe: {  	[dreg:$0x3] =	wrdreg s18  }
0xbf: {  	[dreg:$0x4] =	wrdreg $0xE0000  }
0xc0: {  	[dreg:$0x5] =	wrdreg $0xA  }
0xc1: {  	_ =	task.clear_ibuf [dreg:s22], $0x6FFFF;
	_ =	strace $0x90000058  }
0xc2: {  	s29 =	simm.s32 $0xA;
	_ =	strace $0x8000005A  }
0xc3: {  	_ =	swait.ge [sflag:s29], $0x1  }
0xc4: {  	[sflag:s29] =	ssyncadd.s32 $0xFFFFFFFF  }
0xc5: {  	_ =	strace $0x9000005A  }
0xc6: {  	_ =	sfence  }
0xc7: {  	s30 =	sld [smem:$0x0];
	_ =	sdelay $0x2  }
0xc8: {  	s31 =	sshll.u32 s1, $0xD;
	s1 =	sshrl.u32 s1, $0x2  }
0xc9: {  	s4 =	sand.u32 $0x4000, s31;
	s1 =	sadd.s32 s1, s30  }
0xca: {  	s0 =	sor.u32 s4, s0;
	s1 =	sshll.u32 s1, $0x11  }
0xcb: {  	s0 =	sor.u32 s1, s0  }
0xcc: {  	s0 =	sadd.s32 $0x8F2B, s0  }
0xcd: {  	[sflag:s0] =	ssyncadd.remote.s32 $0x1  }
0xce: {  	_ =	sfence.sel $0xFFFF  }
0xcf: {  	[dreg:$0x0] =	wrdreg $0xFFFFFFFF;
	(pc) =	sbr.abs _section_cstart, $3  }
0xd0: {  	[dreg:$0x1] =	wrdreg $0xFFFFFFFF  }
0xd1: {  	_ =	task.clear_ibuf [dreg:s22], $0x2FFFF;
	_ =	strace $0x9FFFFFFF  }
0xd2: {  	(tm) =	ssettm $0x7FFFFFFF  }
0xd3: {  	_ =	shalt  }
tec
execute0_lowered:
.L_overlay_start_1:
0x0: {  	(tag) =	ssettag $0x1  }
0x1: {  	s5 =	rddreg [dreg:$0x0]  }
0x2: {  	s7 =	rddreg [dreg:$0x1]  }
0x3: {  	s2 =	rddreg [dreg:$0x2]  }
0x4: {  	s0 =	srdreg.scid;
	s1 =	rddreg [dreg:$0x3];
	s3 =	simm.s32 $0x0  }
0x5: {  	s15 =	simm.s32 $0xA000;
	s16 =	simm.s32 $0xC000;
	s6 =	sand.u32 $0x1, s0  }
0x6: {  	s17 =	simm.s32 $0x1;
	s0 =	stileid.u32;
	s4 =	smul.u32 $0x50000, s6  }
0x7: {  	s18 =	simm.s32 $0x2;
	s19 =	simm.s32 $0x9F00;
	s8 =	smul.u32 $0x5000, s0  }
0x8: {  	s20 =	simm.s32 $0x9F80;
	s21 =	simm.s32 $0x0;
	s30 =	smul.u32 $0xA000, s0  }
0x9: {  	[smem:$0x7FF] =	sst s3;
	s10 =	smul.u32 $0xA0000, s6;
	s6 =	ssub.s32 $0x2, s6  }
0xa: {  	_ =	strace $0x80000059;
	s31 =	sshll.u32 s0, $0x6;
	s13 =	sshrl.u32 s6, $0x1  }
0xb: {  	s4 =	sadd.s32 s8, s4;
	s12 =	sshrl.u32 s30, $0x3;
	s10 =	sadd.s32 s30, s10  }
0xc: {  	s13 =	ssub.s32 s6, s13;
	s14 =	sadd.s32 s30, s2;
	s6 =	sor.u32 $0x1C03, s31  }
0xd: {  	s9 =	sshrl.u32 s4, $0x3;
	s4 =	sadd.s32 $0x3C400, s5;
	s10 =	sshrl.u32 s10, $0x3  }
0xe: {  	s12 =	sadd.s32 s12, s5;
	s11 =	sadd.s32 s9, s5;
	s10 =	sadd.s32 s10, s5  }
0xf: {  	s5 =	sadd.s32 $0x12C400, s12;
	s7 =	sadd.s32 s7, s9;
	s12 =	simm.s32 $0x3  }
0x10: {  	s8 =	sadd.s32 $0x14400, s11;
	s9 =	sadd.s32 $0xB4400, s10;
	s10 =	smax.u32 s13, $0x1  }
0x11: {  	s11 =	sshrl.u32 s14, $0x3;
	s13 =	simm.s32 $0x5000;
	s14 =	simm.s32 $0x80  }
.LBB2_1:
0x12: {  	[spmem:s11], [sflag:s6] =	dma.local [hbm:s5], $0x1400  }
0x13: {  	_ =	swait.ge [sflag:s12], $0x1400  }
0x14: {  	[sflag:s12] =	ssyncset.done $0x0  }
0x15: {  	[sflag:s12] =	ssyncadd.s32 $0xFFFFEC00  }
0x16: {  	[tilespmem:s3], [sflag:$0x3] =	stream.linear.gather [hbm4b:s7+s3], $0x5000, $0x38;
	[tilespmem:$0x18000] =	vst v63  }
0x17: {  	_ =	swait.ge [sflag:s12], $0x5000  }
0x18: {  	[sflag:s12] =	ssyncset.done $0x0  }
0x19: {  	[sflag:s12] =	ssyncadd.s32 $0xFFFFB000  }
0x1a: {  	[tilespmem:s13], [sflag:$0x3] =	stream.linear.gather [hbm4b:s8+s3], $0x5000, $0x38;
	[tilespmem:$0x18000] =	vst v63  }
0x1b: {  	_ =	swait.ge [sflag:s12], $0x5000  }
0x1c: {  	[sflag:s12] =	ssyncset.done $0x0  }
0x1d: {  	[sflag:s12] =	ssyncadd.s32 $0xFFFFB000  }
0x1e: {  	[tilespmem:s15], [sflag:$0x1] =	stream.indirect.gather [hbm4b:s4+s14], $0x40, s3, s14, $0xb8;
	[tilespmem:$0x18000] =	vst v63  }
0x1f: {  	_ = 	snop  }
0x20: {  	[tilespmem:s16], [sflag:$0x2] =	stream.indirect.gather [hbm4b:s4+s14], $0x40, s14, s14, $0xb8;
	[tilespmem:$0x18000] =	vst v63  }
0x21: {  	[bflag:$0x0] =	sbarrier.arrive $0xFFFF  }
0x22: {  	_ =	swait.ge [sflag:s17], $0x2000  }
0x23: {  	[sflag:s17] =	ssyncset.done $0x0  }
0x24: {  	s22 =	simm.s32 $0x5000;
	[sflag:s17] =	ssyncadd.s32 $0xFFFFE000  }
0x25: {  	[spmem:s2] =	stream.indirect.scatter.add.f32 [tilespmem:s15], [sflag:$0x3], $0x40, s22, s14, $0xb8;
	[tilespmem:$0x18000] =	vst v63  }
0x26: {  	_ =	swait.ge [sflag:s12], $0x2000  }
0x27: {  	[sflag:s12] =	ssyncset.done $0x0  }
0x28: {  	s30 =	simm.s32 $0x100;
	[sflag:s12] =	ssyncadd.s32 $0xFFFFE000  }
0x29: {  	[tilespmem:s15], [sflag:$0x1] =	stream.indirect.gather [hbm4b:s4+s14], $0x40, s30, s14, $0xb8;
	[tilespmem:$0x18000] =	vst v63  }
0x2a: {  	_ =	swait.ge [sflag:s18], $0x2000  }
0x2b: {  	[sflag:s18] =	ssyncset.done $0x0  }
0x2c: {  	s31 =	simm.s32 $0x5080;
	[sflag:s18] =	ssyncadd.s32 $0xFFFFE000  }
0x2d: {  	[spmem:s2] =	stream.indirect.scatter.add.f32 [tilespmem:s16], [sflag:$0x3], $0x40, s31, s14, $0xb8;
	[tilespmem:$0x18000] =	vst v63  }
0x2e: {  	_ =	swait.ge [sflag:s12], $0x2000  }
0x2f: {  	[sflag:s12] =	ssyncset.done $0x0  }
0x30: {  	s23 =	simm.s32 $0x180;
	s22 =	simm.s32 $0x400;
	[sflag:s12] =	ssyncadd.s32 $0xFFFFE000  }
.LBB2_2:
0x31: {  	[tilespmem:s16], [sflag:$0x2] =	stream.indirect.gather [hbm4b:s4+s14], $0x40, s23, s14, $0xb8;
	[tilespmem:$0x18000] =	vst v63  }
0x32: {  	s23 =	smov.u32 s22  }
0x33: {  	p0 =	sne.s32 s22, $0x13800;
	s22 =	sadd.s32 $0x400, s22;
	_ =	swait.ge [sflag:s17], $0x2000  }
0x34: {  	s23 =	sshra.s32 s23, $0x2;
	[sflag:s17] =	ssyncset.done $0x0  }
0x35: {  	s24 =	sadd.s32 $0x5000, s23;
	[sflag:s17] =	ssyncadd.s32 $0xFFFFE000  }
0x36: {  	[spmem:s2] =	stream.indirect.scatter.add.f32 [tilespmem:s15], [sflag:$0x3], $0x40, s24, s14, $0xb8;
	[tilespmem:$0x18000] =	vst v63  }
0x37: {  	_ =	swait.ge [sflag:s12], $0x2000  }
0x38: {  	[sflag:s12] =	ssyncset.done $0x0  }
0x39: {  	s24 =	sadd.s32 $0x100, s23;
	[sflag:s12] =	ssyncadd.s32 $0xFFFFE000  }
0x3a: {  	[tilespmem:s15], [sflag:$0x1] =	stream.indirect.gather [hbm4b:s4+s14], $0x40, s24, s14, $0xb8;
	[tilespmem:$0x18000] =	vst v63  }
0x3b: {  	_ =	swait.ge [sflag:s18], $0x2000  }
0x3c: {  	[sflag:s18] =	ssyncset.done $0x0  }
.Ltmp0:
0x3d: {  	s24 =	sadd.s32 $0x5080, s23;
	[sflag:s18] =	ssyncadd.s32 $0xFFFFE000;
	(pc) =	sbr.rel @p0 .LBB2_2-.Ltmp0, $4  }
0x3e: {  	[spmem:s2] =	stream.indirect.scatter.add.f32 [tilespmem:s16], [sflag:$0x3], $0x40, s24, s14, $0xb8;
	[tilespmem:$0x18000] =	vst v63  }
0x3f: {  	_ =	swait.ge [sflag:s12], $0x2000  }
0x40: {  	[sflag:s12] =	ssyncset.done $0x0  }
0x41: {  	s23 =	sadd.s32 $0x180, s23;
	[sflag:s12] =	ssyncadd.s32 $0xFFFFE000  }
0x42: {  	[tilespmem:s16], [sflag:$0x2] =	stream.indirect.gather [hbm4b:s4+s14], $0x40, s23, s14, $0xb8;
	[tilespmem:$0x18000] =	vst v63  }
0x43: {  	_ =	swait.ge [sflag:s17], $0x2000  }
0x44: {  	[sflag:s17] =	ssyncset.done $0x0  }
0x45: {  	[sflag:s17] =	ssyncadd.s32 $0xFFFFE000  }
0x46: {  	[spmem:s2] =	stream.indirect.scatter.add.f32 [tilespmem:s15], [sflag:$0x3], $0x40, s19, s14, $0xb8;
	[tilespmem:$0x18000] =	vst v63  }
0x47: {  	_ =	swait.ge [sflag:s12], $0x2000  }
0x48: {  	[sflag:s12] =	ssyncset.done $0x0  }
0x49: {  	[sflag:s12] =	ssyncadd.s32 $0xFFFFE000  }
0x4a: {  	_ =	swait.ge [sflag:s18], $0x2000  }
0x4b: {  	[sflag:s18] =	ssyncset.done $0x0  }
0x4c: {  	[sflag:s18] =	ssyncadd.s32 $0xFFFFE000  }
0x4d: {  	[spmem:s2] =	stream.indirect.scatter.add.f32 [tilespmem:s16], [sflag:$0x3], $0x40, s20, s14, $0xb8;
	[tilespmem:$0x18000] =	vst v63  }
0x4e: {  	_ =	swait.ge [sflag:s12], $0x2000  }
0x4f: {  	s21 =	sadd.s32 $0x1, s21;
	[sflag:s12] =	ssyncset.done $0x0  }
0x50: {  	p0 =	sne.s32 s21, s10;
	[sflag:s12] =	ssyncadd.s32 $0xFFFFE000  }
.Ltmp1:
0x51: {  	[bflag:$0x0] =	sbarrier.arrive $0xFFFF;
	(pc) =	sbr.rel @p0 .LBB2_1-.Ltmp1, $4  }
0x52: {  	[hbm:s9], [sflag:s6] =	dma.local [spmem:s11], $0x1400  }
0x53: {  	_ =	swait.ge [sflag:s12], $0x1400  }
0x54: {  	[sflag:s12] =	ssyncset.done $0x0  }
0x55: {  	[sflag:s12] =	ssyncadd.s32 $0xFFFFEC00  }
0x56: {  	_ =	sfence.sel $0x180000  }
0x57: {  	[bflag:$0x0] =	sbarrier.arrive $0xFFFF  }
0x58: {  	p0 =	sne.s32 s0, $0x0;
	_ =	strace $0x90000059  }
0x59: {  	s0 =	sadd.s32 @!p0 $0x100000, s1;
	[bflag:$0x2] =	sbarrier.arrive $0xFFFF  }
0x5a: {  	[sflag:s0] =	ssyncadd.tile.s32 @!p0 $0x1;
	_ =	shalt  }
.Lfunc_end2:
_tile_overlayer_lowered:
.L_overlay_start_2:
0x5b: {  	(tag) =	ssettag $0x2  }
0x5c: {  	s0 =	rddreg [dreg:$0x0];
	s2 =	stileid.u32  }
0x5d: {  	s1 =	rddreg [dreg:$0x1];
	p0 =	sne.s32 s2, $0x0  }
0x5e: {  	s3 =	rddreg [dreg:$0x2];
	[bflag:$0x3] =	sbarrier.arrive $0xFFFF;
	s2 =	simm.s32 @!p0 $0x1C03  }
0x5f: {  	[timem:s3], [sflag:s2] =	dma.local @!p0 [hbm:s0], s1  }
0x60: {  	s0 =	simm.s32 @!p0 $0x3  }
0x61: {  	_ =	swait.ge @!p0 [sflag:s0], s1  }
0x62: {  	s1 =	ssub.s32 @!p0 $0x0, s1;
	[sflag:s0] =	ssyncset.done @!p0 $0x0  }
0x63: {  	[sflag:s0] =	ssyncadd.s32 @!p0 s1  }
0x64: {  	[bflag:$0x3] =	sbarrier.arrive $0xFFFF  }
0x65: {  	_ =	shalt  }

// kernel: kernel.40.cloned.1.call-start
scs
__scs_entry_jumppad:
0x0: {  	(pc) =	sbr.rel $0x88, $3  }
0x1: {  	(tag) =	ssettag $0x0;
	lr =	simm.s32 $0x1  }
0x2: {  	[smem:$0x3F97] =	sst lr;
	_ =	strace $0xD0000000  }
0x3: {  	_ = 	snop  }
0x4: {  	_ = 	snop  }
0x5: {  	_ = 	snop  }
0x6: {  	_ = 	snop  }
0x7: {  	_ = 	snop  }
__scs_overlays_trampoline_lowered:
0x8: {  	[smem:$0x3FA6] =	sst s0  }
0x9: {  	[smem:$0x3FA7] =	sst s1  }
0xa: {  	[smem:$0x3FA8] =	sst s2  }
0xb: {  	[smem:$0x3FA9] =	sst s3  }
0xc: {  	[smem:$0x3FAA] =	sst s4  }
0xd: {  	[smem:$0x3FAB] =	sst s5  }
0xe: {  	[smem:$0x3FAC] =	sst s6  }
0xf: {  	[smem:$0x3FAD] =	sst s7  }
0x10: {  	[smem:$0x3FAE] =	sst s8  }
0x11: {  	[smem:$0x3FAF] =	sst s9;
	s0 =	simm.s32 @!p0 $0x0  }
0x12: {  	s1 =	sld [smem:$0x3F95];
	s0 =	simm.s32 @p0 $0x1  }
0x13: {  	[smem:$0x3FB0] =	sst s0;
	s0 =	simm.s32 @!p1 $0x0  }
0x14: {  	s2 =	sld [smem:$0x3F94];
	s0 =	simm.s32 @p1 $0x1  }
0x15: {  	[smem:$0x3FB1] =	sst s0;
	s0 =	simm.s32 @!p2 $0x0  }
0x16: {  	s3 =	sld [smem:$0x3FDB];
	s0 =	simm.s32 @p2 $0x1  }
0x17: {  	s4 =	simm.s32 $0x1BF5;
	[smem:$0x3FB3] =	sst s0  }
0x18: {  	s0 =	sld [smem:$0x3F96];
	_ =	swait.ge [sflag:s4], $0x0  }
0x19: {  	s7 =	sld [smem:$0x3F97]  }
0x1a: {  	s8 =	sadd.s32 $0xFFFFE003, lr  }
0x1b: {  	s9 =	sadd.s32 $0xFFFFFEF7, lr;
	s5 =	simm.s32 $0xFFFFFFFF;
	p2 =	slt.u32 s8, $0xFFFFF086  }
0x1c: {  	p1 =	slt.u32 s9, $0xF7A;
	s5 =	simm.s32 @!p2 $0x0  }
0x1d: {  	s5 =	simm.s32 @p1 $0x1;
	p0 =	seq.s32 s7, s2  }
0x1e: {  	s7 =	smul.u32 @!p0 $0xF7A, s2;
	p2 =	seq.s32 @!p0 s5, $0x0  }
0x1f: {  	s9 =	smul.u32 $0xF7A, s1;
	s8 =	simm.s32 @!p0 $0x1BF5;
	p2 =	por !p2, p0  }
0x20: {  	[sflag:s8] =	ssyncset.s32 @!p0 $0xFFFFF086;
	s6 =	sadd.s32 @!p0 s3, s7;
	s7 =	simm.s32 @!p0 $0x108  }
0x21: {  	s3 =	sadd.s32 s3, s9;
	s6 =	sadd.s32 @!p0 $0x88, s6;
	s7 =	simm.s32 @p2 $0x1082  }
0x22: {  	[simem:s7], [sflag:s8] =	dma.local @!p0 [hbm:s6], $0xF7A  }
0x23: {  	s9 =	sor.u32 $0xD0000000, s2;
	s6 =	simm.s32 $0x108;
	_ =	swait.ge @!p0 [sflag:s8], $0x0  }
0x24: {  	s3 =	sadd.s32 $0x88, s3;
	s6 =	simm.s32 @!p1 $0x1082;
	[sflag:s4] =	ssyncset.s32 $0xFFFFF086  }
0x25: {  	[simem:s6], [sflag:s4] =	dma.local [hbm:s3], $0xF7A  }
0x26: {  	[smem:$0x3F97] =	sst s1;
	(tag) =	ssettag s2;
	_ =	strace s9  }
0x27: {  	s1 =	sld [smem:$0x3FA7]  }
0x28: {  	s2 =	sld [smem:$0x3FA8]  }
0x29: {  	s4 =	sld [smem:$0x3FAA]  }
0x2a: {  	p0 =	seq.s32 s5, $0x0;
	s5 =	sld [smem:$0x3FAB]  }
0x2b: {  	s6 =	sld [smem:$0x3FAC]  }
0x2c: {  	s7 =	sld [smem:$0x3FAD]  }
0x2d: {  	s3 =	simm.s32 $0x108;
	s8 =	sld [smem:$0x3FAE]  }
0x2e: {  	s3 =	simm.s32 @!p0 $0x1082;
	s9 =	sld [smem:$0x3FAF]  }
0x2f: {  	lr =	sadd.s32 s0, s3;
	s0 =	sld [smem:$0x3FA6]  }
0x30: {  	s3 =	sld [smem:$0x3FA9]  }
0x31: {  	[smem:$0x3FB2] =	sst s10  }
0x32: {  	s10 =	sld [smem:$0x3FB0];
	_ =	sdelay $0x3  }
0x33: {  	p0 =	seq.s32 s10, $0x1;
	s10 =	sld [smem:$0x3FB2];
	_ =	sdelay $0x3  }
0x34: {  	[smem:$0x3FB2] =	sst s10  }
0x35: {  	s10 =	sld [smem:$0x3FB1];
	_ =	sdelay $0x3  }
0x36: {  	p1 =	seq.s32 s10, $0x1;
	s10 =	sld [smem:$0x3FB2];
	_ =	sdelay $0x3  }
0x37: {  	[smem:$0x3FB2] =	sst s10  }
0x38: {  	s10 =	sld [smem:$0x3FB3]  }
0x39: {  	_ = 	snop;
	(pc) =	sbr.ind lr, $3  }
0x3a: {  	_ = 	snop  }
0x3b: {  	_ = 	snop  }
0x3c: {  	p2 =	seq.s32 s10, $0x1;
	s10 =	sld [smem:$0x3FB2]  }
0x3d: {  	_ =	shalt  }
0x3e: {  	_ =	shalt  }
0x3f: {  	_ =	shalt  }
0x40: {  	_ =	shalt  }
0x41: {  	_ =	shalt  }
0x42: {  	_ =	shalt  }
0x43: {  	_ =	shalt  }
0x44: {  	_ =	shalt  }
0x45: {  	_ =	shalt  }
0x46: {  	_ =	shalt  }
0x47: {  	_ =	shalt  }
0x48: {  	_ =	shalt  }
0x49: {  	_ =	shalt  }
0x4a: {  	_ =	shalt  }
0x4b: {  	_ =	shalt  }
0x4c: {  	_ =	shalt  }
0x4d: {  	_ =	shalt  }
0x4e: {  	_ =	shalt  }
0x4f: {  	_ =	shalt  }
0x50: {  	_ =	shalt  }
0x51: {  	_ =	shalt  }
0x52: {  	_ =	shalt  }
0x53: {  	_ =	shalt  }
0x54: {  	_ =	shalt  }
0x55: {  	_ =	shalt  }
0x56: {  	_ =	shalt  }
0x57: {  	_ =	shalt  }
0x58: {  	_ =	shalt  }
0x59: {  	_ =	shalt  }
0x5a: {  	_ =	shalt  }
0x5b: {  	_ =	shalt  }
0x5c: {  	_ =	shalt  }
0x5d: {  	_ =	shalt  }
0x5e: {  	_ =	shalt  }
0x5f: {  	_ =	shalt  }
0x60: {  	_ =	shalt  }
0x61: {  	_ =	shalt  }
0x62: {  	_ =	shalt  }
0x63: {  	_ =	shalt  }
0x64: {  	_ =	shalt  }
0x65: {  	_ =	shalt  }
0x66: {  	_ =	shalt  }
0x67: {  	_ =	shalt  }
0x68: {  	_ =	shalt  }
0x69: {  	_ =	shalt  }
0x6a: {  	_ =	shalt  }
0x6b: {  	_ =	shalt  }
0x6c: {  	_ =	shalt  }
0x6d: {  	_ =	shalt  }
0x6e: {  	_ =	shalt  }
0x6f: {  	_ =	shalt  }
0x70: {  	_ =	shalt  }
0x71: {  	_ =	shalt  }
0x72: {  	_ =	shalt  }
0x73: {  	_ =	shalt  }
0x74: {  	_ =	shalt  }
0x75: {  	_ =	shalt  }
0x76: {  	_ =	shalt  }
0x77: {  	_ =	shalt  }
0x78: {  	_ =	shalt  }
0x79: {  	_ =	shalt  }
0x7a: {  	_ =	shalt  }
0x7b: {  	_ =	shalt  }
0x7c: {  	_ =	shalt  }
0x7d: {  	_ =	shalt  }
0x7e: {  	_ =	shalt  }
0x7f: {  	_ =	shalt  }
0x80: {  	_ =	shalt  }
0x81: {  	_ =	shalt  }
0x82: {  	_ =	shalt  }
0x83: {  	_ =	shalt  }
0x84: {  	_ =	shalt  }
0x85: {  	_ =	shalt  }
0x86: {  	_ =	shalt  }
0x87: {  	_ =	shalt  }
.Lfunc_end0:
.L_simem_size_0:
called_computation.7_lowered:
.L_overlay_start_0:
0x88: {  	s2 =	sld [smem:$0x3FD9]  }
0x89: {  	s3 =	sld [smem:$0x3FFE];
	_ =	sdelay $0x1  }
0x8a: {  	s1 =	srdreg.scid  }
0x8b: {  	s0 =	sand.u32 $0x1, s1  }
0x8c: {  	s16 =	sshll.u32 s0, $0xA;
	s2 =	sadd.s32 s3, s2  }
0x8d: {  	s2 =	sadd.s32 s2, s16  }
0x8e: {  	[smem:$0x3FBE] =	sst s2  }
0x8f: {  	_ = 	snop  }
0x90: {  	(tm) =	ssettm $0x1  }
0x91: {  	s17 =	sld [smem:$0x3FFB];
	_ =	sdelay $0x3  }
0x92: {  	_ =	strace s17  }
0x93: {  	s2 =	sld [smem:$0x3FFC];
	_ =	sdelay $0x3  }
0x94: {  	_ =	strace s2  }
0x95: {  	s2 =	sld [smem:$0x3FFD];
	_ =	sdelay $0x3  }
0x96: {  	_ =	strace s2  }
0x97: {  	_ =	strace $0x8FFFFFFF  }
0x98: {  	s18 =	sld [smem:$0x3FDB];
	_ =	sdelay $0x1  }
0x99: {  	s19 =	simm.s32 $_scs_section_size  }
0x9a: {  	s4 =	simm.s32 $_size__tile_overlayer_lowered;
	s5 =	simm.s32 $_tile_overlayer_lowered  }
0x9b: {  	s22 =	simm.s32 $0x1BFF;
	s21 =	sshll.u32 s5, $0x1;
	s2 =	sadd.s32 s19, s18  }
0x9c: {  	s6 =	simm.s32 $0x0;
	s20 =	sshll.u32 s4, $0x1;
	s4 =	sadd.s32 s21, s2  }
0x9d: {  	[timem:s6], [sflag:s22] =	dma.local [hbm:s4], s20  }
0x9e: {  	_ =	swait.ge [sflag:s22], s20  }
0x9f: {  	s3 =	ssub.s32 $0x0, s20;
	[sflag:s22] =	ssyncset.done $0x0  }
0xa0: {  	[sflag:s22] =	ssyncadd.s32 s3;
	_ =	sdelay $0x1  }
0xa1: {  	s23 =	simm.s32 $0x1B8B  }
0xa2: {  	_ =	swait.ge [sflag:s23], $0x1  }
0xa3: {  	[sflag:s23] =	ssyncset.done $0x0  }
0xa4: {  	s25 =	simm.s32 $0x1B8E;
	s24 =	sld [smem:$0x3FFE];
	[sflag:s23] =	ssyncadd.s32 $0xFFFFFFFF  }
0xa5: {  	s26 =	simm.s32 $execute0_lowered;
	[smem:$0x3FD2] =	sst s25  }
0xa6: {  	s4 =	sshll.u32 s26, $0x1;
	_ =	strace $0x8000005B;
	[dreg:$0x1] =	wrdreg $0xFFFFFFFF  }
0xa7: {  	s28 =	simm.s32 $_size_execute0_lowered;
	s2 =	sadd.s32 s2, s4;
	[dreg:$0x0] =	wrdreg $0x0  }
0xa8: {  	s4 =	sshll.u32 s28, $0x1;
	[dreg:$0x2] =	wrdreg s2  }
0xa9: {  	[dreg:$0x3] =	wrdreg s4  }
0xaa: {  	[dreg:$0x4] =	wrdreg $0xC0  }
0xab: {  	_ =	task [dreg:s6], $0x5FFFF  }
0xac: {  	[dreg:$0x1] =	wrdreg $0xFFFFFFFF  }
0xad: {  	[dreg:$0x0] =	wrdreg $0x60  }
0xae: {  	[dreg:$0x2] =	wrdreg s24  }
0xaf: {  	[dreg:$0x3] =	wrdreg $0xE0000  }
0xb0: {  	[dreg:$0x4] =	wrdreg $0x9  }
0xb1: {  	_ =	task.clear_ibuf [dreg:s6], $0x5FFFF;
	_ =	strace $0x9000005B  }
0xb2: {  	s29 =	simm.s32 $0x9;
	_ =	strace $0x8000005D  }
0xb3: {  	_ =	swait.ge [sflag:s29], $0x1  }
0xb4: {  	[sflag:s29] =	ssyncadd.s32 $0xFFFFFFFF  }
0xb5: {  	_ =	strace $0x9000005D  }
0xb6: {  	_ =	sfence  }
0xb7: {  	s30 =	sld [smem:$0x0];
	_ =	sdelay $0x2  }
0xb8: {  	s31 =	sshll.u32 s1, $0xD;
	s1 =	sshrl.u32 s1, $0x2  }
0xb9: {  	s3 =	sand.u32 $0x4000, s31;
	s1 =	sadd.s32 s1, s30  }
0xba: {  	s0 =	sor.u32 s3, s0;
	s1 =	sshll.u32 s1, $0x11  }
0xbb: {  	s0 =	sor.u32 s1, s0  }
0xbc: {  	s0 =	sadd.s32 $0x8F2B, s0  }
0xbd: {  	[sflag:s0] =	ssyncadd.remote.s32 $0x1  }
0xbe: {  	_ =	sfence.sel $0xFFFF  }
0xbf: {  	[dreg:$0x0] =	wrdreg $0xFFFFFFFF;
	(pc) =	sbr.abs _section_cstart, $3  }
0xc0: {  	[dreg:$0x1] =	wrdreg $0xFFFFFFFF  }
0xc1: {  	_ =	task.clear_ibuf [dreg:s6], $0x2FFFF;
	_ =	strace $0x9FFFFFFF  }
0xc2: {  	(tm) =	ssettm $0x7FFFFFFF  }
0xc3: {  	_ =	shalt  }
tec
execute0_lowered:
.L_overlay_start_1:
0x0: {  	(tag) =	ssettag $0x1  }
0x1: {  	s5 =	rddreg [dreg:$0x0]  }
0x2: {  	s2 =	rddreg [dreg:$0x1]  }
0x3: {  	s0 =	srdreg.scid;
	s1 =	rddreg [dreg:$0x2];
	s3 =	simm.s32 $0x0  }
0x4: {  	s13 =	simm.s32 $0x5000;
	s14 =	simm.s32 $0x80;
	s15 =	simm.s32 $0xA000  }
0x5: {  	s16 =	simm.s32 $0xC000;
	s17 =	simm.s32 $0x1;
	s6 =	sand.u32 $0x1, s0  }
0x6: {  	s18 =	simm.s32 $0x2;
	s0 =	stileid.u32;
	s4 =	smul.u32 $0x50000, s6  }
0x7: {  	s19 =	simm.s32 $0x9F00;
	s20 =	simm.s32 $0x9F80;
	s7 =	smul.u32 $0x5000, s0  }
0x8: {  	s21 =	simm.s32 $0x0;
	[smem:$0x7FF] =	sst s3;
	s30 =	smul.u32 $0xA000, s0  }
0x9: {  	s9 =	smul.u32 $0xA0000, s6;
	_ =	strace $0x8000005C;
	s6 =	ssub.s32 $0x2, s6  }
0xa: {  	s31 =	sshll.u32 s0, $0x6;
	s11 =	sshrl.u32 s6, $0x1;
	s4 =	sadd.s32 s7, s4  }
0xb: {  	s10 =	sshrl.u32 s30, $0x3;
	s9 =	sadd.s32 s30, s9;
	s11 =	ssub.s32 s6, s11  }
0xc: {  	s12 =	sadd.s32 s30, s2;
	s6 =	sor.u32 $0x1C03, s31;
	s8 =	sshrl.u32 s4, $0x3  }
0xd: {  	s4 =	sadd.s32 $0x140400, s5;
	s10 =	sadd.s32 s10, s5;
	s9 =	sshrl.u32 s9, $0x3  }
0xe: {  	s8 =	sadd.s32 s8, s5;
	s9 =	sadd.s32 s9, s5;
	s5 =	sadd.s32 $0x12C400, s10  }
0xf: {  	s10 =	smax.u32 s11, $0x1;
	s11 =	sshrl.u32 s12, $0x3;
	s12 =	simm.s32 $0x3  }
0x10: {  	s7 =	sadd.s32 $0x28400, s8;
	s8 =	sadd.s32 $0x14400, s8;
	s9 =	sadd.s32 $0x190400, s9  }
.LBB2_1:
0x11: {  	[spmem:s11], [sflag:s6] =	dma.local [hbm:s5], $0x1400  }
0x12: {  	_ =	swait.ge [sflag:s12], $0x1400  }
0x13: {  	[sflag:s12] =	ssyncset.done $0x0  }
0x14: {  	[sflag:s12] =	ssyncadd.s32 $0xFFFFEC00  }
0x15: {  	[tilespmem:s3], [sflag:$0x3] =	stream.linear.gather [hbm4b:s7+s3], $0x5000, $0x38;
	[tilespmem:$0x18000] =	vst v63  }
0x16: {  	_ =	swait.ge [sflag:s12], $0x5000  }
0x17: {  	[sflag:s12] =	ssyncset.done $0x0  }
0x18: {  	[sflag:s12] =	ssyncadd.s32 $0xFFFFB000  }
0x19: {  	[tilespmem:s13], [sflag:$0x3] =	stream.linear.gather [hbm4b:s8+s3], $0x5000, $0x38;
	[tilespmem:$0x18000] =	vst v63  }
0x1a: {  	_ =	swait.ge [sflag:s12], $0x5000  }
0x1b: {  	[sflag:s12] =	ssyncset.done $0x0  }
0x1c: {  	[sflag:s12] =	ssyncadd.s32 $0xFFFFB000  }
0x1d: {  	[tilespmem:s15], [sflag:$0x1] =	stream.indirect.gather [hbm4b:s4+s14], $0x40, s3, s14, $0xb8;
	[tilespmem:$0x18000] =	vst v63  }
0x1e: {  	_ = 	snop  }
0x1f: {  	[tilespmem:s16], [sflag:$0x2] =	stream.indirect.gather [hbm4b:s4+s14], $0x40, s14, s14, $0xb8;
	[tilespmem:$0x18000] =	vst v63  }
0x20: {  	[bflag:$0x0] =	sbarrier.arrive $0xFFFF  }
0x21: {  	_ =	swait.ge [sflag:s17], $0x2000  }
0x22: {  	[sflag:s17] =	ssyncset.done $0x0  }
0x23: {  	s22 =	simm.s32 $0x5000;
	[sflag:s17] =	ssyncadd.s32 $0xFFFFE000  }
0x24: {  	[spmem:s2] =	stream.indirect.scatter.add.f32 [tilespmem:s15], [sflag:$0x3], $0x40, s22, s14, $0xb8;
	[tilespmem:$0x18000] =	vst v63  }
0x25: {  	_ =	swait.ge [sflag:s12], $0x2000  }
0x26: {  	[sflag:s12] =	ssyncset.done $0x0  }
0x27: {  	s30 =	simm.s32 $0x100;
	[sflag:s12] =	ssyncadd.s32 $0xFFFFE000  }
0x28: {  	[tilespmem:s15], [sflag:$0x1] =	stream.indirect.gather [hbm4b:s4+s14], $0x40, s30, s14, $0xb8;
	[tilespmem:$0x18000] =	vst v63  }
0x29: {  	_ =	swait.ge [sflag:s18], $0x2000  }
0x2a: {  	[sflag:s18] =	ssyncset.done $0x0  }
0x2b: {  	s31 =	simm.s32 $0x5080;
	[sflag:s18] =	ssyncadd.s32 $0xFFFFE000  }
0x2c: {  	[spmem:s2] =	stream.indirect.scatter.add.f32 [tilespmem:s16], [sflag:$0x3], $0x40, s31, s14, $0xb8;
	[tilespmem:$0x18000] =	vst v63  }
0x2d: {  	_ =	swait.ge [sflag:s12], $0x2000  }
0x2e: {  	[sflag:s12] =	ssyncset.done $0x0  }
0x2f: {  	s23 =	simm.s32 $0x180;
	s22 =	simm.s32 $0x400;
	[sflag:s12] =	ssyncadd.s32 $0xFFFFE000  }
.LBB2_2:
0x30: {  	[tilespmem:s16], [sflag:$0x2] =	stream.indirect.gather [hbm4b:s4+s14], $0x40, s23, s14, $0xb8;
	[tilespmem:$0x18000] =	vst v63  }
0x31: {  	s23 =	smov.u32 s22  }
0x32: {  	p0 =	sne.s32 s22, $0x13800;
	s22 =	sadd.s32 $0x400, s22;
	_ =	swait.ge [sflag:s17], $0x2000  }
0x33: {  	s23 =	sshra.s32 s23, $0x2;
	[sflag:s17] =	ssyncset.done $0x0  }
0x34: {  	s24 =	sadd.s32 $0x5000, s23;
	[sflag:s17] =	ssyncadd.s32 $0xFFFFE000  }
0x35: {  	[spmem:s2] =	stream.indirect.scatter.add.f32 [tilespmem:s15], [sflag:$0x3], $0x40, s24, s14, $0xb8;
	[tilespmem:$0x18000] =	vst v63  }
0x36: {  	_ =	swait.ge [sflag:s12], $0x2000  }
0x37: {  	[sflag:s12] =	ssyncset.done $0x0  }
0x38: {  	s24 =	sadd.s32 $0x100, s23;
	[sflag:s12] =	ssyncadd.s32 $0xFFFFE000  }
0x39: {  	[tilespmem:s15], [sflag:$0x1] =	stream.indirect.gather [hbm4b:s4+s14], $0x40, s24, s14, $0xb8;
	[tilespmem:$0x18000] =	vst v63  }
0x3a: {  	_ =	swait.ge [sflag:s18], $0x2000  }
0x3b: {  	[sflag:s18] =	ssyncset.done $0x0  }
.Ltmp0:
0x3c: {  	s24 =	sadd.s32 $0x5080, s23;
	[sflag:s18] =	ssyncadd.s32 $0xFFFFE000;
	(pc) =	sbr.rel @p0 .LBB2_2-.Ltmp0, $4  }
0x3d: {  	[spmem:s2] =	stream.indirect.scatter.add.f32 [tilespmem:s16], [sflag:$0x3], $0x40, s24, s14, $0xb8;
	[tilespmem:$0x18000] =	vst v63  }
0x3e: {  	_ =	swait.ge [sflag:s12], $0x2000  }
0x3f: {  	[sflag:s12] =	ssyncset.done $0x0  }
0x40: {  	s23 =	sadd.s32 $0x180, s23;
	[sflag:s12] =	ssyncadd.s32 $0xFFFFE000  }
0x41: {  	[tilespmem:s16], [sflag:$0x2] =	stream.indirect.gather [hbm4b:s4+s14], $0x40, s23, s14, $0xb8;
	[tilespmem:$0x18000] =	vst v63  }
0x42: {  	_ =	swait.ge [sflag:s17], $0x2000  }
0x43: {  	[sflag:s17] =	ssyncset.done $0x0  }
0x44: {  	[sflag:s17] =	ssyncadd.s32 $0xFFFFE000  }
0x45: {  	[spmem:s2] =	stream.indirect.scatter.add.f32 [tilespmem:s15], [sflag:$0x3], $0x40, s19, s14, $0xb8;
	[tilespmem:$0x18000] =	vst v63  }
0x46: {  	_ =	swait.ge [sflag:s12], $0x2000  }
0x47: {  	[sflag:s12] =	ssyncset.done $0x0  }
0x48: {  	[sflag:s12] =	ssyncadd.s32 $0xFFFFE000  }
0x49: {  	_ =	swait.ge [sflag:s18], $0x2000  }
0x4a: {  	[sflag:s18] =	ssyncset.done $0x0  }
0x4b: {  	[sflag:s18] =	ssyncadd.s32 $0xFFFFE000  }
0x4c: {  	[spmem:s2] =	stream.indirect.scatter.add.f32 [tilespmem:s16], [sflag:$0x3], $0x40, s20, s14, $0xb8;
	[tilespmem:$0x18000] =	vst v63  }
0x4d: {  	_ =	swait.ge [sflag:s12], $0x2000  }
0x4e: {  	s21 =	sadd.s32 $0x1, s21;
	[sflag:s12] =	ssyncset.done $0x0  }
0x4f: {  	p0 =	sne.s32 s21, s10;
	[sflag:s12] =	ssyncadd.s32 $0xFFFFE000  }
.Ltmp1:
0x50: {  	[bflag:$0x0] =	sbarrier.arrive $0xFFFF;
	(pc) =	sbr.rel @p0 .LBB2_1-.Ltmp1, $4  }
0x51: {  	[hbm:s9], [sflag:s6] =	dma.local [spmem:s11], $0x1400  }
0x52: {  	_ =	swait.ge [sflag:s12], $0x1400  }
0x53: {  	[sflag:s12] =	ssyncset.done $0x0  }
0x54: {  	[sflag:s12] =	ssyncadd.s32 $0xFFFFEC00  }
0x55: {  	_ =	sfence.sel $0x180000  }
0x56: {  	[bflag:$0x0] =	sbarrier.arrive $0xFFFF  }
0x57: {  	p0 =	sne.s32 s0, $0x0;
	_ =	strace $0x9000005C  }
0x58: {  	s0 =	sadd.s32 @!p0 $0x100000, s1;
	[bflag:$0x2] =	sbarrier.arrive $0xFFFF  }
0x59: {  	[sflag:s0] =	ssyncadd.tile.s32 @!p0 $0x1;
	_ =	shalt  }
.Lfunc_end2:
_tile_overlayer_lowered:
.L_overlay_start_2:
0x5a: {  	(tag) =	ssettag $0x2  }
0x5b: {  	s0 =	rddreg [dreg:$0x0];
	s2 =	stileid.u32  }
0x5c: {  	s1 =	rddreg [dreg:$0x1];
	p0 =	sne.s32 s2, $0x0  }
0x5d: {  	s3 =	rddreg [dreg:$0x2];
	[bflag:$0x3] =	sbarrier.arrive $0xFFFF;
	s2 =	simm.s32 @!p0 $0x1C03  }
0x5e: {  	[timem:s3], [sflag:s2] =	dma.local @!p0 [hbm:s0], s1  }
0x5f: {  	s0 =	simm.s32 @!p0 $0x3  }
0x60: {  	_ =	swait.ge @!p0 [sflag:s0], s1  }
0x61: {  	s1 =	ssub.s32 @!p0 $0x0, s1;
	[sflag:s0] =	ssyncset.done @!p0 $0x0  }
0x62: {  	[sflag:s0] =	ssyncadd.s32 @!p0 s1  }
0x63: {  	[bflag:$0x3] =	sbarrier.arrive $0xFFFF  }
0x64: {  	_ =	shalt  }

</sc_bundles>
